<compile_context>
chip_gen: v7x
topology: tpu7x:2x2x1
jax: 0.10.2.dev20260603
libtpu: 0.0.44.dev20260713+nightly
codegen_flags: <defaults>
</compile_context>

<pallas_src>
import jax
import jax.numpy as jnp
from jax import lax
from jax.experimental import pallas as pl
from jax.experimental.pallas import tpu as pltpu
from jax.experimental.pallas import tpu_sc as plsc

B = 4096
P = 20
T = 26
V = 100000
D = 64
IN = (T + 1) * D

NC = 2
NS = 16
NW = NC * NS
BPW = B // NW
SUB = 32
NSUB = BPW // SUB
ROWS = SUB * P
IDXW = 128
NG = ROWS // IDXW


NGW = BPW * P // IDXW


NSTEP = T * NSUB


def _sc_embed_body(idx_hbm, emb_hbm, out_hbm, gidx_v, rows_v, out_v, sem0, sem1, osem):
    wid = lax.axis_index("s") * NC + lax.axis_index("c")
    b0 = wid * BPW
    sems = (sem0, sem1)

    def stage_issue(kn, par):
        pair = kn // 8
        c = (kn // 2) % 4
        h = kn % 2
        t = 2 * pair + h
        pltpu.sync_copy(idx_hbm.at[t, wid, pl.ds(c * NG, NG)], gidx_v.at[par])
        for j in range(NG):
            pltpu.async_copy(
                emb_hbm.at[t].at[gidx_v.at[par, j]],
                rows_v.at[par, pl.ds(j * IDXW, IDXW)],
                sems[par],
            )

    stage_issue(0, 0)

    def outer(k2, carry):
        for b in range(2):
            k = 2 * k2 + b
            kn = k + 1

            @pl.when(kn < NSTEP)
            def _():
                stage_issue(kn, 1 - b)

            pltpu.make_async_copy(
                emb_hbm.at[0, pl.ds(0, ROWS), :], rows_v.at[b], sems[b]
            ).wait()

            ov = k2 % 2
            if b == 0:
                @pl.when(k2 >= 2)
                def _():
                    pltpu.make_async_copy(
                        out_v.at[ov],
                        out_hbm.at[pl.ds(0, SUB), pl.ds(0, 2 * D)],
                        osem,
                    ).wait()

            def acc_body(s, carry3):
                for u in range(2):
                    r0 = (2 * s + u) * P
                    for q in range(D // 16):
                        sl = pl.ds(q * 16, 16)
                        acc = rows_v[b, r0, sl]
                        for p in range(1, P):
                            acc = acc + rows_v[b, r0 + p, sl]
                        out_v[ov, 2 * s + u, pl.ds(b * D + q * 16, 16)] = acc
                return carry3

            lax.fori_loop(0, SUB // 2, acc_body, 0)
            if b == 1:
                pair = k // 8
                c = (k // 2) % 4
                pltpu.async_copy(
                    out_v.at[ov],
                    out_hbm.at[pl.ds(b0 + c * SUB, SUB), pl.ds(pair * 2 * D, 2 * D)],
                    osem,
                )
        return carry

    lax.fori_loop(0, NSTEP // 2, outer, 0)
    for _ in range(2):
        pltpu.make_async_copy(
            out_v.at[0],
            out_hbm.at[pl.ds(0, SUB), pl.ds(0, 2 * D)],
            osem,
        ).wait()


def _sc_embed(idx4d, emb3d):
    mesh = plsc.VectorSubcoreMesh(
        core_axis_name="c", subcore_axis_name="s", num_cores=NC, num_subcores=NS
    )
    return pl.kernel(
        _sc_embed_body,
        out_type=jax.ShapeDtypeStruct((B, T * D), jnp.float32),
        mesh=mesh,
        scratch_types=[
            pltpu.VMEM((2, NG, IDXW), jnp.int32),
            pltpu.VMEM((2, ROWS, D), jnp.float32),
            pltpu.VMEM((2, SUB, 2 * D), jnp.float32),
            pltpu.SemaphoreType.DMA,
            pltpu.SemaphoreType.DMA,
            pltpu.SemaphoreType.DMA,
        ],
        compiler_params=pltpu.CompilerParams(use_tc_tiling_on_sc=False),
        name="sc_embed_bag",
    )(idx4d, emb3d)


BM = 256


def _dense_body(dx_ref, sp_ref, bw0, bb0, bw1, bb1, bw2, bb2,
                vt, wt, db, tw0, tb0, tw1, tb1, tw2, tb2, out_ref):
    f32 = jnp.float32
    x = dx_ref[...]
    x = jnp.maximum(jnp.dot(x, bw0[...], preferred_element_type=f32) + bb0[...], 0.0)
    x = jnp.maximum(jnp.dot(x, bw1[...], preferred_element_type=f32) + bb1[...], 0.0)
    x = jnp.maximum(jnp.dot(x, bw2[...], preferred_element_type=f32) + bb2[...], 0.0)
    comb = jnp.concatenate([sp_ref[...], x], axis=1)
    xl = comb
    for l in range(3):
        xv = jnp.dot(xl, vt[l], preferred_element_type=f32)
        xw = jnp.dot(xv, wt[l], preferred_element_type=f32)
        xl = comb * (xw + db[l]) + xl
    y = jnp.maximum(jnp.dot(xl, tw0[...], preferred_element_type=f32) + tb0[...], 0.0)
    y = jnp.maximum(jnp.dot(y, tw1[...], preferred_element_type=f32) + tb1[...], 0.0)
    out_ref[...] = jnp.sum(y * tw2[...], axis=1, keepdims=True) + tb2[...]


def _full(shape):
    return pl.BlockSpec(shape, lambda i: (0,) * len(shape))


def _dense(dx_p, sparse, bw0t, bb0, bw1t, bb1, bw2t, bb2,
           vt, wt, db, tw0t, tb0, tw1t, tb1, tw2r, tb2):
    grid = (B // BM,)
    return pl.pallas_call(
        _dense_body,
        grid=grid,
        in_specs=[
            pl.BlockSpec((BM, 128), lambda i: (i, 0)),
            pl.BlockSpec((BM, T * D), lambda i: (i, 0)),
            _full(bw0t.shape), _full(bb0.shape),
            _full(bw1t.shape), _full(bb1.shape),
            _full(bw2t.shape), _full(bb2.shape),
            _full(vt.shape), _full(wt.shape), _full(db.shape),
            _full(tw0t.shape), _full(tb0.shape),
            _full(tw1t.shape), _full(tb1.shape),
            _full(tw2r.shape), _full(tb2.shape),
        ],
        out_specs=pl.BlockSpec((BM, 1), lambda i: (i, 0)),
        out_shape=jax.ShapeDtypeStruct((B, 1), jnp.float32),
        compiler_params=pltpu.CompilerParams(
            dimension_semantics=("arbitrary",),
        ),
    )(dx_p, sparse, bw0t, bb0, bw1t, bb1, bw2t, bb2,
      vt, wt, db, tw0t, tb0, tw1t, tb1, tw2r, tb2)


def kernel(dense_x, lS_o, lS_i, emb, bw0, bb0, bw1, bb1, bw2, bb2,
           tw0, tb0, tw1, tb1, tw2, tb2, dcn_W, dcn_V, dcn_b):
    del lS_o
    idx4d = lS_i.reshape(T, NW, NGW, IDXW)
    dx_p = jnp.zeros((B, 128), jnp.float32).at[:, :13].set(dense_x)
    bw0t = jnp.zeros((128, bw0.shape[0]), jnp.float32).at[:13, :].set(bw0.T)
    vt = jnp.roll(jnp.transpose(dcn_V, (0, 2, 1)), -D, axis=1)
    wt = jnp.roll(jnp.transpose(dcn_W, (0, 2, 1)), -D, axis=2)
    db = jnp.roll(dcn_b, -D, axis=1).reshape(3, 1, IN)
    tw0t = jnp.roll(tw0.T, -D, axis=0)
    tw1t = tw1.T
    tw2r = tw2.reshape(1, -1)
    bb0r = bb0.reshape(1, -1)
    bb1r = bb1.reshape(1, -1)
    bb2r = bb2.reshape(1, -1)
    tb0r = tb0.reshape(1, -1)
    tb1r = tb1.reshape(1, -1)
    tb2r = tb2.reshape(1, 1)

    sparse = _sc_embed(idx4d, emb)
    return _dense(dx_p, sparse, bw0t, bb0r, bw1.T, bb1r, bw2.T, bb2r,
                  vt, wt, db, tw0t, tb0r, tw1t, tb1r, tw2r, tb2r)

# --- scband reference (transcript-rebuilt; emitter-appended) ---
"""Pipeline reference for scband-dlrm-dcn-net-72121090835005 (READ-ONLY COPY).

The authoritative reference and input builder live on the scoring server;
editing this copy changes nothing except your own understanding.
"""

import jax, jax.numpy as jnp
import numpy as np

B = 4096
P = 20
T = 26
V = 100000
D = 64
DENSE = 13
L = 3
R = 64
IN = (T + 1) * D  # 1728
LN_BOT = [13, 512, 256, 64]
LN_TOP = [1728, 1024, 512, 1]


def _linear_params(key, n_in, n_out):
    k1, k2 = jax.random.split(key)
    std_w = np.sqrt(2.0 / (n_in + n_out))
    std_b = np.sqrt(1.0 / n_out)
    W = jax.random.normal(k1, (n_out, n_in), dtype=jnp.float32) * std_w
    b = jax.random.normal(k2, (n_out,), dtype=jnp.float32) * std_b
    return W, b


def setup_inputs(seed: int = 0) -> dict:
    key = jax.random.key(seed)
    ks = jax.random.split(key, 16)
    dense_x = jax.random.normal(ks[0], (B, DENSE), dtype=jnp.float32)
    lS_i = jax.random.randint(ks[1], (T, B * P), 0, V, dtype=jnp.int32)
    lS_o = jnp.tile(jnp.arange(B, dtype=jnp.int32) * P, (T, 1))
    emb = jax.random.uniform(ks[2], (T, V, D), dtype=jnp.float32,
                             minval=-np.sqrt(1.0 / V), maxval=np.sqrt(1.0 / V))
    bw0, bb0 = _linear_params(ks[3], LN_BOT[0], LN_BOT[1])
    bw1, bb1 = _linear_params(ks[4], LN_BOT[1], LN_BOT[2])
    bw2, bb2 = _linear_params(ks[5], LN_BOT[2], LN_BOT[3])
    tw0, tb0 = _linear_params(ks[6], LN_TOP[0], LN_TOP[1])
    tw1, tb1 = _linear_params(ks[7], LN_TOP[1], LN_TOP[2])
    tw2, tb2 = _linear_params(ks[8], LN_TOP[2], LN_TOP[3])
    dcn_W = jax.random.normal(ks[9], (L, IN, R), dtype=jnp.float32) * np.sqrt(2.0 / (IN + R))
    dcn_V = jax.random.normal(ks[10], (L, R, IN), dtype=jnp.float32) * np.sqrt(2.0 / (IN + R))
    dcn_b = jnp.zeros((L, IN), dtype=jnp.float32)
    return {"dense_x": dense_x, "lS_o": lS_o, "lS_i": lS_i, "emb": emb,
            "bw0": bw0, "bb0": bb0, "bw1": bw1, "bb1": bb1, "bw2": bw2, "bb2": bb2,
            "tw0": tw0, "tb0": tb0, "tw1": tw1, "tb1": tb1, "tw2": tw2, "tb2": tb2,
            "dcn_W": dcn_W, "dcn_V": dcn_V, "dcn_b": dcn_b}


def reference(dense_x, lS_o, lS_i, emb, bw0, bb0, bw1, bb1, bw2, bb2,
              tw0, tb0, tw1, tb1, tw2, tb2, dcn_W, dcn_V, dcn_b):
    # bottom MLP (ReLU after every layer)
    x = jax.nn.relu(dense_x @ bw0.T + bb0)
    x = jax.nn.relu(x @ bw1.T + bb1)
    x = jax.nn.relu(x @ bw2.T + bb2)
    # embedding bag sum per table (fixed pooling P, offsets = i*P)
    idx = lS_i.reshape(T, B, P)
    gathered = jax.vmap(lambda tbl, ix: jnp.take(tbl, ix, axis=0))(emb, idx)  # [T,B,P,D]
    pooled = gathered.sum(axis=2)  # [T,B,D]
    sparse = jnp.transpose(pooled, (1, 0, 2))  # [B,T,D]
    combined = jnp.concatenate([x[:, None, :], sparse], axis=1).reshape(B, -1)  # [B, IN]
    # DCN v2 low-rank cross layers
    x_l = combined
    for l in range(L):
        x_l_v = x_l @ dcn_V[l].T
        x_l_w = x_l_v @ dcn_W[l].T
        x_l = combined * (x_l_w + dcn_b[l]) + x_l
    # top MLP (no ReLU after last layer)
    y = jax.nn.relu(x_l @ tw0.T + tb0)
    y = jax.nn.relu(y @ tw1.T + tb1)
    y = y @ tw2.T + tb2
    return y

if __name__ == "__main__":
    import jax
    _d = setup_inputs()
    print(jax.jit(kernel)(*tuple(_d.values())))

</pallas_src>

<mosaic_0001>
#map = affine_map<(d0, d1) -> (0, 0, 0, 0)>
#map1 = affine_map<(d0, d1) -> (0, 0, 0)>
#map2 = affine_map<(d0, d1) -> (0, 0)>
module attributes {stable_mosaic.version = 14 : i64} {
  func.func @sc_embed_bag(%arg0: i32, %arg1: i32, %arg2: memref<26x32x20x128xi32, #tpu.memory_space<hbm>>, %arg3: memref<26x100000x64xf32, #tpu.memory_space<hbm>>, %arg4: memref<4096x1664xf32, #tpu.memory_space<hbm>>, %arg5: memref<2x5x128xi32, #tpu.memory_space<vmem>>, %arg6: memref<2x640x64xf32, #tpu.memory_space<vmem>>, %arg7: memref<2x32x128xf32, #tpu.memory_space<vmem>>, %arg8: memref<!tpu.dma_semaphore, #tpu.memory_space<semaphore_mem>>, %arg9: memref<!tpu.dma_semaphore, #tpu.memory_space<semaphore_mem>>, %arg10: memref<!tpu.dma_semaphore, #tpu.memory_space<semaphore_mem>>) attributes {dimension_semantics = [#tpu.dimension_semantics<core_parallel>, #tpu.dimension_semantics<subcore_parallel>], iteration_bounds = array<i64: 2, 16>, scalar_prefetch = 0 : i64, scratch_operands = 6 : i64, tpu.core_type = #tpu.core_type<sc_vector_subcore>, window_params = [{transform_indices = #map}, {transform_indices = #map1}, {transform_indices = #map2}]} {
    %mul3A = arith.constant 2 : i32
    %mul3A_0 = arith.muli %arg1, %mul3A : i32
    %add3A = arith.addi %mul3A_0, %arg0 : i32
    %mul3A_1 = arith.constant 128 : i32
    %mul3A_2 = arith.muli %add3A, %mul3A_1 : i32
    %run_scoped3A = arith.constant 0 : i32
    %run_scoped3A_3 = arith.constant 0 : i32
    "tpu.region"() ({
      %run_scoped3A_127 = tpu.sem_alloc : memref<!tpu.dma_semaphore, #tpu.memory_space<semaphore_mem>>
      %dma_start3A_128 = arith.constant 0 : i32
      %dma_start3A_129 = arith.constant 0 : i32
      %dma_start3A_130 = tpu.memref_slice %arg5[%run_scoped3A_3, %dma_start3A_128, %dma_start3A_129] : memref<2x5x128xi32, #tpu.memory_space<vmem>> -> memref<1x5x128xi32, #tpu.memory_space<vmem>>
      %dma_start3A_131 = tpu.memref_squeeze %dma_start3A_130 : memref<1x5x128xi32, #tpu.memory_space<vmem>> -> memref<5x128xi32, #tpu.memory_space<vmem>>
      %dma_start3A_132 = arith.constant 0 : i32
      %dma_start3A_133 = arith.constant 0 : i32
      %dma_start3A_134 = tpu.memref_slice %arg2[%run_scoped3A, %add3A, %dma_start3A_132, %dma_start3A_133] : memref<26x32x20x128xi32, #tpu.memory_space<hbm>> -> memref<1x1x5x128xi32, #tpu.memory_space<hbm>>
      %dma_start3A_135 = tpu.memref_squeeze %dma_start3A_134 : memref<1x1x5x128xi32, #tpu.memory_space<hbm>> -> memref<5x128xi32, #tpu.memory_space<hbm>>
      %dma_start3A_136 = arith.constant 0 : i32
      %dma_start3A_137 = arith.constant 0 : i32
      %dma_start3A_138 = tpu.memref_slice %arg5[%run_scoped3A_3, %dma_start3A_136, %dma_start3A_137] : memref<2x5x128xi32, #tpu.memory_space<vmem>> -> memref<1x5x128xi32, #tpu.memory_space<vmem>>
      %dma_start3A_139 = tpu.memref_squeeze %dma_start3A_138 : memref<1x5x128xi32, #tpu.memory_space<vmem>> -> memref<5x128xi32, #tpu.memory_space<vmem>>
      %dma_start3A_140 = arith.constant 0 : i32
      %dma_start3A_141 = arith.constant 0 : i32
      %dma_start3A_142 = tpu.memref_slice %arg2[%run_scoped3A, %add3A, %dma_start3A_140, %dma_start3A_141] : memref<26x32x20x128xi32, #tpu.memory_space<hbm>> -> memref<1x1x5x128xi32, #tpu.memory_space<hbm>>
      %dma_start3A_143 = tpu.memref_squeeze %dma_start3A_142 : memref<1x1x5x128xi32, #tpu.memory_space<hbm>> -> memref<5x128xi32, #tpu.memory_space<hbm>>
      tpu.enqueue_dma source(%dma_start3A_143 : memref<5x128xi32, #tpu.memory_space<hbm>>) target(%dma_start3A_139 : memref<5x128xi32, #tpu.memory_space<vmem>>) target_semaphore(%run_scoped3A_127 : memref<!tpu.dma_semaphore, #tpu.memory_space<semaphore_mem>>)
      %dma_wait3A_144 = arith.constant 0 : i32
      %dma_wait3A_145 = arith.constant 0 : i32
      %dma_wait3A_146 = tpu.memref_slice %arg5[%run_scoped3A_3, %dma_wait3A_144, %dma_wait3A_145] : memref<2x5x128xi32, #tpu.memory_space<vmem>> -> memref<1x5x128xi32, #tpu.memory_space<vmem>>
      %dma_wait3A_147 = tpu.memref_squeeze %dma_wait3A_146 : memref<1x5x128xi32, #tpu.memory_space<vmem>> -> memref<5x128xi32, #tpu.memory_space<vmem>>
      %dma_wait3A_148 = arith.constant 0 : i32
      %dma_wait3A_149 = arith.constant 0 : i32
      %dma_wait3A_150 = tpu.memref_slice %arg2[%run_scoped3A, %add3A, %dma_wait3A_148, %dma_wait3A_149] : memref<26x32x20x128xi32, #tpu.memory_space<hbm>> -> memref<1x1x5x128xi32, #tpu.memory_space<hbm>>
      %dma_wait3A_151 = tpu.memref_squeeze %dma_wait3A_150 : memref<1x1x5x128xi32, #tpu.memory_space<hbm>> -> memref<5x128xi32, #tpu.memory_space<hbm>>
      %dma_wait3A_152 = arith.constant 0 : i32
      %dma_wait3A_153 = arith.constant 0 : i32
      %dma_wait3A_154 = tpu.memref_slice %arg5[%run_scoped3A_3, %dma_wait3A_152, %dma_wait3A_153] : memref<2x5x128xi32, #tpu.memory_space<vmem>> -> memref<1x5x128xi32, #tpu.memory_space<vmem>>
      %dma_wait3A_155 = tpu.memref_squeeze %dma_wait3A_154 : memref<1x5x128xi32, #tpu.memory_space<vmem>> -> memref<5x128xi32, #tpu.memory_space<vmem>>
      %dma_wait3A_156 = arith.constant 0 : i32
      %dma_wait3A_157 = arith.constant 0 : i32
      %dma_wait3A_158 = tpu.memref_slice %arg2[%run_scoped3A, %add3A, %dma_wait3A_156, %dma_wait3A_157] : memref<26x32x20x128xi32, #tpu.memory_space<hbm>> -> memref<1x1x5x128xi32, #tpu.memory_space<hbm>>
      %dma_wait3A_159 = tpu.memref_squeeze %dma_wait3A_158 : memref<1x1x5x128xi32, #tpu.memory_space<hbm>> -> memref<5x128xi32, #tpu.memory_space<hbm>>
      tpu.wait_dma2 semaphore(%run_scoped3A_127 : memref<!tpu.dma_semaphore, #tpu.memory_space<semaphore_mem>>) src(%dma_wait3A_159 : memref<5x128xi32, #tpu.memory_space<hbm>>) dst(%dma_wait3A_155 : memref<5x128xi32, #tpu.memory_space<vmem>>)
      tpu.yield
    }) : () -> ()
    %dma_start3A = arith.constant 0 : i32
    %dma_start3A_4 = arith.constant 0 : i32
    %dma_start3A_5 = arith.constant 0 : i32
    %dma_start3A_6 = arith.constant 0 : i32
    %dma_start3A_7 = arith.constant 0 : i32
    %dma_start3A_8 = arith.constant 0 : i32
    %dma_start3A_9 = tpu.memref_slice %arg6[%dma_start3A_6, %dma_start3A_7, %dma_start3A_8] : memref<2x640x64xf32, #tpu.memory_space<vmem>> -> memref<1x128x64xf32, #tpu.memory_space<vmem>>
    %dma_start3A_10 = tpu.memref_squeeze %dma_start3A_9 : memref<1x128x64xf32, #tpu.memory_space<vmem>> -> memref<128x64xf32, #tpu.memory_space<vmem>>
    %dma_start3A_11 = arith.constant 0 : i32
    %dma_start3A_12 = tpu.memref_slice %arg5[%dma_start3A_4, %dma_start3A_5, %dma_start3A_11] : memref<2x5x128xi32, #tpu.memory_space<vmem>> -> memref<1x1x128xi32, #tpu.memory_space<vmem>>
    %dma_start3A_13 = tpu.memref_squeeze %dma_start3A_12 : memref<1x1x128xi32, #tpu.memory_space<vmem>> -> memref<128xi32, #tpu.memory_space<vmem>>
    %dma_start3A_14 = arith.constant 0 : i32
    %dma_start3A_15 = arith.constant 0 : i32
    %dma_start3A_16 = tpu.memref_slice %arg3[%dma_start3A, %dma_start3A_14, %dma_start3A_15] : memref<26x100000x64xf32, #tpu.memory_space<hbm>> -> memref<1x100000x64xf32, #tpu.memory_space<hbm>>
    %dma_start3A_17 = tpu.memref_squeeze %dma_start3A_16 : memref<1x100000x64xf32, #tpu.memory_space<hbm>> -> memref<100000x64xf32, #tpu.memory_space<hbm>>
    %dma_start3A_18 = arith.constant 0 : i32
    %dma_start3A_19 = arith.constant 0 : i32
    %dma_start3A_20 = tpu.memref_slice %dma_start3A_17[%dma_start3A_18, %dma_start3A_19] : memref<100000x64xf32, #tpu.memory_space<hbm>> -> memref<100000x64xf32, #tpu.memory_space<hbm>>
    tpu.enqueue_indirect_dma source(%dma_start3A_20 : memref<100000x64xf32, #tpu.memory_space<hbm>>) target(%dma_start3A_10 : memref<128x64xf32, #tpu.memory_space<vmem>>) offsets(%dma_start3A_13 : memref<128xi32, #tpu.memory_space<vmem>>) semaphore(%arg8 : memref<!tpu.dma_semaphore, #tpu.memory_space<semaphore_mem>>)
    %dma_start3A_21 = arith.constant 0 : i32
    %dma_start3A_22 = arith.constant 0 : i32
    %dma_start3A_23 = arith.constant 1 : i32
    %dma_start3A_24 = arith.constant 0 : i32
    %dma_start3A_25 = arith.constant 128 : i32
    %dma_start3A_26 = arith.constant 0 : i32
    %dma_start3A_27 = tpu.memref_slice %arg6[%dma_start3A_24, %dma_start3A_25, %dma_start3A_26] : memref<2x640x64xf32, #tpu.memory_space<vmem>> -> memref<1x128x64xf32, #tpu.memory_space<vmem>>
    %dma_start3A_28 = tpu.memref_squeeze %dma_start3A_27 : memref<1x128x64xf32, #tpu.memory_space<vmem>> -> memref<128x64xf32, #tpu.memory_space<vmem>>
    %dma_start3A_29 = arith.constant 0 : i32
    %dma_start3A_30 = tpu.memref_slice %arg5[%dma_start3A_22, %dma_start3A_23, %dma_start3A_29] : memref<2x5x128xi32, #tpu.memory_space<vmem>> -> memref<1x1x128xi32, #tpu.memory_space<vmem>>
    %dma_start3A_31 = tpu.memref_squeeze %dma_start3A_30 : memref<1x1x128xi32, #tpu.memory_space<vmem>> -> memref<128xi32, #tpu.memory_space<vmem>>
    %dma_start3A_32 = arith.constant 0 : i32
    %dma_start3A_33 = arith.constant 0 : i32
    %dma_start3A_34 = tpu.memref_slice %arg3[%dma_start3A_21, %dma_start3A_32, %dma_start3A_33] : memref<26x100000x64xf32, #tpu.memory_space<hbm>> -> memref<1x100000x64xf32, #tpu.memory_space<hbm>>
    %dma_start3A_35 = tpu.memref_squeeze %dma_start3A_34 : memref<1x100000x64xf32, #tpu.memory_space<hbm>> -> memref<100000x64xf32, #tpu.memory_space<hbm>>
    %dma_start3A_36 = arith.constant 0 : i32
    %dma_start3A_37 = arith.constant 0 : i32
    %dma_start3A_38 = tpu.memref_slice %dma_start3A_35[%dma_start3A_36, %dma_start3A_37] : memref<100000x64xf32, #tpu.memory_space<hbm>> -> memref<100000x64xf32, #tpu.memory_space<hbm>>
    tpu.enqueue_indirect_dma source(%dma_start3A_38 : memref<100000x64xf32, #tpu.memory_space<hbm>>) target(%dma_start3A_28 : memref<128x64xf32, #tpu.memory_space<vmem>>) offsets(%dma_start3A_31 : memref<128xi32, #tpu.memory_space<vmem>>) semaphore(%arg8 : memref<!tpu.dma_semaphore, #tpu.memory_space<semaphore_mem>>)
    %dma_start3A_39 = arith.constant 0 : i32
    %dma_start3A_40 = arith.constant 0 : i32
    %dma_start3A_41 = arith.constant 2 : i32
    %dma_start3A_42 = arith.constant 0 : i32
    %dma_start3A_43 = arith.constant 256 : i32
    %dma_start3A_44 = arith.constant 0 : i32
    %dma_start3A_45 = tpu.memref_slice %arg6[%dma_start3A_42, %dma_start3A_43, %dma_start3A_44] : memref<2x640x64xf32, #tpu.memory_space<vmem>> -> memref<1x128x64xf32, #tpu.memory_space<vmem>>
    %dma_start3A_46 = tpu.memref_squeeze %dma_start3A_45 : memref<1x128x64xf32, #tpu.memory_space<vmem>> -> memref<128x64xf32, #tpu.memory_space<vmem>>
    %dma_start3A_47 = arith.constant 0 : i32
    %dma_start3A_48 = tpu.memref_slice %arg5[%dma_start3A_40, %dma_start3A_41, %dma_start3A_47] : memref<2x5x128xi32, #tpu.memory_space<vmem>> -> memref<1x1x128xi32, #tpu.memory_space<vmem>>
    %dma_start3A_49 = tpu.memref_squeeze %dma_start3A_48 : memref<1x1x128xi32, #tpu.memory_space<vmem>> -> memref<128xi32, #tpu.memory_space<vmem>>
    %dma_start3A_50 = arith.constant 0 : i32
    %dma_start3A_51 = arith.constant 0 : i32
    %dma_start3A_52 = tpu.memref_slice %arg3[%dma_start3A_39, %dma_start3A_50, %dma_start3A_51] : memref<26x100000x64xf32, #tpu.memory_space<hbm>> -> memref<1x100000x64xf32, #tpu.memory_space<hbm>>
    %dma_start3A_53 = tpu.memref_squeeze %dma_start3A_52 : memref<1x100000x64xf32, #tpu.memory_space<hbm>> -> memref<100000x64xf32, #tpu.memory_space<hbm>>
    %dma_start3A_54 = arith.constant 0 : i32
    %dma_start3A_55 = arith.constant 0 : i32
    %dma_start3A_56 = tpu.memref_slice %dma_start3A_53[%dma_start3A_54, %dma_start3A_55] : memref<100000x64xf32, #tpu.memory_space<hbm>> -> memref<100000x64xf32, #tpu.memory_space<hbm>>
    tpu.enqueue_indirect_dma source(%dma_start3A_56 : memref<100000x64xf32, #tpu.memory_space<hbm>>) target(%dma_start3A_46 : memref<128x64xf32, #tpu.memory_space<vmem>>) offsets(%dma_start3A_49 : memref<128xi32, #tpu.memory_space<vmem>>) semaphore(%arg8 : memref<!tpu.dma_semaphore, #tpu.memory_space<semaphore_mem>>)
    %dma_start3A_57 = arith.constant 0 : i32
    %dma_start3A_58 = arith.constant 0 : i32
    %dma_start3A_59 = arith.constant 3 : i32
    %dma_start3A_60 = arith.constant 0 : i32
    %dma_start3A_61 = arith.constant 384 : i32
    %dma_start3A_62 = arith.constant 0 : i32
    %dma_start3A_63 = tpu.memref_slice %arg6[%dma_start3A_60, %dma_start3A_61, %dma_start3A_62] : memref<2x640x64xf32, #tpu.memory_space<vmem>> -> memref<1x128x64xf32, #tpu.memory_space<vmem>>
    %dma_start3A_64 = tpu.memref_squeeze %dma_start3A_63 : memref<1x128x64xf32, #tpu.memory_space<vmem>> -> memref<128x64xf32, #tpu.memory_space<vmem>>
    %dma_start3A_65 = arith.constant 0 : i32
    %dma_start3A_66 = tpu.memref_slice %arg5[%dma_start3A_58, %dma_start3A_59, %dma_start3A_65] : memref<2x5x128xi32, #tpu.memory_space<vmem>> -> memref<1x1x128xi32, #tpu.memory_space<vmem>>
    %dma_start3A_67 = tpu.memref_squeeze %dma_start3A_66 : memref<1x1x128xi32, #tpu.memory_space<vmem>> -> memref<128xi32, #tpu.memory_space<vmem>>
    %dma_start3A_68 = arith.constant 0 : i32
    %dma_start3A_69 = arith.constant 0 : i32
    %dma_start3A_70 = tpu.memref_slice %arg3[%dma_start3A_57, %dma_start3A_68, %dma_start3A_69] : memref<26x100000x64xf32, #tpu.memory_space<hbm>> -> memref<1x100000x64xf32, #tpu.memory_space<hbm>>
    %dma_start3A_71 = tpu.memref_squeeze %dma_start3A_70 : memref<1x100000x64xf32, #tpu.memory_space<hbm>> -> memref<100000x64xf32, #tpu.memory_space<hbm>>
    %dma_start3A_72 = arith.constant 0 : i32
    %dma_start3A_73 = arith.constant 0 : i32
    %dma_start3A_74 = tpu.memref_slice %dma_start3A_71[%dma_start3A_72, %dma_start3A_73] : memref<100000x64xf32, #tpu.memory_space<hbm>> -> memref<100000x64xf32, #tpu.memory_space<hbm>>
    tpu.enqueue_indirect_dma source(%dma_start3A_74 : memref<100000x64xf32, #tpu.memory_space<hbm>>) target(%dma_start3A_64 : memref<128x64xf32, #tpu.memory_space<vmem>>) offsets(%dma_start3A_67 : memref<128xi32, #tpu.memory_space<vmem>>) semaphore(%arg8 : memref<!tpu.dma_semaphore, #tpu.memory_space<semaphore_mem>>)
    %dma_start3A_75 = arith.constant 0 : i32
    %dma_start3A_76 = arith.constant 0 : i32
    %dma_start3A_77 = arith.constant 4 : i32
    %dma_start3A_78 = arith.constant 0 : i32
    %dma_start3A_79 = arith.constant 512 : i32
    %dma_start3A_80 = arith.constant 0 : i32
    %dma_start3A_81 = tpu.memref_slice %arg6[%dma_start3A_78, %dma_start3A_79, %dma_start3A_80] : memref<2x640x64xf32, #tpu.memory_space<vmem>> -> memref<1x128x64xf32, #tpu.memory_space<vmem>>
    %dma_start3A_82 = tpu.memref_squeeze %dma_start3A_81 : memref<1x128x64xf32, #tpu.memory_space<vmem>> -> memref<128x64xf32, #tpu.memory_space<vmem>>
    %dma_start3A_83 = arith.constant 0 : i32
    %dma_start3A_84 = tpu.memref_slice %arg5[%dma_start3A_76, %dma_start3A_77, %dma_start3A_83] : memref<2x5x128xi32, #tpu.memory_space<vmem>> -> memref<1x1x128xi32, #tpu.memory_space<vmem>>
    %dma_start3A_85 = tpu.memref_squeeze %dma_start3A_84 : memref<1x1x128xi32, #tpu.memory_space<vmem>> -> memref<128xi32, #tpu.memory_space<vmem>>
    %dma_start3A_86 = arith.constant 0 : i32
    %dma_start3A_87 = arith.constant 0 : i32
    %dma_start3A_88 = tpu.memref_slice %arg3[%dma_start3A_75, %dma_start3A_86, %dma_start3A_87] : memref<26x100000x64xf32, #tpu.memory_space<hbm>> -> memref<1x100000x64xf32, #tpu.memory_space<hbm>>
    %dma_start3A_89 = tpu.memref_squeeze %dma_start3A_88 : memref<1x100000x64xf32, #tpu.memory_space<hbm>> -> memref<100000x64xf32, #tpu.memory_space<hbm>>
    %dma_start3A_90 = arith.constant 0 : i32
    %dma_start3A_91 = arith.constant 0 : i32
    %dma_start3A_92 = tpu.memref_slice %dma_start3A_89[%dma_start3A_90, %dma_start3A_91] : memref<100000x64xf32, #tpu.memory_space<hbm>> -> memref<100000x64xf32, #tpu.memory_space<hbm>>
    tpu.enqueue_indirect_dma source(%dma_start3A_92 : memref<100000x64xf32, #tpu.memory_space<hbm>>) target(%dma_start3A_82 : memref<128x64xf32, #tpu.memory_space<vmem>>) offsets(%dma_start3A_85 : memref<128xi32, #tpu.memory_space<vmem>>) semaphore(%arg8 : memref<!tpu.dma_semaphore, #tpu.memory_space<semaphore_mem>>)
    %scan3A = arith.constant 0 : i32
    %scan3A_93 = arith.constant 0 : i32
    %scan3A_94 = arith.constant 52 : i32
    %scan3A_95 = arith.addi %scan3A_93, %scan3A_94 : i32
    %scan3A_96 = arith.constant 1 : i32
    scf.for %scan3A_127 = %scan3A_93 to %scan3A_95 step %scan3A_96  : i32 {
      %mul3A_128 = arith.constant 2 : i32
      %mul3A_129 = arith.muli %mul3A_128, %scan3A_127 : i32
      %add3A_130 = arith.constant 0 : i32
      %add3A_131 = arith.addi %mul3A_129, %add3A_130 : i32
      %add3A_132 = arith.constant 1 : i32
      %add3A_133 = arith.addi %add3A_131, %add3A_132 : i32
      %lt3A = arith.constant 104 : i32
      %lt3A_134 = arith.cmpi slt, %add3A_133, %lt3A : i32
      %convert_element_type3A = arith.extui %lt3A_134 : i1 to i32
      %cond3A = arith.constant 0 : i32
      %cond3A_135 = arith.cmpi ne, %convert_element_type3A, %cond3A : i32
      scf.if %cond3A_135 {
        %jit3A_303 = arith.constant 8 : i32
        %div3A_304 = arith.divsi %add3A_133, %jit3A_303 : i32
        %sign3A_305 = arith.constant 0 : i32
        %sign3A_306 = arith.cmpi sgt, %add3A_133, %sign3A_305 : i32
        %sign3A_307 = arith.extui %sign3A_306 : i1 to i32
        %sign3A_308 = arith.constant 0 : i32
        %sign3A_309 = arith.cmpi slt, %add3A_133, %sign3A_308 : i32
        %sign3A_310 = arith.extui %sign3A_309 : i1 to i32
        %sign3A_311 = arith.subi %sign3A_307, %sign3A_310 : i32
        %sign3A_312 = arith.constant 0 : i32
        %sign3A_313 = arith.cmpi sgt, %jit3A_303, %sign3A_312 : i32
        %sign3A_314 = arith.extui %sign3A_313 : i1 to i32
        %sign3A_315 = arith.constant 0 : i32
        %sign3A_316 = arith.cmpi slt, %jit3A_303, %sign3A_315 : i32
        %sign3A_317 = arith.extui %sign3A_316 : i1 to i32
        %sign3A_318 = arith.subi %sign3A_314, %sign3A_317 : i32
        %ne3A_319 = arith.cmpi ne, %sign3A_311, %sign3A_318 : i32
        %rem3A_320 = arith.remsi %add3A_133, %jit3A_303 : i32
        %ne3A_321 = arith.constant 0 : i32
        %ne3A_322 = arith.cmpi ne, %rem3A_320, %ne3A_321 : i32
        %and3A_323 = arith.andi %ne3A_319, %ne3A_322 : i1
        %sub3A_324 = arith.constant 1 : i32
        %sub3A_325 = arith.subi %div3A_304, %sub3A_324 : i32
        %select_n3A_326 = arith.select %and3A_323, %sub3A_325, %div3A_304 : i32
        %jit3A_327 = arith.constant 2 : i32
        %div3A_328 = arith.divsi %add3A_133, %jit3A_327 : i32
        %sign3A_329 = arith.constant 0 : i32
        %sign3A_330 = arith.cmpi sgt, %add3A_133, %sign3A_329 : i32
        %sign3A_331 = arith.extui %sign3A_330 : i1 to i32
        %sign3A_332 = arith.constant 0 : i32
        %sign3A_333 = arith.cmpi slt, %add3A_133, %sign3A_332 : i32
        %sign3A_334 = arith.extui %sign3A_333 : i1 to i32
        %sign3A_335 = arith.subi %sign3A_331, %sign3A_334 : i32
        %sign3A_336 = arith.constant 0 : i32
        %sign3A_337 = arith.cmpi sgt, %jit3A_327, %sign3A_336 : i32
        %sign3A_338 = arith.extui %sign3A_337 : i1 to i32
        %sign3A_339 = arith.constant 0 : i32
        %sign3A_340 = arith.cmpi slt, %jit3A_327, %sign3A_339 : i32
        %sign3A_341 = arith.extui %sign3A_340 : i1 to i32
        %sign3A_342 = arith.subi %sign3A_338, %sign3A_341 : i32
        %ne3A_343 = arith.cmpi ne, %sign3A_335, %sign3A_342 : i32
        %rem3A_344 = arith.remsi %add3A_133, %jit3A_327 : i32
        %ne3A_345 = arith.constant 0 : i32
        %ne3A_346 = arith.cmpi ne, %rem3A_344, %ne3A_345 : i32
        %and3A_347 = arith.andi %ne3A_343, %ne3A_346 : i1
        %sub3A_348 = arith.constant 1 : i32
        %sub3A_349 = arith.subi %div3A_328, %sub3A_348 : i32
        %select_n3A_350 = arith.select %and3A_347, %sub3A_349, %div3A_328 : i32
        %jit3A_351 = arith.constant 4 : i32
        %eq3A_352 = arith.constant 0 : i32
        %eq3A_353 = arith.cmpi eq, %jit3A_351, %eq3A_352 : i32
        %jit3A_354 = arith.constant 1 : i32
        %select_n3A_355 = arith.select %eq3A_353, %jit3A_354, %jit3A_351 : i32
        %rem3A_356 = arith.remsi %select_n3A_350, %select_n3A_355 : i32
        %ne3A_357 = arith.constant 0 : i32
        %ne3A_358 = arith.cmpi ne, %rem3A_356, %ne3A_357 : i32
        %lt3A_359 = arith.constant 0 : i32
        %lt3A_360 = arith.cmpi slt, %rem3A_356, %lt3A_359 : i32
        %lt3A_361 = arith.constant 0 : i32
        %lt3A_362 = arith.cmpi slt, %select_n3A_355, %lt3A_361 : i32
        %ne3A_363 = arith.xori %lt3A_360, %lt3A_362 : i1
        %and3A_364 = arith.andi %ne3A_363, %ne3A_358 : i1
        %add3A_365 = arith.addi %rem3A_356, %select_n3A_355 : i32
        %select_n3A_366 = arith.select %and3A_364, %add3A_365, %rem3A_356 : i32
        %jit3A_367 = arith.constant 2 : i32
        %eq3A_368 = arith.constant 0 : i32
        %eq3A_369 = arith.cmpi eq, %jit3A_367, %eq3A_368 : i32
        %jit3A_370 = arith.constant 1 : i32
        %select_n3A_371 = arith.select %eq3A_369, %jit3A_370, %jit3A_367 : i32
        %rem3A_372 = arith.remsi %add3A_133, %select_n3A_371 : i32
        %ne3A_373 = arith.constant 0 : i32
        %ne3A_374 = arith.cmpi ne, %rem3A_372, %ne3A_373 : i32
        %lt3A_375 = arith.constant 0 : i32
        %lt3A_376 = arith.cmpi slt, %rem3A_372, %lt3A_375 : i32
        %lt3A_377 = arith.constant 0 : i32
        %lt3A_378 = arith.cmpi slt, %select_n3A_371, %lt3A_377 : i32
        %ne3A_379 = arith.xori %lt3A_376, %lt3A_378 : i1
        %and3A_380 = arith.andi %ne3A_379, %ne3A_374 : i1
        %add3A_381 = arith.addi %rem3A_372, %select_n3A_371 : i32
        %select_n3A_382 = arith.select %and3A_380, %add3A_381, %rem3A_372 : i32
        %mul3A_383 = arith.constant 2 : i32
        %mul3A_384 = arith.muli %mul3A_383, %select_n3A_326 : i32
        %add3A_385 = arith.addi %mul3A_384, %select_n3A_382 : i32
        %mul3A_386 = arith.constant 5 : i32
        %mul3A_387 = arith.muli %select_n3A_366, %mul3A_386 : i32
        %run_scoped3A_388 = arith.constant 1 : i32
        "tpu.region"() ({
          %run_scoped3A_474 = tpu.sem_alloc : memref<!tpu.dma_semaphore, #tpu.memory_space<semaphore_mem>>
          %dma_start3A_475 = arith.constant 0 : i32
          %dma_start3A_476 = arith.constant 0 : i32
          %dma_start3A_477 = tpu.memref_slice %arg5[%run_scoped3A_388, %dma_start3A_475, %dma_start3A_476] : memref<2x5x128xi32, #tpu.memory_space<vmem>> -> memref<1x5x128xi32, #tpu.memory_space<vmem>>
          %dma_start3A_478 = tpu.memref_squeeze %dma_start3A_477 : memref<1x5x128xi32, #tpu.memory_space<vmem>> -> memref<5x128xi32, #tpu.memory_space<vmem>>
          %dma_start3A_479 = arith.constant 0 : i32
          %dma_start3A_480 = tpu.memref_slice %arg2[%add3A_385, %add3A, %mul3A_387, %dma_start3A_479] : memref<26x32x20x128xi32, #tpu.memory_space<hbm>> -> memref<1x1x5x128xi32, #tpu.memory_space<hbm>>
          %dma_start3A_481 = tpu.memref_squeeze %dma_start3A_480 : memref<1x1x5x128xi32, #tpu.memory_space<hbm>> -> memref<5x128xi32, #tpu.memory_space<hbm>>
          %dma_start3A_482 = arith.constant 0 : i32
          %dma_start3A_483 = arith.constant 0 : i32
          %dma_start3A_484 = tpu.memref_slice %arg5[%run_scoped3A_388, %dma_start3A_482, %dma_start3A_483] : memref<2x5x128xi32, #tpu.memory_space<vmem>> -> memref<1x5x128xi32, #tpu.memory_space<vmem>>
          %dma_start3A_485 = tpu.memref_squeeze %dma_start3A_484 : memref<1x5x128xi32, #tpu.memory_space<vmem>> -> memref<5x128xi32, #tpu.memory_space<vmem>>
          %dma_start3A_486 = arith.constant 0 : i32
          %dma_start3A_487 = tpu.memref_slice %arg2[%add3A_385, %add3A, %mul3A_387, %dma_start3A_486] : memref<26x32x20x128xi32, #tpu.memory_space<hbm>> -> memref<1x1x5x128xi32, #tpu.memory_space<hbm>>
          %dma_start3A_488 = tpu.memref_squeeze %dma_start3A_487 : memref<1x1x5x128xi32, #tpu.memory_space<hbm>> -> memref<5x128xi32, #tpu.memory_space<hbm>>
          tpu.enqueue_dma source(%dma_start3A_488 : memref<5x128xi32, #tpu.memory_space<hbm>>) target(%dma_start3A_485 : memref<5x128xi32, #tpu.memory_space<vmem>>) target_semaphore(%run_scoped3A_474 : memref<!tpu.dma_semaphore, #tpu.memory_space<semaphore_mem>>)
          %dma_wait3A_489 = arith.constant 0 : i32
          %dma_wait3A_490 = arith.constant 0 : i32
          %dma_wait3A_491 = tpu.memref_slice %arg5[%run_scoped3A_388, %dma_wait3A_489, %dma_wait3A_490] : memref<2x5x128xi32, #tpu.memory_space<vmem>> -> memref<1x5x128xi32, #tpu.memory_space<vmem>>
          %dma_wait3A_492 = tpu.memref_squeeze %dma_wait3A_491 : memref<1x5x128xi32, #tpu.memory_space<vmem>> -> memref<5x128xi32, #tpu.memory_space<vmem>>
          %dma_wait3A_493 = arith.constant 0 : i32
          %dma_wait3A_494 = tpu.memref_slice %arg2[%add3A_385, %add3A, %mul3A_387, %dma_wait3A_493] : memref<26x32x20x128xi32, #tpu.memory_space<hbm>> -> memref<1x1x5x128xi32, #tpu.memory_space<hbm>>
          %dma_wait3A_495 = tpu.memref_squeeze %dma_wait3A_494 : memref<1x1x5x128xi32, #tpu.memory_space<hbm>> -> memref<5x128xi32, #tpu.memory_space<hbm>>
          %dma_wait3A_496 = arith.constant 0 : i32
          %dma_wait3A_497 = arith.constant 0 : i32
          %dma_wait3A_498 = tpu.memref_slice %arg5[%run_scoped3A_388, %dma_wait3A_496, %dma_wait3A_497] : memref<2x5x128xi32, #tpu.memory_space<vmem>> -> memref<1x5x128xi32, #tpu.memory_space<vmem>>
          %dma_wait3A_499 = tpu.memref_squeeze %dma_wait3A_498 : memref<1x5x128xi32, #tpu.memory_space<vmem>> -> memref<5x128xi32, #tpu.memory_space<vmem>>
          %dma_wait3A_500 = arith.constant 0 : i32
          %dma_wait3A_501 = tpu.memref_slice %arg2[%add3A_385, %add3A, %mul3A_387, %dma_wait3A_500] : memref<26x32x20x128xi32, #tpu.memory_space<hbm>> -> memref<1x1x5x128xi32, #tpu.memory_space<hbm>>
          %dma_wait3A_502 = tpu.memref_squeeze %dma_wait3A_501 : memref<1x1x5x128xi32, #tpu.memory_space<hbm>> -> memref<5x128xi32, #tpu.memory_space<hbm>>
          tpu.wait_dma2 semaphore(%run_scoped3A_474 : memref<!tpu.dma_semaphore, #tpu.memory_space<semaphore_mem>>) src(%dma_wait3A_502 : memref<5x128xi32, #tpu.memory_space<hbm>>) dst(%dma_wait3A_499 : memref<5x128xi32, #tpu.memory_space<vmem>>)
          tpu.yield
        }) : () -> ()
        %dma_start3A_389 = arith.constant 1 : i32
        %dma_start3A_390 = arith.constant 0 : i32
        %dma_start3A_391 = arith.constant 1 : i32
        %dma_start3A_392 = arith.constant 0 : i32
        %dma_start3A_393 = arith.constant 0 : i32
        %dma_start3A_394 = tpu.memref_slice %arg6[%dma_start3A_391, %dma_start3A_392, %dma_start3A_393] : memref<2x640x64xf32, #tpu.memory_space<vmem>> -> memref<1x128x64xf32, #tpu.memory_space<vmem>>
        %dma_start3A_395 = tpu.memref_squeeze %dma_start3A_394 : memref<1x128x64xf32, #tpu.memory_space<vmem>> -> memref<128x64xf32, #tpu.memory_space<vmem>>
        %dma_start3A_396 = arith.constant 0 : i32
        %dma_start3A_397 = tpu.memref_slice %arg5[%dma_start3A_389, %dma_start3A_390, %dma_start3A_396] : memref<2x5x128xi32, #tpu.memory_space<vmem>> -> memref<1x1x128xi32, #tpu.memory_space<vmem>>
        %dma_start3A_398 = tpu.memref_squeeze %dma_start3A_397 : memref<1x1x128xi32, #tpu.memory_space<vmem>> -> memref<128xi32, #tpu.memory_space<vmem>>
        %dma_start3A_399 = arith.constant 0 : i32
        %dma_start3A_400 = arith.constant 0 : i32
        %dma_start3A_401 = tpu.memref_slice %arg3[%add3A_385, %dma_start3A_399, %dma_start3A_400] : memref<26x100000x64xf32, #tpu.memory_space<hbm>> -> memref<1x100000x64xf32, #tpu.memory_space<hbm>>
        %dma_start3A_402 = tpu.memref_squeeze %dma_start3A_401 : memref<1x100000x64xf32, #tpu.memory_space<hbm>> -> memref<100000x64xf32, #tpu.memory_space<hbm>>
        %dma_start3A_403 = arith.constant 0 : i32
        %dma_start3A_404 = arith.constant 0 : i32
        %dma_start3A_405 = tpu.memref_slice %dma_start3A_402[%dma_start3A_403, %dma_start3A_404] : memref<100000x64xf32, #tpu.memory_space<hbm>> -> memref<100000x64xf32, #tpu.memory_space<hbm>>
        tpu.enqueue_indirect_dma source(%dma_start3A_405 : memref<100000x64xf32, #tpu.memory_space<hbm>>) target(%dma_start3A_395 : memref<128x64xf32, #tpu.memory_space<vmem>>) offsets(%dma_start3A_398 : memref<128xi32, #tpu.memory_space<vmem>>) semaphore(%arg9 : memref<!tpu.dma_semaphore, #tpu.memory_space<semaphore_mem>>)
        %dma_start3A_406 = arith.constant 1 : i32
        %dma_start3A_407 = arith.constant 1 : i32
        %dma_start3A_408 = arith.constant 1 : i32
        %dma_start3A_409 = arith.constant 128 : i32
        %dma_start3A_410 = arith.constant 0 : i32
        %dma_start3A_411 = tpu.memref_slice %arg6[%dma_start3A_408, %dma_start3A_409, %dma_start3A_410] : memref<2x640x64xf32, #tpu.memory_space<vmem>> -> memref<1x128x64xf32, #tpu.memory_space<vmem>>
        %dma_start3A_412 = tpu.memref_squeeze %dma_start3A_411 : memref<1x128x64xf32, #tpu.memory_space<vmem>> -> memref<128x64xf32, #tpu.memory_space<vmem>>
        %dma_start3A_413 = arith.constant 0 : i32
        %dma_start3A_414 = tpu.memref_slice %arg5[%dma_start3A_406, %dma_start3A_407, %dma_start3A_413] : memref<2x5x128xi32, #tpu.memory_space<vmem>> -> memref<1x1x128xi32, #tpu.memory_space<vmem>>
        %dma_start3A_415 = tpu.memref_squeeze %dma_start3A_414 : memref<1x1x128xi32, #tpu.memory_space<vmem>> -> memref<128xi32, #tpu.memory_space<vmem>>
        %dma_start3A_416 = arith.constant 0 : i32
        %dma_start3A_417 = arith.constant 0 : i32
        %dma_start3A_418 = tpu.memref_slice %arg3[%add3A_385, %dma_start3A_416, %dma_start3A_417] : memref<26x100000x64xf32, #tpu.memory_space<hbm>> -> memref<1x100000x64xf32, #tpu.memory_space<hbm>>
        %dma_start3A_419 = tpu.memref_squeeze %dma_start3A_418 : memref<1x100000x64xf32, #tpu.memory_space<hbm>> -> memref<100000x64xf32, #tpu.memory_space<hbm>>
        %dma_start3A_420 = arith.constant 0 : i32
        %dma_start3A_421 = arith.constant 0 : i32
        %dma_start3A_422 = tpu.memref_slice %dma_start3A_419[%dma_start3A_420, %dma_start3A_421] : memref<100000x64xf32, #tpu.memory_space<hbm>> -> memref<100000x64xf32, #tpu.memory_space<hbm>>
        tpu.enqueue_indirect_dma source(%dma_start3A_422 : memref<100000x64xf32, #tpu.memory_space<hbm>>) target(%dma_start3A_412 : memref<128x64xf32, #tpu.memory_space<vmem>>) offsets(%dma_start3A_415 : memref<128xi32, #tpu.memory_space<vmem>>) semaphore(%arg9 : memref<!tpu.dma_semaphore, #tpu.memory_space<semaphore_mem>>)
        %dma_start3A_423 = arith.constant 1 : i32
        %dma_start3A_424 = arith.constant 2 : i32
        %dma_start3A_425 = arith.constant 1 : i32
        %dma_start3A_426 = arith.constant 256 : i32
        %dma_start3A_427 = arith.constant 0 : i32
        %dma_start3A_428 = tpu.memref_slice %arg6[%dma_start3A_425, %dma_start3A_426, %dma_start3A_427] : memref<2x640x64xf32, #tpu.memory_space<vmem>> -> memref<1x128x64xf32, #tpu.memory_space<vmem>>
        %dma_start3A_429 = tpu.memref_squeeze %dma_start3A_428 : memref<1x128x64xf32, #tpu.memory_space<vmem>> -> memref<128x64xf32, #tpu.memory_space<vmem>>
        %dma_start3A_430 = arith.constant 0 : i32
        %dma_start3A_431 = tpu.memref_slice %arg5[%dma_start3A_423, %dma_start3A_424, %dma_start3A_430] : memref<2x5x128xi32, #tpu.memory_space<vmem>> -> memref<1x1x128xi32, #tpu.memory_space<vmem>>
        %dma_start3A_432 = tpu.memref_squeeze %dma_start3A_431 : memref<1x1x128xi32, #tpu.memory_space<vmem>> -> memref<128xi32, #tpu.memory_space<vmem>>
        %dma_start3A_433 = arith.constant 0 : i32
        %dma_start3A_434 = arith.constant 0 : i32
        %dma_start3A_435 = tpu.memref_slice %arg3[%add3A_385, %dma_start3A_433, %dma_start3A_434] : memref<26x100000x64xf32, #tpu.memory_space<hbm>> -> memref<1x100000x64xf32, #tpu.memory_space<hbm>>
        %dma_start3A_436 = tpu.memref_squeeze %dma_start3A_435 : memref<1x100000x64xf32, #tpu.memory_space<hbm>> -> memref<100000x64xf32, #tpu.memory_space<hbm>>
        %dma_start3A_437 = arith.constant 0 : i32
        %dma_start3A_438 = arith.constant 0 : i32
        %dma_start3A_439 = tpu.memref_slice %dma_start3A_436[%dma_start3A_437, %dma_start3A_438] : memref<100000x64xf32, #tpu.memory_space<hbm>> -> memref<100000x64xf32, #tpu.memory_space<hbm>>
        tpu.enqueue_indirect_dma source(%dma_start3A_439 : memref<100000x64xf32, #tpu.memory_space<hbm>>) target(%dma_start3A_429 : memref<128x64xf32, #tpu.memory_space<vmem>>) offsets(%dma_start3A_432 : memref<128xi32, #tpu.memory_space<vmem>>) semaphore(%arg9 : memref<!tpu.dma_semaphore, #tpu.memory_space<semaphore_mem>>)
        %dma_start3A_440 = arith.constant 1 : i32
        %dma_start3A_441 = arith.constant 3 : i32
        %dma_start3A_442 = arith.constant 1 : i32
        %dma_start3A_443 = arith.constant 384 : i32
        %dma_start3A_444 = arith.constant 0 : i32
        %dma_start3A_445 = tpu.memref_slice %arg6[%dma_start3A_442, %dma_start3A_443, %dma_start3A_444] : memref<2x640x64xf32, #tpu.memory_space<vmem>> -> memref<1x128x64xf32, #tpu.memory_space<vmem>>
        %dma_start3A_446 = tpu.memref_squeeze %dma_start3A_445 : memref<1x128x64xf32, #tpu.memory_space<vmem>> -> memref<128x64xf32, #tpu.memory_space<vmem>>
        %dma_start3A_447 = arith.constant 0 : i32
        %dma_start3A_448 = tpu.memref_slice %arg5[%dma_start3A_440, %dma_start3A_441, %dma_start3A_447] : memref<2x5x128xi32, #tpu.memory_space<vmem>> -> memref<1x1x128xi32, #tpu.memory_space<vmem>>
        %dma_start3A_449 = tpu.memref_squeeze %dma_start3A_448 : memref<1x1x128xi32, #tpu.memory_space<vmem>> -> memref<128xi32, #tpu.memory_space<vmem>>
        %dma_start3A_450 = arith.constant 0 : i32
        %dma_start3A_451 = arith.constant 0 : i32
        %dma_start3A_452 = tpu.memref_slice %arg3[%add3A_385, %dma_start3A_450, %dma_start3A_451] : memref<26x100000x64xf32, #tpu.memory_space<hbm>> -> memref<1x100000x64xf32, #tpu.memory_space<hbm>>
        %dma_start3A_453 = tpu.memref_squeeze %dma_start3A_452 : memref<1x100000x64xf32, #tpu.memory_space<hbm>> -> memref<100000x64xf32, #tpu.memory_space<hbm>>
        %dma_start3A_454 = arith.constant 0 : i32
        %dma_start3A_455 = arith.constant 0 : i32
        %dma_start3A_456 = tpu.memref_slice %dma_start3A_453[%dma_start3A_454, %dma_start3A_455] : memref<100000x64xf32, #tpu.memory_space<hbm>> -> memref<100000x64xf32, #tpu.memory_space<hbm>>
        tpu.enqueue_indirect_dma source(%dma_start3A_456 : memref<100000x64xf32, #tpu.memory_space<hbm>>) target(%dma_start3A_446 : memref<128x64xf32, #tpu.memory_space<vmem>>) offsets(%dma_start3A_449 : memref<128xi32, #tpu.memory_space<vmem>>) semaphore(%arg9 : memref<!tpu.dma_semaphore, #tpu.memory_space<semaphore_mem>>)
        %dma_start3A_457 = arith.constant 1 : i32
        %dma_start3A_458 = arith.constant 4 : i32
        %dma_start3A_459 = arith.constant 1 : i32
        %dma_start3A_460 = arith.constant 512 : i32
        %dma_start3A_461 = arith.constant 0 : i32
        %dma_start3A_462 = tpu.memref_slice %arg6[%dma_start3A_459, %dma_start3A_460, %dma_start3A_461] : memref<2x640x64xf32, #tpu.memory_space<vmem>> -> memref<1x128x64xf32, #tpu.memory_space<vmem>>
        %dma_start3A_463 = tpu.memref_squeeze %dma_start3A_462 : memref<1x128x64xf32, #tpu.memory_space<vmem>> -> memref<128x64xf32, #tpu.memory_space<vmem>>
        %dma_start3A_464 = arith.constant 0 : i32
        %dma_start3A_465 = tpu.memref_slice %arg5[%dma_start3A_457, %dma_start3A_458, %dma_start3A_464] : memref<2x5x128xi32, #tpu.memory_space<vmem>> -> memref<1x1x128xi32, #tpu.memory_space<vmem>>
        %dma_start3A_466 = tpu.memref_squeeze %dma_start3A_465 : memref<1x1x128xi32, #tpu.memory_space<vmem>> -> memref<128xi32, #tpu.memory_space<vmem>>
        %dma_start3A_467 = arith.constant 0 : i32
        %dma_start3A_468 = arith.constant 0 : i32
        %dma_start3A_469 = tpu.memref_slice %arg3[%add3A_385, %dma_start3A_467, %dma_start3A_468] : memref<26x100000x64xf32, #tpu.memory_space<hbm>> -> memref<1x100000x64xf32, #tpu.memory_space<hbm>>
        %dma_start3A_470 = tpu.memref_squeeze %dma_start3A_469 : memref<1x100000x64xf32, #tpu.memory_space<hbm>> -> memref<100000x64xf32, #tpu.memory_space<hbm>>
        %dma_start3A_471 = arith.constant 0 : i32
        %dma_start3A_472 = arith.constant 0 : i32
        %dma_start3A_473 = tpu.memref_slice %dma_start3A_470[%dma_start3A_471, %dma_start3A_472] : memref<100000x64xf32, #tpu.memory_space<hbm>> -> memref<100000x64xf32, #tpu.memory_space<hbm>>
        tpu.enqueue_indirect_dma source(%dma_start3A_473 : memref<100000x64xf32, #tpu.memory_space<hbm>>) target(%dma_start3A_463 : memref<128x64xf32, #tpu.memory_space<vmem>>) offsets(%dma_start3A_466 : memref<128xi32, #tpu.memory_space<vmem>>) semaphore(%arg9 : memref<!tpu.dma_semaphore, #tpu.memory_space<semaphore_mem>>)
      } else {
      }
      %dma_wait3A_136 = arith.constant 0 : i32
      %dma_wait3A_137 = arith.constant 0 : i32
      %dma_wait3A_138 = arith.constant 0 : i32
      %dma_wait3A_139 = arith.constant 0 : i32
      %dma_wait3A_140 = tpu.memref_slice %arg6[%dma_wait3A_137, %dma_wait3A_138, %dma_wait3A_139] : memref<2x640x64xf32, #tpu.memory_space<vmem>> -> memref<1x640x64xf32, #tpu.memory_space<vmem>>
      %dma_wait3A_141 = tpu.memref_squeeze %dma_wait3A_140 : memref<1x640x64xf32, #tpu.memory_space<vmem>> -> memref<640x64xf32, #tpu.memory_space<vmem>>
      %dma_wait3A_142 = arith.constant 0 : i32
      %dma_wait3A_143 = arith.constant 0 : i32
      %dma_wait3A_144 = tpu.memref_slice %arg3[%dma_wait3A_136, %dma_wait3A_142, %dma_wait3A_143] : memref<26x100000x64xf32, #tpu.memory_space<hbm>> -> memref<1x640x64xf32, #tpu.memory_space<hbm>>
      %dma_wait3A_145 = tpu.memref_squeeze %dma_wait3A_144 : memref<1x640x64xf32, #tpu.memory_space<hbm>> -> memref<640x64xf32, #tpu.memory_space<hbm>>
      %dma_wait3A_146 = arith.constant 0 : i32
      %dma_wait3A_147 = arith.constant 0 : i32
      %dma_wait3A_148 = tpu.memref_slice %arg6[%dma_wait3A_137, %dma_wait3A_146, %dma_wait3A_147] : memref<2x640x64xf32, #tpu.memory_space<vmem>> -> memref<1x640x64xf32, #tpu.memory_space<vmem>>
      %dma_wait3A_149 = tpu.memref_squeeze %dma_wait3A_148 : memref<1x640x64xf32, #tpu.memory_space<vmem>> -> memref<640x64xf32, #tpu.memory_space<vmem>>
      %dma_wait3A_150 = arith.constant 0 : i32
      %dma_wait3A_151 = arith.constant 0 : i32
      %dma_wait3A_152 = tpu.memref_slice %arg3[%dma_wait3A_136, %dma_wait3A_150, %dma_wait3A_151] : memref<26x100000x64xf32, #tpu.memory_space<hbm>> -> memref<1x640x64xf32, #tpu.memory_space<hbm>>
      %dma_wait3A_153 = tpu.memref_squeeze %dma_wait3A_152 : memref<1x640x64xf32, #tpu.memory_space<hbm>> -> memref<640x64xf32, #tpu.memory_space<hbm>>
      tpu.wait_dma2 semaphore(%arg8 : memref<!tpu.dma_semaphore, #tpu.memory_space<semaphore_mem>>) src(%dma_wait3A_153 : memref<640x64xf32, #tpu.memory_space<hbm>>) dst(%dma_wait3A_149 : memref<640x64xf32, #tpu.memory_space<vmem>>)
      %jit3A = arith.constant 2 : i32
      %eq3A = arith.constant 0 : i32
      %eq3A_154 = arith.cmpi eq, %jit3A, %eq3A : i32
      %jit3A_155 = arith.constant 1 : i32
      %select_n3A = arith.select %eq3A_154, %jit3A_155, %jit3A : i32
      %rem3A = arith.remsi %scan3A_127, %select_n3A : i32
      %ne3A = arith.constant 0 : i32
      %ne3A_156 = arith.cmpi ne, %rem3A, %ne3A : i32
      %lt3A_157 = arith.constant 0 : i32
      %lt3A_158 = arith.cmpi slt, %rem3A, %lt3A_157 : i32
      %lt3A_159 = arith.constant 0 : i32
      %lt3A_160 = arith.cmpi slt, %select_n3A, %lt3A_159 : i32
      %ne3A_161 = arith.xori %lt3A_158, %lt3A_160 : i1
      %and3A = arith.andi %ne3A_161, %ne3A_156 : i1
      %add3A_162 = arith.addi %rem3A, %select_n3A : i32
      %select_n3A_163 = arith.select %and3A, %add3A_162, %rem3A : i32
      %ge3A = arith.constant 2 : i32
      %ge3A_164 = arith.cmpi sge, %scan3A_127, %ge3A : i32
      %convert_element_type3A_165 = arith.extui %ge3A_164 : i1 to i32
      %cond3A_166 = arith.constant 0 : i32
      %cond3A_167 = arith.cmpi ne, %convert_element_type3A_165, %cond3A_166 : i32
      scf.if %cond3A_167 {
        %dma_wait3A_303 = arith.constant 0 : i32
        %dma_wait3A_304 = arith.constant 0 : i32
        %dma_wait3A_305 = tpu.memref_slice %arg7[%select_n3A_163, %dma_wait3A_303, %dma_wait3A_304] : memref<2x32x128xf32, #tpu.memory_space<vmem>> -> memref<1x32x128xf32, #tpu.memory_space<vmem>>
        %dma_wait3A_306 = tpu.memref_squeeze %dma_wait3A_305 : memref<1x32x128xf32, #tpu.memory_space<vmem>> -> memref<32x128xf32, #tpu.memory_space<vmem>>
        %dma_wait3A_307 = arith.constant 0 : i32
        %dma_wait3A_308 = arith.constant 0 : i32
        %dma_wait3A_309 = tpu.memref_slice %arg4[%dma_wait3A_307, %dma_wait3A_308] : memref<4096x1664xf32, #tpu.memory_space<hbm>> -> memref<32x128xf32, #tpu.memory_space<hbm>>
        %dma_wait3A_310 = arith.constant 0 : i32
        %dma_wait3A_311 = arith.constant 0 : i32
        %dma_wait3A_312 = tpu.memref_slice %arg4[%dma_wait3A_310, %dma_wait3A_311] : memref<4096x1664xf32, #tpu.memory_space<hbm>> -> memref<32x128xf32, #tpu.memory_space<hbm>>
        %dma_wait3A_313 = arith.constant 0 : i32
        %dma_wait3A_314 = arith.constant 0 : i32
        %dma_wait3A_315 = tpu.memref_slice %arg7[%select_n3A_163, %dma_wait3A_313, %dma_wait3A_314] : memref<2x32x128xf32, #tpu.memory_space<vmem>> -> memref<1x32x128xf32, #tpu.memory_space<vmem>>
        %dma_wait3A_316 = tpu.memref_squeeze %dma_wait3A_315 : memref<1x32x128xf32, #tpu.memory_space<vmem>> -> memref<32x128xf32, #tpu.memory_space<vmem>>
        tpu.wait_dma2 semaphore(%arg10 : memref<!tpu.dma_semaphore, #tpu.memory_space<semaphore_mem>>) src(%dma_wait3A_316 : memref<32x128xf32, #tpu.memory_space<vmem>>) dst(%dma_wait3A_312 : memref<32x128xf32, #tpu.memory_space<hbm>>)
      } else {
      }
      %scan3A_168 = arith.constant 0 : i32
      %scan3A_169 = arith.constant 0 : i32
      %scan3A_170 = arith.constant 16 : i32
      %scan3A_171 = arith.addi %scan3A_169, %scan3A_170 : i32
      %scan3A_172 = arith.constant 1 : i32
      scf.for %scan3A_303 = %scan3A_169 to %scan3A_171 step %scan3A_172  : i32 {
        %mul3A_304 = arith.constant 2 : i32
        %mul3A_305 = arith.muli %mul3A_304, %scan3A_303 : i32
        %add3A_306 = arith.constant 0 : i32
        %add3A_307 = arith.addi %mul3A_305, %add3A_306 : i32
        %mul3A_308 = arith.constant 20 : i32
        %mul3A_309 = arith.muli %add3A_307, %mul3A_308 : i32
        %get3A = arith.constant 0 : i32
        %get3A_310 = arith.index_cast %get3A : i32 to index
        %get3A_311 = arith.index_cast %mul3A_309 : i32 to index
        %get3A_312 = arith.constant 0 : index
        %get3A_313 = tpu.vector_load %arg6[%get3A_310, %get3A_311, %get3A_312] {strides = array<i32>} : memref<2x640x64xf32, #tpu.memory_space<vmem>>, vector<1x1x16xf32>,
        %get3A_314 = vector.shape_cast %get3A_313 : vector<1x1x16xf32> to vector<16xf32>
        %add3A_315 = arith.constant 1 : i32
        %add3A_316 = arith.addi %mul3A_309, %add3A_315 : i32
        %get3A_317 = arith.constant 0 : i32
        %get3A_318 = arith.index_cast %get3A_317 : i32 to index
        %get3A_319 = arith.index_cast %add3A_316 : i32 to index
        %get3A_320 = arith.constant 0 : index
        %get3A_321 = tpu.vector_load %arg6[%get3A_318, %get3A_319, %get3A_320] {strides = array<i32>} : memref<2x640x64xf32, #tpu.memory_space<vmem>>, vector<1x1x16xf32>,
        %get3A_322 = vector.shape_cast %get3A_321 : vector<1x1x16xf32> to vector<16xf32>
        %add3A_323 = arith.addf %get3A_314, %get3A_322 : vector<16xf32>
        %add3A_324 = arith.constant 2 : i32
        %add3A_325 = arith.addi %mul3A_309, %add3A_324 : i32
        %get3A_326 = arith.constant 0 : i32
        %get3A_327 = arith.index_cast %get3A_326 : i32 to index
        %get3A_328 = arith.index_cast %add3A_325 : i32 to index
        %get3A_329 = arith.constant 0 : index
        %get3A_330 = tpu.vector_load %arg6[%get3A_327, %get3A_328, %get3A_329] {strides = array<i32>} : memref<2x640x64xf32, #tpu.memory_space<vmem>>, vector<1x1x16xf32>,
        %get3A_331 = vector.shape_cast %get3A_330 : vector<1x1x16xf32> to vector<16xf32>
        %add3A_332 = arith.addf %add3A_323, %get3A_331 : vector<16xf32>
        %add3A_333 = arith.constant 3 : i32
        %add3A_334 = arith.addi %mul3A_309, %add3A_333 : i32
        %get3A_335 = arith.constant 0 : i32
        %get3A_336 = arith.index_cast %get3A_335 : i32 to index
        %get3A_337 = arith.index_cast %add3A_334 : i32 to index
        %get3A_338 = arith.constant 0 : index
        %get3A_339 = tpu.vector_load %arg6[%get3A_336, %get3A_337, %get3A_338] {strides = array<i32>} : memref<2x640x64xf32, #tpu.memory_space<vmem>>, vector<1x1x16xf32>,
        %get3A_340 = vector.shape_cast %get3A_339 : vector<1x1x16xf32> to vector<16xf32>
        %add3A_341 = arith.addf %add3A_332, %get3A_340 : vector<16xf32>
        %add3A_342 = arith.constant 4 : i32
        %add3A_343 = arith.addi %mul3A_309, %add3A_342 : i32
        %get3A_344 = arith.constant 0 : i32
        %get3A_345 = arith.index_cast %get3A_344 : i32 to index
        %get3A_346 = arith.index_cast %add3A_343 : i32 to index
        %get3A_347 = arith.constant 0 : index
        %get3A_348 = tpu.vector_load %arg6[%get3A_345, %get3A_346, %get3A_347] {strides = array<i32>} : memref<2x640x64xf32, #tpu.memory_space<vmem>>, vector<1x1x16xf32>,
        %get3A_349 = vector.shape_cast %get3A_348 : vector<1x1x16xf32> to vector<16xf32>
        %add3A_350 = arith.addf %add3A_341, %get3A_349 : vector<16xf32>
        %add3A_351 = arith.constant 5 : i32
        %add3A_352 = arith.addi %mul3A_309, %add3A_351 : i32
        %get3A_353 = arith.constant 0 : i32
        %get3A_354 = arith.index_cast %get3A_353 : i32 to index
        %get3A_355 = arith.index_cast %add3A_352 : i32 to index
        %get3A_356 = arith.constant 0 : index
        %get3A_357 = tpu.vector_load %arg6[%get3A_354, %get3A_355, %get3A_356] {strides = array<i32>} : memref<2x640x64xf32, #tpu.memory_space<vmem>>, vector<1x1x16xf32>,
        %get3A_358 = vector.shape_cast %get3A_357 : vector<1x1x16xf32> to vector<16xf32>
        %add3A_359 = arith.addf %add3A_350, %get3A_358 : vector<16xf32>
        %add3A_360 = arith.constant 6 : i32
        %add3A_361 = arith.addi %mul3A_309, %add3A_360 : i32
        %get3A_362 = arith.constant 0 : i32
        %get3A_363 = arith.index_cast %get3A_362 : i32 to index
        %get3A_364 = arith.index_cast %add3A_361 : i32 to index
        %get3A_365 = arith.constant 0 : index
        %get3A_366 = tpu.vector_load %arg6[%get3A_363, %get3A_364, %get3A_365] {strides = array<i32>} : memref<2x640x64xf32, #tpu.memory_space<vmem>>, vector<1x1x16xf32>,
        %get3A_367 = vector.shape_cast %get3A_366 : vector<1x1x16xf32> to vector<16xf32>
        %add3A_368 = arith.addf %add3A_359, %get3A_367 : vector<16xf32>
        %add3A_369 = arith.constant 7 : i32
        %add3A_370 = arith.addi %mul3A_309, %add3A_369 : i32
        %get3A_371 = arith.constant 0 : i32
        %get3A_372 = arith.index_cast %get3A_371 : i32 to index
        %get3A_373 = arith.index_cast %add3A_370 : i32 to index
        %get3A_374 = arith.constant 0 : index
        %get3A_375 = tpu.vector_load %arg6[%get3A_372, %get3A_373, %get3A_374] {strides = array<i32>} : memref<2x640x64xf32, #tpu.memory_space<vmem>>, vector<1x1x16xf32>,
        %get3A_376 = vector.shape_cast %get3A_375 : vector<1x1x16xf32> to vector<16xf32>
        %add3A_377 = arith.addf %add3A_368, %get3A_376 : vector<16xf32>
        %add3A_378 = arith.constant 8 : i32
        %add3A_379 = arith.addi %mul3A_309, %add3A_378 : i32
        %get3A_380 = arith.constant 0 : i32
        %get3A_381 = arith.index_cast %get3A_380 : i32 to index
        %get3A_382 = arith.index_cast %add3A_379 : i32 to index
        %get3A_383 = arith.constant 0 : index
        %get3A_384 = tpu.vector_load %arg6[%get3A_381, %get3A_382, %get3A_383] {strides = array<i32>} : memref<2x640x64xf32, #tpu.memory_space<vmem>>, vector<1x1x16xf32>,
        %get3A_385 = vector.shape_cast %get3A_384 : vector<1x1x16xf32> to vector<16xf32>
        %add3A_386 = arith.addf %add3A_377, %get3A_385 : vector<16xf32>
        %add3A_387 = arith.constant 9 : i32
        %add3A_388 = arith.addi %mul3A_309, %add3A_387 : i32
        %get3A_389 = arith.constant 0 : i32
        %get3A_390 = arith.index_cast %get3A_389 : i32 to index
        %get3A_391 = arith.index_cast %add3A_388 : i32 to index
        %get3A_392 = arith.constant 0 : index
        %get3A_393 = tpu.vector_load %arg6[%get3A_390, %get3A_391, %get3A_392] {strides = array<i32>} : memref<2x640x64xf32, #tpu.memory_space<vmem>>, vector<1x1x16xf32>,
        %get3A_394 = vector.shape_cast %get3A_393 : vector<1x1x16xf32> to vector<16xf32>
        %add3A_395 = arith.addf %add3A_386, %get3A_394 : vector<16xf32>
        %add3A_396 = arith.constant 10 : i32
        %add3A_397 = arith.addi %mul3A_309, %add3A_396 : i32
        %get3A_398 = arith.constant 0 : i32
        %get3A_399 = arith.index_cast %get3A_398 : i32 to index
        %get3A_400 = arith.index_cast %add3A_397 : i32 to index
        %get3A_401 = arith.constant 0 : index
        %get3A_402 = tpu.vector_load %arg6[%get3A_399, %get3A_400, %get3A_401] {strides = array<i32>} : memref<2x640x64xf32, #tpu.memory_space<vmem>>, vector<1x1x16xf32>,
        %get3A_403 = vector.shape_cast %get3A_402 : vector<1x1x16xf32> to vector<16xf32>
        %add3A_404 = arith.addf %add3A_395, %get3A_403 : vector<16xf32>
        %add3A_405 = arith.constant 11 : i32
        %add3A_406 = arith.addi %mul3A_309, %add3A_405 : i32
        %get3A_407 = arith.constant 0 : i32
        %get3A_408 = arith.index_cast %get3A_407 : i32 to index
        %get3A_409 = arith.index_cast %add3A_406 : i32 to index
        %get3A_410 = arith.constant 0 : index
        %get3A_411 = tpu.vector_load %arg6[%get3A_408, %get3A_409, %get3A_410] {strides = array<i32>} : memref<2x640x64xf32, #tpu.memory_space<vmem>>, vector<1x1x16xf32>,
        %get3A_412 = vector.shape_cast %get3A_411 : vector<1x1x16xf32> to vector<16xf32>
        %add3A_413 = arith.addf %add3A_404, %get3A_412 : vector<16xf32>
        %add3A_414 = arith.constant 12 : i32
        %add3A_415 = arith.addi %mul3A_309, %add3A_414 : i32
        %get3A_416 = arith.constant 0 : i32
        %get3A_417 = arith.index_cast %get3A_416 : i32 to index
        %get3A_418 = arith.index_cast %add3A_415 : i32 to index
        %get3A_419 = arith.constant 0 : index
        %get3A_420 = tpu.vector_load %arg6[%get3A_417, %get3A_418, %get3A_419] {strides = array<i32>} : memref<2x640x64xf32, #tpu.memory_space<vmem>>, vector<1x1x16xf32>,
        %get3A_421 = vector.shape_cast %get3A_420 : vector<1x1x16xf32> to vector<16xf32>
        %add3A_422 = arith.addf %add3A_413, %get3A_421 : vector<16xf32>
        %add3A_423 = arith.constant 13 : i32
        %add3A_424 = arith.addi %mul3A_309, %add3A_423 : i32
        %get3A_425 = arith.constant 0 : i32
        %get3A_426 = arith.index_cast %get3A_425 : i32 to index
        %get3A_427 = arith.index_cast %add3A_424 : i32 to index
        %get3A_428 = arith.constant 0 : index
        %get3A_429 = tpu.vector_load %arg6[%get3A_426, %get3A_427, %get3A_428] {strides = array<i32>} : memref<2x640x64xf32, #tpu.memory_space<vmem>>, vector<1x1x16xf32>,
        %get3A_430 = vector.shape_cast %get3A_429 : vector<1x1x16xf32> to vector<16xf32>
        %add3A_431 = arith.addf %add3A_422, %get3A_430 : vector<16xf32>
        %add3A_432 = arith.constant 14 : i32
        %add3A_433 = arith.addi %mul3A_309, %add3A_432 : i32
        %get3A_434 = arith.constant 0 : i32
        %get3A_435 = arith.index_cast %get3A_434 : i32 to index
        %get3A_436 = arith.index_cast %add3A_433 : i32 to index
        %get3A_437 = arith.constant 0 : index
        %get3A_438 = tpu.vector_load %arg6[%get3A_435, %get3A_436, %get3A_437] {strides = array<i32>} : memref<2x640x64xf32, #tpu.memory_space<vmem>>, vector<1x1x16xf32>,
        %get3A_439 = vector.shape_cast %get3A_438 : vector<1x1x16xf32> to vector<16xf32>
        %add3A_440 = arith.addf %add3A_431, %get3A_439 : vector<16xf32>
        %add3A_441 = arith.constant 15 : i32
        %add3A_442 = arith.addi %mul3A_309, %add3A_441 : i32
        %get3A_443 = arith.constant 0 : i32
        %get3A_444 = arith.index_cast %get3A_443 : i32 to index
        %get3A_445 = arith.index_cast %add3A_442 : i32 to index
        %get3A_446 = arith.constant 0 : index
        %get3A_447 = tpu.vector_load %arg6[%get3A_444, %get3A_445, %get3A_446] {strides = array<i32>} : memref<2x640x64xf32, #tpu.memory_space<vmem>>, vector<1x1x16xf32>,
        %get3A_448 = vector.shape_cast %get3A_447 : vector<1x1x16xf32> to vector<16xf32>
        %add3A_449 = arith.addf %add3A_440, %get3A_448 : vector<16xf32>
        %add3A_450 = arith.constant 16 : i32
        %add3A_451 = arith.addi %mul3A_309, %add3A_450 : i32
        %get3A_452 = arith.constant 0 : i32
        %get3A_453 = arith.index_cast %get3A_452 : i32 to index
        %get3A_454 = arith.index_cast %add3A_451 : i32 to index
        %get3A_455 = arith.constant 0 : index
        %get3A_456 = tpu.vector_load %arg6[%get3A_453, %get3A_454, %get3A_455] {strides = array<i32>} : memref<2x640x64xf32, #tpu.memory_space<vmem>>, vector<1x1x16xf32>,
        %get3A_457 = vector.shape_cast %get3A_456 : vector<1x1x16xf32> to vector<16xf32>
        %add3A_458 = arith.addf %add3A_449, %get3A_457 : vector<16xf32>
        %add3A_459 = arith.constant 17 : i32
        %add3A_460 = arith.addi %mul3A_309, %add3A_459 : i32
        %get3A_461 = arith.constant 0 : i32
        %get3A_462 = arith.index_cast %get3A_461 : i32 to index
        %get3A_463 = arith.index_cast %add3A_460 : i32 to index
        %get3A_464 = arith.constant 0 : index
        %get3A_465 = tpu.vector_load %arg6[%get3A_462, %get3A_463, %get3A_464] {strides = array<i32>} : memref<2x640x64xf32, #tpu.memory_space<vmem>>, vector<1x1x16xf32>,
        %get3A_466 = vector.shape_cast %get3A_465 : vector<1x1x16xf32> to vector<16xf32>
        %add3A_467 = arith.addf %add3A_458, %get3A_466 : vector<16xf32>
        %add3A_468 = arith.constant 18 : i32
        %add3A_469 = arith.addi %mul3A_309, %add3A_468 : i32
        %get3A_470 = arith.constant 0 : i32
        %get3A_471 = arith.index_cast %get3A_470 : i32 to index
        %get3A_472 = arith.index_cast %add3A_469 : i32 to index
        %get3A_473 = arith.constant 0 : index
        %get3A_474 = tpu.vector_load %arg6[%get3A_471, %get3A_472, %get3A_473] {strides = array<i32>} : memref<2x640x64xf32, #tpu.memory_space<vmem>>, vector<1x1x16xf32>,
        %get3A_475 = vector.shape_cast %get3A_474 : vector<1x1x16xf32> to vector<16xf32>
        %add3A_476 = arith.addf %add3A_467, %get3A_475 : vector<16xf32>
        %add3A_477 = arith.constant 19 : i32
        %add3A_478 = arith.addi %mul3A_309, %add3A_477 : i32
        %get3A_479 = arith.constant 0 : i32
        %get3A_480 = arith.index_cast %get3A_479 : i32 to index
        %get3A_481 = arith.index_cast %add3A_478 : i32 to index
        %get3A_482 = arith.constant 0 : index
        %get3A_483 = tpu.vector_load %arg6[%get3A_480, %get3A_481, %get3A_482] {strides = array<i32>} : memref<2x640x64xf32, #tpu.memory_space<vmem>>, vector<1x1x16xf32>,
        %get3A_484 = vector.shape_cast %get3A_483 : vector<1x1x16xf32> to vector<16xf32>
        %add3A_485 = arith.addf %add3A_476, %get3A_484 : vector<16xf32>
        %mul3A_486 = arith.constant 2 : i32
        %mul3A_487 = arith.muli %mul3A_486, %scan3A_303 : i32
        %add3A_488 = arith.constant 0 : i32
        %add3A_489 = arith.addi %mul3A_487, %add3A_488 : i32
        %swap3A = arith.index_cast %select_n3A_163 : i32 to index
        %swap3A_490 = arith.index_cast %add3A_489 : i32 to index
        %swap3A_491 = arith.constant 0 : index
        %swap3A_492 = tpu.vector_load %arg7[%swap3A, %swap3A_490, %swap3A_491] {strides = array<i32>} : memref<2x32x128xf32, #tpu.memory_space<vmem>>, vector<1x1x16xf32>,
        %swap3A_493 = vector.shape_cast %swap3A_492 : vector<1x1x16xf32> to vector<16xf32>
        %swap3A_494 = vector.shape_cast %add3A_485 : vector<16xf32> to vector<1x1x16xf32>
        tpu.vector_store %arg7[%swap3A, %swap3A_490, %swap3A_491], %swap3A_494 {strides = array<i32>} : memref<2x32x128xf32, #tpu.memory_space<vmem>>, vector<1x1x16xf32>,
        %get3A_495 = arith.constant 0 : i32
        %get3A_496 = arith.index_cast %get3A_495 : i32 to index
        %get3A_497 = arith.index_cast %mul3A_309 : i32 to index
        %get3A_498 = arith.constant 16 : index
        %get3A_499 = tpu.vector_load %arg6[%get3A_496, %get3A_497, %get3A_498] {strides = array<i32>} : memref<2x640x64xf32, #tpu.memory_space<vmem>>, vector<1x1x16xf32>,
        %get3A_500 = vector.shape_cast %get3A_499 : vector<1x1x16xf32> to vector<16xf32>
        %add3A_501 = arith.constant 1 : i32
        %add3A_502 = arith.addi %mul3A_309, %add3A_501 : i32
        %get3A_503 = arith.constant 0 : i32
        %get3A_504 = arith.index_cast %get3A_503 : i32 to index
        %get3A_505 = arith.index_cast %add3A_502 : i32 to index
        %get3A_506 = arith.constant 16 : index
        %get3A_507 = tpu.vector_load %arg6[%get3A_504, %get3A_505, %get3A_506] {strides = array<i32>} : memref<2x640x64xf32, #tpu.memory_space<vmem>>, vector<1x1x16xf32>,
        %get3A_508 = vector.shape_cast %get3A_507 : vector<1x1x16xf32> to vector<16xf32>
        %add3A_509 = arith.addf %get3A_500, %get3A_508 : vector<16xf32>
        %add3A_510 = arith.constant 2 : i32
        %add3A_511 = arith.addi %mul3A_309, %add3A_510 : i32
        %get3A_512 = arith.constant 0 : i32
        %get3A_513 = arith.index_cast %get3A_512 : i32 to index
        %get3A_514 = arith.index_cast %add3A_511 : i32 to index
        %get3A_515 = arith.constant 16 : index
        %get3A_516 = tpu.vector_load %arg6[%get3A_513, %get3A_514, %get3A_515] {strides = array<i32>} : memref<2x640x64xf32, #tpu.memory_space<vmem>>, vector<1x1x16xf32>,
        %get3A_517 = vector.shape_cast %get3A_516 : vector<1x1x16xf32> to vector<16xf32>
        %add3A_518 = arith.addf %add3A_509, %get3A_517 : vector<16xf32>
        %add3A_519 = arith.constant 3 : i32
        %add3A_520 = arith.addi %mul3A_309, %add3A_519 : i32
        %get3A_521 = arith.constant 0 : i32
        %get3A_522 = arith.index_cast %get3A_521 : i32 to index
        %get3A_523 = arith.index_cast %add3A_520 : i32 to index
        %get3A_524 = arith.constant 16 : index
        %get3A_525 = tpu.vector_load %arg6[%get3A_522, %get3A_523, %get3A_524] {strides = array<i32>} : memref<2x640x64xf32, #tpu.memory_space<vmem>>, vector<1x1x16xf32>,
        %get3A_526 = vector.shape_cast %get3A_525 : vector<1x1x16xf32> to vector<16xf32>
        %add3A_527 = arith.addf %add3A_518, %get3A_526 : vector<16xf32>
        %add3A_528 = arith.constant 4 : i32
        %add3A_529 = arith.addi %mul3A_309, %add3A_528 : i32
        %get3A_530 = arith.constant 0 : i32
        %get3A_531 = arith.index_cast %get3A_530 : i32 to index
        %get3A_532 = arith.index_cast %add3A_529 : i32 to index
        %get3A_533 = arith.constant 16 : index
        %get3A_534 = tpu.vector_load %arg6[%get3A_531, %get3A_532, %get3A_533] {strides = array<i32>} : memref<2x640x64xf32, #tpu.memory_space<vmem>>, vector<1x1x16xf32>,
        %get3A_535 = vector.shape_cast %get3A_534 : vector<1x1x16xf32> to vector<16xf32>
        %add3A_536 = arith.addf %add3A_527, %get3A_535 : vector<16xf32>
        %add3A_537 = arith.constant 5 : i32
        %add3A_538 = arith.addi %mul3A_309, %add3A_537 : i32
        %get3A_539 = arith.constant 0 : i32
        %get3A_540 = arith.index_cast %get3A_539 : i32 to index
        %get3A_541 = arith.index_cast %add3A_538 : i32 to index
        %get3A_542 = arith.constant 16 : index
        %get3A_543 = tpu.vector_load %arg6[%get3A_540, %get3A_541, %get3A_542] {strides = array<i32>} : memref<2x640x64xf32, #tpu.memory_space<vmem>>, vector<1x1x16xf32>,
        %get3A_544 = vector.shape_cast %get3A_543 : vector<1x1x16xf32> to vector<16xf32>
        %add3A_545 = arith.addf %add3A_536, %get3A_544 : vector<16xf32>
        %add3A_546 = arith.constant 6 : i32
        %add3A_547 = arith.addi %mul3A_309, %add3A_546 : i32
        %get3A_548 = arith.constant 0 : i32
        %get3A_549 = arith.index_cast %get3A_548 : i32 to index
        %get3A_550 = arith.index_cast %add3A_547 : i32 to index
        %get3A_551 = arith.constant 16 : index
        %get3A_552 = tpu.vector_load %arg6[%get3A_549, %get3A_550, %get3A_551] {strides = array<i32>} : memref<2x640x64xf32, #tpu.memory_space<vmem>>, vector<1x1x16xf32>,
        %get3A_553 = vector.shape_cast %get3A_552 : vector<1x1x16xf32> to vector<16xf32>
        %add3A_554 = arith.addf %add3A_545, %get3A_553 : vector<16xf32>
        %add3A_555 = arith.constant 7 : i32
        %add3A_556 = arith.addi %mul3A_309, %add3A_555 : i32
        %get3A_557 = arith.constant 0 : i32
        %get3A_558 = arith.index_cast %get3A_557 : i32 to index
        %get3A_559 = arith.index_cast %add3A_556 : i32 to index
        %get3A_560 = arith.constant 16 : index
        %get3A_561 = tpu.vector_load %arg6[%get3A_558, %get3A_559, %get3A_560] {strides = array<i32>} : memref<2x640x64xf32, #tpu.memory_space<vmem>>, vector<1x1x16xf32>,
        %get3A_562 = vector.shape_cast %get3A_561 : vector<1x1x16xf32> to vector<16xf32>
        %add3A_563 = arith.addf %add3A_554, %get3A_562 : vector<16xf32>
        %add3A_564 = arith.constant 8 : i32
        %add3A_565 = arith.addi %mul3A_309, %add3A_564 : i32
        %get3A_566 = arith.constant 0 : i32
        %get3A_567 = arith.index_cast %get3A_566 : i32 to index
        %get3A_568 = arith.index_cast %add3A_565 : i32 to index
        %get3A_569 = arith.constant 16 : index
        %get3A_570 = tpu.vector_load %arg6[%get3A_567, %get3A_568, %get3A_569] {strides = array<i32>} : memref<2x640x64xf32, #tpu.memory_space<vmem>>, vector<1x1x16xf32>,
        %get3A_571 = vector.shape_cast %get3A_570 : vector<1x1x16xf32> to vector<16xf32>
        %add3A_572 = arith.addf %add3A_563, %get3A_571 : vector<16xf32>
        %add3A_573 = arith.constant 9 : i32
        %add3A_574 = arith.addi %mul3A_309, %add3A_573 : i32
        %get3A_575 = arith.constant 0 : i32
        %get3A_576 = arith.index_cast %get3A_575 : i32 to index
        %get3A_577 = arith.index_cast %add3A_574 : i32 to index
        %get3A_578 = arith.constant 16 : index
        %get3A_579 = tpu.vector_load %arg6[%get3A_576, %get3A_577, %get3A_578] {strides = array<i32>} : memref<2x640x64xf32, #tpu.memory_space<vmem>>, vector<1x1x16xf32>,
        %get3A_580 = vector.shape_cast %get3A_579 : vector<1x1x16xf32> to vector<16xf32>
        %add3A_581 = arith.addf %add3A_572, %get3A_580 : vector<16xf32>
        %add3A_582 = arith.constant 10 : i32
        %add3A_583 = arith.addi %mul3A_309, %add3A_582 : i32
        %get3A_584 = arith.constant 0 : i32
        %get3A_585 = arith.index_cast %get3A_584 : i32 to index
        %get3A_586 = arith.index_cast %add3A_583 : i32 to index
        %get3A_587 = arith.constant 16 : index
        %get3A_588 = tpu.vector_load %arg6[%get3A_585, %get3A_586, %get3A_587] {strides = array<i32>} : memref<2x640x64xf32, #tpu.memory_space<vmem>>, vector<1x1x16xf32>,
        %get3A_589 = vector.shape_cast %get3A_588 : vector<1x1x16xf32> to vector<16xf32>
        %add3A_590 = arith.addf %add3A_581, %get3A_589 : vector<16xf32>
        %add3A_591 = arith.constant 11 : i32
        %add3A_592 = arith.addi %mul3A_309, %add3A_591 : i32
        %get3A_593 = arith.constant 0 : i32
        %get3A_594 = arith.index_cast %get3A_593 : i32 to index
        %get3A_595 = arith.index_cast %add3A_592 : i32 to index
        %get3A_596 = arith.constant 16 : index
        %get3A_597 = tpu.vector_load %arg6[%get3A_594, %get3A_595, %get3A_596] {strides = array<i32>} : memref<2x640x64xf32, #tpu.memory_space<vmem>>, vector<1x1x16xf32>,
        %get3A_598 = vector.shape_cast %get3A_597 : vector<1x1x16xf32> to vector<16xf32>
        %add3A_599 = arith.addf %add3A_590, %get3A_598 : vector<16xf32>
        %add3A_600 = arith.constant 12 : i32
        %add3A_601 = arith.addi %mul3A_309, %add3A_600 : i32
        %get3A_602 = arith.constant 0 : i32
        %get3A_603 = arith.index_cast %get3A_602 : i32 to index
        %get3A_604 = arith.index_cast %add3A_601 : i32 to index
        %get3A_605 = arith.constant 16 : index
        %get3A_606 = tpu.vector_load %arg6[%get3A_603, %get3A_604, %get3A_605] {strides = array<i32>} : memref<2x640x64xf32, #tpu.memory_space<vmem>>, vector<1x1x16xf32>,
        %get3A_607 = vector.shape_cast %get3A_606 : vector<1x1x16xf32> to vector<16xf32>
        %add3A_608 = arith.addf %add3A_599, %get3A_607 : vector<16xf32>
        %add3A_609 = arith.constant 13 : i32
        %add3A_610 = arith.addi %mul3A_309, %add3A_609 : i32
        %get3A_611 = arith.constant 0 : i32
        %get3A_612 = arith.index_cast %get3A_611 : i32 to index
        %get3A_613 = arith.index_cast %add3A_610 : i32 to index
        %get3A_614 = arith.constant 16 : index
        %get3A_615 = tpu.vector_load %arg6[%get3A_612, %get3A_613, %get3A_614] {strides = array<i32>} : memref<2x640x64xf32, #tpu.memory_space<vmem>>, vector<1x1x16xf32>,
        %get3A_616 = vector.shape_cast %get3A_615 : vector<1x1x16xf32> to vector<16xf32>
        %add3A_617 = arith.addf %add3A_608, %get3A_616 : vector<16xf32>
        %add3A_618 = arith.constant 14 : i32
        %add3A_619 = arith.addi %mul3A_309, %add3A_618 : i32
        %get3A_620 = arith.constant 0 : i32
        %get3A_621 = arith.index_cast %get3A_620 : i32 to index
        %get3A_622 = arith.index_cast %add3A_619 : i32 to index
        %get3A_623 = arith.constant 16 : index
        %get3A_624 = tpu.vector_load %arg6[%get3A_621, %get3A_622, %get3A_623] {strides = array<i32>} : memref<2x640x64xf32, #tpu.memory_space<vmem>>, vector<1x1x16xf32>,
        %get3A_625 = vector.shape_cast %get3A_624 : vector<1x1x16xf32> to vector<16xf32>
        %add3A_626 = arith.addf %add3A_617, %get3A_625 : vector<16xf32>
        %add3A_627 = arith.constant 15 : i32
        %add3A_628 = arith.addi %mul3A_309, %add3A_627 : i32
        %get3A_629 = arith.constant 0 : i32
        %get3A_630 = arith.index_cast %get3A_629 : i32 to index
        %get3A_631 = arith.index_cast %add3A_628 : i32 to index
        %get3A_632 = arith.constant 16 : index
        %get3A_633 = tpu.vector_load %arg6[%get3A_630, %get3A_631, %get3A_632] {strides = array<i32>} : memref<2x640x64xf32, #tpu.memory_space<vmem>>, vector<1x1x16xf32>,
        %get3A_634 = vector.shape_cast %get3A_633 : vector<1x1x16xf32> to vector<16xf32>
        %add3A_635 = arith.addf %add3A_626, %get3A_634 : vector<16xf32>
        %add3A_636 = arith.constant 16 : i32
        %add3A_637 = arith.addi %mul3A_309, %add3A_636 : i32
        %get3A_638 = arith.constant 0 : i32
        %get3A_639 = arith.index_cast %get3A_638 : i32 to index
        %get3A_640 = arith.index_cast %add3A_637 : i32 to index
        %get3A_641 = arith.constant 16 : index
        %get3A_642 = tpu.vector_load %arg6[%get3A_639, %get3A_640, %get3A_641] {strides = array<i32>} : memref<2x640x64xf32, #tpu.memory_space<vmem>>, vector<1x1x16xf32>,
        %get3A_643 = vector.shape_cast %get3A_642 : vector<1x1x16xf32> to vector<16xf32>
        %add3A_644 = arith.addf %add3A_635, %get3A_643 : vector<16xf32>
        %add3A_645 = arith.constant 17 : i32
        %add3A_646 = arith.addi %mul3A_309, %add3A_645 : i32
        %get3A_647 = arith.constant 0 : i32
        %get3A_648 = arith.index_cast %get3A_647 : i32 to index
        %get3A_649 = arith.index_cast %add3A_646 : i32 to index
        %get3A_650 = arith.constant 16 : index
        %get3A_651 = tpu.vector_load %arg6[%get3A_648, %get3A_649, %get3A_650] {strides = array<i32>} : memref<2x640x64xf32, #tpu.memory_space<vmem>>, vector<1x1x16xf32>,
        %get3A_652 = vector.shape_cast %get3A_651 : vector<1x1x16xf32> to vector<16xf32>
        %add3A_653 = arith.addf %add3A_644, %get3A_652 : vector<16xf32>
        %add3A_654 = arith.constant 18 : i32
        %add3A_655 = arith.addi %mul3A_309, %add3A_654 : i32
        %get3A_656 = arith.constant 0 : i32
        %get3A_657 = arith.index_cast %get3A_656 : i32 to index
        %get3A_658 = arith.index_cast %add3A_655 : i32 to index
        %get3A_659 = arith.constant 16 : index
        %get3A_660 = tpu.vector_load %arg6[%get3A_657, %get3A_658, %get3A_659] {strides = array<i32>} : memref<2x640x64xf32, #tpu.memory_space<vmem>>, vector<1x1x16xf32>,
        %get3A_661 = vector.shape_cast %get3A_660 : vector<1x1x16xf32> to vector<16xf32>
        %add3A_662 = arith.addf %add3A_653, %get3A_661 : vector<16xf32>
        %add3A_663 = arith.constant 19 : i32
        %add3A_664 = arith.addi %mul3A_309, %add3A_663 : i32
        %get3A_665 = arith.constant 0 : i32
        %get3A_666 = arith.index_cast %get3A_665 : i32 to index
        %get3A_667 = arith.index_cast %add3A_664 : i32 to index
        %get3A_668 = arith.constant 16 : index
        %get3A_669 = tpu.vector_load %arg6[%get3A_666, %get3A_667, %get3A_668] {strides = array<i32>} : memref<2x640x64xf32, #tpu.memory_space<vmem>>, vector<1x1x16xf32>,
        %get3A_670 = vector.shape_cast %get3A_669 : vector<1x1x16xf32> to vector<16xf32>
        %add3A_671 = arith.addf %add3A_662, %get3A_670 : vector<16xf32>
        %mul3A_672 = arith.constant 2 : i32
        %mul3A_673 = arith.muli %mul3A_672, %scan3A_303 : i32
        %add3A_674 = arith.constant 0 : i32
        %add3A_675 = arith.addi %mul3A_673, %add3A_674 : i32
        %swap3A_676 = arith.index_cast %select_n3A_163 : i32 to index
        %swap3A_677 = arith.index_cast %add3A_675 : i32 to index
        %swap3A_678 = arith.constant 16 : index
        %swap3A_679 = tpu.vector_load %arg7[%swap3A_676, %swap3A_677, %swap3A_678] {strides = array<i32>} : memref<2x32x128xf32, #tpu.memory_space<vmem>>, vector<1x1x16xf32>,
        %swap3A_680 = vector.shape_cast %swap3A_679 : vector<1x1x16xf32> to vector<16xf32>
        %swap3A_681 = vector.shape_cast %add3A_671 : vector<16xf32> to vector<1x1x16xf32>
        tpu.vector_store %arg7[%swap3A_676, %swap3A_677, %swap3A_678], %swap3A_681 {strides = array<i32>} : memref<2x32x128xf32, #tpu.memory_space<vmem>>, vector<1x1x16xf32>,
        %get3A_682 = arith.constant 0 : i32
        %get3A_683 = arith.index_cast %get3A_682 : i32 to index
        %get3A_684 = arith.index_cast %mul3A_309 : i32 to index
        %get3A_685 = arith.constant 32 : index
        %get3A_686 = tpu.vector_load %arg6[%get3A_683, %get3A_684, %get3A_685] {strides = array<i32>} : memref<2x640x64xf32, #tpu.memory_space<vmem>>, vector<1x1x16xf32>,
        %get3A_687 = vector.shape_cast %get3A_686 : vector<1x1x16xf32> to vector<16xf32>
        %add3A_688 = arith.constant 1 : i32
        %add3A_689 = arith.addi %mul3A_309, %add3A_688 : i32
        %get3A_690 = arith.constant 0 : i32
        %get3A_691 = arith.index_cast %get3A_690 : i32 to index
        %get3A_692 = arith.index_cast %add3A_689 : i32 to index
        %get3A_693 = arith.constant 32 : index
        %get3A_694 = tpu.vector_load %arg6[%get3A_691, %get3A_692, %get3A_693] {strides = array<i32>} : memref<2x640x64xf32, #tpu.memory_space<vmem>>, vector<1x1x16xf32>,
        %get3A_695 = vector.shape_cast %get3A_694 : vector<1x1x16xf32> to vector<16xf32>
        %add3A_696 = arith.addf %get3A_687, %get3A_695 : vector<16xf32>
        %add3A_697 = arith.constant 2 : i32
        %add3A_698 = arith.addi %mul3A_309, %add3A_697 : i32
        %get3A_699 = arith.constant 0 : i32
        %get3A_700 = arith.index_cast %get3A_699 : i32 to index
        %get3A_701 = arith.index_cast %add3A_698 : i32 to index
        %get3A_702 = arith.constant 32 : index
        %get3A_703 = tpu.vector_load %arg6[%get3A_700, %get3A_701, %get3A_702] {strides = array<i32>} : memref<2x640x64xf32, #tpu.memory_space<vmem>>, vector<1x1x16xf32>,
        %get3A_704 = vector.shape_cast %get3A_703 : vector<1x1x16xf32> to vector<16xf32>
        %add3A_705 = arith.addf %add3A_696, %get3A_704 : vector<16xf32>
        %add3A_706 = arith.constant 3 : i32
        %add3A_707 = arith.addi %mul3A_309, %add3A_706 : i32
        %get3A_708 = arith.constant 0 : i32
        %get3A_709 = arith.index_cast %get3A_708 : i32 to index
        %get3A_710 = arith.index_cast %add3A_707 : i32 to index
        %get3A_711 = arith.constant 32 : index
        %get3A_712 = tpu.vector_load %arg6[%get3A_709, %get3A_710, %get3A_711] {strides = array<i32>} : memref<2x640x64xf32, #tpu.memory_space<vmem>>, vector<1x1x16xf32>,
        %get3A_713 = vector.shape_cast %get3A_712 : vector<1x1x16xf32> to vector<16xf32>
        %add3A_714 = arith.addf %add3A_705, %get3A_713 : vector<16xf32>
        %add3A_715 = arith.constant 4 : i32
        %add3A_716 = arith.addi %mul3A_309, %add3A_715 : i32
        %get3A_717 = arith.constant 0 : i32
        %get3A_718 = arith.index_cast %get3A_717 : i32 to index
        %get3A_719 = arith.index_cast %add3A_716 : i32 to index
        %get3A_720 = arith.constant 32 : index
        %get3A_721 = tpu.vector_load %arg6[%get3A_718, %get3A_719, %get3A_720] {strides = array<i32>} : memref<2x640x64xf32, #tpu.memory_space<vmem>>, vector<1x1x16xf32>,
        %get3A_722 = vector.shape_cast %get3A_721 : vector<1x1x16xf32> to vector<16xf32>
        %add3A_723 = arith.addf %add3A_714, %get3A_722 : vector<16xf32>
        %add3A_724 = arith.constant 5 : i32
        %add3A_725 = arith.addi %mul3A_309, %add3A_724 : i32
        %get3A_726 = arith.constant 0 : i32
        %get3A_727 = arith.index_cast %get3A_726 : i32 to index
        %get3A_728 = arith.index_cast %add3A_725 : i32 to index
        %get3A_729 = arith.constant 32 : index
        %get3A_730 = tpu.vector_load %arg6[%get3A_727, %get3A_728, %get3A_729] {strides = array<i32>} : memref<2x640x64xf32, #tpu.memory_space<vmem>>, vector<1x1x16xf32>,
        %get3A_731 = vector.shape_cast %get3A_730 : vector<1x1x16xf32> to vector<16xf32>
        %add3A_732 = arith.addf %add3A_723, %get3A_731 : vector<16xf32>
        %add3A_733 = arith.constant 6 : i32
        %add3A_734 = arith.addi %mul3A_309, %add3A_733 : i32
        %get3A_735 = arith.constant 0 : i32
        %get3A_736 = arith.index_cast %get3A_735 : i32 to index
        %get3A_737 = arith.index_cast %add3A_734 : i32 to index
        %get3A_738 = arith.constant 32 : index
        %get3A_739 = tpu.vector_load %arg6[%get3A_736, %get3A_737, %get3A_738] {strides = array<i32>} : memref<2x640x64xf32, #tpu.memory_space<vmem>>, vector<1x1x16xf32>,
        %get3A_740 = vector.shape_cast %get3A_739 : vector<1x1x16xf32> to vector<16xf32>
        %add3A_741 = arith.addf %add3A_732, %get3A_740 : vector<16xf32>
        %add3A_742 = arith.constant 7 : i32
        %add3A_743 = arith.addi %mul3A_309, %add3A_742 : i32
        %get3A_744 = arith.constant 0 : i32
        %get3A_745 = arith.index_cast %get3A_744 : i32 to index
        %get3A_746 = arith.index_cast %add3A_743 : i32 to index
        %get3A_747 = arith.constant 32 : index
        %get3A_748 = tpu.vector_load %arg6[%get3A_745, %get3A_746, %get3A_747] {strides = array<i32>} : memref<2x640x64xf32, #tpu.memory_space<vmem>>, vector<1x1x16xf32>,
        %get3A_749 = vector.shape_cast %get3A_748 : vector<1x1x16xf32> to vector<16xf32>
        %add3A_750 = arith.addf %add3A_741, %get3A_749 : vector<16xf32>
        %add3A_751 = arith.constant 8 : i32
        %add3A_752 = arith.addi %mul3A_309, %add3A_751 : i32
        %get3A_753 = arith.constant 0 : i32
        %get3A_754 = arith.index_cast %get3A_753 : i32 to index
        %get3A_755 = arith.index_cast %add3A_752 : i32 to index
        %get3A_756 = arith.constant 32 : index
        %get3A_757 = tpu.vector_load %arg6[%get3A_754, %get3A_755, %get3A_756] {strides = array<i32>} : memref<2x640x64xf32, #tpu.memory_space<vmem>>, vector<1x1x16xf32>,
        %get3A_758 = vector.shape_cast %get3A_757 : vector<1x1x16xf32> to vector<16xf32>
        %add3A_759 = arith.addf %add3A_750, %get3A_758 : vector<16xf32>
        %add3A_760 = arith.constant 9 : i32
        %add3A_761 = arith.addi %mul3A_309, %add3A_760 : i32
        %get3A_762 = arith.constant 0 : i32
        %get3A_763 = arith.index_cast %get3A_762 : i32 to index
        %get3A_764 = arith.index_cast %add3A_761 : i32 to index
        %get3A_765 = arith.constant 32 : index
        %get3A_766 = tpu.vector_load %arg6[%get3A_763, %get3A_764, %get3A_765] {strides = array<i32>} : memref<2x640x64xf32, #tpu.memory_space<vmem>>, vector<1x1x16xf32>,
        %get3A_767 = vector.shape_cast %get3A_766 : vector<1x1x16xf32> to vector<16xf32>
        %add3A_768 = arith.addf %add3A_759, %get3A_767 : vector<16xf32>
        %add3A_769 = arith.constant 10 : i32
        %add3A_770 = arith.addi %mul3A_309, %add3A_769 : i32
        %get3A_771 = arith.constant 0 : i32
        %get3A_772 = arith.index_cast %get3A_771 : i32 to index
        %get3A_773 = arith.index_cast %add3A_770 : i32 to index
        %get3A_774 = arith.constant 32 : index
        %get3A_775 = tpu.vector_load %arg6[%get3A_772, %get3A_773, %get3A_774] {strides = array<i32>} : memref<2x640x64xf32, #tpu.memory_space<vmem>>, vector<1x1x16xf32>,
        %get3A_776 = vector.shape_cast %get3A_775 : vector<1x1x16xf32> to vector<16xf32>
        %add3A_777 = arith.addf %add3A_768, %get3A_776 : vector<16xf32>
        %add3A_778 = arith.constant 11 : i32
        %add3A_779 = arith.addi %mul3A_309, %add3A_778 : i32
        %get3A_780 = arith.constant 0 : i32
        %get3A_781 = arith.index_cast %get3A_780 : i32 to index
        %get3A_782 = arith.index_cast %add3A_779 : i32 to index
        %get3A_783 = arith.constant 32 : index
        %get3A_784 = tpu.vector_load %arg6[%get3A_781, %get3A_782, %get3A_783] {strides = array<i32>} : memref<2x640x64xf32, #tpu.memory_space<vmem>>, vector<1x1x16xf32>,
        %get3A_785 = vector.shape_cast %get3A_784 : vector<1x1x16xf32> to vector<16xf32>
        %add3A_786 = arith.addf %add3A_777, %get3A_785 : vector<16xf32>
        %add3A_787 = arith.constant 12 : i32
        %add3A_788 = arith.addi %mul3A_309, %add3A_787 : i32
        %get3A_789 = arith.constant 0 : i32
        %get3A_790 = arith.index_cast %get3A_789 : i32 to index
        %get3A_791 = arith.index_cast %add3A_788 : i32 to index
        %get3A_792 = arith.constant 32 : index
        %get3A_793 = tpu.vector_load %arg6[%get3A_790, %get3A_791, %get3A_792] {strides = array<i32>} : memref<2x640x64xf32, #tpu.memory_space<vmem>>, vector<1x1x16xf32>,
        %get3A_794 = vector.shape_cast %get3A_793 : vector<1x1x16xf32> to vector<16xf32>
        %add3A_795 = arith.addf %add3A_786, %get3A_794 : vector<16xf32>
        %add3A_796 = arith.constant 13 : i32
        %add3A_797 = arith.addi %mul3A_309, %add3A_796 : i32
        %get3A_798 = arith.constant 0 : i32
        %get3A_799 = arith.index_cast %get3A_798 : i32 to index
        %get3A_800 = arith.index_cast %add3A_797 : i32 to index
        %get3A_801 = arith.constant 32 : index
        %get3A_802 = tpu.vector_load %arg6[%get3A_799, %get3A_800, %get3A_801] {strides = array<i32>} : memref<2x640x64xf32, #tpu.memory_space<vmem>>, vector<1x1x16xf32>,
        %get3A_803 = vector.shape_cast %get3A_802 : vector<1x1x16xf32> to vector<16xf32>
        %add3A_804 = arith.addf %add3A_795, %get3A_803 : vector<16xf32>
        %add3A_805 = arith.constant 14 : i32
        %add3A_806 = arith.addi %mul3A_309, %add3A_805 : i32
        %get3A_807 = arith.constant 0 : i32
        %get3A_808 = arith.index_cast %get3A_807 : i32 to index
        %get3A_809 = arith.index_cast %add3A_806 : i32 to index
        %get3A_810 = arith.constant 32 : index
        %get3A_811 = tpu.vector_load %arg6[%get3A_808, %get3A_809, %get3A_810] {strides = array<i32>} : memref<2x640x64xf32, #tpu.memory_space<vmem>>, vector<1x1x16xf32>,
        %get3A_812 = vector.shape_cast %get3A_811 : vector<1x1x16xf32> to vector<16xf32>
        %add3A_813 = arith.addf %add3A_804, %get3A_812 : vector<16xf32>
        %add3A_814 = arith.constant 15 : i32
        %add3A_815 = arith.addi %mul3A_309, %add3A_814 : i32
        %get3A_816 = arith.constant 0 : i32
        %get3A_817 = arith.index_cast %get3A_816 : i32 to index
        %get3A_818 = arith.index_cast %add3A_815 : i32 to index
        %get3A_819 = arith.constant 32 : index
        %get3A_820 = tpu.vector_load %arg6[%get3A_817, %get3A_818, %get3A_819] {strides = array<i32>} : memref<2x640x64xf32, #tpu.memory_space<vmem>>, vector<1x1x16xf32>,
        %get3A_821 = vector.shape_cast %get3A_820 : vector<1x1x16xf32> to vector<16xf32>
        %add3A_822 = arith.addf %add3A_813, %get3A_821 : vector<16xf32>
        %add3A_823 = arith.constant 16 : i32
        %add3A_824 = arith.addi %mul3A_309, %add3A_823 : i32
        %get3A_825 = arith.constant 0 : i32
        %get3A_826 = arith.index_cast %get3A_825 : i32 to index
        %get3A_827 = arith.index_cast %add3A_824 : i32 to index
        %get3A_828 = arith.constant 32 : index
        %get3A_829 = tpu.vector_load %arg6[%get3A_826, %get3A_827, %get3A_828] {strides = array<i32>} : memref<2x640x64xf32, #tpu.memory_space<vmem>>, vector<1x1x16xf32>,
        %get3A_830 = vector.shape_cast %get3A_829 : vector<1x1x16xf32> to vector<16xf32>
        %add3A_831 = arith.addf %add3A_822, %get3A_830 : vector<16xf32>
        %add3A_832 = arith.constant 17 : i32
        %add3A_833 = arith.addi %mul3A_309, %add3A_832 : i32
        %get3A_834 = arith.constant 0 : i32
        %get3A_835 = arith.index_cast %get3A_834 : i32 to index
        %get3A_836 = arith.index_cast %add3A_833 : i32 to index
        %get3A_837 = arith.constant 32 : index
        %get3A_838 = tpu.vector_load %arg6[%get3A_835, %get3A_836, %get3A_837] {strides = array<i32>} : memref<2x640x64xf32, #tpu.memory_space<vmem>>, vector<1x1x16xf32>,
        %get3A_839 = vector.shape_cast %get3A_838 : vector<1x1x16xf32> to vector<16xf32>
        %add3A_840 = arith.addf %add3A_831, %get3A_839 : vector<16xf32>
        %add3A_841 = arith.constant 18 : i32
        %add3A_842 = arith.addi %mul3A_309, %add3A_841 : i32
        %get3A_843 = arith.constant 0 : i32
        %get3A_844 = arith.index_cast %get3A_843 : i32 to index
        %get3A_845 = arith.index_cast %add3A_842 : i32 to index
        %get3A_846 = arith.constant 32 : index
        %get3A_847 = tpu.vector_load %arg6[%get3A_844, %get3A_845, %get3A_846] {strides = array<i32>} : memref<2x640x64xf32, #tpu.memory_space<vmem>>, vector<1x1x16xf32>,
        %get3A_848 = vector.shape_cast %get3A_847 : vector<1x1x16xf32> to vector<16xf32>
        %add3A_849 = arith.addf %add3A_840, %get3A_848 : vector<16xf32>
        %add3A_850 = arith.constant 19 : i32
        %add3A_851 = arith.addi %mul3A_309, %add3A_850 : i32
        %get3A_852 = arith.constant 0 : i32
        %get3A_853 = arith.index_cast %get3A_852 : i32 to index
        %get3A_854 = arith.index_cast %add3A_851 : i32 to index
        %get3A_855 = arith.constant 32 : index
        %get3A_856 = tpu.vector_load %arg6[%get3A_853, %get3A_854, %get3A_855] {strides = array<i32>} : memref<2x640x64xf32, #tpu.memory_space<vmem>>, vector<1x1x16xf32>,
        %get3A_857 = vector.shape_cast %get3A_856 : vector<1x1x16xf32> to vector<16xf32>
        %add3A_858 = arith.addf %add3A_849, %get3A_857 : vector<16xf32>
        %mul3A_859 = arith.constant 2 : i32
        %mul3A_860 = arith.muli %mul3A_859, %scan3A_303 : i32
        %add3A_861 = arith.constant 0 : i32
        %add3A_862 = arith.addi %mul3A_860, %add3A_861 : i32
        %swap3A_863 = arith.index_cast %select_n3A_163 : i32 to index
        %swap3A_864 = arith.index_cast %add3A_862 : i32 to index
        %swap3A_865 = arith.constant 32 : index
        %swap3A_866 = tpu.vector_load %arg7[%swap3A_863, %swap3A_864, %swap3A_865] {strides = array<i32>} : memref<2x32x128xf32, #tpu.memory_space<vmem>>, vector<1x1x16xf32>,
        %swap3A_867 = vector.shape_cast %swap3A_866 : vector<1x1x16xf32> to vector<16xf32>
        %swap3A_868 = vector.shape_cast %add3A_858 : vector<16xf32> to vector<1x1x16xf32>
        tpu.vector_store %arg7[%swap3A_863, %swap3A_864, %swap3A_865], %swap3A_868 {strides = array<i32>} : memref<2x32x128xf32, #tpu.memory_space<vmem>>, vector<1x1x16xf32>,
        %get3A_869 = arith.constant 0 : i32
        %get3A_870 = arith.index_cast %get3A_869 : i32 to index
        %get3A_871 = arith.index_cast %mul3A_309 : i32 to index
        %get3A_872 = arith.constant 48 : index
        %get3A_873 = tpu.vector_load %arg6[%get3A_870, %get3A_871, %get3A_872] {strides = array<i32>} : memref<2x640x64xf32, #tpu.memory_space<vmem>>, vector<1x1x16xf32>,
        %get3A_874 = vector.shape_cast %get3A_873 : vector<1x1x16xf32> to vector<16xf32>
        %add3A_875 = arith.constant 1 : i32
        %add3A_876 = arith.addi %mul3A_309, %add3A_875 : i32
        %get3A_877 = arith.constant 0 : i32
        %get3A_878 = arith.index_cast %get3A_877 : i32 to index
        %get3A_879 = arith.index_cast %add3A_876 : i32 to index
        %get3A_880 = arith.constant 48 : index
        %get3A_881 = tpu.vector_load %arg6[%get3A_878, %get3A_879, %get3A_880] {strides = array<i32>} : memref<2x640x64xf32, #tpu.memory_space<vmem>>, vector<1x1x16xf32>,
        %get3A_882 = vector.shape_cast %get3A_881 : vector<1x1x16xf32> to vector<16xf32>
        %add3A_883 = arith.addf %get3A_874, %get3A_882 : vector<16xf32>
        %add3A_884 = arith.constant 2 : i32
        %add3A_885 = arith.addi %mul3A_309, %add3A_884 : i32
        %get3A_886 = arith.constant 0 : i32
        %get3A_887 = arith.index_cast %get3A_886 : i32 to index
        %get3A_888 = arith.index_cast %add3A_885 : i32 to index
        %get3A_889 = arith.constant 48 : index
        %get3A_890 = tpu.vector_load %arg6[%get3A_887, %get3A_888, %get3A_889] {strides = array<i32>} : memref<2x640x64xf32, #tpu.memory_space<vmem>>, vector<1x1x16xf32>,
        %get3A_891 = vector.shape_cast %get3A_890 : vector<1x1x16xf32> to vector<16xf32>
        %add3A_892 = arith.addf %add3A_883, %get3A_891 : vector<16xf32>
        %add3A_893 = arith.constant 3 : i32
        %add3A_894 = arith.addi %mul3A_309, %add3A_893 : i32
        %get3A_895 = arith.constant 0 : i32
        %get3A_896 = arith.index_cast %get3A_895 : i32 to index
        %get3A_897 = arith.index_cast %add3A_894 : i32 to index
        %get3A_898 = arith.constant 48 : index
        %get3A_899 = tpu.vector_load %arg6[%get3A_896, %get3A_897, %get3A_898] {strides = array<i32>} : memref<2x640x64xf32, #tpu.memory_space<vmem>>, vector<1x1x16xf32>,
        %get3A_900 = vector.shape_cast %get3A_899 : vector<1x1x16xf32> to vector<16xf32>
        %add3A_901 = arith.addf %add3A_892, %get3A_900 : vector<16xf32>
        %add3A_902 = arith.constant 4 : i32
        %add3A_903 = arith.addi %mul3A_309, %add3A_902 : i32
        %get3A_904 = arith.constant 0 : i32
        %get3A_905 = arith.index_cast %get3A_904 : i32 to index
        %get3A_906 = arith.index_cast %add3A_903 : i32 to index
        %get3A_907 = arith.constant 48 : index
        %get3A_908 = tpu.vector_load %arg6[%get3A_905, %get3A_906, %get3A_907] {strides = array<i32>} : memref<2x640x64xf32, #tpu.memory_space<vmem>>, vector<1x1x16xf32>,
        %get3A_909 = vector.shape_cast %get3A_908 : vector<1x1x16xf32> to vector<16xf32>
        %add3A_910 = arith.addf %add3A_901, %get3A_909 : vector<16xf32>
        %add3A_911 = arith.constant 5 : i32
        %add3A_912 = arith.addi %mul3A_309, %add3A_911 : i32
        %get3A_913 = arith.constant 0 : i32
        %get3A_914 = arith.index_cast %get3A_913 : i32 to index
        %get3A_915 = arith.index_cast %add3A_912 : i32 to index
        %get3A_916 = arith.constant 48 : index
        %get3A_917 = tpu.vector_load %arg6[%get3A_914, %get3A_915, %get3A_916] {strides = array<i32>} : memref<2x640x64xf32, #tpu.memory_space<vmem>>, vector<1x1x16xf32>,
        %get3A_918 = vector.shape_cast %get3A_917 : vector<1x1x16xf32> to vector<16xf32>
        %add3A_919 = arith.addf %add3A_910, %get3A_918 : vector<16xf32>
        %add3A_920 = arith.constant 6 : i32
        %add3A_921 = arith.addi %mul3A_309, %add3A_920 : i32
        %get3A_922 = arith.constant 0 : i32
        %get3A_923 = arith.index_cast %get3A_922 : i32 to index
        %get3A_924 = arith.index_cast %add3A_921 : i32 to index
        %get3A_925 = arith.constant 48 : index
        %get3A_926 = tpu.vector_load %arg6[%get3A_923, %get3A_924, %get3A_925] {strides = array<i32>} : memref<2x640x64xf32, #tpu.memory_space<vmem>>, vector<1x1x16xf32>,
        %get3A_927 = vector.shape_cast %get3A_926 : vector<1x1x16xf32> to vector<16xf32>
        %add3A_928 = arith.addf %add3A_919, %get3A_927 : vector<16xf32>
        %add3A_929 = arith.constant 7 : i32
        %add3A_930 = arith.addi %mul3A_309, %add3A_929 : i32
        %get3A_931 = arith.constant 0 : i32
        %get3A_932 = arith.index_cast %get3A_931 : i32 to index
        %get3A_933 = arith.index_cast %add3A_930 : i32 to index
        %get3A_934 = arith.constant 48 : index
        %get3A_935 = tpu.vector_load %arg6[%get3A_932, %get3A_933, %get3A_934] {strides = array<i32>} : memref<2x640x64xf32, #tpu.memory_space<vmem>>, vector<1x1x16xf32>,
        %get3A_936 = vector.shape_cast %get3A_935 : vector<1x1x16xf32> to vector<16xf32>
        %add3A_937 = arith.addf %add3A_928, %get3A_936 : vector<16xf32>
        %add3A_938 = arith.constant 8 : i32
        %add3A_939 = arith.addi %mul3A_309, %add3A_938 : i32
        %get3A_940 = arith.constant 0 : i32
        %get3A_941 = arith.index_cast %get3A_940 : i32 to index
        %get3A_942 = arith.index_cast %add3A_939 : i32 to index
        %get3A_943 = arith.constant 48 : index
        %get3A_944 = tpu.vector_load %arg6[%get3A_941, %get3A_942, %get3A_943] {strides = array<i32>} : memref<2x640x64xf32, #tpu.memory_space<vmem>>, vector<1x1x16xf32>,
        %get3A_945 = vector.shape_cast %get3A_944 : vector<1x1x16xf32> to vector<16xf32>
        %add3A_946 = arith.addf %add3A_937, %get3A_945 : vector<16xf32>
        %add3A_947 = arith.constant 9 : i32
        %add3A_948 = arith.addi %mul3A_309, %add3A_947 : i32
        %get3A_949 = arith.constant 0 : i32
        %get3A_950 = arith.index_cast %get3A_949 : i32 to index
        %get3A_951 = arith.index_cast %add3A_948 : i32 to index
        %get3A_952 = arith.constant 48 : index
        %get3A_953 = tpu.vector_load %arg6[%get3A_950, %get3A_951, %get3A_952] {strides = array<i32>} : memref<2x640x64xf32, #tpu.memory_space<vmem>>, vector<1x1x16xf32>,
        %get3A_954 = vector.shape_cast %get3A_953 : vector<1x1x16xf32> to vector<16xf32>
        %add3A_955 = arith.addf %add3A_946, %get3A_954 : vector<16xf32>
        %add3A_956 = arith.constant 10 : i32
        %add3A_957 = arith.addi %mul3A_309, %add3A_956 : i32
        %get3A_958 = arith.constant 0 : i32
        %get3A_959 = arith.index_cast %get3A_958 : i32 to index
        %get3A_960 = arith.index_cast %add3A_957 : i32 to index
        %get3A_961 = arith.constant 48 : index
        %get3A_962 = tpu.vector_load %arg6[%get3A_959, %get3A_960, %get3A_961] {strides = array<i32>} : memref<2x640x64xf32, #tpu.memory_space<vmem>>, vector<1x1x16xf32>,
        %get3A_963 = vector.shape_cast %get3A_962 : vector<1x1x16xf32> to vector<16xf32>
        %add3A_964 = arith.addf %add3A_955, %get3A_963 : vector<16xf32>
        %add3A_965 = arith.constant 11 : i32
        %add3A_966 = arith.addi %mul3A_309, %add3A_965 : i32
        %get3A_967 = arith.constant 0 : i32
        %get3A_968 = arith.index_cast %get3A_967 : i32 to index
        %get3A_969 = arith.index_cast %add3A_966 : i32 to index
        %get3A_970 = arith.constant 48 : index
        %get3A_971 = tpu.vector_load %arg6[%get3A_968, %get3A_969, %get3A_970] {strides = array<i32>} : memref<2x640x64xf32, #tpu.memory_space<vmem>>, vector<1x1x16xf32>,
        %get3A_972 = vector.shape_cast %get3A_971 : vector<1x1x16xf32> to vector<16xf32>
        %add3A_973 = arith.addf %add3A_964, %get3A_972 : vector<16xf32>
        %add3A_974 = arith.constant 12 : i32
        %add3A_975 = arith.addi %mul3A_309, %add3A_974 : i32
        %get3A_976 = arith.constant 0 : i32
        %get3A_977 = arith.index_cast %get3A_976 : i32 to index
        %get3A_978 = arith.index_cast %add3A_975 : i32 to index
        %get3A_979 = arith.constant 48 : index
        %get3A_980 = tpu.vector_load %arg6[%get3A_977, %get3A_978, %get3A_979] {strides = array<i32>} : memref<2x640x64xf32, #tpu.memory_space<vmem>>, vector<1x1x16xf32>,
        %get3A_981 = vector.shape_cast %get3A_980 : vector<1x1x16xf32> to vector<16xf32>
        %add3A_982 = arith.addf %add3A_973, %get3A_981 : vector<16xf32>
        %add3A_983 = arith.constant 13 : i32
        %add3A_984 = arith.addi %mul3A_309, %add3A_983 : i32
        %get3A_985 = arith.constant 0 : i32
        %get3A_986 = arith.index_cast %get3A_985 : i32 to index
        %get3A_987 = arith.index_cast %add3A_984 : i32 to index
        %get3A_988 = arith.constant 48 : index
        %get3A_989 = tpu.vector_load %arg6[%get3A_986, %get3A_987, %get3A_988] {strides = array<i32>} : memref<2x640x64xf32, #tpu.memory_space<vmem>>, vector<1x1x16xf32>,
        %get3A_990 = vector.shape_cast %get3A_989 : vector<1x1x16xf32> to vector<16xf32>
        %add3A_991 = arith.addf %add3A_982, %get3A_990 : vector<16xf32>
        %add3A_992 = arith.constant 14 : i32
        %add3A_993 = arith.addi %mul3A_309, %add3A_992 : i32
        %get3A_994 = arith.constant 0 : i32
        %get3A_995 = arith.index_cast %get3A_994 : i32 to index
        %get3A_996 = arith.index_cast %add3A_993 : i32 to index
        %get3A_997 = arith.constant 48 : index
        %get3A_998 = tpu.vector_load %arg6[%get3A_995, %get3A_996, %get3A_997] {strides = array<i32>} : memref<2x640x64xf32, #tpu.memory_space<vmem>>, vector<1x1x16xf32>,
        %get3A_999 = vector.shape_cast %get3A_998 : vector<1x1x16xf32> to vector<16xf32>
        %add3A_1000 = arith.addf %add3A_991, %get3A_999 : vector<16xf32>
        %add3A_1001 = arith.constant 15 : i32
        %add3A_1002 = arith.addi %mul3A_309, %add3A_1001 : i32
        %get3A_1003 = arith.constant 0 : i32
        %get3A_1004 = arith.index_cast %get3A_1003 : i32 to index
        %get3A_1005 = arith.index_cast %add3A_1002 : i32 to index
        %get3A_1006 = arith.constant 48 : index
        %get3A_1007 = tpu.vector_load %arg6[%get3A_1004, %get3A_1005, %get3A_1006] {strides = array<i32>} : memref<2x640x64xf32, #tpu.memory_space<vmem>>, vector<1x1x16xf32>,
        %get3A_1008 = vector.shape_cast %get3A_1007 : vector<1x1x16xf32> to vector<16xf32>
        %add3A_1009 = arith.addf %add3A_1000, %get3A_1008 : vector<16xf32>
        %add3A_1010 = arith.constant 16 : i32
        %add3A_1011 = arith.addi %mul3A_309, %add3A_1010 : i32
        %get3A_1012 = arith.constant 0 : i32
        %get3A_1013 = arith.index_cast %get3A_1012 : i32 to index
        %get3A_1014 = arith.index_cast %add3A_1011 : i32 to index
        %get3A_1015 = arith.constant 48 : index
        %get3A_1016 = tpu.vector_load %arg6[%get3A_1013, %get3A_1014, %get3A_1015] {strides = array<i32>} : memref<2x640x64xf32, #tpu.memory_space<vmem>>, vector<1x1x16xf32>,
        %get3A_1017 = vector.shape_cast %get3A_1016 : vector<1x1x16xf32> to vector<16xf32>
        %add3A_1018 = arith.addf %add3A_1009, %get3A_1017 : vector<16xf32>
        %add3A_1019 = arith.constant 17 : i32
        %add3A_1020 = arith.addi %mul3A_309, %add3A_1019 : i32
        %get3A_1021 = arith.constant 0 : i32
        %get3A_1022 = arith.index_cast %get3A_1021 : i32 to index
        %get3A_1023 = arith.index_cast %add3A_1020 : i32 to index
        %get3A_1024 = arith.constant 48 : index
        %get3A_1025 = tpu.vector_load %arg6[%get3A_1022, %get3A_1023, %get3A_1024] {strides = array<i32>} : memref<2x640x64xf32, #tpu.memory_space<vmem>>, vector<1x1x16xf32>,
        %get3A_1026 = vector.shape_cast %get3A_1025 : vector<1x1x16xf32> to vector<16xf32>
        %add3A_1027 = arith.addf %add3A_1018, %get3A_1026 : vector<16xf32>
        %add3A_1028 = arith.constant 18 : i32
        %add3A_1029 = arith.addi %mul3A_309, %add3A_1028 : i32
        %get3A_1030 = arith.constant 0 : i32
        %get3A_1031 = arith.index_cast %get3A_1030 : i32 to index
        %get3A_1032 = arith.index_cast %add3A_1029 : i32 to index
        %get3A_1033 = arith.constant 48 : index
        %get3A_1034 = tpu.vector_load %arg6[%get3A_1031, %get3A_1032, %get3A_1033] {strides = array<i32>} : memref<2x640x64xf32, #tpu.memory_space<vmem>>, vector<1x1x16xf32>,
        %get3A_1035 = vector.shape_cast %get3A_1034 : vector<1x1x16xf32> to vector<16xf32>
        %add3A_1036 = arith.addf %add3A_1027, %get3A_1035 : vector<16xf32>
        %add3A_1037 = arith.constant 19 : i32
        %add3A_1038 = arith.addi %mul3A_309, %add3A_1037 : i32
        %get3A_1039 = arith.constant 0 : i32
        %get3A_1040 = arith.index_cast %get3A_1039 : i32 to index
        %get3A_1041 = arith.index_cast %add3A_1038 : i32 to index
        %get3A_1042 = arith.constant 48 : index
        %get3A_1043 = tpu.vector_load %arg6[%get3A_1040, %get3A_1041, %get3A_1042] {strides = array<i32>} : memref<2x640x64xf32, #tpu.memory_space<vmem>>, vector<1x1x16xf32>,
        %get3A_1044 = vector.shape_cast %get3A_1043 : vector<1x1x16xf32> to vector<16xf32>
        %add3A_1045 = arith.addf %add3A_1036, %get3A_1044 : vector<16xf32>
        %mul3A_1046 = arith.constant 2 : i32
        %mul3A_1047 = arith.muli %mul3A_1046, %scan3A_303 : i32
        %add3A_1048 = arith.constant 0 : i32
        %add3A_1049 = arith.addi %mul3A_1047, %add3A_1048 : i32
        %swap3A_1050 = arith.index_cast %select_n3A_163 : i32 to index
        %swap3A_1051 = arith.index_cast %add3A_1049 : i32 to index
        %swap3A_1052 = arith.constant 48 : index
        %swap3A_1053 = tpu.vector_load %arg7[%swap3A_1050, %swap3A_1051, %swap3A_1052] {strides = array<i32>} : memref<2x32x128xf32, #tpu.memory_space<vmem>>, vector<1x1x16xf32>,
        %swap3A_1054 = vector.shape_cast %swap3A_1053 : vector<1x1x16xf32> to vector<16xf32>
        %swap3A_1055 = vector.shape_cast %add3A_1045 : vector<16xf32> to vector<1x1x16xf32>
        tpu.vector_store %arg7[%swap3A_1050, %swap3A_1051, %swap3A_1052], %swap3A_1055 {strides = array<i32>} : memref<2x32x128xf32, #tpu.memory_space<vmem>>, vector<1x1x16xf32>,
        %mul3A_1056 = arith.constant 2 : i32
        %mul3A_1057 = arith.muli %mul3A_1056, %scan3A_303 : i32
        %add3A_1058 = arith.constant 1 : i32
        %add3A_1059 = arith.addi %mul3A_1057, %add3A_1058 : i32
        %mul3A_1060 = arith.constant 20 : i32
        %mul3A_1061 = arith.muli %add3A_1059, %mul3A_1060 : i32
        %get3A_1062 = arith.constant 0 : i32
        %get3A_1063 = arith.index_cast %get3A_1062 : i32 to index
        %get3A_1064 = arith.index_cast %mul3A_1061 : i32 to index
        %get3A_1065 = arith.constant 0 : index
        %get3A_1066 = tpu.vector_load %arg6[%get3A_1063, %get3A_1064, %get3A_1065] {strides = array<i32>} : memref<2x640x64xf32, #tpu.memory_space<vmem>>, vector<1x1x16xf32>,
        %get3A_1067 = vector.shape_cast %get3A_1066 : vector<1x1x16xf32> to vector<16xf32>
        %add3A_1068 = arith.constant 1 : i32
        %add3A_1069 = arith.addi %mul3A_1061, %add3A_1068 : i32
        %get3A_1070 = arith.constant 0 : i32
        %get3A_1071 = arith.index_cast %get3A_1070 : i32 to index
        %get3A_1072 = arith.index_cast %add3A_1069 : i32 to index
        %get3A_1073 = arith.constant 0 : index
        %get3A_1074 = tpu.vector_load %arg6[%get3A_1071, %get3A_1072, %get3A_1073] {strides = array<i32>} : memref<2x640x64xf32, #tpu.memory_space<vmem>>, vector<1x1x16xf32>,
        %get3A_1075 = vector.shape_cast %get3A_1074 : vector<1x1x16xf32> to vector<16xf32>
        %add3A_1076 = arith.addf %get3A_1067, %get3A_1075 : vector<16xf32>
        %add3A_1077 = arith.constant 2 : i32
        %add3A_1078 = arith.addi %mul3A_1061, %add3A_1077 : i32
        %get3A_1079 = arith.constant 0 : i32
        %get3A_1080 = arith.index_cast %get3A_1079 : i32 to index
        %get3A_1081 = arith.index_cast %add3A_1078 : i32 to index
        %get3A_1082 = arith.constant 0 : index
        %get3A_1083 = tpu.vector_load %arg6[%get3A_1080, %get3A_1081, %get3A_1082] {strides = array<i32>} : memref<2x640x64xf32, #tpu.memory_space<vmem>>, vector<1x1x16xf32>,
        %get3A_1084 = vector.shape_cast %get3A_1083 : vector<1x1x16xf32> to vector<16xf32>
        %add3A_1085 = arith.addf %add3A_1076, %get3A_1084 : vector<16xf32>
        %add3A_1086 = arith.constant 3 : i32
        %add3A_1087 = arith.addi %mul3A_1061, %add3A_1086 : i32
        %get3A_1088 = arith.constant 0 : i32
        %get3A_1089 = arith.index_cast %get3A_1088 : i32 to index
        %get3A_1090 = arith.index_cast %add3A_1087 : i32 to index
        %get3A_1091 = arith.constant 0 : index
        %get3A_1092 = tpu.vector_load %arg6[%get3A_1089, %get3A_1090, %get3A_1091] {strides = array<i32>} : memref<2x640x64xf32, #tpu.memory_space<vmem>>, vector<1x1x16xf32>,
        %get3A_1093 = vector.shape_cast %get3A_1092 : vector<1x1x16xf32> to vector<16xf32>
        %add3A_1094 = arith.addf %add3A_1085, %get3A_1093 : vector<16xf32>
        %add3A_1095 = arith.constant 4 : i32
        %add3A_1096 = arith.addi %mul3A_1061, %add3A_1095 : i32
        %get3A_1097 = arith.constant 0 : i32
        %get3A_1098 = arith.index_cast %get3A_1097 : i32 to index
        %get3A_1099 = arith.index_cast %add3A_1096 : i32 to index
        %get3A_1100 = arith.constant 0 : index
        %get3A_1101 = tpu.vector_load %arg6[%get3A_1098, %get3A_1099, %get3A_1100] {strides = array<i32>} : memref<2x640x64xf32, #tpu.memory_space<vmem>>, vector<1x1x16xf32>,
        %get3A_1102 = vector.shape_cast %get3A_1101 : vector<1x1x16xf32> to vector<16xf32>
        %add3A_1103 = arith.addf %add3A_1094, %get3A_1102 : vector<16xf32>
        %add3A_1104 = arith.constant 5 : i32
        %add3A_1105 = arith.addi %mul3A_1061, %add3A_1104 : i32
        %get3A_1106 = arith.constant 0 : i32
        %get3A_1107 = arith.index_cast %get3A_1106 : i32 to index
        %get3A_1108 = arith.index_cast %add3A_1105 : i32 to index
        %get3A_1109 = arith.constant 0 : index
        %get3A_1110 = tpu.vector_load %arg6[%get3A_1107, %get3A_1108, %get3A_1109] {strides = array<i32>} : memref<2x640x64xf32, #tpu.memory_space<vmem>>, vector<1x1x16xf32>,
        %get3A_1111 = vector.shape_cast %get3A_1110 : vector<1x1x16xf32> to vector<16xf32>
        %add3A_1112 = arith.addf %add3A_1103, %get3A_1111 : vector<16xf32>
        %add3A_1113 = arith.constant 6 : i32
        %add3A_1114 = arith.addi %mul3A_1061, %add3A_1113 : i32
        %get3A_1115 = arith.constant 0 : i32
        %get3A_1116 = arith.index_cast %get3A_1115 : i32 to index
        %get3A_1117 = arith.index_cast %add3A_1114 : i32 to index
        %get3A_1118 = arith.constant 0 : index
        %get3A_1119 = tpu.vector_load %arg6[%get3A_1116, %get3A_1117, %get3A_1118] {strides = array<i32>} : memref<2x640x64xf32, #tpu.memory_space<vmem>>, vector<1x1x16xf32>,
        %get3A_1120 = vector.shape_cast %get3A_1119 : vector<1x1x16xf32> to vector<16xf32>
        %add3A_1121 = arith.addf %add3A_1112, %get3A_1120 : vector<16xf32>
        %add3A_1122 = arith.constant 7 : i32
        %add3A_1123 = arith.addi %mul3A_1061, %add3A_1122 : i32
        %get3A_1124 = arith.constant 0 : i32
        %get3A_1125 = arith.index_cast %get3A_1124 : i32 to index
        %get3A_1126 = arith.index_cast %add3A_1123 : i32 to index
        %get3A_1127 = arith.constant 0 : index
        %get3A_1128 = tpu.vector_load %arg6[%get3A_1125, %get3A_1126, %get3A_1127] {strides = array<i32>} : memref<2x640x64xf32, #tpu.memory_space<vmem>>, vector<1x1x16xf32>,
        %get3A_1129 = vector.shape_cast %get3A_1128 : vector<1x1x16xf32> to vector<16xf32>
        %add3A_1130 = arith.addf %add3A_1121, %get3A_1129 : vector<16xf32>
        %add3A_1131 = arith.constant 8 : i32
        %add3A_1132 = arith.addi %mul3A_1061, %add3A_1131 : i32
        %get3A_1133 = arith.constant 0 : i32
        %get3A_1134 = arith.index_cast %get3A_1133 : i32 to index
        %get3A_1135 = arith.index_cast %add3A_1132 : i32 to index
        %get3A_1136 = arith.constant 0 : index
        %get3A_1137 = tpu.vector_load %arg6[%get3A_1134, %get3A_1135, %get3A_1136] {strides = array<i32>} : memref<2x640x64xf32, #tpu.memory_space<vmem>>, vector<1x1x16xf32>,
        %get3A_1138 = vector.shape_cast %get3A_1137 : vector<1x1x16xf32> to vector<16xf32>
        %add3A_1139 = arith.addf %add3A_1130, %get3A_1138 : vector<16xf32>
        %add3A_1140 = arith.constant 9 : i32
        %add3A_1141 = arith.addi %mul3A_1061, %add3A_1140 : i32
        %get3A_1142 = arith.constant 0 : i32
        %get3A_1143 = arith.index_cast %get3A_1142 : i32 to index
        %get3A_1144 = arith.index_cast %add3A_1141 : i32 to index
        %get3A_1145 = arith.constant 0 : index
        %get3A_1146 = tpu.vector_load %arg6[%get3A_1143, %get3A_1144, %get3A_1145] {strides = array<i32>} : memref<2x640x64xf32, #tpu.memory_space<vmem>>, vector<1x1x16xf32>,
        %get3A_1147 = vector.shape_cast %get3A_1146 : vector<1x1x16xf32> to vector<16xf32>
        %add3A_1148 = arith.addf %add3A_1139, %get3A_1147 : vector<16xf32>
        %add3A_1149 = arith.constant 10 : i32
        %add3A_1150 = arith.addi %mul3A_1061, %add3A_1149 : i32
        %get3A_1151 = arith.constant 0 : i32
        %get3A_1152 = arith.index_cast %get3A_1151 : i32 to index
        %get3A_1153 = arith.index_cast %add3A_1150 : i32 to index
        %get3A_1154 = arith.constant 0 : index
        %get3A_1155 = tpu.vector_load %arg6[%get3A_1152, %get3A_1153, %get3A_1154] {strides = array<i32>} : memref<2x640x64xf32, #tpu.memory_space<vmem>>, vector<1x1x16xf32>,
        %get3A_1156 = vector.shape_cast %get3A_1155 : vector<1x1x16xf32> to vector<16xf32>
        %add3A_1157 = arith.addf %add3A_1148, %get3A_1156 : vector<16xf32>
        %add3A_1158 = arith.constant 11 : i32
        %add3A_1159 = arith.addi %mul3A_1061, %add3A_1158 : i32
        %get3A_1160 = arith.constant 0 : i32
        %get3A_1161 = arith.index_cast %get3A_1160 : i32 to index
        %get3A_1162 = arith.index_cast %add3A_1159 : i32 to index
        %get3A_1163 = arith.constant 0 : index
        %get3A_1164 = tpu.vector_load %arg6[%get3A_1161, %get3A_1162, %get3A_1163] {strides = array<i32>} : memref<2x640x64xf32, #tpu.memory_space<vmem>>, vector<1x1x16xf32>,
        %get3A_1165 = vector.shape_cast %get3A_1164 : vector<1x1x16xf32> to vector<16xf32>
        %add3A_1166 = arith.addf %add3A_1157, %get3A_1165 : vector<16xf32>
        %add3A_1167 = arith.constant 12 : i32
        %add3A_1168 = arith.addi %mul3A_1061, %add3A_1167 : i32
        %get3A_1169 = arith.constant 0 : i32
        %get3A_1170 = arith.index_cast %get3A_1169 : i32 to index
        %get3A_1171 = arith.index_cast %add3A_1168 : i32 to index
        %get3A_1172 = arith.constant 0 : index
        %get3A_1173 = tpu.vector_load %arg6[%get3A_1170, %get3A_1171, %get3A_1172] {strides = array<i32>} : memref<2x640x64xf32, #tpu.memory_space<vmem>>, vector<1x1x16xf32>,
        %get3A_1174 = vector.shape_cast %get3A_1173 : vector<1x1x16xf32> to vector<16xf32>
        %add3A_1175 = arith.addf %add3A_1166, %get3A_1174 : vector<16xf32>
        %add3A_1176 = arith.constant 13 : i32
        %add3A_1177 = arith.addi %mul3A_1061, %add3A_1176 : i32
        %get3A_1178 = arith.constant 0 : i32
        %get3A_1179 = arith.index_cast %get3A_1178 : i32 to index
        %get3A_1180 = arith.index_cast %add3A_1177 : i32 to index
        %get3A_1181 = arith.constant 0 : index
        %get3A_1182 = tpu.vector_load %arg6[%get3A_1179, %get3A_1180, %get3A_1181] {strides = array<i32>} : memref<2x640x64xf32, #tpu.memory_space<vmem>>, vector<1x1x16xf32>,
        %get3A_1183 = vector.shape_cast %get3A_1182 : vector<1x1x16xf32> to vector<16xf32>
        %add3A_1184 = arith.addf %add3A_1175, %get3A_1183 : vector<16xf32>
        %add3A_1185 = arith.constant 14 : i32
        %add3A_1186 = arith.addi %mul3A_1061, %add3A_1185 : i32
        %get3A_1187 = arith.constant 0 : i32
        %get3A_1188 = arith.index_cast %get3A_1187 : i32 to index
        %get3A_1189 = arith.index_cast %add3A_1186 : i32 to index
        %get3A_1190 = arith.constant 0 : index
        %get3A_1191 = tpu.vector_load %arg6[%get3A_1188, %get3A_1189, %get3A_1190] {strides = array<i32>} : memref<2x640x64xf32, #tpu.memory_space<vmem>>, vector<1x1x16xf32>,
        %get3A_1192 = vector.shape_cast %get3A_1191 : vector<1x1x16xf32> to vector<16xf32>
        %add3A_1193 = arith.addf %add3A_1184, %get3A_1192 : vector<16xf32>
        %add3A_1194 = arith.constant 15 : i32
        %add3A_1195 = arith.addi %mul3A_1061, %add3A_1194 : i32
        %get3A_1196 = arith.constant 0 : i32
        %get3A_1197 = arith.index_cast %get3A_1196 : i32 to index
        %get3A_1198 = arith.index_cast %add3A_1195 : i32 to index
        %get3A_1199 = arith.constant 0 : index
        %get3A_1200 = tpu.vector_load %arg6[%get3A_1197, %get3A_1198, %get3A_1199] {strides = array<i32>} : memref<2x640x64xf32, #tpu.memory_space<vmem>>, vector<1x1x16xf32>,
        %get3A_1201 = vector.shape_cast %get3A_1200 : vector<1x1x16xf32> to vector<16xf32>
        %add3A_1202 = arith.addf %add3A_1193, %get3A_1201 : vector<16xf32>
        %add3A_1203 = arith.constant 16 : i32
        %add3A_1204 = arith.addi %mul3A_1061, %add3A_1203 : i32
        %get3A_1205 = arith.constant 0 : i32
        %get3A_1206 = arith.index_cast %get3A_1205 : i32 to index
        %get3A_1207 = arith.index_cast %add3A_1204 : i32 to index
        %get3A_1208 = arith.constant 0 : index
        %get3A_1209 = tpu.vector_load %arg6[%get3A_1206, %get3A_1207, %get3A_1208] {strides = array<i32>} : memref<2x640x64xf32, #tpu.memory_space<vmem>>, vector<1x1x16xf32>,
        %get3A_1210 = vector.shape_cast %get3A_1209 : vector<1x1x16xf32> to vector<16xf32>
        %add3A_1211 = arith.addf %add3A_1202, %get3A_1210 : vector<16xf32>
        %add3A_1212 = arith.constant 17 : i32
        %add3A_1213 = arith.addi %mul3A_1061, %add3A_1212 : i32
        %get3A_1214 = arith.constant 0 : i32
        %get3A_1215 = arith.index_cast %get3A_1214 : i32 to index
        %get3A_1216 = arith.index_cast %add3A_1213 : i32 to index
        %get3A_1217 = arith.constant 0 : index
        %get3A_1218 = tpu.vector_load %arg6[%get3A_1215, %get3A_1216, %get3A_1217] {strides = array<i32>} : memref<2x640x64xf32, #tpu.memory_space<vmem>>, vector<1x1x16xf32>,
        %get3A_1219 = vector.shape_cast %get3A_1218 : vector<1x1x16xf32> to vector<16xf32>
        %add3A_1220 = arith.addf %add3A_1211, %get3A_1219 : vector<16xf32>
        %add3A_1221 = arith.constant 18 : i32
        %add3A_1222 = arith.addi %mul3A_1061, %add3A_1221 : i32
        %get3A_1223 = arith.constant 0 : i32
        %get3A_1224 = arith.index_cast %get3A_1223 : i32 to index
        %get3A_1225 = arith.index_cast %add3A_1222 : i32 to index
        %get3A_1226 = arith.constant 0 : index
        %get3A_1227 = tpu.vector_load %arg6[%get3A_1224, %get3A_1225, %get3A_1226] {strides = array<i32>} : memref<2x640x64xf32, #tpu.memory_space<vmem>>, vector<1x1x16xf32>,
        %get3A_1228 = vector.shape_cast %get3A_1227 : vector<1x1x16xf32> to vector<16xf32>
        %add3A_1229 = arith.addf %add3A_1220, %get3A_1228 : vector<16xf32>
        %add3A_1230 = arith.constant 19 : i32
        %add3A_1231 = arith.addi %mul3A_1061, %add3A_1230 : i32
        %get3A_1232 = arith.constant 0 : i32
        %get3A_1233 = arith.index_cast %get3A_1232 : i32 to index
        %get3A_1234 = arith.index_cast %add3A_1231 : i32 to index
        %get3A_1235 = arith.constant 0 : index
        %get3A_1236 = tpu.vector_load %arg6[%get3A_1233, %get3A_1234, %get3A_1235] {strides = array<i32>} : memref<2x640x64xf32, #tpu.memory_space<vmem>>, vector<1x1x16xf32>,
        %get3A_1237 = vector.shape_cast %get3A_1236 : vector<1x1x16xf32> to vector<16xf32>
        %add3A_1238 = arith.addf %add3A_1229, %get3A_1237 : vector<16xf32>
        %mul3A_1239 = arith.constant 2 : i32
        %mul3A_1240 = arith.muli %mul3A_1239, %scan3A_303 : i32
        %add3A_1241 = arith.constant 1 : i32
        %add3A_1242 = arith.addi %mul3A_1240, %add3A_1241 : i32
        %swap3A_1243 = arith.index_cast %select_n3A_163 : i32 to index
        %swap3A_1244 = arith.index_cast %add3A_1242 : i32 to index
        %swap3A_1245 = arith.constant 0 : index
        %swap3A_1246 = tpu.vector_load %arg7[%swap3A_1243, %swap3A_1244, %swap3A_1245] {strides = array<i32>} : memref<2x32x128xf32, #tpu.memory_space<vmem>>, vector<1x1x16xf32>,
        %swap3A_1247 = vector.shape_cast %swap3A_1246 : vector<1x1x16xf32> to vector<16xf32>
        %swap3A_1248 = vector.shape_cast %add3A_1238 : vector<16xf32> to vector<1x1x16xf32>
        tpu.vector_store %arg7[%swap3A_1243, %swap3A_1244, %swap3A_1245], %swap3A_1248 {strides = array<i32>} : memref<2x32x128xf32, #tpu.memory_space<vmem>>, vector<1x1x16xf32>,
        %get3A_1249 = arith.constant 0 : i32
        %get3A_1250 = arith.index_cast %get3A_1249 : i32 to index
        %get3A_1251 = arith.index_cast %mul3A_1061 : i32 to index
        %get3A_1252 = arith.constant 16 : index
        %get3A_1253 = tpu.vector_load %arg6[%get3A_1250, %get3A_1251, %get3A_1252] {strides = array<i32>} : memref<2x640x64xf32, #tpu.memory_space<vmem>>, vector<1x1x16xf32>,
        %get3A_1254 = vector.shape_cast %get3A_1253 : vector<1x1x16xf32> to vector<16xf32>
        %add3A_1255 = arith.constant 1 : i32
        %add3A_1256 = arith.addi %mul3A_1061, %add3A_1255 : i32
        %get3A_1257 = arith.constant 0 : i32
        %get3A_1258 = arith.index_cast %get3A_1257 : i32 to index
        %get3A_1259 = arith.index_cast %add3A_1256 : i32 to index
        %get3A_1260 = arith.constant 16 : index
        %get3A_1261 = tpu.vector_load %arg6[%get3A_1258, %get3A_1259, %get3A_1260] {strides = array<i32>} : memref<2x640x64xf32, #tpu.memory_space<vmem>>, vector<1x1x16xf32>,
        %get3A_1262 = vector.shape_cast %get3A_1261 : vector<1x1x16xf32> to vector<16xf32>
        %add3A_1263 = arith.addf %get3A_1254, %get3A_1262 : vector<16xf32>
        %add3A_1264 = arith.constant 2 : i32
        %add3A_1265 = arith.addi %mul3A_1061, %add3A_1264 : i32
        %get3A_1266 = arith.constant 0 : i32
        %get3A_1267 = arith.index_cast %get3A_1266 : i32 to index
        %get3A_1268 = arith.index_cast %add3A_1265 : i32 to index
        %get3A_1269 = arith.constant 16 : index
        %get3A_1270 = tpu.vector_load %arg6[%get3A_1267, %get3A_1268, %get3A_1269] {strides = array<i32>} : memref<2x640x64xf32, #tpu.memory_space<vmem>>, vector<1x1x16xf32>,
        %get3A_1271 = vector.shape_cast %get3A_1270 : vector<1x1x16xf32> to vector<16xf32>
        %add3A_1272 = arith.addf %add3A_1263, %get3A_1271 : vector<16xf32>
        %add3A_1273 = arith.constant 3 : i32
        %add3A_1274 = arith.addi %mul3A_1061, %add3A_1273 : i32
        %get3A_1275 = arith.constant 0 : i32
        %get3A_1276 = arith.index_cast %get3A_1275 : i32 to index
        %get3A_1277 = arith.index_cast %add3A_1274 : i32 to index
        %get3A_1278 = arith.constant 16 : index
        %get3A_1279 = tpu.vector_load %arg6[%get3A_1276, %get3A_1277, %get3A_1278] {strides = array<i32>} : memref<2x640x64xf32, #tpu.memory_space<vmem>>, vector<1x1x16xf32>,
        %get3A_1280 = vector.shape_cast %get3A_1279 : vector<1x1x16xf32> to vector<16xf32>
        %add3A_1281 = arith.addf %add3A_1272, %get3A_1280 : vector<16xf32>
        %add3A_1282 = arith.constant 4 : i32
        %add3A_1283 = arith.addi %mul3A_1061, %add3A_1282 : i32
        %get3A_1284 = arith.constant 0 : i32
        %get3A_1285 = arith.index_cast %get3A_1284 : i32 to index
        %get3A_1286 = arith.index_cast %add3A_1283 : i32 to index
        %get3A_1287 = arith.constant 16 : index
        %get3A_1288 = tpu.vector_load %arg6[%get3A_1285, %get3A_1286, %get3A_1287] {strides = array<i32>} : memref<2x640x64xf32, #tpu.memory_space<vmem>>, vector<1x1x16xf32>,
        %get3A_1289 = vector.shape_cast %get3A_1288 : vector<1x1x16xf32> to vector<16xf32>
        %add3A_1290 = arith.addf %add3A_1281, %get3A_1289 : vector<16xf32>
        %add3A_1291 = arith.constant 5 : i32
        %add3A_1292 = arith.addi %mul3A_1061, %add3A_1291 : i32
        %get3A_1293 = arith.constant 0 : i32
        %get3A_1294 = arith.index_cast %get3A_1293 : i32 to index
        %get3A_1295 = arith.index_cast %add3A_1292 : i32 to index
        %get3A_1296 = arith.constant 16 : index
        %get3A_1297 = tpu.vector_load %arg6[%get3A_1294, %get3A_1295, %get3A_1296] {strides = array<i32>} : memref<2x640x64xf32, #tpu.memory_space<vmem>>, vector<1x1x16xf32>,
        %get3A_1298 = vector.shape_cast %get3A_1297 : vector<1x1x16xf32> to vector<16xf32>
        %add3A_1299 = arith.addf %add3A_1290, %get3A_1298 : vector<16xf32>
        %add3A_1300 = arith.constant 6 : i32
        %add3A_1301 = arith.addi %mul3A_1061, %add3A_1300 : i32
        %get3A_1302 = arith.constant 0 : i32
        %get3A_1303 = arith.index_cast %get3A_1302 : i32 to index
        %get3A_1304 = arith.index_cast %add3A_1301 : i32 to index
        %get3A_1305 = arith.constant 16 : index
        %get3A_1306 = tpu.vector_load %arg6[%get3A_1303, %get3A_1304, %get3A_1305] {strides = array<i32>} : memref<2x640x64xf32, #tpu.memory_space<vmem>>, vector<1x1x16xf32>,
        %get3A_1307 = vector.shape_cast %get3A_1306 : vector<1x1x16xf32> to vector<16xf32>
        %add3A_1308 = arith.addf %add3A_1299, %get3A_1307 : vector<16xf32>
        %add3A_1309 = arith.constant 7 : i32
        %add3A_1310 = arith.addi %mul3A_1061, %add3A_1309 : i32
        %get3A_1311 = arith.constant 0 : i32
        %get3A_1312 = arith.index_cast %get3A_1311 : i32 to index
        %get3A_1313 = arith.index_cast %add3A_1310 : i32 to index
        %get3A_1314 = arith.constant 16 : index
        %get3A_1315 = tpu.vector_load %arg6[%get3A_1312, %get3A_1313, %get3A_1314] {strides = array<i32>} : memref<2x640x64xf32, #tpu.memory_space<vmem>>, vector<1x1x16xf32>,
        %get3A_1316 = vector.shape_cast %get3A_1315 : vector<1x1x16xf32> to vector<16xf32>
        %add3A_1317 = arith.addf %add3A_1308, %get3A_1316 : vector<16xf32>
        %add3A_1318 = arith.constant 8 : i32
        %add3A_1319 = arith.addi %mul3A_1061, %add3A_1318 : i32
        %get3A_1320 = arith.constant 0 : i32
        %get3A_1321 = arith.index_cast %get3A_1320 : i32 to index
        %get3A_1322 = arith.index_cast %add3A_1319 : i32 to index
        %get3A_1323 = arith.constant 16 : index
        %get3A_1324 = tpu.vector_load %arg6[%get3A_1321, %get3A_1322, %get3A_1323] {strides = array<i32>} : memref<2x640x64xf32, #tpu.memory_space<vmem>>, vector<1x1x16xf32>,
        %get3A_1325 = vector.shape_cast %get3A_1324 : vector<1x1x16xf32> to vector<16xf32>
        %add3A_1326 = arith.addf %add3A_1317, %get3A_1325 : vector<16xf32>
        %add3A_1327 = arith.constant 9 : i32
        %add3A_1328 = arith.addi %mul3A_1061, %add3A_1327 : i32
        %get3A_1329 = arith.constant 0 : i32
        %get3A_1330 = arith.index_cast %get3A_1329 : i32 to index
        %get3A_1331 = arith.index_cast %add3A_1328 : i32 to index
        %get3A_1332 = arith.constant 16 : index
        %get3A_1333 = tpu.vector_load %arg6[%get3A_1330, %get3A_1331, %get3A_1332] {strides = array<i32>} : memref<2x640x64xf32, #tpu.memory_space<vmem>>, vector<1x1x16xf32>,
        %get3A_1334 = vector.shape_cast %get3A_1333 : vector<1x1x16xf32> to vector<16xf32>
        %add3A_1335 = arith.addf %add3A_1326, %get3A_1334 : vector<16xf32>
        %add3A_1336 = arith.constant 10 : i32
        %add3A_1337 = arith.addi %mul3A_1061, %add3A_1336 : i32
        %get3A_1338 = arith.constant 0 : i32
        %get3A_1339 = arith.index_cast %get3A_1338 : i32 to index
        %get3A_1340 = arith.index_cast %add3A_1337 : i32 to index
        %get3A_1341 = arith.constant 16 : index
        %get3A_1342 = tpu.vector_load %arg6[%get3A_1339, %get3A_1340, %get3A_1341] {strides = array<i32>} : memref<2x640x64xf32, #tpu.memory_space<vmem>>, vector<1x1x16xf32>,
        %get3A_1343 = vector.shape_cast %get3A_1342 : vector<1x1x16xf32> to vector<16xf32>
        %add3A_1344 = arith.addf %add3A_1335, %get3A_1343 : vector<16xf32>
        %add3A_1345 = arith.constant 11 : i32
        %add3A_1346 = arith.addi %mul3A_1061, %add3A_1345 : i32
        %get3A_1347 = arith.constant 0 : i32
        %get3A_1348 = arith.index_cast %get3A_1347 : i32 to index
        %get3A_1349 = arith.index_cast %add3A_1346 : i32 to index
        %get3A_1350 = arith.constant 16 : index
        %get3A_1351 = tpu.vector_load %arg6[%get3A_1348, %get3A_1349, %get3A_1350] {strides = array<i32>} : memref<2x640x64xf32, #tpu.memory_space<vmem>>, vector<1x1x16xf32>,
        %get3A_1352 = vector.shape_cast %get3A_1351 : vector<1x1x16xf32> to vector<16xf32>
        %add3A_1353 = arith.addf %add3A_1344, %get3A_1352 : vector<16xf32>
        %add3A_1354 = arith.constant 12 : i32
        %add3A_1355 = arith.addi %mul3A_1061, %add3A_1354 : i32
        %get3A_1356 = arith.constant 0 : i32
        %get3A_1357 = arith.index_cast %get3A_1356 : i32 to index
        %get3A_1358 = arith.index_cast %add3A_1355 : i32 to index
        %get3A_1359 = arith.constant 16 : index
        %get3A_1360 = tpu.vector_load %arg6[%get3A_1357, %get3A_1358, %get3A_1359] {strides = array<i32>} : memref<2x640x64xf32, #tpu.memory_space<vmem>>, vector<1x1x16xf32>,
        %get3A_1361 = vector.shape_cast %get3A_1360 : vector<1x1x16xf32> to vector<16xf32>
        %add3A_1362 = arith.addf %add3A_1353, %get3A_1361 : vector<16xf32>
        %add3A_1363 = arith.constant 13 : i32
        %add3A_1364 = arith.addi %mul3A_1061, %add3A_1363 : i32
        %get3A_1365 = arith.constant 0 : i32
        %get3A_1366 = arith.index_cast %get3A_1365 : i32 to index
        %get3A_1367 = arith.index_cast %add3A_1364 : i32 to index
        %get3A_1368 = arith.constant 16 : index
        %get3A_1369 = tpu.vector_load %arg6[%get3A_1366, %get3A_1367, %get3A_1368] {strides = array<i32>} : memref<2x640x64xf32, #tpu.memory_space<vmem>>, vector<1x1x16xf32>,
        %get3A_1370 = vector.shape_cast %get3A_1369 : vector<1x1x16xf32> to vector<16xf32>
        %add3A_1371 = arith.addf %add3A_1362, %get3A_1370 : vector<16xf32>
        %add3A_1372 = arith.constant 14 : i32
        %add3A_1373 = arith.addi %mul3A_1061, %add3A_1372 : i32
        %get3A_1374 = arith.constant 0 : i32
        %get3A_1375 = arith.index_cast %get3A_1374 : i32 to index
        %get3A_1376 = arith.index_cast %add3A_1373 : i32 to index
        %get3A_1377 = arith.constant 16 : index
        %get3A_1378 = tpu.vector_load %arg6[%get3A_1375, %get3A_1376, %get3A_1377] {strides = array<i32>} : memref<2x640x64xf32, #tpu.memory_space<vmem>>, vector<1x1x16xf32>,
        %get3A_1379 = vector.shape_cast %get3A_1378 : vector<1x1x16xf32> to vector<16xf32>
        %add3A_1380 = arith.addf %add3A_1371, %get3A_1379 : vector<16xf32>
        %add3A_1381 = arith.constant 15 : i32
        %add3A_1382 = arith.addi %mul3A_1061, %add3A_1381 : i32
        %get3A_1383 = arith.constant 0 : i32
        %get3A_1384 = arith.index_cast %get3A_1383 : i32 to index
        %get3A_1385 = arith.index_cast %add3A_1382 : i32 to index
        %get3A_1386 = arith.constant 16 : index
        %get3A_1387 = tpu.vector_load %arg6[%get3A_1384, %get3A_1385, %get3A_1386] {strides = array<i32>} : memref<2x640x64xf32, #tpu.memory_space<vmem>>, vector<1x1x16xf32>,
        %get3A_1388 = vector.shape_cast %get3A_1387 : vector<1x1x16xf32> to vector<16xf32>
        %add3A_1389 = arith.addf %add3A_1380, %get3A_1388 : vector<16xf32>
        %add3A_1390 = arith.constant 16 : i32
        %add3A_1391 = arith.addi %mul3A_1061, %add3A_1390 : i32
        %get3A_1392 = arith.constant 0 : i32
        %get3A_1393 = arith.index_cast %get3A_1392 : i32 to index
        %get3A_1394 = arith.index_cast %add3A_1391 : i32 to index
        %get3A_1395 = arith.constant 16 : index
        %get3A_1396 = tpu.vector_load %arg6[%get3A_1393, %get3A_1394, %get3A_1395] {strides = array<i32>} : memref<2x640x64xf32, #tpu.memory_space<vmem>>, vector<1x1x16xf32>,
        %get3A_1397 = vector.shape_cast %get3A_1396 : vector<1x1x16xf32> to vector<16xf32>
        %add3A_1398 = arith.addf %add3A_1389, %get3A_1397 : vector<16xf32>
        %add3A_1399 = arith.constant 17 : i32
        %add3A_1400 = arith.addi %mul3A_1061, %add3A_1399 : i32
        %get3A_1401 = arith.constant 0 : i32
        %get3A_1402 = arith.index_cast %get3A_1401 : i32 to index
        %get3A_1403 = arith.index_cast %add3A_1400 : i32 to index
        %get3A_1404 = arith.constant 16 : index
        %get3A_1405 = tpu.vector_load %arg6[%get3A_1402, %get3A_1403, %get3A_1404] {strides = array<i32>} : memref<2x640x64xf32, #tpu.memory_space<vmem>>, vector<1x1x16xf32>,
        %get3A_1406 = vector.shape_cast %get3A_1405 : vector<1x1x16xf32> to vector<16xf32>
        %add3A_1407 = arith.addf %add3A_1398, %get3A_1406 : vector<16xf32>
        %add3A_1408 = arith.constant 18 : i32
        %add3A_1409 = arith.addi %mul3A_1061, %add3A_1408 : i32
        %get3A_1410 = arith.constant 0 : i32
        %get3A_1411 = arith.index_cast %get3A_1410 : i32 to index
        %get3A_1412 = arith.index_cast %add3A_1409 : i32 to index
        %get3A_1413 = arith.constant 16 : index
        %get3A_1414 = tpu.vector_load %arg6[%get3A_1411, %get3A_1412, %get3A_1413] {strides = array<i32>} : memref<2x640x64xf32, #tpu.memory_space<vmem>>, vector<1x1x16xf32>,
        %get3A_1415 = vector.shape_cast %get3A_1414 : vector<1x1x16xf32> to vector<16xf32>
        %add3A_1416 = arith.addf %add3A_1407, %get3A_1415 : vector<16xf32>
        %add3A_1417 = arith.constant 19 : i32
        %add3A_1418 = arith.addi %mul3A_1061, %add3A_1417 : i32
        %get3A_1419 = arith.constant 0 : i32
        %get3A_1420 = arith.index_cast %get3A_1419 : i32 to index
        %get3A_1421 = arith.index_cast %add3A_1418 : i32 to index
        %get3A_1422 = arith.constant 16 : index
        %get3A_1423 = tpu.vector_load %arg6[%get3A_1420, %get3A_1421, %get3A_1422] {strides = array<i32>} : memref<2x640x64xf32, #tpu.memory_space<vmem>>, vector<1x1x16xf32>,
        %get3A_1424 = vector.shape_cast %get3A_1423 : vector<1x1x16xf32> to vector<16xf32>
        %add3A_1425 = arith.addf %add3A_1416, %get3A_1424 : vector<16xf32>
        %mul3A_1426 = arith.constant 2 : i32
        %mul3A_1427 = arith.muli %mul3A_1426, %scan3A_303 : i32
        %add3A_1428 = arith.constant 1 : i32
        %add3A_1429 = arith.addi %mul3A_1427, %add3A_1428 : i32
        %swap3A_1430 = arith.index_cast %select_n3A_163 : i32 to index
        %swap3A_1431 = arith.index_cast %add3A_1429 : i32 to index
        %swap3A_1432 = arith.constant 16 : index
        %swap3A_1433 = tpu.vector_load %arg7[%swap3A_1430, %swap3A_1431, %swap3A_1432] {strides = array<i32>} : memref<2x32x128xf32, #tpu.memory_space<vmem>>, vector<1x1x16xf32>,
        %swap3A_1434 = vector.shape_cast %swap3A_1433 : vector<1x1x16xf32> to vector<16xf32>
        %swap3A_1435 = vector.shape_cast %add3A_1425 : vector<16xf32> to vector<1x1x16xf32>
        tpu.vector_store %arg7[%swap3A_1430, %swap3A_1431, %swap3A_1432], %swap3A_1435 {strides = array<i32>} : memref<2x32x128xf32, #tpu.memory_space<vmem>>, vector<1x1x16xf32>,
        %get3A_1436 = arith.constant 0 : i32
        %get3A_1437 = arith.index_cast %get3A_1436 : i32 to index
        %get3A_1438 = arith.index_cast %mul3A_1061 : i32 to index
        %get3A_1439 = arith.constant 32 : index
        %get3A_1440 = tpu.vector_load %arg6[%get3A_1437, %get3A_1438, %get3A_1439] {strides = array<i32>} : memref<2x640x64xf32, #tpu.memory_space<vmem>>, vector<1x1x16xf32>,
        %get3A_1441 = vector.shape_cast %get3A_1440 : vector<1x1x16xf32> to vector<16xf32>
        %add3A_1442 = arith.constant 1 : i32
        %add3A_1443 = arith.addi %mul3A_1061, %add3A_1442 : i32
        %get3A_1444 = arith.constant 0 : i32
        %get3A_1445 = arith.index_cast %get3A_1444 : i32 to index
        %get3A_1446 = arith.index_cast %add3A_1443 : i32 to index
        %get3A_1447 = arith.constant 32 : index
        %get3A_1448 = tpu.vector_load %arg6[%get3A_1445, %get3A_1446, %get3A_1447] {strides = array<i32>} : memref<2x640x64xf32, #tpu.memory_space<vmem>>, vector<1x1x16xf32>,
        %get3A_1449 = vector.shape_cast %get3A_1448 : vector<1x1x16xf32> to vector<16xf32>
        %add3A_1450 = arith.addf %get3A_1441, %get3A_1449 : vector<16xf32>
        %add3A_1451 = arith.constant 2 : i32
        %add3A_1452 = arith.addi %mul3A_1061, %add3A_1451 : i32
        %get3A_1453 = arith.constant 0 : i32
        %get3A_1454 = arith.index_cast %get3A_1453 : i32 to index
        %get3A_1455 = arith.index_cast %add3A_1452 : i32 to index
        %get3A_1456 = arith.constant 32 : index
        %get3A_1457 = tpu.vector_load %arg6[%get3A_1454, %get3A_1455, %get3A_1456] {strides = array<i32>} : memref<2x640x64xf32, #tpu.memory_space<vmem>>, vector<1x1x16xf32>,
        %get3A_1458 = vector.shape_cast %get3A_1457 : vector<1x1x16xf32> to vector<16xf32>
        %add3A_1459 = arith.addf %add3A_1450, %get3A_1458 : vector<16xf32>
        %add3A_1460 = arith.constant 3 : i32
        %add3A_1461 = arith.addi %mul3A_1061, %add3A_1460 : i32
        %get3A_1462 = arith.constant 0 : i32
        %get3A_1463 = arith.index_cast %get3A_1462 : i32 to index
        %get3A_1464 = arith.index_cast %add3A_1461 : i32 to index
        %get3A_1465 = arith.constant 32 : index
        %get3A_1466 = tpu.vector_load %arg6[%get3A_1463, %get3A_1464, %get3A_1465] {strides = array<i32>} : memref<2x640x64xf32, #tpu.memory_space<vmem>>, vector<1x1x16xf32>,
        %get3A_1467 = vector.shape_cast %get3A_1466 : vector<1x1x16xf32> to vector<16xf32>
        %add3A_1468 = arith.addf %add3A_1459, %get3A_1467 : vector<16xf32>
        %add3A_1469 = arith.constant 4 : i32
        %add3A_1470 = arith.addi %mul3A_1061, %add3A_1469 : i32
        %get3A_1471 = arith.constant 0 : i32
        %get3A_1472 = arith.index_cast %get3A_1471 : i32 to index
        %get3A_1473 = arith.index_cast %add3A_1470 : i32 to index
        %get3A_1474 = arith.constant 32 : index
        %get3A_1475 = tpu.vector_load %arg6[%get3A_1472, %get3A_1473, %get3A_1474] {strides = array<i32>} : memref<2x640x64xf32, #tpu.memory_space<vmem>>, vector<1x1x16xf32>,
        %get3A_1476 = vector.shape_cast %get3A_1475 : vector<1x1x16xf32> to vector<16xf32>
        %add3A_1477 = arith.addf %add3A_1468, %get3A_1476 : vector<16xf32>
        %add3A_1478 = arith.constant 5 : i32
        %add3A_1479 = arith.addi %mul3A_1061, %add3A_1478 : i32
        %get3A_1480 = arith.constant 0 : i32
        %get3A_1481 = arith.index_cast %get3A_1480 : i32 to index
        %get3A_1482 = arith.index_cast %add3A_1479 : i32 to index
        %get3A_1483 = arith.constant 32 : index
        %get3A_1484 = tpu.vector_load %arg6[%get3A_1481, %get3A_1482, %get3A_1483] {strides = array<i32>} : memref<2x640x64xf32, #tpu.memory_space<vmem>>, vector<1x1x16xf32>,
        %get3A_1485 = vector.shape_cast %get3A_1484 : vector<1x1x16xf32> to vector<16xf32>
        %add3A_1486 = arith.addf %add3A_1477, %get3A_1485 : vector<16xf32>
        %add3A_1487 = arith.constant 6 : i32
        %add3A_1488 = arith.addi %mul3A_1061, %add3A_1487 : i32
        %get3A_1489 = arith.constant 0 : i32
        %get3A_1490 = arith.index_cast %get3A_1489 : i32 to index
        %get3A_1491 = arith.index_cast %add3A_1488 : i32 to index
        %get3A_1492 = arith.constant 32 : index
        %get3A_1493 = tpu.vector_load %arg6[%get3A_1490, %get3A_1491, %get3A_1492] {strides = array<i32>} : memref<2x640x64xf32, #tpu.memory_space<vmem>>, vector<1x1x16xf32>,
        %get3A_1494 = vector.shape_cast %get3A_1493 : vector<1x1x16xf32> to vector<16xf32>
        %add3A_1495 = arith.addf %add3A_1486, %get3A_1494 : vector<16xf32>
        %add3A_1496 = arith.constant 7 : i32
        %add3A_1497 = arith.addi %mul3A_1061, %add3A_1496 : i32
        %get3A_1498 = arith.constant 0 : i32
        %get3A_1499 = arith.index_cast %get3A_1498 : i32 to index
        %get3A_1500 = arith.index_cast %add3A_1497 : i32 to index
        %get3A_1501 = arith.constant 32 : index
        %get3A_1502 = tpu.vector_load %arg6[%get3A_1499, %get3A_1500, %get3A_1501] {strides = array<i32>} : memref<2x640x64xf32, #tpu.memory_space<vmem>>, vector<1x1x16xf32>,
        %get3A_1503 = vector.shape_cast %get3A_1502 : vector<1x1x16xf32> to vector<16xf32>
        %add3A_1504 = arith.addf %add3A_1495, %get3A_1503 : vector<16xf32>
        %add3A_1505 = arith.constant 8 : i32
        %add3A_1506 = arith.addi %mul3A_1061, %add3A_1505 : i32
        %get3A_1507 = arith.constant 0 : i32
        %get3A_1508 = arith.index_cast %get3A_1507 : i32 to index
        %get3A_1509 = arith.index_cast %add3A_1506 : i32 to index
        %get3A_1510 = arith.constant 32 : index
        %get3A_1511 = tpu.vector_load %arg6[%get3A_1508, %get3A_1509, %get3A_1510] {strides = array<i32>} : memref<2x640x64xf32, #tpu.memory_space<vmem>>, vector<1x1x16xf32>,
        %get3A_1512 = vector.shape_cast %get3A_1511 : vector<1x1x16xf32> to vector<16xf32>
        %add3A_1513 = arith.addf %add3A_1504, %get3A_1512 : vector<16xf32>
        %add3A_1514 = arith.constant 9 : i32
        %add3A_1515 = arith.addi %mul3A_1061, %add3A_1514 : i32
        %get3A_1516 = arith.constant 0 : i32
        %get3A_1517 = arith.index_cast %get3A_1516 : i32 to index
        %get3A_1518 = arith.index_cast %add3A_1515 : i32 to index
        %get3A_1519 = arith.constant 32 : index
        %get3A_1520 = tpu.vector_load %arg6[%get3A_1517, %get3A_1518, %get3A_1519] {strides = array<i32>} : memref<2x640x64xf32, #tpu.memory_space<vmem>>, vector<1x1x16xf32>,
        %get3A_1521 = vector.shape_cast %get3A_1520 : vector<1x1x16xf32> to vector<16xf32>
        %add3A_1522 = arith.addf %add3A_1513, %get3A_1521 : vector<16xf32>
        %add3A_1523 = arith.constant 10 : i32
        %add3A_1524 = arith.addi %mul3A_1061, %add3A_1523 : i32
        %get3A_1525 = arith.constant 0 : i32
        %get3A_1526 = arith.index_cast %get3A_1525 : i32 to index
        %get3A_1527 = arith.index_cast %add3A_1524 : i32 to index
        %get3A_1528 = arith.constant 32 : index
        %get3A_1529 = tpu.vector_load %arg6[%get3A_1526, %get3A_1527, %get3A_1528] {strides = array<i32>} : memref<2x640x64xf32, #tpu.memory_space<vmem>>, vector<1x1x16xf32>,
        %get3A_1530 = vector.shape_cast %get3A_1529 : vector<1x1x16xf32> to vector<16xf32>
        %add3A_1531 = arith.addf %add3A_1522, %get3A_1530 : vector<16xf32>
        %add3A_1532 = arith.constant 11 : i32
        %add3A_1533 = arith.addi %mul3A_1061, %add3A_1532 : i32
        %get3A_1534 = arith.constant 0 : i32
        %get3A_1535 = arith.index_cast %get3A_1534 : i32 to index
        %get3A_1536 = arith.index_cast %add3A_1533 : i32 to index
        %get3A_1537 = arith.constant 32 : index
        %get3A_1538 = tpu.vector_load %arg6[%get3A_1535, %get3A_1536, %get3A_1537] {strides = array<i32>} : memref<2x640x64xf32, #tpu.memory_space<vmem>>, vector<1x1x16xf32>,
        %get3A_1539 = vector.shape_cast %get3A_1538 : vector<1x1x16xf32> to vector<16xf32>
        %add3A_1540 = arith.addf %add3A_1531, %get3A_1539 : vector<16xf32>
        %add3A_1541 = arith.constant 12 : i32
        %add3A_1542 = arith.addi %mul3A_1061, %add3A_1541 : i32
        %get3A_1543 = arith.constant 0 : i32
        %get3A_1544 = arith.index_cast %get3A_1543 : i32 to index
        %get3A_1545 = arith.index_cast %add3A_1542 : i32 to index
        %get3A_1546 = arith.constant 32 : index
        %get3A_1547 = tpu.vector_load %arg6[%get3A_1544, %get3A_1545, %get3A_1546] {strides = array<i32>} : memref<2x640x64xf32, #tpu.memory_space<vmem>>, vector<1x1x16xf32>,
        %get3A_1548 = vector.shape_cast %get3A_1547 : vector<1x1x16xf32> to vector<16xf32>
        %add3A_1549 = arith.addf %add3A_1540, %get3A_1548 : vector<16xf32>
        %add3A_1550 = arith.constant 13 : i32
        %add3A_1551 = arith.addi %mul3A_1061, %add3A_1550 : i32
        %get3A_1552 = arith.constant 0 : i32
        %get3A_1553 = arith.index_cast %get3A_1552 : i32 to index
        %get3A_1554 = arith.index_cast %add3A_1551 : i32 to index
        %get3A_1555 = arith.constant 32 : index
        %get3A_1556 = tpu.vector_load %arg6[%get3A_1553, %get3A_1554, %get3A_1555] {strides = array<i32>} : memref<2x640x64xf32, #tpu.memory_space<vmem>>, vector<1x1x16xf32>,
        %get3A_1557 = vector.shape_cast %get3A_1556 : vector<1x1x16xf32> to vector<16xf32>
        %add3A_1558 = arith.addf %add3A_1549, %get3A_1557 : vector<16xf32>
        %add3A_1559 = arith.constant 14 : i32
        %add3A_1560 = arith.addi %mul3A_1061, %add3A_1559 : i32
        %get3A_1561 = arith.constant 0 : i32
        %get3A_1562 = arith.index_cast %get3A_1561 : i32 to index
        %get3A_1563 = arith.index_cast %add3A_1560 : i32 to index
        %get3A_1564 = arith.constant 32 : index
        %get3A_1565 = tpu.vector_load %arg6[%get3A_1562, %get3A_1563, %get3A_1564] {strides = array<i32>} : memref<2x640x64xf32, #tpu.memory_space<vmem>>, vector<1x1x16xf32>,
        %get3A_1566 = vector.shape_cast %get3A_1565 : vector<1x1x16xf32> to vector<16xf32>
        %add3A_1567 = arith.addf %add3A_1558, %get3A_1566 : vector<16xf32>
        %add3A_1568 = arith.constant 15 : i32
        %add3A_1569 = arith.addi %mul3A_1061, %add3A_1568 : i32
        %get3A_1570 = arith.constant 0 : i32
        %get3A_1571 = arith.index_cast %get3A_1570 : i32 to index
        %get3A_1572 = arith.index_cast %add3A_1569 : i32 to index
        %get3A_1573 = arith.constant 32 : index
        %get3A_1574 = tpu.vector_load %arg6[%get3A_1571, %get3A_1572, %get3A_1573] {strides = array<i32>} : memref<2x640x64xf32, #tpu.memory_space<vmem>>, vector<1x1x16xf32>,
        %get3A_1575 = vector.shape_cast %get3A_1574 : vector<1x1x16xf32> to vector<16xf32>
        %add3A_1576 = arith.addf %add3A_1567, %get3A_1575 : vector<16xf32>
        %add3A_1577 = arith.constant 16 : i32
        %add3A_1578 = arith.addi %mul3A_1061, %add3A_1577 : i32
        %get3A_1579 = arith.constant 0 : i32
        %get3A_1580 = arith.index_cast %get3A_1579 : i32 to index
        %get3A_1581 = arith.index_cast %add3A_1578 : i32 to index
        %get3A_1582 = arith.constant 32 : index
        %get3A_1583 = tpu.vector_load %arg6[%get3A_1580, %get3A_1581, %get3A_1582] {strides = array<i32>} : memref<2x640x64xf32, #tpu.memory_space<vmem>>, vector<1x1x16xf32>,
        %get3A_1584 = vector.shape_cast %get3A_1583 : vector<1x1x16xf32> to vector<16xf32>
        %add3A_1585 = arith.addf %add3A_1576, %get3A_1584 : vector<16xf32>
        %add3A_1586 = arith.constant 17 : i32
        %add3A_1587 = arith.addi %mul3A_1061, %add3A_1586 : i32
        %get3A_1588 = arith.constant 0 : i32
        %get3A_1589 = arith.index_cast %get3A_1588 : i32 to index
        %get3A_1590 = arith.index_cast %add3A_1587 : i32 to index
        %get3A_1591 = arith.constant 32 : index
        %get3A_1592 = tpu.vector_load %arg6[%get3A_1589, %get3A_1590, %get3A_1591] {strides = array<i32>} : memref<2x640x64xf32, #tpu.memory_space<vmem>>, vector<1x1x16xf32>,
        %get3A_1593 = vector.shape_cast %get3A_1592 : vector<1x1x16xf32> to vector<16xf32>
        %add3A_1594 = arith.addf %add3A_1585, %get3A_1593 : vector<16xf32>
        %add3A_1595 = arith.constant 18 : i32
        %add3A_1596 = arith.addi %mul3A_1061, %add3A_1595 : i32
        %get3A_1597 = arith.constant 0 : i32
        %get3A_1598 = arith.index_cast %get3A_1597 : i32 to index
        %get3A_1599 = arith.index_cast %add3A_1596 : i32 to index
        %get3A_1600 = arith.constant 32 : index
        %get3A_1601 = tpu.vector_load %arg6[%get3A_1598, %get3A_1599, %get3A_1600] {strides = array<i32>} : memref<2x640x64xf32, #tpu.memory_space<vmem>>, vector<1x1x16xf32>,
        %get3A_1602 = vector.shape_cast %get3A_1601 : vector<1x1x16xf32> to vector<16xf32>
        %add3A_1603 = arith.addf %add3A_1594, %get3A_1602 : vector<16xf32>
        %add3A_1604 = arith.constant 19 : i32
        %add3A_1605 = arith.addi %mul3A_1061, %add3A_1604 : i32
        %get3A_1606 = arith.constant 0 : i32
        %get3A_1607 = arith.index_cast %get3A_1606 : i32 to index
        %get3A_1608 = arith.index_cast %add3A_1605 : i32 to index
        %get3A_1609 = arith.constant 32 : index
        %get3A_1610 = tpu.vector_load %arg6[%get3A_1607, %get3A_1608, %get3A_1609] {strides = array<i32>} : memref<2x640x64xf32, #tpu.memory_space<vmem>>, vector<1x1x16xf32>,
        %get3A_1611 = vector.shape_cast %get3A_1610 : vector<1x1x16xf32> to vector<16xf32>
        %add3A_1612 = arith.addf %add3A_1603, %get3A_1611 : vector<16xf32>
        %mul3A_1613 = arith.constant 2 : i32
        %mul3A_1614 = arith.muli %mul3A_1613, %scan3A_303 : i32
        %add3A_1615 = arith.constant 1 : i32
        %add3A_1616 = arith.addi %mul3A_1614, %add3A_1615 : i32
        %swap3A_1617 = arith.index_cast %select_n3A_163 : i32 to index
        %swap3A_1618 = arith.index_cast %add3A_1616 : i32 to index
        %swap3A_1619 = arith.constant 32 : index
        %swap3A_1620 = tpu.vector_load %arg7[%swap3A_1617, %swap3A_1618, %swap3A_1619] {strides = array<i32>} : memref<2x32x128xf32, #tpu.memory_space<vmem>>, vector<1x1x16xf32>,
        %swap3A_1621 = vector.shape_cast %swap3A_1620 : vector<1x1x16xf32> to vector<16xf32>
        %swap3A_1622 = vector.shape_cast %add3A_1612 : vector<16xf32> to vector<1x1x16xf32>
        tpu.vector_store %arg7[%swap3A_1617, %swap3A_1618, %swap3A_1619], %swap3A_1622 {strides = array<i32>} : memref<2x32x128xf32, #tpu.memory_space<vmem>>, vector<1x1x16xf32>,
        %get3A_1623 = arith.constant 0 : i32
        %get3A_1624 = arith.index_cast %get3A_1623 : i32 to index
        %get3A_1625 = arith.index_cast %mul3A_1061 : i32 to index
        %get3A_1626 = arith.constant 48 : index
        %get3A_1627 = tpu.vector_load %arg6[%get3A_1624, %get3A_1625, %get3A_1626] {strides = array<i32>} : memref<2x640x64xf32, #tpu.memory_space<vmem>>, vector<1x1x16xf32>,
        %get3A_1628 = vector.shape_cast %get3A_1627 : vector<1x1x16xf32> to vector<16xf32>
        %add3A_1629 = arith.constant 1 : i32
        %add3A_1630 = arith.addi %mul3A_1061, %add3A_1629 : i32
        %get3A_1631 = arith.constant 0 : i32
        %get3A_1632 = arith.index_cast %get3A_1631 : i32 to index
        %get3A_1633 = arith.index_cast %add3A_1630 : i32 to index
        %get3A_1634 = arith.constant 48 : index
        %get3A_1635 = tpu.vector_load %arg6[%get3A_1632, %get3A_1633, %get3A_1634] {strides = array<i32>} : memref<2x640x64xf32, #tpu.memory_space<vmem>>, vector<1x1x16xf32>,
        %get3A_1636 = vector.shape_cast %get3A_1635 : vector<1x1x16xf32> to vector<16xf32>
        %add3A_1637 = arith.addf %get3A_1628, %get3A_1636 : vector<16xf32>
        %add3A_1638 = arith.constant 2 : i32
        %add3A_1639 = arith.addi %mul3A_1061, %add3A_1638 : i32
        %get3A_1640 = arith.constant 0 : i32
        %get3A_1641 = arith.index_cast %get3A_1640 : i32 to index
        %get3A_1642 = arith.index_cast %add3A_1639 : i32 to index
        %get3A_1643 = arith.constant 48 : index
        %get3A_1644 = tpu.vector_load %arg6[%get3A_1641, %get3A_1642, %get3A_1643] {strides = array<i32>} : memref<2x640x64xf32, #tpu.memory_space<vmem>>, vector<1x1x16xf32>,
        %get3A_1645 = vector.shape_cast %get3A_1644 : vector<1x1x16xf32> to vector<16xf32>
        %add3A_1646 = arith.addf %add3A_1637, %get3A_1645 : vector<16xf32>
        %add3A_1647 = arith.constant 3 : i32
        %add3A_1648 = arith.addi %mul3A_1061, %add3A_1647 : i32
        %get3A_1649 = arith.constant 0 : i32
        %get3A_1650 = arith.index_cast %get3A_1649 : i32 to index
        %get3A_1651 = arith.index_cast %add3A_1648 : i32 to index
        %get3A_1652 = arith.constant 48 : index
        %get3A_1653 = tpu.vector_load %arg6[%get3A_1650, %get3A_1651, %get3A_1652] {strides = array<i32>} : memref<2x640x64xf32, #tpu.memory_space<vmem>>, vector<1x1x16xf32>,
        %get3A_1654 = vector.shape_cast %get3A_1653 : vector<1x1x16xf32> to vector<16xf32>
        %add3A_1655 = arith.addf %add3A_1646, %get3A_1654 : vector<16xf32>
        %add3A_1656 = arith.constant 4 : i32
        %add3A_1657 = arith.addi %mul3A_1061, %add3A_1656 : i32
        %get3A_1658 = arith.constant 0 : i32
        %get3A_1659 = arith.index_cast %get3A_1658 : i32 to index
        %get3A_1660 = arith.index_cast %add3A_1657 : i32 to index
        %get3A_1661 = arith.constant 48 : index
        %get3A_1662 = tpu.vector_load %arg6[%get3A_1659, %get3A_1660, %get3A_1661] {strides = array<i32>} : memref<2x640x64xf32, #tpu.memory_space<vmem>>, vector<1x1x16xf32>,
        %get3A_1663 = vector.shape_cast %get3A_1662 : vector<1x1x16xf32> to vector<16xf32>
        %add3A_1664 = arith.addf %add3A_1655, %get3A_1663 : vector<16xf32>
        %add3A_1665 = arith.constant 5 : i32
        %add3A_1666 = arith.addi %mul3A_1061, %add3A_1665 : i32
        %get3A_1667 = arith.constant 0 : i32
        %get3A_1668 = arith.index_cast %get3A_1667 : i32 to index
        %get3A_1669 = arith.index_cast %add3A_1666 : i32 to index
        %get3A_1670 = arith.constant 48 : index
        %get3A_1671 = tpu.vector_load %arg6[%get3A_1668, %get3A_1669, %get3A_1670] {strides = array<i32>} : memref<2x640x64xf32, #tpu.memory_space<vmem>>, vector<1x1x16xf32>,
        %get3A_1672 = vector.shape_cast %get3A_1671 : vector<1x1x16xf32> to vector<16xf32>
        %add3A_1673 = arith.addf %add3A_1664, %get3A_1672 : vector<16xf32>
        %add3A_1674 = arith.constant 6 : i32
        %add3A_1675 = arith.addi %mul3A_1061, %add3A_1674 : i32
        %get3A_1676 = arith.constant 0 : i32
        %get3A_1677 = arith.index_cast %get3A_1676 : i32 to index
        %get3A_1678 = arith.index_cast %add3A_1675 : i32 to index
        %get3A_1679 = arith.constant 48 : index
        %get3A_1680 = tpu.vector_load %arg6[%get3A_1677, %get3A_1678, %get3A_1679] {strides = array<i32>} : memref<2x640x64xf32, #tpu.memory_space<vmem>>, vector<1x1x16xf32>,
        %get3A_1681 = vector.shape_cast %get3A_1680 : vector<1x1x16xf32> to vector<16xf32>
        %add3A_1682 = arith.addf %add3A_1673, %get3A_1681 : vector<16xf32>
        %add3A_1683 = arith.constant 7 : i32
        %add3A_1684 = arith.addi %mul3A_1061, %add3A_1683 : i32
        %get3A_1685 = arith.constant 0 : i32
        %get3A_1686 = arith.index_cast %get3A_1685 : i32 to index
        %get3A_1687 = arith.index_cast %add3A_1684 : i32 to index
        %get3A_1688 = arith.constant 48 : index
        %get3A_1689 = tpu.vector_load %arg6[%get3A_1686, %get3A_1687, %get3A_1688] {strides = array<i32>} : memref<2x640x64xf32, #tpu.memory_space<vmem>>, vector<1x1x16xf32>,
        %get3A_1690 = vector.shape_cast %get3A_1689 : vector<1x1x16xf32> to vector<16xf32>
        %add3A_1691 = arith.addf %add3A_1682, %get3A_1690 : vector<16xf32>
        %add3A_1692 = arith.constant 8 : i32
        %add3A_1693 = arith.addi %mul3A_1061, %add3A_1692 : i32
        %get3A_1694 = arith.constant 0 : i32
        %get3A_1695 = arith.index_cast %get3A_1694 : i32 to index
        %get3A_1696 = arith.index_cast %add3A_1693 : i32 to index
        %get3A_1697 = arith.constant 48 : index
        %get3A_1698 = tpu.vector_load %arg6[%get3A_1695, %get3A_1696, %get3A_1697] {strides = array<i32>} : memref<2x640x64xf32, #tpu.memory_space<vmem>>, vector<1x1x16xf32>,
        %get3A_1699 = vector.shape_cast %get3A_1698 : vector<1x1x16xf32> to vector<16xf32>
        %add3A_1700 = arith.addf %add3A_1691, %get3A_1699 : vector<16xf32>
        %add3A_1701 = arith.constant 9 : i32
        %add3A_1702 = arith.addi %mul3A_1061, %add3A_1701 : i32
        %get3A_1703 = arith.constant 0 : i32
        %get3A_1704 = arith.index_cast %get3A_1703 : i32 to index
        %get3A_1705 = arith.index_cast %add3A_1702 : i32 to index
        %get3A_1706 = arith.constant 48 : index
        %get3A_1707 = tpu.vector_load %arg6[%get3A_1704, %get3A_1705, %get3A_1706] {strides = array<i32>} : memref<2x640x64xf32, #tpu.memory_space<vmem>>, vector<1x1x16xf32>,
        %get3A_1708 = vector.shape_cast %get3A_1707 : vector<1x1x16xf32> to vector<16xf32>
        %add3A_1709 = arith.addf %add3A_1700, %get3A_1708 : vector<16xf32>
        %add3A_1710 = arith.constant 10 : i32
        %add3A_1711 = arith.addi %mul3A_1061, %add3A_1710 : i32
        %get3A_1712 = arith.constant 0 : i32
        %get3A_1713 = arith.index_cast %get3A_1712 : i32 to index
        %get3A_1714 = arith.index_cast %add3A_1711 : i32 to index
        %get3A_1715 = arith.constant 48 : index
        %get3A_1716 = tpu.vector_load %arg6[%get3A_1713, %get3A_1714, %get3A_1715] {strides = array<i32>} : memref<2x640x64xf32, #tpu.memory_space<vmem>>, vector<1x1x16xf32>,
        %get3A_1717 = vector.shape_cast %get3A_1716 : vector<1x1x16xf32> to vector<16xf32>
        %add3A_1718 = arith.addf %add3A_1709, %get3A_1717 : vector<16xf32>
        %add3A_1719 = arith.constant 11 : i32
        %add3A_1720 = arith.addi %mul3A_1061, %add3A_1719 : i32
        %get3A_1721 = arith.constant 0 : i32
        %get3A_1722 = arith.index_cast %get3A_1721 : i32 to index
        %get3A_1723 = arith.index_cast %add3A_1720 : i32 to index
        %get3A_1724 = arith.constant 48 : index
        %get3A_1725 = tpu.vector_load %arg6[%get3A_1722, %get3A_1723, %get3A_1724] {strides = array<i32>} : memref<2x640x64xf32, #tpu.memory_space<vmem>>, vector<1x1x16xf32>,
        %get3A_1726 = vector.shape_cast %get3A_1725 : vector<1x1x16xf32> to vector<16xf32>
        %add3A_1727 = arith.addf %add3A_1718, %get3A_1726 : vector<16xf32>
        %add3A_1728 = arith.constant 12 : i32
        %add3A_1729 = arith.addi %mul3A_1061, %add3A_1728 : i32
        %get3A_1730 = arith.constant 0 : i32
        %get3A_1731 = arith.index_cast %get3A_1730 : i32 to index
        %get3A_1732 = arith.index_cast %add3A_1729 : i32 to index
        %get3A_1733 = arith.constant 48 : index
        %get3A_1734 = tpu.vector_load %arg6[%get3A_1731, %get3A_1732, %get3A_1733] {strides = array<i32>} : memref<2x640x64xf32, #tpu.memory_space<vmem>>, vector<1x1x16xf32>,
        %get3A_1735 = vector.shape_cast %get3A_1734 : vector<1x1x16xf32> to vector<16xf32>
        %add3A_1736 = arith.addf %add3A_1727, %get3A_1735 : vector<16xf32>
        %add3A_1737 = arith.constant 13 : i32
        %add3A_1738 = arith.addi %mul3A_1061, %add3A_1737 : i32
        %get3A_1739 = arith.constant 0 : i32
        %get3A_1740 = arith.index_cast %get3A_1739 : i32 to index
        %get3A_1741 = arith.index_cast %add3A_1738 : i32 to index
        %get3A_1742 = arith.constant 48 : index
        %get3A_1743 = tpu.vector_load %arg6[%get3A_1740, %get3A_1741, %get3A_1742] {strides = array<i32>} : memref<2x640x64xf32, #tpu.memory_space<vmem>>, vector<1x1x16xf32>,
        %get3A_1744 = vector.shape_cast %get3A_1743 : vector<1x1x16xf32> to vector<16xf32>
        %add3A_1745 = arith.addf %add3A_1736, %get3A_1744 : vector<16xf32>
        %add3A_1746 = arith.constant 14 : i32
        %add3A_1747 = arith.addi %mul3A_1061, %add3A_1746 : i32
        %get3A_1748 = arith.constant 0 : i32
        %get3A_1749 = arith.index_cast %get3A_1748 : i32 to index
        %get3A_1750 = arith.index_cast %add3A_1747 : i32 to index
        %get3A_1751 = arith.constant 48 : index
        %get3A_1752 = tpu.vector_load %arg6[%get3A_1749, %get3A_1750, %get3A_1751] {strides = array<i32>} : memref<2x640x64xf32, #tpu.memory_space<vmem>>, vector<1x1x16xf32>,
        %get3A_1753 = vector.shape_cast %get3A_1752 : vector<1x1x16xf32> to vector<16xf32>
        %add3A_1754 = arith.addf %add3A_1745, %get3A_1753 : vector<16xf32>
        %add3A_1755 = arith.constant 15 : i32
        %add3A_1756 = arith.addi %mul3A_1061, %add3A_1755 : i32
        %get3A_1757 = arith.constant 0 : i32
        %get3A_1758 = arith.index_cast %get3A_1757 : i32 to index
        %get3A_1759 = arith.index_cast %add3A_1756 : i32 to index
        %get3A_1760 = arith.constant 48 : index
        %get3A_1761 = tpu.vector_load %arg6[%get3A_1758, %get3A_1759, %get3A_1760] {strides = array<i32>} : memref<2x640x64xf32, #tpu.memory_space<vmem>>, vector<1x1x16xf32>,
        %get3A_1762 = vector.shape_cast %get3A_1761 : vector<1x1x16xf32> to vector<16xf32>
        %add3A_1763 = arith.addf %add3A_1754, %get3A_1762 : vector<16xf32>
        %add3A_1764 = arith.constant 16 : i32
        %add3A_1765 = arith.addi %mul3A_1061, %add3A_1764 : i32
        %get3A_1766 = arith.constant 0 : i32
        %get3A_1767 = arith.index_cast %get3A_1766 : i32 to index
        %get3A_1768 = arith.index_cast %add3A_1765 : i32 to index
        %get3A_1769 = arith.constant 48 : index
        %get3A_1770 = tpu.vector_load %arg6[%get3A_1767, %get3A_1768, %get3A_1769] {strides = array<i32>} : memref<2x640x64xf32, #tpu.memory_space<vmem>>, vector<1x1x16xf32>,
        %get3A_1771 = vector.shape_cast %get3A_1770 : vector<1x1x16xf32> to vector<16xf32>
        %add3A_1772 = arith.addf %add3A_1763, %get3A_1771 : vector<16xf32>
        %add3A_1773 = arith.constant 17 : i32
        %add3A_1774 = arith.addi %mul3A_1061, %add3A_1773 : i32
        %get3A_1775 = arith.constant 0 : i32
        %get3A_1776 = arith.index_cast %get3A_1775 : i32 to index
        %get3A_1777 = arith.index_cast %add3A_1774 : i32 to index
        %get3A_1778 = arith.constant 48 : index
        %get3A_1779 = tpu.vector_load %arg6[%get3A_1776, %get3A_1777, %get3A_1778] {strides = array<i32>} : memref<2x640x64xf32, #tpu.memory_space<vmem>>, vector<1x1x16xf32>,
        %get3A_1780 = vector.shape_cast %get3A_1779 : vector<1x1x16xf32> to vector<16xf32>
        %add3A_1781 = arith.addf %add3A_1772, %get3A_1780 : vector<16xf32>
        %add3A_1782 = arith.constant 18 : i32
        %add3A_1783 = arith.addi %mul3A_1061, %add3A_1782 : i32
        %get3A_1784 = arith.constant 0 : i32
        %get3A_1785 = arith.index_cast %get3A_1784 : i32 to index
        %get3A_1786 = arith.index_cast %add3A_1783 : i32 to index
        %get3A_1787 = arith.constant 48 : index
        %get3A_1788 = tpu.vector_load %arg6[%get3A_1785, %get3A_1786, %get3A_1787] {strides = array<i32>} : memref<2x640x64xf32, #tpu.memory_space<vmem>>, vector<1x1x16xf32>,
        %get3A_1789 = vector.shape_cast %get3A_1788 : vector<1x1x16xf32> to vector<16xf32>
        %add3A_1790 = arith.addf %add3A_1781, %get3A_1789 : vector<16xf32>
        %add3A_1791 = arith.constant 19 : i32
        %add3A_1792 = arith.addi %mul3A_1061, %add3A_1791 : i32
        %get3A_1793 = arith.constant 0 : i32
        %get3A_1794 = arith.index_cast %get3A_1793 : i32 to index
        %get3A_1795 = arith.index_cast %add3A_1792 : i32 to index
        %get3A_1796 = arith.constant 48 : index
        %get3A_1797 = tpu.vector_load %arg6[%get3A_1794, %get3A_1795, %get3A_1796] {strides = array<i32>} : memref<2x640x64xf32, #tpu.memory_space<vmem>>, vector<1x1x16xf32>,
        %get3A_1798 = vector.shape_cast %get3A_1797 : vector<1x1x16xf32> to vector<16xf32>
        %add3A_1799 = arith.addf %add3A_1790, %get3A_1798 : vector<16xf32>
        %mul3A_1800 = arith.constant 2 : i32
        %mul3A_1801 = arith.muli %mul3A_1800, %scan3A_303 : i32
        %add3A_1802 = arith.constant 1 : i32
        %add3A_1803 = arith.addi %mul3A_1801, %add3A_1802 : i32
        %swap3A_1804 = arith.index_cast %select_n3A_163 : i32 to index
        %swap3A_1805 = arith.index_cast %add3A_1803 : i32 to index
        %swap3A_1806 = arith.constant 48 : index
        %swap3A_1807 = tpu.vector_load %arg7[%swap3A_1804, %swap3A_1805, %swap3A_1806] {strides = array<i32>} : memref<2x32x128xf32, #tpu.memory_space<vmem>>, vector<1x1x16xf32>,
        %swap3A_1808 = vector.shape_cast %swap3A_1807 : vector<1x1x16xf32> to vector<16xf32>
        %swap3A_1809 = vector.shape_cast %add3A_1799 : vector<16xf32> to vector<1x1x16xf32>
        tpu.vector_store %arg7[%swap3A_1804, %swap3A_1805, %swap3A_1806], %swap3A_1809 {strides = array<i32>} : memref<2x32x128xf32, #tpu.memory_space<vmem>>, vector<1x1x16xf32>,
      }
      %scan3A_173 = arith.constant 16 : i32
      %mul3A_174 = arith.constant 2 : i32
      %mul3A_175 = arith.muli %mul3A_174, %scan3A_127 : i32
      %add3A_176 = arith.constant 1 : i32
      %add3A_177 = arith.addi %mul3A_175, %add3A_176 : i32
      %add3A_178 = arith.constant 1 : i32
      %add3A_179 = arith.addi %add3A_177, %add3A_178 : i32
      %lt3A_180 = arith.constant 104 : i32
      %lt3A_181 = arith.cmpi slt, %add3A_179, %lt3A_180 : i32
      %convert_element_type3A_182 = arith.extui %lt3A_181 : i1 to i32
      %cond3A_183 = arith.constant 0 : i32
      %cond3A_184 = arith.cmpi ne, %convert_element_type3A_182, %cond3A_183 : i32
      scf.if %cond3A_184 {
        %jit3A_303 = arith.constant 8 : i32
        %div3A_304 = arith.divsi %add3A_179, %jit3A_303 : i32
        %sign3A_305 = arith.constant 0 : i32
        %sign3A_306 = arith.cmpi sgt, %add3A_179, %sign3A_305 : i32
        %sign3A_307 = arith.extui %sign3A_306 : i1 to i32
        %sign3A_308 = arith.constant 0 : i32
        %sign3A_309 = arith.cmpi slt, %add3A_179, %sign3A_308 : i32
        %sign3A_310 = arith.extui %sign3A_309 : i1 to i32
        %sign3A_311 = arith.subi %sign3A_307, %sign3A_310 : i32
        %sign3A_312 = arith.constant 0 : i32
        %sign3A_313 = arith.cmpi sgt, %jit3A_303, %sign3A_312 : i32
        %sign3A_314 = arith.extui %sign3A_313 : i1 to i32
        %sign3A_315 = arith.constant 0 : i32
        %sign3A_316 = arith.cmpi slt, %jit3A_303, %sign3A_315 : i32
        %sign3A_317 = arith.extui %sign3A_316 : i1 to i32
        %sign3A_318 = arith.subi %sign3A_314, %sign3A_317 : i32
        %ne3A_319 = arith.cmpi ne, %sign3A_311, %sign3A_318 : i32
        %rem3A_320 = arith.remsi %add3A_179, %jit3A_303 : i32
        %ne3A_321 = arith.constant 0 : i32
        %ne3A_322 = arith.cmpi ne, %rem3A_320, %ne3A_321 : i32
        %and3A_323 = arith.andi %ne3A_319, %ne3A_322 : i1
        %sub3A_324 = arith.constant 1 : i32
        %sub3A_325 = arith.subi %div3A_304, %sub3A_324 : i32
        %select_n3A_326 = arith.select %and3A_323, %sub3A_325, %div3A_304 : i32
        %jit3A_327 = arith.constant 2 : i32
        %div3A_328 = arith.divsi %add3A_179, %jit3A_327 : i32
        %sign3A_329 = arith.constant 0 : i32
        %sign3A_330 = arith.cmpi sgt, %add3A_179, %sign3A_329 : i32
        %sign3A_331 = arith.extui %sign3A_330 : i1 to i32
        %sign3A_332 = arith.constant 0 : i32
        %sign3A_333 = arith.cmpi slt, %add3A_179, %sign3A_332 : i32
        %sign3A_334 = arith.extui %sign3A_333 : i1 to i32
        %sign3A_335 = arith.subi %sign3A_331, %sign3A_334 : i32
        %sign3A_336 = arith.constant 0 : i32
        %sign3A_337 = arith.cmpi sgt, %jit3A_327, %sign3A_336 : i32
        %sign3A_338 = arith.extui %sign3A_337 : i1 to i32
        %sign3A_339 = arith.constant 0 : i32
        %sign3A_340 = arith.cmpi slt, %jit3A_327, %sign3A_339 : i32
        %sign3A_341 = arith.extui %sign3A_340 : i1 to i32
        %sign3A_342 = arith.subi %sign3A_338, %sign3A_341 : i32
        %ne3A_343 = arith.cmpi ne, %sign3A_335, %sign3A_342 : i32
        %rem3A_344 = arith.remsi %add3A_179, %jit3A_327 : i32
        %ne3A_345 = arith.constant 0 : i32
        %ne3A_346 = arith.cmpi ne, %rem3A_344, %ne3A_345 : i32
        %and3A_347 = arith.andi %ne3A_343, %ne3A_346 : i1
        %sub3A_348 = arith.constant 1 : i32
        %sub3A_349 = arith.subi %div3A_328, %sub3A_348 : i32
        %select_n3A_350 = arith.select %and3A_347, %sub3A_349, %div3A_328 : i32
        %jit3A_351 = arith.constant 4 : i32
        %eq3A_352 = arith.constant 0 : i32
        %eq3A_353 = arith.cmpi eq, %jit3A_351, %eq3A_352 : i32
        %jit3A_354 = arith.constant 1 : i32
        %select_n3A_355 = arith.select %eq3A_353, %jit3A_354, %jit3A_351 : i32
        %rem3A_356 = arith.remsi %select_n3A_350, %select_n3A_355 : i32
        %ne3A_357 = arith.constant 0 : i32
        %ne3A_358 = arith.cmpi ne, %rem3A_356, %ne3A_357 : i32
        %lt3A_359 = arith.constant 0 : i32
        %lt3A_360 = arith.cmpi slt, %rem3A_356, %lt3A_359 : i32
        %lt3A_361 = arith.constant 0 : i32
        %lt3A_362 = arith.cmpi slt, %select_n3A_355, %lt3A_361 : i32
        %ne3A_363 = arith.xori %lt3A_360, %lt3A_362 : i1
        %and3A_364 = arith.andi %ne3A_363, %ne3A_358 : i1
        %add3A_365 = arith.addi %rem3A_356, %select_n3A_355 : i32
        %select_n3A_366 = arith.select %and3A_364, %add3A_365, %rem3A_356 : i32
        %jit3A_367 = arith.constant 2 : i32
        %eq3A_368 = arith.constant 0 : i32
        %eq3A_369 = arith.cmpi eq, %jit3A_367, %eq3A_368 : i32
        %jit3A_370 = arith.constant 1 : i32
        %select_n3A_371 = arith.select %eq3A_369, %jit3A_370, %jit3A_367 : i32
        %rem3A_372 = arith.remsi %add3A_179, %select_n3A_371 : i32
        %ne3A_373 = arith.constant 0 : i32
        %ne3A_374 = arith.cmpi ne, %rem3A_372, %ne3A_373 : i32
        %lt3A_375 = arith.constant 0 : i32
        %lt3A_376 = arith.cmpi slt, %rem3A_372, %lt3A_375 : i32
        %lt3A_377 = arith.constant 0 : i32
        %lt3A_378 = arith.cmpi slt, %select_n3A_371, %lt3A_377 : i32
        %ne3A_379 = arith.xori %lt3A_376, %lt3A_378 : i1
        %and3A_380 = arith.andi %ne3A_379, %ne3A_374 : i1
        %add3A_381 = arith.addi %rem3A_372, %select_n3A_371 : i32
        %select_n3A_382 = arith.select %and3A_380, %add3A_381, %rem3A_372 : i32
        %mul3A_383 = arith.constant 2 : i32
        %mul3A_384 = arith.muli %mul3A_383, %select_n3A_326 : i32
        %add3A_385 = arith.addi %mul3A_384, %select_n3A_382 : i32
        %mul3A_386 = arith.constant 5 : i32
        %mul3A_387 = arith.muli %select_n3A_366, %mul3A_386 : i32
        %run_scoped3A_388 = arith.constant 0 : i32
        "tpu.region"() ({
          %run_scoped3A_474 = tpu.sem_alloc : memref<!tpu.dma_semaphore, #tpu.memory_space<semaphore_mem>>
          %dma_start3A_475 = arith.constant 0 : i32
          %dma_start3A_476 = arith.constant 0 : i32
          %dma_start3A_477 = tpu.memref_slice %arg5[%run_scoped3A_388, %dma_start3A_475, %dma_start3A_476] : memref<2x5x128xi32, #tpu.memory_space<vmem>> -> memref<1x5x128xi32, #tpu.memory_space<vmem>>
          %dma_start3A_478 = tpu.memref_squeeze %dma_start3A_477 : memref<1x5x128xi32, #tpu.memory_space<vmem>> -> memref<5x128xi32, #tpu.memory_space<vmem>>
          %dma_start3A_479 = arith.constant 0 : i32
          %dma_start3A_480 = tpu.memref_slice %arg2[%add3A_385, %add3A, %mul3A_387, %dma_start3A_479] : memref<26x32x20x128xi32, #tpu.memory_space<hbm>> -> memref<1x1x5x128xi32, #tpu.memory_space<hbm>>
          %dma_start3A_481 = tpu.memref_squeeze %dma_start3A_480 : memref<1x1x5x128xi32, #tpu.memory_space<hbm>> -> memref<5x128xi32, #tpu.memory_space<hbm>>
          %dma_start3A_482 = arith.constant 0 : i32
          %dma_start3A_483 = arith.constant 0 : i32
          %dma_start3A_484 = tpu.memref_slice %arg5[%run_scoped3A_388, %dma_start3A_482, %dma_start3A_483] : memref<2x5x128xi32, #tpu.memory_space<vmem>> -> memref<1x5x128xi32, #tpu.memory_space<vmem>>
          %dma_start3A_485 = tpu.memref_squeeze %dma_start3A_484 : memref<1x5x128xi32, #tpu.memory_space<vmem>> -> memref<5x128xi32, #tpu.memory_space<vmem>>
          %dma_start3A_486 = arith.constant 0 : i32
          %dma_start3A_487 = tpu.memref_slice %arg2[%add3A_385, %add3A, %mul3A_387, %dma_start3A_486] : memref<26x32x20x128xi32, #tpu.memory_space<hbm>> -> memref<1x1x5x128xi32, #tpu.memory_space<hbm>>
          %dma_start3A_488 = tpu.memref_squeeze %dma_start3A_487 : memref<1x1x5x128xi32, #tpu.memory_space<hbm>> -> memref<5x128xi32, #tpu.memory_space<hbm>>
          tpu.enqueue_dma source(%dma_start3A_488 : memref<5x128xi32, #tpu.memory_space<hbm>>) target(%dma_start3A_485 : memref<5x128xi32, #tpu.memory_space<vmem>>) target_semaphore(%run_scoped3A_474 : memref<!tpu.dma_semaphore, #tpu.memory_space<semaphore_mem>>)
          %dma_wait3A_489 = arith.constant 0 : i32
          %dma_wait3A_490 = arith.constant 0 : i32
          %dma_wait3A_491 = tpu.memref_slice %arg5[%run_scoped3A_388, %dma_wait3A_489, %dma_wait3A_490] : memref<2x5x128xi32, #tpu.memory_space<vmem>> -> memref<1x5x128xi32, #tpu.memory_space<vmem>>
          %dma_wait3A_492 = tpu.memref_squeeze %dma_wait3A_491 : memref<1x5x128xi32, #tpu.memory_space<vmem>> -> memref<5x128xi32, #tpu.memory_space<vmem>>
          %dma_wait3A_493 = arith.constant 0 : i32
          %dma_wait3A_494 = tpu.memref_slice %arg2[%add3A_385, %add3A, %mul3A_387, %dma_wait3A_493] : memref<26x32x20x128xi32, #tpu.memory_space<hbm>> -> memref<1x1x5x128xi32, #tpu.memory_space<hbm>>
          %dma_wait3A_495 = tpu.memref_squeeze %dma_wait3A_494 : memref<1x1x5x128xi32, #tpu.memory_space<hbm>> -> memref<5x128xi32, #tpu.memory_space<hbm>>
          %dma_wait3A_496 = arith.constant 0 : i32
          %dma_wait3A_497 = arith.constant 0 : i32
          %dma_wait3A_498 = tpu.memref_slice %arg5[%run_scoped3A_388, %dma_wait3A_496, %dma_wait3A_497] : memref<2x5x128xi32, #tpu.memory_space<vmem>> -> memref<1x5x128xi32, #tpu.memory_space<vmem>>
          %dma_wait3A_499 = tpu.memref_squeeze %dma_wait3A_498 : memref<1x5x128xi32, #tpu.memory_space<vmem>> -> memref<5x128xi32, #tpu.memory_space<vmem>>
          %dma_wait3A_500 = arith.constant 0 : i32
          %dma_wait3A_501 = tpu.memref_slice %arg2[%add3A_385, %add3A, %mul3A_387, %dma_wait3A_500] : memref<26x32x20x128xi32, #tpu.memory_space<hbm>> -> memref<1x1x5x128xi32, #tpu.memory_space<hbm>>
          %dma_wait3A_502 = tpu.memref_squeeze %dma_wait3A_501 : memref<1x1x5x128xi32, #tpu.memory_space<hbm>> -> memref<5x128xi32, #tpu.memory_space<hbm>>
          tpu.wait_dma2 semaphore(%run_scoped3A_474 : memref<!tpu.dma_semaphore, #tpu.memory_space<semaphore_mem>>) src(%dma_wait3A_502 : memref<5x128xi32, #tpu.memory_space<hbm>>) dst(%dma_wait3A_499 : memref<5x128xi32, #tpu.memory_space<vmem>>)
          tpu.yield
        }) : () -> ()
        %dma_start3A_389 = arith.constant 0 : i32
        %dma_start3A_390 = arith.constant 0 : i32
        %dma_start3A_391 = arith.constant 0 : i32
        %dma_start3A_392 = arith.constant 0 : i32
        %dma_start3A_393 = arith.constant 0 : i32
        %dma_start3A_394 = tpu.memref_slice %arg6[%dma_start3A_391, %dma_start3A_392, %dma_start3A_393] : memref<2x640x64xf32, #tpu.memory_space<vmem>> -> memref<1x128x64xf32, #tpu.memory_space<vmem>>
        %dma_start3A_395 = tpu.memref_squeeze %dma_start3A_394 : memref<1x128x64xf32, #tpu.memory_space<vmem>> -> memref<128x64xf32, #tpu.memory_space<vmem>>
        %dma_start3A_396 = arith.constant 0 : i32
        %dma_start3A_397 = tpu.memref_slice %arg5[%dma_start3A_389, %dma_start3A_390, %dma_start3A_396] : memref<2x5x128xi32, #tpu.memory_space<vmem>> -> memref<1x1x128xi32, #tpu.memory_space<vmem>>
        %dma_start3A_398 = tpu.memref_squeeze %dma_start3A_397 : memref<1x1x128xi32, #tpu.memory_space<vmem>> -> memref<128xi32, #tpu.memory_space<vmem>>
        %dma_start3A_399 = arith.constant 0 : i32
        %dma_start3A_400 = arith.constant 0 : i32
        %dma_start3A_401 = tpu.memref_slice %arg3[%add3A_385, %dma_start3A_399, %dma_start3A_400] : memref<26x100000x64xf32, #tpu.memory_space<hbm>> -> memref<1x100000x64xf32, #tpu.memory_space<hbm>>
        %dma_start3A_402 = tpu.memref_squeeze %dma_start3A_401 : memref<1x100000x64xf32, #tpu.memory_space<hbm>> -> memref<100000x64xf32, #tpu.memory_space<hbm>>
        %dma_start3A_403 = arith.constant 0 : i32
        %dma_start3A_404 = arith.constant 0 : i32
        %dma_start3A_405 = tpu.memref_slice %dma_start3A_402[%dma_start3A_403, %dma_start3A_404] : memref<100000x64xf32, #tpu.memory_space<hbm>> -> memref<100000x64xf32, #tpu.memory_space<hbm>>
        tpu.enqueue_indirect_dma source(%dma_start3A_405 : memref<100000x64xf32, #tpu.memory_space<hbm>>) target(%dma_start3A_395 : memref<128x64xf32, #tpu.memory_space<vmem>>) offsets(%dma_start3A_398 : memref<128xi32, #tpu.memory_space<vmem>>) semaphore(%arg8 : memref<!tpu.dma_semaphore, #tpu.memory_space<semaphore_mem>>)
        %dma_start3A_406 = arith.constant 0 : i32
        %dma_start3A_407 = arith.constant 1 : i32
        %dma_start3A_408 = arith.constant 0 : i32
        %dma_start3A_409 = arith.constant 128 : i32
        %dma_start3A_410 = arith.constant 0 : i32
        %dma_start3A_411 = tpu.memref_slice %arg6[%dma_start3A_408, %dma_start3A_409, %dma_start3A_410] : memref<2x640x64xf32, #tpu.memory_space<vmem>> -> memref<1x128x64xf32, #tpu.memory_space<vmem>>
        %dma_start3A_412 = tpu.memref_squeeze %dma_start3A_411 : memref<1x128x64xf32, #tpu.memory_space<vmem>> -> memref<128x64xf32, #tpu.memory_space<vmem>>
        %dma_start3A_413 = arith.constant 0 : i32
        %dma_start3A_414 = tpu.memref_slice %arg5[%dma_start3A_406, %dma_start3A_407, %dma_start3A_413] : memref<2x5x128xi32, #tpu.memory_space<vmem>> -> memref<1x1x128xi32, #tpu.memory_space<vmem>>
        %dma_start3A_415 = tpu.memref_squeeze %dma_start3A_414 : memref<1x1x128xi32, #tpu.memory_space<vmem>> -> memref<128xi32, #tpu.memory_space<vmem>>
        %dma_start3A_416 = arith.constant 0 : i32
        %dma_start3A_417 = arith.constant 0 : i32
        %dma_start3A_418 = tpu.memref_slice %arg3[%add3A_385, %dma_start3A_416, %dma_start3A_417] : memref<26x100000x64xf32, #tpu.memory_space<hbm>> -> memref<1x100000x64xf32, #tpu.memory_space<hbm>>
        %dma_start3A_419 = tpu.memref_squeeze %dma_start3A_418 : memref<1x100000x64xf32, #tpu.memory_space<hbm>> -> memref<100000x64xf32, #tpu.memory_space<hbm>>
        %dma_start3A_420 = arith.constant 0 : i32
        %dma_start3A_421 = arith.constant 0 : i32
        %dma_start3A_422 = tpu.memref_slice %dma_start3A_419[%dma_start3A_420, %dma_start3A_421] : memref<100000x64xf32, #tpu.memory_space<hbm>> -> memref<100000x64xf32, #tpu.memory_space<hbm>>
        tpu.enqueue_indirect_dma source(%dma_start3A_422 : memref<100000x64xf32, #tpu.memory_space<hbm>>) target(%dma_start3A_412 : memref<128x64xf32, #tpu.memory_space<vmem>>) offsets(%dma_start3A_415 : memref<128xi32, #tpu.memory_space<vmem>>) semaphore(%arg8 : memref<!tpu.dma_semaphore, #tpu.memory_space<semaphore_mem>>)
        %dma_start3A_423 = arith.constant 0 : i32
        %dma_start3A_424 = arith.constant 2 : i32
        %dma_start3A_425 = arith.constant 0 : i32
        %dma_start3A_426 = arith.constant 256 : i32
        %dma_start3A_427 = arith.constant 0 : i32
        %dma_start3A_428 = tpu.memref_slice %arg6[%dma_start3A_425, %dma_start3A_426, %dma_start3A_427] : memref<2x640x64xf32, #tpu.memory_space<vmem>> -> memref<1x128x64xf32, #tpu.memory_space<vmem>>
        %dma_start3A_429 = tpu.memref_squeeze %dma_start3A_428 : memref<1x128x64xf32, #tpu.memory_space<vmem>> -> memref<128x64xf32, #tpu.memory_space<vmem>>
        %dma_start3A_430 = arith.constant 0 : i32
        %dma_start3A_431 = tpu.memref_slice %arg5[%dma_start3A_423, %dma_start3A_424, %dma_start3A_430] : memref<2x5x128xi32, #tpu.memory_space<vmem>> -> memref<1x1x128xi32, #tpu.memory_space<vmem>>
        %dma_start3A_432 = tpu.memref_squeeze %dma_start3A_431 : memref<1x1x128xi32, #tpu.memory_space<vmem>> -> memref<128xi32, #tpu.memory_space<vmem>>
        %dma_start3A_433 = arith.constant 0 : i32
        %dma_start3A_434 = arith.constant 0 : i32
        %dma_start3A_435 = tpu.memref_slice %arg3[%add3A_385, %dma_start3A_433, %dma_start3A_434] : memref<26x100000x64xf32, #tpu.memory_space<hbm>> -> memref<1x100000x64xf32, #tpu.memory_space<hbm>>
        %dma_start3A_436 = tpu.memref_squeeze %dma_start3A_435 : memref<1x100000x64xf32, #tpu.memory_space<hbm>> -> memref<100000x64xf32, #tpu.memory_space<hbm>>
        %dma_start3A_437 = arith.constant 0 : i32
        %dma_start3A_438 = arith.constant 0 : i32
        %dma_start3A_439 = tpu.memref_slice %dma_start3A_436[%dma_start3A_437, %dma_start3A_438] : memref<100000x64xf32, #tpu.memory_space<hbm>> -> memref<100000x64xf32, #tpu.memory_space<hbm>>
        tpu.enqueue_indirect_dma source(%dma_start3A_439 : memref<100000x64xf32, #tpu.memory_space<hbm>>) target(%dma_start3A_429 : memref<128x64xf32, #tpu.memory_space<vmem>>) offsets(%dma_start3A_432 : memref<128xi32, #tpu.memory_space<vmem>>) semaphore(%arg8 : memref<!tpu.dma_semaphore, #tpu.memory_space<semaphore_mem>>)
        %dma_start3A_440 = arith.constant 0 : i32
        %dma_start3A_441 = arith.constant 3 : i32
        %dma_start3A_442 = arith.constant 0 : i32
        %dma_start3A_443 = arith.constant 384 : i32
        %dma_start3A_444 = arith.constant 0 : i32
        %dma_start3A_445 = tpu.memref_slice %arg6[%dma_start3A_442, %dma_start3A_443, %dma_start3A_444] : memref<2x640x64xf32, #tpu.memory_space<vmem>> -> memref<1x128x64xf32, #tpu.memory_space<vmem>>
        %dma_start3A_446 = tpu.memref_squeeze %dma_start3A_445 : memref<1x128x64xf32, #tpu.memory_space<vmem>> -> memref<128x64xf32, #tpu.memory_space<vmem>>
        %dma_start3A_447 = arith.constant 0 : i32
        %dma_start3A_448 = tpu.memref_slice %arg5[%dma_start3A_440, %dma_start3A_441, %dma_start3A_447] : memref<2x5x128xi32, #tpu.memory_space<vmem>> -> memref<1x1x128xi32, #tpu.memory_space<vmem>>
        %dma_start3A_449 = tpu.memref_squeeze %dma_start3A_448 : memref<1x1x128xi32, #tpu.memory_space<vmem>> -> memref<128xi32, #tpu.memory_space<vmem>>
        %dma_start3A_450 = arith.constant 0 : i32
        %dma_start3A_451 = arith.constant 0 : i32
        %dma_start3A_452 = tpu.memref_slice %arg3[%add3A_385, %dma_start3A_450, %dma_start3A_451] : memref<26x100000x64xf32, #tpu.memory_space<hbm>> -> memref<1x100000x64xf32, #tpu.memory_space<hbm>>
        %dma_start3A_453 = tpu.memref_squeeze %dma_start3A_452 : memref<1x100000x64xf32, #tpu.memory_space<hbm>> -> memref<100000x64xf32, #tpu.memory_space<hbm>>
        %dma_start3A_454 = arith.constant 0 : i32
        %dma_start3A_455 = arith.constant 0 : i32
        %dma_start3A_456 = tpu.memref_slice %dma_start3A_453[%dma_start3A_454, %dma_start3A_455] : memref<100000x64xf32, #tpu.memory_space<hbm>> -> memref<100000x64xf32, #tpu.memory_space<hbm>>
        tpu.enqueue_indirect_dma source(%dma_start3A_456 : memref<100000x64xf32, #tpu.memory_space<hbm>>) target(%dma_start3A_446 : memref<128x64xf32, #tpu.memory_space<vmem>>) offsets(%dma_start3A_449 : memref<128xi32, #tpu.memory_space<vmem>>) semaphore(%arg8 : memref<!tpu.dma_semaphore, #tpu.memory_space<semaphore_mem>>)
        %dma_start3A_457 = arith.constant 0 : i32
        %dma_start3A_458 = arith.constant 4 : i32
        %dma_start3A_459 = arith.constant 0 : i32
        %dma_start3A_460 = arith.constant 512 : i32
        %dma_start3A_461 = arith.constant 0 : i32
        %dma_start3A_462 = tpu.memref_slice %arg6[%dma_start3A_459, %dma_start3A_460, %dma_start3A_461] : memref<2x640x64xf32, #tpu.memory_space<vmem>> -> memref<1x128x64xf32, #tpu.memory_space<vmem>>
        %dma_start3A_463 = tpu.memref_squeeze %dma_start3A_462 : memref<1x128x64xf32, #tpu.memory_space<vmem>> -> memref<128x64xf32, #tpu.memory_space<vmem>>
        %dma_start3A_464 = arith.constant 0 : i32
        %dma_start3A_465 = tpu.memref_slice %arg5[%dma_start3A_457, %dma_start3A_458, %dma_start3A_464] : memref<2x5x128xi32, #tpu.memory_space<vmem>> -> memref<1x1x128xi32, #tpu.memory_space<vmem>>
        %dma_start3A_466 = tpu.memref_squeeze %dma_start3A_465 : memref<1x1x128xi32, #tpu.memory_space<vmem>> -> memref<128xi32, #tpu.memory_space<vmem>>
        %dma_start3A_467 = arith.constant 0 : i32
        %dma_start3A_468 = arith.constant 0 : i32
        %dma_start3A_469 = tpu.memref_slice %arg3[%add3A_385, %dma_start3A_467, %dma_start3A_468] : memref<26x100000x64xf32, #tpu.memory_space<hbm>> -> memref<1x100000x64xf32, #tpu.memory_space<hbm>>
        %dma_start3A_470 = tpu.memref_squeeze %dma_start3A_469 : memref<1x100000x64xf32, #tpu.memory_space<hbm>> -> memref<100000x64xf32, #tpu.memory_space<hbm>>
        %dma_start3A_471 = arith.constant 0 : i32
        %dma_start3A_472 = arith.constant 0 : i32
        %dma_start3A_473 = tpu.memref_slice %dma_start3A_470[%dma_start3A_471, %dma_start3A_472] : memref<100000x64xf32, #tpu.memory_space<hbm>> -> memref<100000x64xf32, #tpu.memory_space<hbm>>
        tpu.enqueue_indirect_dma source(%dma_start3A_473 : memref<100000x64xf32, #tpu.memory_space<hbm>>) target(%dma_start3A_463 : memref<128x64xf32, #tpu.memory_space<vmem>>) offsets(%dma_start3A_466 : memref<128xi32, #tpu.memory_space<vmem>>) semaphore(%arg8 : memref<!tpu.dma_semaphore, #tpu.memory_space<semaphore_mem>>)
      } else {
      }
      %dma_wait3A_185 = arith.constant 0 : i32
      %dma_wait3A_186 = arith.constant 1 : i32
      %dma_wait3A_187 = arith.constant 0 : i32
      %dma_wait3A_188 = arith.constant 0 : i32
      %dma_wait3A_189 = tpu.memref_slice %arg6[%dma_wait3A_186, %dma_wait3A_187, %dma_wait3A_188] : memref<2x640x64xf32, #tpu.memory_space<vmem>> -> memref<1x640x64xf32, #tpu.memory_space<vmem>>
      %dma_wait3A_190 = tpu.memref_squeeze %dma_wait3A_189 : memref<1x640x64xf32, #tpu.memory_space<vmem>> -> memref<640x64xf32, #tpu.memory_space<vmem>>
      %dma_wait3A_191 = arith.constant 0 : i32
      %dma_wait3A_192 = arith.constant 0 : i32
      %dma_wait3A_193 = tpu.memref_slice %arg3[%dma_wait3A_185, %dma_wait3A_191, %dma_wait3A_192] : memref<26x100000x64xf32, #tpu.memory_space<hbm>> -> memref<1x640x64xf32, #tpu.memory_space<hbm>>
      %dma_wait3A_194 = tpu.memref_squeeze %dma_wait3A_193 : memref<1x640x64xf32, #tpu.memory_space<hbm>> -> memref<640x64xf32, #tpu.memory_space<hbm>>
      %dma_wait3A_195 = arith.constant 0 : i32
      %dma_wait3A_196 = arith.constant 0 : i32
      %dma_wait3A_197 = tpu.memref_slice %arg6[%dma_wait3A_186, %dma_wait3A_195, %dma_wait3A_196] : memref<2x640x64xf32, #tpu.memory_space<vmem>> -> memref<1x640x64xf32, #tpu.memory_space<vmem>>
      %dma_wait3A_198 = tpu.memref_squeeze %dma_wait3A_197 : memref<1x640x64xf32, #tpu.memory_space<vmem>> -> memref<640x64xf32, #tpu.memory_space<vmem>>
      %dma_wait3A_199 = arith.constant 0 : i32
      %dma_wait3A_200 = arith.constant 0 : i32
      %dma_wait3A_201 = tpu.memref_slice %arg3[%dma_wait3A_185, %dma_wait3A_199, %dma_wait3A_200] : memref<26x100000x64xf32, #tpu.memory_space<hbm>> -> memref<1x640x64xf32, #tpu.memory_space<hbm>>
      %dma_wait3A_202 = tpu.memref_squeeze %dma_wait3A_201 : memref<1x640x64xf32, #tpu.memory_space<hbm>> -> memref<640x64xf32, #tpu.memory_space<hbm>>
      tpu.wait_dma2 semaphore(%arg9 : memref<!tpu.dma_semaphore, #tpu.memory_space<semaphore_mem>>) src(%dma_wait3A_202 : memref<640x64xf32, #tpu.memory_space<hbm>>) dst(%dma_wait3A_198 : memref<640x64xf32, #tpu.memory_space<vmem>>)
      %jit3A_203 = arith.constant 2 : i32
      %eq3A_204 = arith.constant 0 : i32
      %eq3A_205 = arith.cmpi eq, %jit3A_203, %eq3A_204 : i32
      %jit3A_206 = arith.constant 1 : i32
      %select_n3A_207 = arith.select %eq3A_205, %jit3A_206, %jit3A_203 : i32
      %rem3A_208 = arith.remsi %scan3A_127, %select_n3A_207 : i32
      %ne3A_209 = arith.constant 0 : i32
      %ne3A_210 = arith.cmpi ne, %rem3A_208, %ne3A_209 : i32
      %lt3A_211 = arith.constant 0 : i32
      %lt3A_212 = arith.cmpi slt, %rem3A_208, %lt3A_211 : i32
      %lt3A_213 = arith.constant 0 : i32
      %lt3A_214 = arith.cmpi slt, %select_n3A_207, %lt3A_213 : i32
      %ne3A_215 = arith.xori %lt3A_212, %lt3A_214 : i1
      %and3A_216 = arith.andi %ne3A_215, %ne3A_210 : i1
      %add3A_217 = arith.addi %rem3A_208, %select_n3A_207 : i32
      %select_n3A_218 = arith.select %and3A_216, %add3A_217, %rem3A_208 : i32
      %scan3A_219 = arith.constant 0 : i32
      %scan3A_220 = arith.constant 0 : i32
      %scan3A_221 = arith.constant 16 : i32
      %scan3A_222 = arith.addi %scan3A_220, %scan3A_221 : i32
      %scan3A_223 = arith.constant 1 : i32
      scf.for %scan3A_303 = %scan3A_220 to %scan3A_222 step %scan3A_223  : i32 {
        %mul3A_304 = arith.constant 2 : i32
        %mul3A_305 = arith.muli %mul3A_304, %scan3A_303 : i32
        %add3A_306 = arith.constant 0 : i32
        %add3A_307 = arith.addi %mul3A_305, %add3A_306 : i32
        %mul3A_308 = arith.constant 20 : i32
        %mul3A_309 = arith.muli %add3A_307, %mul3A_308 : i32
        %get3A = arith.constant 1 : i32
        %get3A_310 = arith.index_cast %get3A : i32 to index
        %get3A_311 = arith.index_cast %mul3A_309 : i32 to index
        %get3A_312 = arith.constant 0 : index
        %get3A_313 = tpu.vector_load %arg6[%get3A_310, %get3A_311, %get3A_312] {strides = array<i32>} : memref<2x640x64xf32, #tpu.memory_space<vmem>>, vector<1x1x16xf32>,
        %get3A_314 = vector.shape_cast %get3A_313 : vector<1x1x16xf32> to vector<16xf32>
        %add3A_315 = arith.constant 1 : i32
        %add3A_316 = arith.addi %mul3A_309, %add3A_315 : i32
        %get3A_317 = arith.constant 1 : i32
        %get3A_318 = arith.index_cast %get3A_317 : i32 to index
        %get3A_319 = arith.index_cast %add3A_316 : i32 to index
        %get3A_320 = arith.constant 0 : index
        %get3A_321 = tpu.vector_load %arg6[%get3A_318, %get3A_319, %get3A_320] {strides = array<i32>} : memref<2x640x64xf32, #tpu.memory_space<vmem>>, vector<1x1x16xf32>,
        %get3A_322 = vector.shape_cast %get3A_321 : vector<1x1x16xf32> to vector<16xf32>
        %add3A_323 = arith.addf %get3A_314, %get3A_322 : vector<16xf32>
        %add3A_324 = arith.constant 2 : i32
        %add3A_325 = arith.addi %mul3A_309, %add3A_324 : i32
        %get3A_326 = arith.constant 1 : i32
        %get3A_327 = arith.index_cast %get3A_326 : i32 to index
        %get3A_328 = arith.index_cast %add3A_325 : i32 to index
        %get3A_329 = arith.constant 0 : index
        %get3A_330 = tpu.vector_load %arg6[%get3A_327, %get3A_328, %get3A_329] {strides = array<i32>} : memref<2x640x64xf32, #tpu.memory_space<vmem>>, vector<1x1x16xf32>,
        %get3A_331 = vector.shape_cast %get3A_330 : vector<1x1x16xf32> to vector<16xf32>
        %add3A_332 = arith.addf %add3A_323, %get3A_331 : vector<16xf32>
        %add3A_333 = arith.constant 3 : i32
        %add3A_334 = arith.addi %mul3A_309, %add3A_333 : i32
        %get3A_335 = arith.constant 1 : i32
        %get3A_336 = arith.index_cast %get3A_335 : i32 to index
        %get3A_337 = arith.index_cast %add3A_334 : i32 to index
        %get3A_338 = arith.constant 0 : index
        %get3A_339 = tpu.vector_load %arg6[%get3A_336, %get3A_337, %get3A_338] {strides = array<i32>} : memref<2x640x64xf32, #tpu.memory_space<vmem>>, vector<1x1x16xf32>,
        %get3A_340 = vector.shape_cast %get3A_339 : vector<1x1x16xf32> to vector<16xf32>
        %add3A_341 = arith.addf %add3A_332, %get3A_340 : vector<16xf32>
        %add3A_342 = arith.constant 4 : i32
        %add3A_343 = arith.addi %mul3A_309, %add3A_342 : i32
        %get3A_344 = arith.constant 1 : i32
        %get3A_345 = arith.index_cast %get3A_344 : i32 to index
        %get3A_346 = arith.index_cast %add3A_343 : i32 to index
        %get3A_347 = arith.constant 0 : index
        %get3A_348 = tpu.vector_load %arg6[%get3A_345, %get3A_346, %get3A_347] {strides = array<i32>} : memref<2x640x64xf32, #tpu.memory_space<vmem>>, vector<1x1x16xf32>,
        %get3A_349 = vector.shape_cast %get3A_348 : vector<1x1x16xf32> to vector<16xf32>
        %add3A_350 = arith.addf %add3A_341, %get3A_349 : vector<16xf32>
        %add3A_351 = arith.constant 5 : i32
        %add3A_352 = arith.addi %mul3A_309, %add3A_351 : i32
        %get3A_353 = arith.constant 1 : i32
        %get3A_354 = arith.index_cast %get3A_353 : i32 to index
        %get3A_355 = arith.index_cast %add3A_352 : i32 to index
        %get3A_356 = arith.constant 0 : index
        %get3A_357 = tpu.vector_load %arg6[%get3A_354, %get3A_355, %get3A_356] {strides = array<i32>} : memref<2x640x64xf32, #tpu.memory_space<vmem>>, vector<1x1x16xf32>,
        %get3A_358 = vector.shape_cast %get3A_357 : vector<1x1x16xf32> to vector<16xf32>
        %add3A_359 = arith.addf %add3A_350, %get3A_358 : vector<16xf32>
        %add3A_360 = arith.constant 6 : i32
        %add3A_361 = arith.addi %mul3A_309, %add3A_360 : i32
        %get3A_362 = arith.constant 1 : i32
        %get3A_363 = arith.index_cast %get3A_362 : i32 to index
        %get3A_364 = arith.index_cast %add3A_361 : i32 to index
        %get3A_365 = arith.constant 0 : index
        %get3A_366 = tpu.vector_load %arg6[%get3A_363, %get3A_364, %get3A_365] {strides = array<i32>} : memref<2x640x64xf32, #tpu.memory_space<vmem>>, vector<1x1x16xf32>,
        %get3A_367 = vector.shape_cast %get3A_366 : vector<1x1x16xf32> to vector<16xf32>
        %add3A_368 = arith.addf %add3A_359, %get3A_367 : vector<16xf32>
        %add3A_369 = arith.constant 7 : i32
        %add3A_370 = arith.addi %mul3A_309, %add3A_369 : i32
        %get3A_371 = arith.constant 1 : i32
        %get3A_372 = arith.index_cast %get3A_371 : i32 to index
        %get3A_373 = arith.index_cast %add3A_370 : i32 to index
        %get3A_374 = arith.constant 0 : index
        %get3A_375 = tpu.vector_load %arg6[%get3A_372, %get3A_373, %get3A_374] {strides = array<i32>} : memref<2x640x64xf32, #tpu.memory_space<vmem>>, vector<1x1x16xf32>,
        %get3A_376 = vector.shape_cast %get3A_375 : vector<1x1x16xf32> to vector<16xf32>
        %add3A_377 = arith.addf %add3A_368, %get3A_376 : vector<16xf32>
        %add3A_378 = arith.constant 8 : i32
        %add3A_379 = arith.addi %mul3A_309, %add3A_378 : i32
        %get3A_380 = arith.constant 1 : i32
        %get3A_381 = arith.index_cast %get3A_380 : i32 to index
        %get3A_382 = arith.index_cast %add3A_379 : i32 to index
        %get3A_383 = arith.constant 0 : index
        %get3A_384 = tpu.vector_load %arg6[%get3A_381, %get3A_382, %get3A_383] {strides = array<i32>} : memref<2x640x64xf32, #tpu.memory_space<vmem>>, vector<1x1x16xf32>,
        %get3A_385 = vector.shape_cast %get3A_384 : vector<1x1x16xf32> to vector<16xf32>
        %add3A_386 = arith.addf %add3A_377, %get3A_385 : vector<16xf32>
        %add3A_387 = arith.constant 9 : i32
        %add3A_388 = arith.addi %mul3A_309, %add3A_387 : i32
        %get3A_389 = arith.constant 1 : i32
        %get3A_390 = arith.index_cast %get3A_389 : i32 to index
        %get3A_391 = arith.index_cast %add3A_388 : i32 to index
        %get3A_392 = arith.constant 0 : index
        %get3A_393 = tpu.vector_load %arg6[%get3A_390, %get3A_391, %get3A_392] {strides = array<i32>} : memref<2x640x64xf32, #tpu.memory_space<vmem>>, vector<1x1x16xf32>,
        %get3A_394 = vector.shape_cast %get3A_393 : vector<1x1x16xf32> to vector<16xf32>
        %add3A_395 = arith.addf %add3A_386, %get3A_394 : vector<16xf32>
        %add3A_396 = arith.constant 10 : i32
        %add3A_397 = arith.addi %mul3A_309, %add3A_396 : i32
        %get3A_398 = arith.constant 1 : i32
        %get3A_399 = arith.index_cast %get3A_398 : i32 to index
        %get3A_400 = arith.index_cast %add3A_397 : i32 to index
        %get3A_401 = arith.constant 0 : index
        %get3A_402 = tpu.vector_load %arg6[%get3A_399, %get3A_400, %get3A_401] {strides = array<i32>} : memref<2x640x64xf32, #tpu.memory_space<vmem>>, vector<1x1x16xf32>,
        %get3A_403 = vector.shape_cast %get3A_402 : vector<1x1x16xf32> to vector<16xf32>
        %add3A_404 = arith.addf %add3A_395, %get3A_403 : vector<16xf32>
        %add3A_405 = arith.constant 11 : i32
        %add3A_406 = arith.addi %mul3A_309, %add3A_405 : i32
        %get3A_407 = arith.constant 1 : i32
        %get3A_408 = arith.index_cast %get3A_407 : i32 to index
        %get3A_409 = arith.index_cast %add3A_406 : i32 to index
        %get3A_410 = arith.constant 0 : index
        %get3A_411 = tpu.vector_load %arg6[%get3A_408, %get3A_409, %get3A_410] {strides = array<i32>} : memref<2x640x64xf32, #tpu.memory_space<vmem>>, vector<1x1x16xf32>,
        %get3A_412 = vector.shape_cast %get3A_411 : vector<1x1x16xf32> to vector<16xf32>
        %add3A_413 = arith.addf %add3A_404, %get3A_412 : vector<16xf32>
        %add3A_414 = arith.constant 12 : i32
        %add3A_415 = arith.addi %mul3A_309, %add3A_414 : i32
        %get3A_416 = arith.constant 1 : i32
        %get3A_417 = arith.index_cast %get3A_416 : i32 to index
        %get3A_418 = arith.index_cast %add3A_415 : i32 to index
        %get3A_419 = arith.constant 0 : index
        %get3A_420 = tpu.vector_load %arg6[%get3A_417, %get3A_418, %get3A_419] {strides = array<i32>} : memref<2x640x64xf32, #tpu.memory_space<vmem>>, vector<1x1x16xf32>,
        %get3A_421 = vector.shape_cast %get3A_420 : vector<1x1x16xf32> to vector<16xf32>
        %add3A_422 = arith.addf %add3A_413, %get3A_421 : vector<16xf32>
        %add3A_423 = arith.constant 13 : i32
        %add3A_424 = arith.addi %mul3A_309, %add3A_423 : i32
        %get3A_425 = arith.constant 1 : i32
        %get3A_426 = arith.index_cast %get3A_425 : i32 to index
        %get3A_427 = arith.index_cast %add3A_424 : i32 to index
        %get3A_428 = arith.constant 0 : index
        %get3A_429 = tpu.vector_load %arg6[%get3A_426, %get3A_427, %get3A_428] {strides = array<i32>} : memref<2x640x64xf32, #tpu.memory_space<vmem>>, vector<1x1x16xf32>,
        %get3A_430 = vector.shape_cast %get3A_429 : vector<1x1x16xf32> to vector<16xf32>
        %add3A_431 = arith.addf %add3A_422, %get3A_430 : vector<16xf32>
        %add3A_432 = arith.constant 14 : i32
        %add3A_433 = arith.addi %mul3A_309, %add3A_432 : i32
        %get3A_434 = arith.constant 1 : i32
        %get3A_435 = arith.index_cast %get3A_434 : i32 to index
        %get3A_436 = arith.index_cast %add3A_433 : i32 to index
        %get3A_437 = arith.constant 0 : index
        %get3A_438 = tpu.vector_load %arg6[%get3A_435, %get3A_436, %get3A_437] {strides = array<i32>} : memref<2x640x64xf32, #tpu.memory_space<vmem>>, vector<1x1x16xf32>,
        %get3A_439 = vector.shape_cast %get3A_438 : vector<1x1x16xf32> to vector<16xf32>
        %add3A_440 = arith.addf %add3A_431, %get3A_439 : vector<16xf32>
        %add3A_441 = arith.constant 15 : i32
        %add3A_442 = arith.addi %mul3A_309, %add3A_441 : i32
        %get3A_443 = arith.constant 1 : i32
        %get3A_444 = arith.index_cast %get3A_443 : i32 to index
        %get3A_445 = arith.index_cast %add3A_442 : i32 to index
        %get3A_446 = arith.constant 0 : index
        %get3A_447 = tpu.vector_load %arg6[%get3A_444, %get3A_445, %get3A_446] {strides = array<i32>} : memref<2x640x64xf32, #tpu.memory_space<vmem>>, vector<1x1x16xf32>,
        %get3A_448 = vector.shape_cast %get3A_447 : vector<1x1x16xf32> to vector<16xf32>
        %add3A_449 = arith.addf %add3A_440, %get3A_448 : vector<16xf32>
        %add3A_450 = arith.constant 16 : i32
        %add3A_451 = arith.addi %mul3A_309, %add3A_450 : i32
        %get3A_452 = arith.constant 1 : i32
        %get3A_453 = arith.index_cast %get3A_452 : i32 to index
        %get3A_454 = arith.index_cast %add3A_451 : i32 to index
        %get3A_455 = arith.constant 0 : index
        %get3A_456 = tpu.vector_load %arg6[%get3A_453, %get3A_454, %get3A_455] {strides = array<i32>} : memref<2x640x64xf32, #tpu.memory_space<vmem>>, vector<1x1x16xf32>,
        %get3A_457 = vector.shape_cast %get3A_456 : vector<1x1x16xf32> to vector<16xf32>
        %add3A_458 = arith.addf %add3A_449, %get3A_457 : vector<16xf32>
        %add3A_459 = arith.constant 17 : i32
        %add3A_460 = arith.addi %mul3A_309, %add3A_459 : i32
        %get3A_461 = arith.constant 1 : i32
        %get3A_462 = arith.index_cast %get3A_461 : i32 to index
        %get3A_463 = arith.index_cast %add3A_460 : i32 to index
        %get3A_464 = arith.constant 0 : index
        %get3A_465 = tpu.vector_load %arg6[%get3A_462, %get3A_463, %get3A_464] {strides = array<i32>} : memref<2x640x64xf32, #tpu.memory_space<vmem>>, vector<1x1x16xf32>,
        %get3A_466 = vector.shape_cast %get3A_465 : vector<1x1x16xf32> to vector<16xf32>
        %add3A_467 = arith.addf %add3A_458, %get3A_466 : vector<16xf32>
        %add3A_468 = arith.constant 18 : i32
        %add3A_469 = arith.addi %mul3A_309, %add3A_468 : i32
        %get3A_470 = arith.constant 1 : i32
        %get3A_471 = arith.index_cast %get3A_470 : i32 to index
        %get3A_472 = arith.index_cast %add3A_469 : i32 to index
        %get3A_473 = arith.constant 0 : index
        %get3A_474 = tpu.vector_load %arg6[%get3A_471, %get3A_472, %get3A_473] {strides = array<i32>} : memref<2x640x64xf32, #tpu.memory_space<vmem>>, vector<1x1x16xf32>,
        %get3A_475 = vector.shape_cast %get3A_474 : vector<1x1x16xf32> to vector<16xf32>
        %add3A_476 = arith.addf %add3A_467, %get3A_475 : vector<16xf32>
        %add3A_477 = arith.constant 19 : i32
        %add3A_478 = arith.addi %mul3A_309, %add3A_477 : i32
        %get3A_479 = arith.constant 1 : i32
        %get3A_480 = arith.index_cast %get3A_479 : i32 to index
        %get3A_481 = arith.index_cast %add3A_478 : i32 to index
        %get3A_482 = arith.constant 0 : index
        %get3A_483 = tpu.vector_load %arg6[%get3A_480, %get3A_481, %get3A_482] {strides = array<i32>} : memref<2x640x64xf32, #tpu.memory_space<vmem>>, vector<1x1x16xf32>,
        %get3A_484 = vector.shape_cast %get3A_483 : vector<1x1x16xf32> to vector<16xf32>
        %add3A_485 = arith.addf %add3A_476, %get3A_484 : vector<16xf32>
        %mul3A_486 = arith.constant 2 : i32
        %mul3A_487 = arith.muli %mul3A_486, %scan3A_303 : i32
        %add3A_488 = arith.constant 0 : i32
        %add3A_489 = arith.addi %mul3A_487, %add3A_488 : i32
        %swap3A = arith.index_cast %select_n3A_218 : i32 to index
        %swap3A_490 = arith.index_cast %add3A_489 : i32 to index
        %swap3A_491 = arith.constant 64 : index
        %swap3A_492 = tpu.vector_load %arg7[%swap3A, %swap3A_490, %swap3A_491] {strides = array<i32>} : memref<2x32x128xf32, #tpu.memory_space<vmem>>, vector<1x1x16xf32>,
        %swap3A_493 = vector.shape_cast %swap3A_492 : vector<1x1x16xf32> to vector<16xf32>
        %swap3A_494 = vector.shape_cast %add3A_485 : vector<16xf32> to vector<1x1x16xf32>
        tpu.vector_store %arg7[%swap3A, %swap3A_490, %swap3A_491], %swap3A_494 {strides = array<i32>} : memref<2x32x128xf32, #tpu.memory_space<vmem>>, vector<1x1x16xf32>,
        %get3A_495 = arith.constant 1 : i32
        %get3A_496 = arith.index_cast %get3A_495 : i32 to index
        %get3A_497 = arith.index_cast %mul3A_309 : i32 to index
        %get3A_498 = arith.constant 16 : index
        %get3A_499 = tpu.vector_load %arg6[%get3A_496, %get3A_497, %get3A_498] {strides = array<i32>} : memref<2x640x64xf32, #tpu.memory_space<vmem>>, vector<1x1x16xf32>,
        %get3A_500 = vector.shape_cast %get3A_499 : vector<1x1x16xf32> to vector<16xf32>
        %add3A_501 = arith.constant 1 : i32
        %add3A_502 = arith.addi %mul3A_309, %add3A_501 : i32
        %get3A_503 = arith.constant 1 : i32
        %get3A_504 = arith.index_cast %get3A_503 : i32 to index
        %get3A_505 = arith.index_cast %add3A_502 : i32 to index
        %get3A_506 = arith.constant 16 : index
        %get3A_507 = tpu.vector_load %arg6[%get3A_504, %get3A_505, %get3A_506] {strides = array<i32>} : memref<2x640x64xf32, #tpu.memory_space<vmem>>, vector<1x1x16xf32>,
        %get3A_508 = vector.shape_cast %get3A_507 : vector<1x1x16xf32> to vector<16xf32>
        %add3A_509 = arith.addf %get3A_500, %get3A_508 : vector<16xf32>
        %add3A_510 = arith.constant 2 : i32
        %add3A_511 = arith.addi %mul3A_309, %add3A_510 : i32
        %get3A_512 = arith.constant 1 : i32
        %get3A_513 = arith.index_cast %get3A_512 : i32 to index
        %get3A_514 = arith.index_cast %add3A_511 : i32 to index
        %get3A_515 = arith.constant 16 : index
        %get3A_516 = tpu.vector_load %arg6[%get3A_513, %get3A_514, %get3A_515] {strides = array<i32>} : memref<2x640x64xf32, #tpu.memory_space<vmem>>, vector<1x1x16xf32>,
        %get3A_517 = vector.shape_cast %get3A_516 : vector<1x1x16xf32> to vector<16xf32>
        %add3A_518 = arith.addf %add3A_509, %get3A_517 : vector<16xf32>
        %add3A_519 = arith.constant 3 : i32
        %add3A_520 = arith.addi %mul3A_309, %add3A_519 : i32
        %get3A_521 = arith.constant 1 : i32
        %get3A_522 = arith.index_cast %get3A_521 : i32 to index
        %get3A_523 = arith.index_cast %add3A_520 : i32 to index
        %get3A_524 = arith.constant 16 : index
        %get3A_525 = tpu.vector_load %arg6[%get3A_522, %get3A_523, %get3A_524] {strides = array<i32>} : memref<2x640x64xf32, #tpu.memory_space<vmem>>, vector<1x1x16xf32>,
        %get3A_526 = vector.shape_cast %get3A_525 : vector<1x1x16xf32> to vector<16xf32>
        %add3A_527 = arith.addf %add3A_518, %get3A_526 : vector<16xf32>
        %add3A_528 = arith.constant 4 : i32
        %add3A_529 = arith.addi %mul3A_309, %add3A_528 : i32
        %get3A_530 = arith.constant 1 : i32
        %get3A_531 = arith.index_cast %get3A_530 : i32 to index
        %get3A_532 = arith.index_cast %add3A_529 : i32 to index
        %get3A_533 = arith.constant 16 : index
        %get3A_534 = tpu.vector_load %arg6[%get3A_531, %get3A_532, %get3A_533] {strides = array<i32>} : memref<2x640x64xf32, #tpu.memory_space<vmem>>, vector<1x1x16xf32>,
        %get3A_535 = vector.shape_cast %get3A_534 : vector<1x1x16xf32> to vector<16xf32>
        %add3A_536 = arith.addf %add3A_527, %get3A_535 : vector<16xf32>
        %add3A_537 = arith.constant 5 : i32
        %add3A_538 = arith.addi %mul3A_309, %add3A_537 : i32
        %get3A_539 = arith.constant 1 : i32
        %get3A_540 = arith.index_cast %get3A_539 : i32 to index
        %get3A_541 = arith.index_cast %add3A_538 : i32 to index
        %get3A_542 = arith.constant 16 : index
        %get3A_543 = tpu.vector_load %arg6[%get3A_540, %get3A_541, %get3A_542] {strides = array<i32>} : memref<2x640x64xf32, #tpu.memory_space<vmem>>, vector<1x1x16xf32>,
        %get3A_544 = vector.shape_cast %get3A_543 : vector<1x1x16xf32> to vector<16xf32>
        %add3A_545 = arith.addf %add3A_536, %get3A_544 : vector<16xf32>
        %add3A_546 = arith.constant 6 : i32
        %add3A_547 = arith.addi %mul3A_309, %add3A_546 : i32
        %get3A_548 = arith.constant 1 : i32
        %get3A_549 = arith.index_cast %get3A_548 : i32 to index
        %get3A_550 = arith.index_cast %add3A_547 : i32 to index
        %get3A_551 = arith.constant 16 : index
        %get3A_552 = tpu.vector_load %arg6[%get3A_549, %get3A_550, %get3A_551] {strides = array<i32>} : memref<2x640x64xf32, #tpu.memory_space<vmem>>, vector<1x1x16xf32>,
        %get3A_553 = vector.shape_cast %get3A_552 : vector<1x1x16xf32> to vector<16xf32>
        %add3A_554 = arith.addf %add3A_545, %get3A_553 : vector<16xf32>
        %add3A_555 = arith.constant 7 : i32
        %add3A_556 = arith.addi %mul3A_309, %add3A_555 : i32
        %get3A_557 = arith.constant 1 : i32
        %get3A_558 = arith.index_cast %get3A_557 : i32 to index
        %get3A_559 = arith.index_cast %add3A_556 : i32 to index
        %get3A_560 = arith.constant 16 : index
        %get3A_561 = tpu.vector_load %arg6[%get3A_558, %get3A_559, %get3A_560] {strides = array<i32>} : memref<2x640x64xf32, #tpu.memory_space<vmem>>, vector<1x1x16xf32>,
        %get3A_562 = vector.shape_cast %get3A_561 : vector<1x1x16xf32> to vector<16xf32>
        %add3A_563 = arith.addf %add3A_554, %get3A_562 : vector<16xf32>
        %add3A_564 = arith.constant 8 : i32
        %add3A_565 = arith.addi %mul3A_309, %add3A_564 : i32
        %get3A_566 = arith.constant 1 : i32
        %get3A_567 = arith.index_cast %get3A_566 : i32 to index
        %get3A_568 = arith.index_cast %add3A_565 : i32 to index
        %get3A_569 = arith.constant 16 : index
        %get3A_570 = tpu.vector_load %arg6[%get3A_567, %get3A_568, %get3A_569] {strides = array<i32>} : memref<2x640x64xf32, #tpu.memory_space<vmem>>, vector<1x1x16xf32>,
        %get3A_571 = vector.shape_cast %get3A_570 : vector<1x1x16xf32> to vector<16xf32>
        %add3A_572 = arith.addf %add3A_563, %get3A_571 : vector<16xf32>
        %add3A_573 = arith.constant 9 : i32
        %add3A_574 = arith.addi %mul3A_309, %add3A_573 : i32
        %get3A_575 = arith.constant 1 : i32
        %get3A_576 = arith.index_cast %get3A_575 : i32 to index
        %get3A_577 = arith.index_cast %add3A_574 : i32 to index
        %get3A_578 = arith.constant 16 : index
        %get3A_579 = tpu.vector_load %arg6[%get3A_576, %get3A_577, %get3A_578] {strides = array<i32>} : memref<2x640x64xf32, #tpu.memory_space<vmem>>, vector<1x1x16xf32>,
        %get3A_580 = vector.shape_cast %get3A_579 : vector<1x1x16xf32> to vector<16xf32>
        %add3A_581 = arith.addf %add3A_572, %get3A_580 : vector<16xf32>
        %add3A_582 = arith.constant 10 : i32
        %add3A_583 = arith.addi %mul3A_309, %add3A_582 : i32
        %get3A_584 = arith.constant 1 : i32
        %get3A_585 = arith.index_cast %get3A_584 : i32 to index
        %get3A_586 = arith.index_cast %add3A_583 : i32 to index
        %get3A_587 = arith.constant 16 : index
        %get3A_588 = tpu.vector_load %arg6[%get3A_585, %get3A_586, %get3A_587] {strides = array<i32>} : memref<2x640x64xf32, #tpu.memory_space<vmem>>, vector<1x1x16xf32>,
        %get3A_589 = vector.shape_cast %get3A_588 : vector<1x1x16xf32> to vector<16xf32>
        %add3A_590 = arith.addf %add3A_581, %get3A_589 : vector<16xf32>
        %add3A_591 = arith.constant 11 : i32
        %add3A_592 = arith.addi %mul3A_309, %add3A_591 : i32
        %get3A_593 = arith.constant 1 : i32
        %get3A_594 = arith.index_cast %get3A_593 : i32 to index
        %get3A_595 = arith.index_cast %add3A_592 : i32 to index
        %get3A_596 = arith.constant 16 : index
        %get3A_597 = tpu.vector_load %arg6[%get3A_594, %get3A_595, %get3A_596] {strides = array<i32>} : memref<2x640x64xf32, #tpu.memory_space<vmem>>, vector<1x1x16xf32>,
        %get3A_598 = vector.shape_cast %get3A_597 : vector<1x1x16xf32> to vector<16xf32>
        %add3A_599 = arith.addf %add3A_590, %get3A_598 : vector<16xf32>
        %add3A_600 = arith.constant 12 : i32
        %add3A_601 = arith.addi %mul3A_309, %add3A_600 : i32
        %get3A_602 = arith.constant 1 : i32
        %get3A_603 = arith.index_cast %get3A_602 : i32 to index
        %get3A_604 = arith.index_cast %add3A_601 : i32 to index
        %get3A_605 = arith.constant 16 : index
        %get3A_606 = tpu.vector_load %arg6[%get3A_603, %get3A_604, %get3A_605] {strides = array<i32>} : memref<2x640x64xf32, #tpu.memory_space<vmem>>, vector<1x1x16xf32>,
        %get3A_607 = vector.shape_cast %get3A_606 : vector<1x1x16xf32> to vector<16xf32>
        %add3A_608 = arith.addf %add3A_599, %get3A_607 : vector<16xf32>
        %add3A_609 = arith.constant 13 : i32
        %add3A_610 = arith.addi %mul3A_309, %add3A_609 : i32
        %get3A_611 = arith.constant 1 : i32
        %get3A_612 = arith.index_cast %get3A_611 : i32 to index
        %get3A_613 = arith.index_cast %add3A_610 : i32 to index
        %get3A_614 = arith.constant 16 : index
        %get3A_615 = tpu.vector_load %arg6[%get3A_612, %get3A_613, %get3A_614] {strides = array<i32>} : memref<2x640x64xf32, #tpu.memory_space<vmem>>, vector<1x1x16xf32>,
        %get3A_616 = vector.shape_cast %get3A_615 : vector<1x1x16xf32> to vector<16xf32>
        %add3A_617 = arith.addf %add3A_608, %get3A_616 : vector<16xf32>
        %add3A_618 = arith.constant 14 : i32
        %add3A_619 = arith.addi %mul3A_309, %add3A_618 : i32
        %get3A_620 = arith.constant 1 : i32
        %get3A_621 = arith.index_cast %get3A_620 : i32 to index
        %get3A_622 = arith.index_cast %add3A_619 : i32 to index
        %get3A_623 = arith.constant 16 : index
        %get3A_624 = tpu.vector_load %arg6[%get3A_621, %get3A_622, %get3A_623] {strides = array<i32>} : memref<2x640x64xf32, #tpu.memory_space<vmem>>, vector<1x1x16xf32>,
        %get3A_625 = vector.shape_cast %get3A_624 : vector<1x1x16xf32> to vector<16xf32>
        %add3A_626 = arith.addf %add3A_617, %get3A_625 : vector<16xf32>
        %add3A_627 = arith.constant 15 : i32
        %add3A_628 = arith.addi %mul3A_309, %add3A_627 : i32
        %get3A_629 = arith.constant 1 : i32
        %get3A_630 = arith.index_cast %get3A_629 : i32 to index
        %get3A_631 = arith.index_cast %add3A_628 : i32 to index
        %get3A_632 = arith.constant 16 : index
        %get3A_633 = tpu.vector_load %arg6[%get3A_630, %get3A_631, %get3A_632] {strides = array<i32>} : memref<2x640x64xf32, #tpu.memory_space<vmem>>, vector<1x1x16xf32>,
        %get3A_634 = vector.shape_cast %get3A_633 : vector<1x1x16xf32> to vector<16xf32>
        %add3A_635 = arith.addf %add3A_626, %get3A_634 : vector<16xf32>
        %add3A_636 = arith.constant 16 : i32
        %add3A_637 = arith.addi %mul3A_309, %add3A_636 : i32
        %get3A_638 = arith.constant 1 : i32
        %get3A_639 = arith.index_cast %get3A_638 : i32 to index
        %get3A_640 = arith.index_cast %add3A_637 : i32 to index
        %get3A_641 = arith.constant 16 : index
        %get3A_642 = tpu.vector_load %arg6[%get3A_639, %get3A_640, %get3A_641] {strides = array<i32>} : memref<2x640x64xf32, #tpu.memory_space<vmem>>, vector<1x1x16xf32>,
        %get3A_643 = vector.shape_cast %get3A_642 : vector<1x1x16xf32> to vector<16xf32>
        %add3A_644 = arith.addf %add3A_635, %get3A_643 : vector<16xf32>
        %add3A_645 = arith.constant 17 : i32
        %add3A_646 = arith.addi %mul3A_309, %add3A_645 : i32
        %get3A_647 = arith.constant 1 : i32
        %get3A_648 = arith.index_cast %get3A_647 : i32 to index
        %get3A_649 = arith.index_cast %add3A_646 : i32 to index
        %get3A_650 = arith.constant 16 : index
        %get3A_651 = tpu.vector_load %arg6[%get3A_648, %get3A_649, %get3A_650] {strides = array<i32>} : memref<2x640x64xf32, #tpu.memory_space<vmem>>, vector<1x1x16xf32>,
        %get3A_652 = vector.shape_cast %get3A_651 : vector<1x1x16xf32> to vector<16xf32>
        %add3A_653 = arith.addf %add3A_644, %get3A_652 : vector<16xf32>
        %add3A_654 = arith.constant 18 : i32
        %add3A_655 = arith.addi %mul3A_309, %add3A_654 : i32
        %get3A_656 = arith.constant 1 : i32
        %get3A_657 = arith.index_cast %get3A_656 : i32 to index
        %get3A_658 = arith.index_cast %add3A_655 : i32 to index
        %get3A_659 = arith.constant 16 : index
        %get3A_660 = tpu.vector_load %arg6[%get3A_657, %get3A_658, %get3A_659] {strides = array<i32>} : memref<2x640x64xf32, #tpu.memory_space<vmem>>, vector<1x1x16xf32>,
        %get3A_661 = vector.shape_cast %get3A_660 : vector<1x1x16xf32> to vector<16xf32>
        %add3A_662 = arith.addf %add3A_653, %get3A_661 : vector<16xf32>
        %add3A_663 = arith.constant 19 : i32
        %add3A_664 = arith.addi %mul3A_309, %add3A_663 : i32
        %get3A_665 = arith.constant 1 : i32
        %get3A_666 = arith.index_cast %get3A_665 : i32 to index
        %get3A_667 = arith.index_cast %add3A_664 : i32 to index
        %get3A_668 = arith.constant 16 : index
        %get3A_669 = tpu.vector_load %arg6[%get3A_666, %get3A_667, %get3A_668] {strides = array<i32>} : memref<2x640x64xf32, #tpu.memory_space<vmem>>, vector<1x1x16xf32>,
        %get3A_670 = vector.shape_cast %get3A_669 : vector<1x1x16xf32> to vector<16xf32>
        %add3A_671 = arith.addf %add3A_662, %get3A_670 : vector<16xf32>
        %mul3A_672 = arith.constant 2 : i32
        %mul3A_673 = arith.muli %mul3A_672, %scan3A_303 : i32
        %add3A_674 = arith.constant 0 : i32
        %add3A_675 = arith.addi %mul3A_673, %add3A_674 : i32
        %swap3A_676 = arith.index_cast %select_n3A_218 : i32 to index
        %swap3A_677 = arith.index_cast %add3A_675 : i32 to index
        %swap3A_678 = arith.constant 80 : index
        %swap3A_679 = tpu.vector_load %arg7[%swap3A_676, %swap3A_677, %swap3A_678] {strides = array<i32>} : memref<2x32x128xf32, #tpu.memory_space<vmem>>, vector<1x1x16xf32>,
        %swap3A_680 = vector.shape_cast %swap3A_679 : vector<1x1x16xf32> to vector<16xf32>
        %swap3A_681 = vector.shape_cast %add3A_671 : vector<16xf32> to vector<1x1x16xf32>
        tpu.vector_store %arg7[%swap3A_676, %swap3A_677, %swap3A_678], %swap3A_681 {strides = array<i32>} : memref<2x32x128xf32, #tpu.memory_space<vmem>>, vector<1x1x16xf32>,
        %get3A_682 = arith.constant 1 : i32
        %get3A_683 = arith.index_cast %get3A_682 : i32 to index
        %get3A_684 = arith.index_cast %mul3A_309 : i32 to index
        %get3A_685 = arith.constant 32 : index
        %get3A_686 = tpu.vector_load %arg6[%get3A_683, %get3A_684, %get3A_685] {strides = array<i32>} : memref<2x640x64xf32, #tpu.memory_space<vmem>>, vector<1x1x16xf32>,
        %get3A_687 = vector.shape_cast %get3A_686 : vector<1x1x16xf32> to vector<16xf32>
        %add3A_688 = arith.constant 1 : i32
        %add3A_689 = arith.addi %mul3A_309, %add3A_688 : i32
        %get3A_690 = arith.constant 1 : i32
        %get3A_691 = arith.index_cast %get3A_690 : i32 to index
        %get3A_692 = arith.index_cast %add3A_689 : i32 to index
        %get3A_693 = arith.constant 32 : index
        %get3A_694 = tpu.vector_load %arg6[%get3A_691, %get3A_692, %get3A_693] {strides = array<i32>} : memref<2x640x64xf32, #tpu.memory_space<vmem>>, vector<1x1x16xf32>,
        %get3A_695 = vector.shape_cast %get3A_694 : vector<1x1x16xf32> to vector<16xf32>
        %add3A_696 = arith.addf %get3A_687, %get3A_695 : vector<16xf32>
        %add3A_697 = arith.constant 2 : i32
        %add3A_698 = arith.addi %mul3A_309, %add3A_697 : i32
        %get3A_699 = arith.constant 1 : i32
        %get3A_700 = arith.index_cast %get3A_699 : i32 to index
        %get3A_701 = arith.index_cast %add3A_698 : i32 to index
        %get3A_702 = arith.constant 32 : index
        %get3A_703 = tpu.vector_load %arg6[%get3A_700, %get3A_701, %get3A_702] {strides = array<i32>} : memref<2x640x64xf32, #tpu.memory_space<vmem>>, vector<1x1x16xf32>,
        %get3A_704 = vector.shape_cast %get3A_703 : vector<1x1x16xf32> to vector<16xf32>
        %add3A_705 = arith.addf %add3A_696, %get3A_704 : vector<16xf32>
        %add3A_706 = arith.constant 3 : i32
        %add3A_707 = arith.addi %mul3A_309, %add3A_706 : i32
        %get3A_708 = arith.constant 1 : i32
        %get3A_709 = arith.index_cast %get3A_708 : i32 to index
        %get3A_710 = arith.index_cast %add3A_707 : i32 to index
        %get3A_711 = arith.constant 32 : index
        %get3A_712 = tpu.vector_load %arg6[%get3A_709, %get3A_710, %get3A_711] {strides = array<i32>} : memref<2x640x64xf32, #tpu.memory_space<vmem>>, vector<1x1x16xf32>,
        %get3A_713 = vector.shape_cast %get3A_712 : vector<1x1x16xf32> to vector<16xf32>
        %add3A_714 = arith.addf %add3A_705, %get3A_713 : vector<16xf32>
        %add3A_715 = arith.constant 4 : i32
        %add3A_716 = arith.addi %mul3A_309, %add3A_715 : i32
        %get3A_717 = arith.constant 1 : i32
        %get3A_718 = arith.index_cast %get3A_717 : i32 to index
        %get3A_719 = arith.index_cast %add3A_716 : i32 to index
        %get3A_720 = arith.constant 32 : index
        %get3A_721 = tpu.vector_load %arg6[%get3A_718, %get3A_719, %get3A_720] {strides = array<i32>} : memref<2x640x64xf32, #tpu.memory_space<vmem>>, vector<1x1x16xf32>,
        %get3A_722 = vector.shape_cast %get3A_721 : vector<1x1x16xf32> to vector<16xf32>
        %add3A_723 = arith.addf %add3A_714, %get3A_722 : vector<16xf32>
        %add3A_724 = arith.constant 5 : i32
        %add3A_725 = arith.addi %mul3A_309, %add3A_724 : i32
        %get3A_726 = arith.constant 1 : i32
        %get3A_727 = arith.index_cast %get3A_726 : i32 to index
        %get3A_728 = arith.index_cast %add3A_725 : i32 to index
        %get3A_729 = arith.constant 32 : index
        %get3A_730 = tpu.vector_load %arg6[%get3A_727, %get3A_728, %get3A_729] {strides = array<i32>} : memref<2x640x64xf32, #tpu.memory_space<vmem>>, vector<1x1x16xf32>,
        %get3A_731 = vector.shape_cast %get3A_730 : vector<1x1x16xf32> to vector<16xf32>
        %add3A_732 = arith.addf %add3A_723, %get3A_731 : vector<16xf32>
        %add3A_733 = arith.constant 6 : i32
        %add3A_734 = arith.addi %mul3A_309, %add3A_733 : i32
        %get3A_735 = arith.constant 1 : i32
        %get3A_736 = arith.index_cast %get3A_735 : i32 to index
        %get3A_737 = arith.index_cast %add3A_734 : i32 to index
        %get3A_738 = arith.constant 32 : index
        %get3A_739 = tpu.vector_load %arg6[%get3A_736, %get3A_737, %get3A_738] {strides = array<i32>} : memref<2x640x64xf32, #tpu.memory_space<vmem>>, vector<1x1x16xf32>,
        %get3A_740 = vector.shape_cast %get3A_739 : vector<1x1x16xf32> to vector<16xf32>
        %add3A_741 = arith.addf %add3A_732, %get3A_740 : vector<16xf32>
        %add3A_742 = arith.constant 7 : i32
        %add3A_743 = arith.addi %mul3A_309, %add3A_742 : i32
        %get3A_744 = arith.constant 1 : i32
        %get3A_745 = arith.index_cast %get3A_744 : i32 to index
        %get3A_746 = arith.index_cast %add3A_743 : i32 to index
        %get3A_747 = arith.constant 32 : index
        %get3A_748 = tpu.vector_load %arg6[%get3A_745, %get3A_746, %get3A_747] {strides = array<i32>} : memref<2x640x64xf32, #tpu.memory_space<vmem>>, vector<1x1x16xf32>,
        %get3A_749 = vector.shape_cast %get3A_748 : vector<1x1x16xf32> to vector<16xf32>
        %add3A_750 = arith.addf %add3A_741, %get3A_749 : vector<16xf32>
        %add3A_751 = arith.constant 8 : i32
        %add3A_752 = arith.addi %mul3A_309, %add3A_751 : i32
        %get3A_753 = arith.constant 1 : i32
        %get3A_754 = arith.index_cast %get3A_753 : i32 to index
        %get3A_755 = arith.index_cast %add3A_752 : i32 to index
        %get3A_756 = arith.constant 32 : index
        %get3A_757 = tpu.vector_load %arg6[%get3A_754, %get3A_755, %get3A_756] {strides = array<i32>} : memref<2x640x64xf32, #tpu.memory_space<vmem>>, vector<1x1x16xf32>,
        %get3A_758 = vector.shape_cast %get3A_757 : vector<1x1x16xf32> to vector<16xf32>
        %add3A_759 = arith.addf %add3A_750, %get3A_758 : vector<16xf32>
        %add3A_760 = arith.constant 9 : i32
        %add3A_761 = arith.addi %mul3A_309, %add3A_760 : i32
        %get3A_762 = arith.constant 1 : i32
        %get3A_763 = arith.index_cast %get3A_762 : i32 to index
        %get3A_764 = arith.index_cast %add3A_761 : i32 to index
        %get3A_765 = arith.constant 32 : index
        %get3A_766 = tpu.vector_load %arg6[%get3A_763, %get3A_764, %get3A_765] {strides = array<i32>} : memref<2x640x64xf32, #tpu.memory_space<vmem>>, vector<1x1x16xf32>,
        %get3A_767 = vector.shape_cast %get3A_766 : vector<1x1x16xf32> to vector<16xf32>
        %add3A_768 = arith.addf %add3A_759, %get3A_767 : vector<16xf32>
        %add3A_769 = arith.constant 10 : i32
        %add3A_770 = arith.addi %mul3A_309, %add3A_769 : i32
        %get3A_771 = arith.constant 1 : i32
        %get3A_772 = arith.index_cast %get3A_771 : i32 to index
        %get3A_773 = arith.index_cast %add3A_770 : i32 to index
        %get3A_774 = arith.constant 32 : index
        %get3A_775 = tpu.vector_load %arg6[%get3A_772, %get3A_773, %get3A_774] {strides = array<i32>} : memref<2x640x64xf32, #tpu.memory_space<vmem>>, vector<1x1x16xf32>,
        %get3A_776 = vector.shape_cast %get3A_775 : vector<1x1x16xf32> to vector<16xf32>
        %add3A_777 = arith.addf %add3A_768, %get3A_776 : vector<16xf32>
        %add3A_778 = arith.constant 11 : i32
        %add3A_779 = arith.addi %mul3A_309, %add3A_778 : i32
        %get3A_780 = arith.constant 1 : i32
        %get3A_781 = arith.index_cast %get3A_780 : i32 to index
        %get3A_782 = arith.index_cast %add3A_779 : i32 to index
        %get3A_783 = arith.constant 32 : index
        %get3A_784 = tpu.vector_load %arg6[%get3A_781, %get3A_782, %get3A_783] {strides = array<i32>} : memref<2x640x64xf32, #tpu.memory_space<vmem>>, vector<1x1x16xf32>,
        %get3A_785 = vector.shape_cast %get3A_784 : vector<1x1x16xf32> to vector<16xf32>
        %add3A_786 = arith.addf %add3A_777, %get3A_785 : vector<16xf32>
        %add3A_787 = arith.constant 12 : i32
        %add3A_788 = arith.addi %mul3A_309, %add3A_787 : i32
        %get3A_789 = arith.constant 1 : i32
        %get3A_790 = arith.index_cast %get3A_789 : i32 to index
        %get3A_791 = arith.index_cast %add3A_788 : i32 to index
        %get3A_792 = arith.constant 32 : index
        %get3A_793 = tpu.vector_load %arg6[%get3A_790, %get3A_791, %get3A_792] {strides = array<i32>} : memref<2x640x64xf32, #tpu.memory_space<vmem>>, vector<1x1x16xf32>,
        %get3A_794 = vector.shape_cast %get3A_793 : vector<1x1x16xf32> to vector<16xf32>
        %add3A_795 = arith.addf %add3A_786, %get3A_794 : vector<16xf32>
        %add3A_796 = arith.constant 13 : i32
        %add3A_797 = arith.addi %mul3A_309, %add3A_796 : i32
        %get3A_798 = arith.constant 1 : i32
        %get3A_799 = arith.index_cast %get3A_798 : i32 to index
        %get3A_800 = arith.index_cast %add3A_797 : i32 to index
        %get3A_801 = arith.constant 32 : index
        %get3A_802 = tpu.vector_load %arg6[%get3A_799, %get3A_800, %get3A_801] {strides = array<i32>} : memref<2x640x64xf32, #tpu.memory_space<vmem>>, vector<1x1x16xf32>,
        %get3A_803 = vector.shape_cast %get3A_802 : vector<1x1x16xf32> to vector<16xf32>
        %add3A_804 = arith.addf %add3A_795, %get3A_803 : vector<16xf32>
        %add3A_805 = arith.constant 14 : i32
        %add3A_806 = arith.addi %mul3A_309, %add3A_805 : i32
        %get3A_807 = arith.constant 1 : i32
        %get3A_808 = arith.index_cast %get3A_807 : i32 to index
        %get3A_809 = arith.index_cast %add3A_806 : i32 to index
        %get3A_810 = arith.constant 32 : index
        %get3A_811 = tpu.vector_load %arg6[%get3A_808, %get3A_809, %get3A_810] {strides = array<i32>} : memref<2x640x64xf32, #tpu.memory_space<vmem>>, vector<1x1x16xf32>,
        %get3A_812 = vector.shape_cast %get3A_811 : vector<1x1x16xf32> to vector<16xf32>
        %add3A_813 = arith.addf %add3A_804, %get3A_812 : vector<16xf32>
        %add3A_814 = arith.constant 15 : i32
        %add3A_815 = arith.addi %mul3A_309, %add3A_814 : i32
        %get3A_816 = arith.constant 1 : i32
        %get3A_817 = arith.index_cast %get3A_816 : i32 to index
        %get3A_818 = arith.index_cast %add3A_815 : i32 to index
        %get3A_819 = arith.constant 32 : index
        %get3A_820 = tpu.vector_load %arg6[%get3A_817, %get3A_818, %get3A_819] {strides = array<i32>} : memref<2x640x64xf32, #tpu.memory_space<vmem>>, vector<1x1x16xf32>,
        %get3A_821 = vector.shape_cast %get3A_820 : vector<1x1x16xf32> to vector<16xf32>
        %add3A_822 = arith.addf %add3A_813, %get3A_821 : vector<16xf32>
        %add3A_823 = arith.constant 16 : i32
        %add3A_824 = arith.addi %mul3A_309, %add3A_823 : i32
        %get3A_825 = arith.constant 1 : i32
        %get3A_826 = arith.index_cast %get3A_825 : i32 to index
        %get3A_827 = arith.index_cast %add3A_824 : i32 to index
        %get3A_828 = arith.constant 32 : index
        %get3A_829 = tpu.vector_load %arg6[%get3A_826, %get3A_827, %get3A_828] {strides = array<i32>} : memref<2x640x64xf32, #tpu.memory_space<vmem>>, vector<1x1x16xf32>,
        %get3A_830 = vector.shape_cast %get3A_829 : vector<1x1x16xf32> to vector<16xf32>
        %add3A_831 = arith.addf %add3A_822, %get3A_830 : vector<16xf32>
        %add3A_832 = arith.constant 17 : i32
        %add3A_833 = arith.addi %mul3A_309, %add3A_832 : i32
        %get3A_834 = arith.constant 1 : i32
        %get3A_835 = arith.index_cast %get3A_834 : i32 to index
        %get3A_836 = arith.index_cast %add3A_833 : i32 to index
        %get3A_837 = arith.constant 32 : index
        %get3A_838 = tpu.vector_load %arg6[%get3A_835, %get3A_836, %get3A_837] {strides = array<i32>} : memref<2x640x64xf32, #tpu.memory_space<vmem>>, vector<1x1x16xf32>,
        %get3A_839 = vector.shape_cast %get3A_838 : vector<1x1x16xf32> to vector<16xf32>
        %add3A_840 = arith.addf %add3A_831, %get3A_839 : vector<16xf32>
        %add3A_841 = arith.constant 18 : i32
        %add3A_842 = arith.addi %mul3A_309, %add3A_841 : i32
        %get3A_843 = arith.constant 1 : i32
        %get3A_844 = arith.index_cast %get3A_843 : i32 to index
        %get3A_845 = arith.index_cast %add3A_842 : i32 to index
        %get3A_846 = arith.constant 32 : index
        %get3A_847 = tpu.vector_load %arg6[%get3A_844, %get3A_845, %get3A_846] {strides = array<i32>} : memref<2x640x64xf32, #tpu.memory_space<vmem>>, vector<1x1x16xf32>,
        %get3A_848 = vector.shape_cast %get3A_847 : vector<1x1x16xf32> to vector<16xf32>
        %add3A_849 = arith.addf %add3A_840, %get3A_848 : vector<16xf32>
        %add3A_850 = arith.constant 19 : i32
        %add3A_851 = arith.addi %mul3A_309, %add3A_850 : i32
        %get3A_852 = arith.constant 1 : i32
        %get3A_853 = arith.index_cast %get3A_852 : i32 to index
        %get3A_854 = arith.index_cast %add3A_851 : i32 to index
        %get3A_855 = arith.constant 32 : index
        %get3A_856 = tpu.vector_load %arg6[%get3A_853, %get3A_854, %get3A_855] {strides = array<i32>} : memref<2x640x64xf32, #tpu.memory_space<vmem>>, vector<1x1x16xf32>,
        %get3A_857 = vector.shape_cast %get3A_856 : vector<1x1x16xf32> to vector<16xf32>
        %add3A_858 = arith.addf %add3A_849, %get3A_857 : vector<16xf32>
        %mul3A_859 = arith.constant 2 : i32
        %mul3A_860 = arith.muli %mul3A_859, %scan3A_303 : i32
        %add3A_861 = arith.constant 0 : i32
        %add3A_862 = arith.addi %mul3A_860, %add3A_861 : i32
        %swap3A_863 = arith.index_cast %select_n3A_218 : i32 to index
        %swap3A_864 = arith.index_cast %add3A_862 : i32 to index
        %swap3A_865 = arith.constant 96 : index
        %swap3A_866 = tpu.vector_load %arg7[%swap3A_863, %swap3A_864, %swap3A_865] {strides = array<i32>} : memref<2x32x128xf32, #tpu.memory_space<vmem>>, vector<1x1x16xf32>,
        %swap3A_867 = vector.shape_cast %swap3A_866 : vector<1x1x16xf32> to vector<16xf32>
        %swap3A_868 = vector.shape_cast %add3A_858 : vector<16xf32> to vector<1x1x16xf32>
        tpu.vector_store %arg7[%swap3A_863, %swap3A_864, %swap3A_865], %swap3A_868 {strides = array<i32>} : memref<2x32x128xf32, #tpu.memory_space<vmem>>, vector<1x1x16xf32>,
        %get3A_869 = arith.constant 1 : i32
        %get3A_870 = arith.index_cast %get3A_869 : i32 to index
        %get3A_871 = arith.index_cast %mul3A_309 : i32 to index
        %get3A_872 = arith.constant 48 : index
        %get3A_873 = tpu.vector_load %arg6[%get3A_870, %get3A_871, %get3A_872] {strides = array<i32>} : memref<2x640x64xf32, #tpu.memory_space<vmem>>, vector<1x1x16xf32>,
        %get3A_874 = vector.shape_cast %get3A_873 : vector<1x1x16xf32> to vector<16xf32>
        %add3A_875 = arith.constant 1 : i32
        %add3A_876 = arith.addi %mul3A_309, %add3A_875 : i32
        %get3A_877 = arith.constant 1 : i32
        %get3A_878 = arith.index_cast %get3A_877 : i32 to index
        %get3A_879 = arith.index_cast %add3A_876 : i32 to index
        %get3A_880 = arith.constant 48 : index
        %get3A_881 = tpu.vector_load %arg6[%get3A_878, %get3A_879, %get3A_880] {strides = array<i32>} : memref<2x640x64xf32, #tpu.memory_space<vmem>>, vector<1x1x16xf32>,
        %get3A_882 = vector.shape_cast %get3A_881 : vector<1x1x16xf32> to vector<16xf32>
        %add3A_883 = arith.addf %get3A_874, %get3A_882 : vector<16xf32>
        %add3A_884 = arith.constant 2 : i32
        %add3A_885 = arith.addi %mul3A_309, %add3A_884 : i32
        %get3A_886 = arith.constant 1 : i32
        %get3A_887 = arith.index_cast %get3A_886 : i32 to index
        %get3A_888 = arith.index_cast %add3A_885 : i32 to index
        %get3A_889 = arith.constant 48 : index
        %get3A_890 = tpu.vector_load %arg6[%get3A_887, %get3A_888, %get3A_889] {strides = array<i32>} : memref<2x640x64xf32, #tpu.memory_space<vmem>>, vector<1x1x16xf32>,
        %get3A_891 = vector.shape_cast %get3A_890 : vector<1x1x16xf32> to vector<16xf32>
        %add3A_892 = arith.addf %add3A_883, %get3A_891 : vector<16xf32>
        %add3A_893 = arith.constant 3 : i32
        %add3A_894 = arith.addi %mul3A_309, %add3A_893 : i32
        %get3A_895 = arith.constant 1 : i32
        %get3A_896 = arith.index_cast %get3A_895 : i32 to index
        %get3A_897 = arith.index_cast %add3A_894 : i32 to index
        %get3A_898 = arith.constant 48 : index
        %get3A_899 = tpu.vector_load %arg6[%get3A_896, %get3A_897, %get3A_898] {strides = array<i32>} : memref<2x640x64xf32, #tpu.memory_space<vmem>>, vector<1x1x16xf32>,
        %get3A_900 = vector.shape_cast %get3A_899 : vector<1x1x16xf32> to vector<16xf32>
        %add3A_901 = arith.addf %add3A_892, %get3A_900 : vector<16xf32>
        %add3A_902 = arith.constant 4 : i32
        %add3A_903 = arith.addi %mul3A_309, %add3A_902 : i32
        %get3A_904 = arith.constant 1 : i32
        %get3A_905 = arith.index_cast %get3A_904 : i32 to index
        %get3A_906 = arith.index_cast %add3A_903 : i32 to index
        %get3A_907 = arith.constant 48 : index
        %get3A_908 = tpu.vector_load %arg6[%get3A_905, %get3A_906, %get3A_907] {strides = array<i32>} : memref<2x640x64xf32, #tpu.memory_space<vmem>>, vector<1x1x16xf32>,
        %get3A_909 = vector.shape_cast %get3A_908 : vector<1x1x16xf32> to vector<16xf32>
        %add3A_910 = arith.addf %add3A_901, %get3A_909 : vector<16xf32>
        %add3A_911 = arith.constant 5 : i32
        %add3A_912 = arith.addi %mul3A_309, %add3A_911 : i32
        %get3A_913 = arith.constant 1 : i32
        %get3A_914 = arith.index_cast %get3A_913 : i32 to index
        %get3A_915 = arith.index_cast %add3A_912 : i32 to index
        %get3A_916 = arith.constant 48 : index
        %get3A_917 = tpu.vector_load %arg6[%get3A_914, %get3A_915, %get3A_916] {strides = array<i32>} : memref<2x640x64xf32, #tpu.memory_space<vmem>>, vector<1x1x16xf32>,
        %get3A_918 = vector.shape_cast %get3A_917 : vector<1x1x16xf32> to vector<16xf32>
        %add3A_919 = arith.addf %add3A_910, %get3A_918 : vector<16xf32>
        %add3A_920 = arith.constant 6 : i32
        %add3A_921 = arith.addi %mul3A_309, %add3A_920 : i32
        %get3A_922 = arith.constant 1 : i32
        %get3A_923 = arith.index_cast %get3A_922 : i32 to index
        %get3A_924 = arith.index_cast %add3A_921 : i32 to index
        %get3A_925 = arith.constant 48 : index
        %get3A_926 = tpu.vector_load %arg6[%get3A_923, %get3A_924, %get3A_925] {strides = array<i32>} : memref<2x640x64xf32, #tpu.memory_space<vmem>>, vector<1x1x16xf32>,
        %get3A_927 = vector.shape_cast %get3A_926 : vector<1x1x16xf32> to vector<16xf32>
        %add3A_928 = arith.addf %add3A_919, %get3A_927 : vector<16xf32>
        %add3A_929 = arith.constant 7 : i32
        %add3A_930 = arith.addi %mul3A_309, %add3A_929 : i32
        %get3A_931 = arith.constant 1 : i32
        %get3A_932 = arith.index_cast %get3A_931 : i32 to index
        %get3A_933 = arith.index_cast %add3A_930 : i32 to index
        %get3A_934 = arith.constant 48 : index
        %get3A_935 = tpu.vector_load %arg6[%get3A_932, %get3A_933, %get3A_934] {strides = array<i32>} : memref<2x640x64xf32, #tpu.memory_space<vmem>>, vector<1x1x16xf32>,
        %get3A_936 = vector.shape_cast %get3A_935 : vector<1x1x16xf32> to vector<16xf32>
        %add3A_937 = arith.addf %add3A_928, %get3A_936 : vector<16xf32>
        %add3A_938 = arith.constant 8 : i32
        %add3A_939 = arith.addi %mul3A_309, %add3A_938 : i32
        %get3A_940 = arith.constant 1 : i32
        %get3A_941 = arith.index_cast %get3A_940 : i32 to index
        %get3A_942 = arith.index_cast %add3A_939 : i32 to index
        %get3A_943 = arith.constant 48 : index
        %get3A_944 = tpu.vector_load %arg6[%get3A_941, %get3A_942, %get3A_943] {strides = array<i32>} : memref<2x640x64xf32, #tpu.memory_space<vmem>>, vector<1x1x16xf32>,
        %get3A_945 = vector.shape_cast %get3A_944 : vector<1x1x16xf32> to vector<16xf32>
        %add3A_946 = arith.addf %add3A_937, %get3A_945 : vector<16xf32>
        %add3A_947 = arith.constant 9 : i32
        %add3A_948 = arith.addi %mul3A_309, %add3A_947 : i32
        %get3A_949 = arith.constant 1 : i32
        %get3A_950 = arith.index_cast %get3A_949 : i32 to index
        %get3A_951 = arith.index_cast %add3A_948 : i32 to index
        %get3A_952 = arith.constant 48 : index
        %get3A_953 = tpu.vector_load %arg6[%get3A_950, %get3A_951, %get3A_952] {strides = array<i32>} : memref<2x640x64xf32, #tpu.memory_space<vmem>>, vector<1x1x16xf32>,
        %get3A_954 = vector.shape_cast %get3A_953 : vector<1x1x16xf32> to vector<16xf32>
        %add3A_955 = arith.addf %add3A_946, %get3A_954 : vector<16xf32>
        %add3A_956 = arith.constant 10 : i32
        %add3A_957 = arith.addi %mul3A_309, %add3A_956 : i32
        %get3A_958 = arith.constant 1 : i32
        %get3A_959 = arith.index_cast %get3A_958 : i32 to index
        %get3A_960 = arith.index_cast %add3A_957 : i32 to index
        %get3A_961 = arith.constant 48 : index
        %get3A_962 = tpu.vector_load %arg6[%get3A_959, %get3A_960, %get3A_961] {strides = array<i32>} : memref<2x640x64xf32, #tpu.memory_space<vmem>>, vector<1x1x16xf32>,
        %get3A_963 = vector.shape_cast %get3A_962 : vector<1x1x16xf32> to vector<16xf32>
        %add3A_964 = arith.addf %add3A_955, %get3A_963 : vector<16xf32>
        %add3A_965 = arith.constant 11 : i32
        %add3A_966 = arith.addi %mul3A_309, %add3A_965 : i32
        %get3A_967 = arith.constant 1 : i32
        %get3A_968 = arith.index_cast %get3A_967 : i32 to index
        %get3A_969 = arith.index_cast %add3A_966 : i32 to index
        %get3A_970 = arith.constant 48 : index
        %get3A_971 = tpu.vector_load %arg6[%get3A_968, %get3A_969, %get3A_970] {strides = array<i32>} : memref<2x640x64xf32, #tpu.memory_space<vmem>>, vector<1x1x16xf32>,
        %get3A_972 = vector.shape_cast %get3A_971 : vector<1x1x16xf32> to vector<16xf32>
        %add3A_973 = arith.addf %add3A_964, %get3A_972 : vector<16xf32>
        %add3A_974 = arith.constant 12 : i32
        %add3A_975 = arith.addi %mul3A_309, %add3A_974 : i32
        %get3A_976 = arith.constant 1 : i32
        %get3A_977 = arith.index_cast %get3A_976 : i32 to index
        %get3A_978 = arith.index_cast %add3A_975 : i32 to index
        %get3A_979 = arith.constant 48 : index
        %get3A_980 = tpu.vector_load %arg6[%get3A_977, %get3A_978, %get3A_979] {strides = array<i32>} : memref<2x640x64xf32, #tpu.memory_space<vmem>>, vector<1x1x16xf32>,
        %get3A_981 = vector.shape_cast %get3A_980 : vector<1x1x16xf32> to vector<16xf32>
        %add3A_982 = arith.addf %add3A_973, %get3A_981 : vector<16xf32>
        %add3A_983 = arith.constant 13 : i32
        %add3A_984 = arith.addi %mul3A_309, %add3A_983 : i32
        %get3A_985 = arith.constant 1 : i32
        %get3A_986 = arith.index_cast %get3A_985 : i32 to index
        %get3A_987 = arith.index_cast %add3A_984 : i32 to index
        %get3A_988 = arith.constant 48 : index
        %get3A_989 = tpu.vector_load %arg6[%get3A_986, %get3A_987, %get3A_988] {strides = array<i32>} : memref<2x640x64xf32, #tpu.memory_space<vmem>>, vector<1x1x16xf32>,
        %get3A_990 = vector.shape_cast %get3A_989 : vector<1x1x16xf32> to vector<16xf32>
        %add3A_991 = arith.addf %add3A_982, %get3A_990 : vector<16xf32>
        %add3A_992 = arith.constant 14 : i32
        %add3A_993 = arith.addi %mul3A_309, %add3A_992 : i32
        %get3A_994 = arith.constant 1 : i32
        %get3A_995 = arith.index_cast %get3A_994 : i32 to index
        %get3A_996 = arith.index_cast %add3A_993 : i32 to index
        %get3A_997 = arith.constant 48 : index
        %get3A_998 = tpu.vector_load %arg6[%get3A_995, %get3A_996, %get3A_997] {strides = array<i32>} : memref<2x640x64xf32, #tpu.memory_space<vmem>>, vector<1x1x16xf32>,
        %get3A_999 = vector.shape_cast %get3A_998 : vector<1x1x16xf32> to vector<16xf32>
        %add3A_1000 = arith.addf %add3A_991, %get3A_999 : vector<16xf32>
        %add3A_1001 = arith.constant 15 : i32
        %add3A_1002 = arith.addi %mul3A_309, %add3A_1001 : i32
        %get3A_1003 = arith.constant 1 : i32
        %get3A_1004 = arith.index_cast %get3A_1003 : i32 to index
        %get3A_1005 = arith.index_cast %add3A_1002 : i32 to index
        %get3A_1006 = arith.constant 48 : index
        %get3A_1007 = tpu.vector_load %arg6[%get3A_1004, %get3A_1005, %get3A_1006] {strides = array<i32>} : memref<2x640x64xf32, #tpu.memory_space<vmem>>, vector<1x1x16xf32>,
        %get3A_1008 = vector.shape_cast %get3A_1007 : vector<1x1x16xf32> to vector<16xf32>
        %add3A_1009 = arith.addf %add3A_1000, %get3A_1008 : vector<16xf32>
        %add3A_1010 = arith.constant 16 : i32
        %add3A_1011 = arith.addi %mul3A_309, %add3A_1010 : i32
        %get3A_1012 = arith.constant 1 : i32
        %get3A_1013 = arith.index_cast %get3A_1012 : i32 to index
        %get3A_1014 = arith.index_cast %add3A_1011 : i32 to index
        %get3A_1015 = arith.constant 48 : index
        %get3A_1016 = tpu.vector_load %arg6[%get3A_1013, %get3A_1014, %get3A_1015] {strides = array<i32>} : memref<2x640x64xf32, #tpu.memory_space<vmem>>, vector<1x1x16xf32>,
        %get3A_1017 = vector.shape_cast %get3A_1016 : vector<1x1x16xf32> to vector<16xf32>
        %add3A_1018 = arith.addf %add3A_1009, %get3A_1017 : vector<16xf32>
        %add3A_1019 = arith.constant 17 : i32
        %add3A_1020 = arith.addi %mul3A_309, %add3A_1019 : i32
        %get3A_1021 = arith.constant 1 : i32
        %get3A_1022 = arith.index_cast %get3A_1021 : i32 to index
        %get3A_1023 = arith.index_cast %add3A_1020 : i32 to index
        %get3A_1024 = arith.constant 48 : index
        %get3A_1025 = tpu.vector_load %arg6[%get3A_1022, %get3A_1023, %get3A_1024] {strides = array<i32>} : memref<2x640x64xf32, #tpu.memory_space<vmem>>, vector<1x1x16xf32>,
        %get3A_1026 = vector.shape_cast %get3A_1025 : vector<1x1x16xf32> to vector<16xf32>
        %add3A_1027 = arith.addf %add3A_1018, %get3A_1026 : vector<16xf32>
        %add3A_1028 = arith.constant 18 : i32
        %add3A_1029 = arith.addi %mul3A_309, %add3A_1028 : i32
        %get3A_1030 = arith.constant 1 : i32
        %get3A_1031 = arith.index_cast %get3A_1030 : i32 to index
        %get3A_1032 = arith.index_cast %add3A_1029 : i32 to index
        %get3A_1033 = arith.constant 48 : index
        %get3A_1034 = tpu.vector_load %arg6[%get3A_1031, %get3A_1032, %get3A_1033] {strides = array<i32>} : memref<2x640x64xf32, #tpu.memory_space<vmem>>, vector<1x1x16xf32>,
        %get3A_1035 = vector.shape_cast %get3A_1034 : vector<1x1x16xf32> to vector<16xf32>
        %add3A_1036 = arith.addf %add3A_1027, %get3A_1035 : vector<16xf32>
        %add3A_1037 = arith.constant 19 : i32
        %add3A_1038 = arith.addi %mul3A_309, %add3A_1037 : i32
        %get3A_1039 = arith.constant 1 : i32
        %get3A_1040 = arith.index_cast %get3A_1039 : i32 to index
        %get3A_1041 = arith.index_cast %add3A_1038 : i32 to index
        %get3A_1042 = arith.constant 48 : index
        %get3A_1043 = tpu.vector_load %arg6[%get3A_1040, %get3A_1041, %get3A_1042] {strides = array<i32>} : memref<2x640x64xf32, #tpu.memory_space<vmem>>, vector<1x1x16xf32>,
        %get3A_1044 = vector.shape_cast %get3A_1043 : vector<1x1x16xf32> to vector<16xf32>
        %add3A_1045 = arith.addf %add3A_1036, %get3A_1044 : vector<16xf32>
        %mul3A_1046 = arith.constant 2 : i32
        %mul3A_1047 = arith.muli %mul3A_1046, %scan3A_303 : i32
        %add3A_1048 = arith.constant 0 : i32
        %add3A_1049 = arith.addi %mul3A_1047, %add3A_1048 : i32
        %swap3A_1050 = arith.index_cast %select_n3A_218 : i32 to index
        %swap3A_1051 = arith.index_cast %add3A_1049 : i32 to index
        %swap3A_1052 = arith.constant 112 : index
        %swap3A_1053 = tpu.vector_load %arg7[%swap3A_1050, %swap3A_1051, %swap3A_1052] {strides = array<i32>} : memref<2x32x128xf32, #tpu.memory_space<vmem>>, vector<1x1x16xf32>,
        %swap3A_1054 = vector.shape_cast %swap3A_1053 : vector<1x1x16xf32> to vector<16xf32>
        %swap3A_1055 = vector.shape_cast %add3A_1045 : vector<16xf32> to vector<1x1x16xf32>
        tpu.vector_store %arg7[%swap3A_1050, %swap3A_1051, %swap3A_1052], %swap3A_1055 {strides = array<i32>} : memref<2x32x128xf32, #tpu.memory_space<vmem>>, vector<1x1x16xf32>,
        %mul3A_1056 = arith.constant 2 : i32
        %mul3A_1057 = arith.muli %mul3A_1056, %scan3A_303 : i32
        %add3A_1058 = arith.constant 1 : i32
        %add3A_1059 = arith.addi %mul3A_1057, %add3A_1058 : i32
        %mul3A_1060 = arith.constant 20 : i32
        %mul3A_1061 = arith.muli %add3A_1059, %mul3A_1060 : i32
        %get3A_1062 = arith.constant 1 : i32
        %get3A_1063 = arith.index_cast %get3A_1062 : i32 to index
        %get3A_1064 = arith.index_cast %mul3A_1061 : i32 to index
        %get3A_1065 = arith.constant 0 : index
        %get3A_1066 = tpu.vector_load %arg6[%get3A_1063, %get3A_1064, %get3A_1065] {strides = array<i32>} : memref<2x640x64xf32, #tpu.memory_space<vmem>>, vector<1x1x16xf32>,
        %get3A_1067 = vector.shape_cast %get3A_1066 : vector<1x1x16xf32> to vector<16xf32>
        %add3A_1068 = arith.constant 1 : i32
        %add3A_1069 = arith.addi %mul3A_1061, %add3A_1068 : i32
        %get3A_1070 = arith.constant 1 : i32
        %get3A_1071 = arith.index_cast %get3A_1070 : i32 to index
        %get3A_1072 = arith.index_cast %add3A_1069 : i32 to index
        %get3A_1073 = arith.constant 0 : index
        %get3A_1074 = tpu.vector_load %arg6[%get3A_1071, %get3A_1072, %get3A_1073] {strides = array<i32>} : memref<2x640x64xf32, #tpu.memory_space<vmem>>, vector<1x1x16xf32>,
        %get3A_1075 = vector.shape_cast %get3A_1074 : vector<1x1x16xf32> to vector<16xf32>
        %add3A_1076 = arith.addf %get3A_1067, %get3A_1075 : vector<16xf32>
        %add3A_1077 = arith.constant 2 : i32
        %add3A_1078 = arith.addi %mul3A_1061, %add3A_1077 : i32
        %get3A_1079 = arith.constant 1 : i32
        %get3A_1080 = arith.index_cast %get3A_1079 : i32 to index
        %get3A_1081 = arith.index_cast %add3A_1078 : i32 to index
        %get3A_1082 = arith.constant 0 : index
        %get3A_1083 = tpu.vector_load %arg6[%get3A_1080, %get3A_1081, %get3A_1082] {strides = array<i32>} : memref<2x640x64xf32, #tpu.memory_space<vmem>>, vector<1x1x16xf32>,
        %get3A_1084 = vector.shape_cast %get3A_1083 : vector<1x1x16xf32> to vector<16xf32>
        %add3A_1085 = arith.addf %add3A_1076, %get3A_1084 : vector<16xf32>
        %add3A_1086 = arith.constant 3 : i32
        %add3A_1087 = arith.addi %mul3A_1061, %add3A_1086 : i32
        %get3A_1088 = arith.constant 1 : i32
        %get3A_1089 = arith.index_cast %get3A_1088 : i32 to index
        %get3A_1090 = arith.index_cast %add3A_1087 : i32 to index
        %get3A_1091 = arith.constant 0 : index
        %get3A_1092 = tpu.vector_load %arg6[%get3A_1089, %get3A_1090, %get3A_1091] {strides = array<i32>} : memref<2x640x64xf32, #tpu.memory_space<vmem>>, vector<1x1x16xf32>,
        %get3A_1093 = vector.shape_cast %get3A_1092 : vector<1x1x16xf32> to vector<16xf32>
        %add3A_1094 = arith.addf %add3A_1085, %get3A_1093 : vector<16xf32>
        %add3A_1095 = arith.constant 4 : i32
        %add3A_1096 = arith.addi %mul3A_1061, %add3A_1095 : i32
        %get3A_1097 = arith.constant 1 : i32
        %get3A_1098 = arith.index_cast %get3A_1097 : i32 to index
        %get3A_1099 = arith.index_cast %add3A_1096 : i32 to index
        %get3A_1100 = arith.constant 0 : index
        %get3A_1101 = tpu.vector_load %arg6[%get3A_1098, %get3A_1099, %get3A_1100] {strides = array<i32>} : memref<2x640x64xf32, #tpu.memory_space<vmem>>, vector<1x1x16xf32>,
        %get3A_1102 = vector.shape_cast %get3A_1101 : vector<1x1x16xf32> to vector<16xf32>
        %add3A_1103 = arith.addf %add3A_1094, %get3A_1102 : vector<16xf32>
        %add3A_1104 = arith.constant 5 : i32
        %add3A_1105 = arith.addi %mul3A_1061, %add3A_1104 : i32
        %get3A_1106 = arith.constant 1 : i32
        %get3A_1107 = arith.index_cast %get3A_1106 : i32 to index
        %get3A_1108 = arith.index_cast %add3A_1105 : i32 to index
        %get3A_1109 = arith.constant 0 : index
        %get3A_1110 = tpu.vector_load %arg6[%get3A_1107, %get3A_1108, %get3A_1109] {strides = array<i32>} : memref<2x640x64xf32, #tpu.memory_space<vmem>>, vector<1x1x16xf32>,
        %get3A_1111 = vector.shape_cast %get3A_1110 : vector<1x1x16xf32> to vector<16xf32>
        %add3A_1112 = arith.addf %add3A_1103, %get3A_1111 : vector<16xf32>
        %add3A_1113 = arith.constant 6 : i32
        %add3A_1114 = arith.addi %mul3A_1061, %add3A_1113 : i32
        %get3A_1115 = arith.constant 1 : i32
        %get3A_1116 = arith.index_cast %get3A_1115 : i32 to index
        %get3A_1117 = arith.index_cast %add3A_1114 : i32 to index
        %get3A_1118 = arith.constant 0 : index
        %get3A_1119 = tpu.vector_load %arg6[%get3A_1116, %get3A_1117, %get3A_1118] {strides = array<i32>} : memref<2x640x64xf32, #tpu.memory_space<vmem>>, vector<1x1x16xf32>,
        %get3A_1120 = vector.shape_cast %get3A_1119 : vector<1x1x16xf32> to vector<16xf32>
        %add3A_1121 = arith.addf %add3A_1112, %get3A_1120 : vector<16xf32>
        %add3A_1122 = arith.constant 7 : i32
        %add3A_1123 = arith.addi %mul3A_1061, %add3A_1122 : i32
        %get3A_1124 = arith.constant 1 : i32
        %get3A_1125 = arith.index_cast %get3A_1124 : i32 to index
        %get3A_1126 = arith.index_cast %add3A_1123 : i32 to index
        %get3A_1127 = arith.constant 0 : index
        %get3A_1128 = tpu.vector_load %arg6[%get3A_1125, %get3A_1126, %get3A_1127] {strides = array<i32>} : memref<2x640x64xf32, #tpu.memory_space<vmem>>, vector<1x1x16xf32>,
        %get3A_1129 = vector.shape_cast %get3A_1128 : vector<1x1x16xf32> to vector<16xf32>
        %add3A_1130 = arith.addf %add3A_1121, %get3A_1129 : vector<16xf32>
        %add3A_1131 = arith.constant 8 : i32
        %add3A_1132 = arith.addi %mul3A_1061, %add3A_1131 : i32
        %get3A_1133 = arith.constant 1 : i32
        %get3A_1134 = arith.index_cast %get3A_1133 : i32 to index
        %get3A_1135 = arith.index_cast %add3A_1132 : i32 to index
        %get3A_1136 = arith.constant 0 : index
        %get3A_1137 = tpu.vector_load %arg6[%get3A_1134, %get3A_1135, %get3A_1136] {strides = array<i32>} : memref<2x640x64xf32, #tpu.memory_space<vmem>>, vector<1x1x16xf32>,
        %get3A_1138 = vector.shape_cast %get3A_1137 : vector<1x1x16xf32> to vector<16xf32>
        %add3A_1139 = arith.addf %add3A_1130, %get3A_1138 : vector<16xf32>
        %add3A_1140 = arith.constant 9 : i32
        %add3A_1141 = arith.addi %mul3A_1061, %add3A_1140 : i32
        %get3A_1142 = arith.constant 1 : i32
        %get3A_1143 = arith.index_cast %get3A_1142 : i32 to index
        %get3A_1144 = arith.index_cast %add3A_1141 : i32 to index
        %get3A_1145 = arith.constant 0 : index
        %get3A_1146 = tpu.vector_load %arg6[%get3A_1143, %get3A_1144, %get3A_1145] {strides = array<i32>} : memref<2x640x64xf32, #tpu.memory_space<vmem>>, vector<1x1x16xf32>,
        %get3A_1147 = vector.shape_cast %get3A_1146 : vector<1x1x16xf32> to vector<16xf32>
        %add3A_1148 = arith.addf %add3A_1139, %get3A_1147 : vector<16xf32>
        %add3A_1149 = arith.constant 10 : i32
        %add3A_1150 = arith.addi %mul3A_1061, %add3A_1149 : i32
        %get3A_1151 = arith.constant 1 : i32
        %get3A_1152 = arith.index_cast %get3A_1151 : i32 to index
        %get3A_1153 = arith.index_cast %add3A_1150 : i32 to index
        %get3A_1154 = arith.constant 0 : index
        %get3A_1155 = tpu.vector_load %arg6[%get3A_1152, %get3A_1153, %get3A_1154] {strides = array<i32>} : memref<2x640x64xf32, #tpu.memory_space<vmem>>, vector<1x1x16xf32>,
        %get3A_1156 = vector.shape_cast %get3A_1155 : vector<1x1x16xf32> to vector<16xf32>
        %add3A_1157 = arith.addf %add3A_1148, %get3A_1156 : vector<16xf32>
        %add3A_1158 = arith.constant 11 : i32
        %add3A_1159 = arith.addi %mul3A_1061, %add3A_1158 : i32
        %get3A_1160 = arith.constant 1 : i32
        %get3A_1161 = arith.index_cast %get3A_1160 : i32 to index
        %get3A_1162 = arith.index_cast %add3A_1159 : i32 to index
        %get3A_1163 = arith.constant 0 : index
        %get3A_1164 = tpu.vector_load %arg6[%get3A_1161, %get3A_1162, %get3A_1163] {strides = array<i32>} : memref<2x640x64xf32, #tpu.memory_space<vmem>>, vector<1x1x16xf32>,
        %get3A_1165 = vector.shape_cast %get3A_1164 : vector<1x1x16xf32> to vector<16xf32>
        %add3A_1166 = arith.addf %add3A_1157, %get3A_1165 : vector<16xf32>
        %add3A_1167 = arith.constant 12 : i32
        %add3A_1168 = arith.addi %mul3A_1061, %add3A_1167 : i32
        %get3A_1169 = arith.constant 1 : i32
        %get3A_1170 = arith.index_cast %get3A_1169 : i32 to index
        %get3A_1171 = arith.index_cast %add3A_1168 : i32 to index
        %get3A_1172 = arith.constant 0 : index
        %get3A_1173 = tpu.vector_load %arg6[%get3A_1170, %get3A_1171, %get3A_1172] {strides = array<i32>} : memref<2x640x64xf32, #tpu.memory_space<vmem>>, vector<1x1x16xf32>,
        %get3A_1174 = vector.shape_cast %get3A_1173 : vector<1x1x16xf32> to vector<16xf32>
        %add3A_1175 = arith.addf %add3A_1166, %get3A_1174 : vector<16xf32>
        %add3A_1176 = arith.constant 13 : i32
        %add3A_1177 = arith.addi %mul3A_1061, %add3A_1176 : i32
        %get3A_1178 = arith.constant 1 : i32
        %get3A_1179 = arith.index_cast %get3A_1178 : i32 to index
        %get3A_1180 = arith.index_cast %add3A_1177 : i32 to index
        %get3A_1181 = arith.constant 0 : index
        %get3A_1182 = tpu.vector_load %arg6[%get3A_1179, %get3A_1180, %get3A_1181] {strides = array<i32>} : memref<2x640x64xf32, #tpu.memory_space<vmem>>, vector<1x1x16xf32>,
        %get3A_1183 = vector.shape_cast %get3A_1182 : vector<1x1x16xf32> to vector<16xf32>
        %add3A_1184 = arith.addf %add3A_1175, %get3A_1183 : vector<16xf32>
        %add3A_1185 = arith.constant 14 : i32
        %add3A_1186 = arith.addi %mul3A_1061, %add3A_1185 : i32
        %get3A_1187 = arith.constant 1 : i32
        %get3A_1188 = arith.index_cast %get3A_1187 : i32 to index
        %get3A_1189 = arith.index_cast %add3A_1186 : i32 to index
        %get3A_1190 = arith.constant 0 : index
        %get3A_1191 = tpu.vector_load %arg6[%get3A_1188, %get3A_1189, %get3A_1190] {strides = array<i32>} : memref<2x640x64xf32, #tpu.memory_space<vmem>>, vector<1x1x16xf32>,
        %get3A_1192 = vector.shape_cast %get3A_1191 : vector<1x1x16xf32> to vector<16xf32>
        %add3A_1193 = arith.addf %add3A_1184, %get3A_1192 : vector<16xf32>
        %add3A_1194 = arith.constant 15 : i32
        %add3A_1195 = arith.addi %mul3A_1061, %add3A_1194 : i32
        %get3A_1196 = arith.constant 1 : i32
        %get3A_1197 = arith.index_cast %get3A_1196 : i32 to index
        %get3A_1198 = arith.index_cast %add3A_1195 : i32 to index
        %get3A_1199 = arith.constant 0 : index
        %get3A_1200 = tpu.vector_load %arg6[%get3A_1197, %get3A_1198, %get3A_1199] {strides = array<i32>} : memref<2x640x64xf32, #tpu.memory_space<vmem>>, vector<1x1x16xf32>,
        %get3A_1201 = vector.shape_cast %get3A_1200 : vector<1x1x16xf32> to vector<16xf32>
        %add3A_1202 = arith.addf %add3A_1193, %get3A_1201 : vector<16xf32>
        %add3A_1203 = arith.constant 16 : i32
        %add3A_1204 = arith.addi %mul3A_1061, %add3A_1203 : i32
        %get3A_1205 = arith.constant 1 : i32
        %get3A_1206 = arith.index_cast %get3A_1205 : i32 to index
        %get3A_1207 = arith.index_cast %add3A_1204 : i32 to index
        %get3A_1208 = arith.constant 0 : index
        %get3A_1209 = tpu.vector_load %arg6[%get3A_1206, %get3A_1207, %get3A_1208] {strides = array<i32>} : memref<2x640x64xf32, #tpu.memory_space<vmem>>, vector<1x1x16xf32>,
        %get3A_1210 = vector.shape_cast %get3A_1209 : vector<1x1x16xf32> to vector<16xf32>
        %add3A_1211 = arith.addf %add3A_1202, %get3A_1210 : vector<16xf32>
        %add3A_1212 = arith.constant 17 : i32
        %add3A_1213 = arith.addi %mul3A_1061, %add3A_1212 : i32
        %get3A_1214 = arith.constant 1 : i32
        %get3A_1215 = arith.index_cast %get3A_1214 : i32 to index
        %get3A_1216 = arith.index_cast %add3A_1213 : i32 to index
        %get3A_1217 = arith.constant 0 : index
        %get3A_1218 = tpu.vector_load %arg6[%get3A_1215, %get3A_1216, %get3A_1217] {strides = array<i32>} : memref<2x640x64xf32, #tpu.memory_space<vmem>>, vector<1x1x16xf32>,
        %get3A_1219 = vector.shape_cast %get3A_1218 : vector<1x1x16xf32> to vector<16xf32>
        %add3A_1220 = arith.addf %add3A_1211, %get3A_1219 : vector<16xf32>
        %add3A_1221 = arith.constant 18 : i32
        %add3A_1222 = arith.addi %mul3A_1061, %add3A_1221 : i32
        %get3A_1223 = arith.constant 1 : i32
        %get3A_1224 = arith.index_cast %get3A_1223 : i32 to index
        %get3A_1225 = arith.index_cast %add3A_1222 : i32 to index
        %get3A_1226 = arith.constant 0 : index
        %get3A_1227 = tpu.vector_load %arg6[%get3A_1224, %get3A_1225, %get3A_1226] {strides = array<i32>} : memref<2x640x64xf32, #tpu.memory_space<vmem>>, vector<1x1x16xf32>,
        %get3A_1228 = vector.shape_cast %get3A_1227 : vector<1x1x16xf32> to vector<16xf32>
        %add3A_1229 = arith.addf %add3A_1220, %get3A_1228 : vector<16xf32>
        %add3A_1230 = arith.constant 19 : i32
        %add3A_1231 = arith.addi %mul3A_1061, %add3A_1230 : i32
        %get3A_1232 = arith.constant 1 : i32
        %get3A_1233 = arith.index_cast %get3A_1232 : i32 to index
        %get3A_1234 = arith.index_cast %add3A_1231 : i32 to index
        %get3A_1235 = arith.constant 0 : index
        %get3A_1236 = tpu.vector_load %arg6[%get3A_1233, %get3A_1234, %get3A_1235] {strides = array<i32>} : memref<2x640x64xf32, #tpu.memory_space<vmem>>, vector<1x1x16xf32>,
        %get3A_1237 = vector.shape_cast %get3A_1236 : vector<1x1x16xf32> to vector<16xf32>
        %add3A_1238 = arith.addf %add3A_1229, %get3A_1237 : vector<16xf32>
        %mul3A_1239 = arith.constant 2 : i32
        %mul3A_1240 = arith.muli %mul3A_1239, %scan3A_303 : i32
        %add3A_1241 = arith.constant 1 : i32
        %add3A_1242 = arith.addi %mul3A_1240, %add3A_1241 : i32
        %swap3A_1243 = arith.index_cast %select_n3A_218 : i32 to index
        %swap3A_1244 = arith.index_cast %add3A_1242 : i32 to index
        %swap3A_1245 = arith.constant 64 : index
        %swap3A_1246 = tpu.vector_load %arg7[%swap3A_1243, %swap3A_1244, %swap3A_1245] {strides = array<i32>} : memref<2x32x128xf32, #tpu.memory_space<vmem>>, vector<1x1x16xf32>,
        %swap3A_1247 = vector.shape_cast %swap3A_1246 : vector<1x1x16xf32> to vector<16xf32>
        %swap3A_1248 = vector.shape_cast %add3A_1238 : vector<16xf32> to vector<1x1x16xf32>
        tpu.vector_store %arg7[%swap3A_1243, %swap3A_1244, %swap3A_1245], %swap3A_1248 {strides = array<i32>} : memref<2x32x128xf32, #tpu.memory_space<vmem>>, vector<1x1x16xf32>,
        %get3A_1249 = arith.constant 1 : i32
        %get3A_1250 = arith.index_cast %get3A_1249 : i32 to index
        %get3A_1251 = arith.index_cast %mul3A_1061 : i32 to index
        %get3A_1252 = arith.constant 16 : index
        %get3A_1253 = tpu.vector_load %arg6[%get3A_1250, %get3A_1251, %get3A_1252] {strides = array<i32>} : memref<2x640x64xf32, #tpu.memory_space<vmem>>, vector<1x1x16xf32>,
        %get3A_1254 = vector.shape_cast %get3A_1253 : vector<1x1x16xf32> to vector<16xf32>
        %add3A_1255 = arith.constant 1 : i32
        %add3A_1256 = arith.addi %mul3A_1061, %add3A_1255 : i32
        %get3A_1257 = arith.constant 1 : i32
        %get3A_1258 = arith.index_cast %get3A_1257 : i32 to index
        %get3A_1259 = arith.index_cast %add3A_1256 : i32 to index
        %get3A_1260 = arith.constant 16 : index
        %get3A_1261 = tpu.vector_load %arg6[%get3A_1258, %get3A_1259, %get3A_1260] {strides = array<i32>} : memref<2x640x64xf32, #tpu.memory_space<vmem>>, vector<1x1x16xf32>,
        %get3A_1262 = vector.shape_cast %get3A_1261 : vector<1x1x16xf32> to vector<16xf32>
        %add3A_1263 = arith.addf %get3A_1254, %get3A_1262 : vector<16xf32>
        %add3A_1264 = arith.constant 2 : i32
        %add3A_1265 = arith.addi %mul3A_1061, %add3A_1264 : i32
        %get3A_1266 = arith.constant 1 : i32
        %get3A_1267 = arith.index_cast %get3A_1266 : i32 to index
        %get3A_1268 = arith.index_cast %add3A_1265 : i32 to index
        %get3A_1269 = arith.constant 16 : index
        %get3A_1270 = tpu.vector_load %arg6[%get3A_1267, %get3A_1268, %get3A_1269] {strides = array<i32>} : memref<2x640x64xf32, #tpu.memory_space<vmem>>, vector<1x1x16xf32>,
        %get3A_1271 = vector.shape_cast %get3A_1270 : vector<1x1x16xf32> to vector<16xf32>
        %add3A_1272 = arith.addf %add3A_1263, %get3A_1271 : vector<16xf32>
        %add3A_1273 = arith.constant 3 : i32
        %add3A_1274 = arith.addi %mul3A_1061, %add3A_1273 : i32
        %get3A_1275 = arith.constant 1 : i32
        %get3A_1276 = arith.index_cast %get3A_1275 : i32 to index
        %get3A_1277 = arith.index_cast %add3A_1274 : i32 to index
        %get3A_1278 = arith.constant 16 : index
        %get3A_1279 = tpu.vector_load %arg6[%get3A_1276, %get3A_1277, %get3A_1278] {strides = array<i32>} : memref<2x640x64xf32, #tpu.memory_space<vmem>>, vector<1x1x16xf32>,
        %get3A_1280 = vector.shape_cast %get3A_1279 : vector<1x1x16xf32> to vector<16xf32>
        %add3A_1281 = arith.addf %add3A_1272, %get3A_1280 : vector<16xf32>
        %add3A_1282 = arith.constant 4 : i32
        %add3A_1283 = arith.addi %mul3A_1061, %add3A_1282 : i32
        %get3A_1284 = arith.constant 1 : i32
        %get3A_1285 = arith.index_cast %get3A_1284 : i32 to index
        %get3A_1286 = arith.index_cast %add3A_1283 : i32 to index
        %get3A_1287 = arith.constant 16 : index
        %get3A_1288 = tpu.vector_load %arg6[%get3A_1285, %get3A_1286, %get3A_1287] {strides = array<i32>} : memref<2x640x64xf32, #tpu.memory_space<vmem>>, vector<1x1x16xf32>,
        %get3A_1289 = vector.shape_cast %get3A_1288 : vector<1x1x16xf32> to vector<16xf32>
        %add3A_1290 = arith.addf %add3A_1281, %get3A_1289 : vector<16xf32>
        %add3A_1291 = arith.constant 5 : i32
        %add3A_1292 = arith.addi %mul3A_1061, %add3A_1291 : i32
        %get3A_1293 = arith.constant 1 : i32
        %get3A_1294 = arith.index_cast %get3A_1293 : i32 to index
        %get3A_1295 = arith.index_cast %add3A_1292 : i32 to index
        %get3A_1296 = arith.constant 16 : index
        %get3A_1297 = tpu.vector_load %arg6[%get3A_1294, %get3A_1295, %get3A_1296] {strides = array<i32>} : memref<2x640x64xf32, #tpu.memory_space<vmem>>, vector<1x1x16xf32>,
        %get3A_1298 = vector.shape_cast %get3A_1297 : vector<1x1x16xf32> to vector<16xf32>
        %add3A_1299 = arith.addf %add3A_1290, %get3A_1298 : vector<16xf32>
        %add3A_1300 = arith.constant 6 : i32
        %add3A_1301 = arith.addi %mul3A_1061, %add3A_1300 : i32
        %get3A_1302 = arith.constant 1 : i32
        %get3A_1303 = arith.index_cast %get3A_1302 : i32 to index
        %get3A_1304 = arith.index_cast %add3A_1301 : i32 to index
        %get3A_1305 = arith.constant 16 : index
        %get3A_1306 = tpu.vector_load %arg6[%get3A_1303, %get3A_1304, %get3A_1305] {strides = array<i32>} : memref<2x640x64xf32, #tpu.memory_space<vmem>>, vector<1x1x16xf32>,
        %get3A_1307 = vector.shape_cast %get3A_1306 : vector<1x1x16xf32> to vector<16xf32>
        %add3A_1308 = arith.addf %add3A_1299, %get3A_1307 : vector<16xf32>
        %add3A_1309 = arith.constant 7 : i32
        %add3A_1310 = arith.addi %mul3A_1061, %add3A_1309 : i32
        %get3A_1311 = arith.constant 1 : i32
        %get3A_1312 = arith.index_cast %get3A_1311 : i32 to index
        %get3A_1313 = arith.index_cast %add3A_1310 : i32 to index
        %get3A_1314 = arith.constant 16 : index
        %get3A_1315 = tpu.vector_load %arg6[%get3A_1312, %get3A_1313, %get3A_1314] {strides = array<i32>} : memref<2x640x64xf32, #tpu.memory_space<vmem>>, vector<1x1x16xf32>,
        %get3A_1316 = vector.shape_cast %get3A_1315 : vector<1x1x16xf32> to vector<16xf32>
        %add3A_1317 = arith.addf %add3A_1308, %get3A_1316 : vector<16xf32>
        %add3A_1318 = arith.constant 8 : i32
        %add3A_1319 = arith.addi %mul3A_1061, %add3A_1318 : i32
        %get3A_1320 = arith.constant 1 : i32
        %get3A_1321 = arith.index_cast %get3A_1320 : i32 to index
        %get3A_1322 = arith.index_cast %add3A_1319 : i32 to index
        %get3A_1323 = arith.constant 16 : index
        %get3A_1324 = tpu.vector_load %arg6[%get3A_1321, %get3A_1322, %get3A_1323] {strides = array<i32>} : memref<2x640x64xf32, #tpu.memory_space<vmem>>, vector<1x1x16xf32>,
        %get3A_1325 = vector.shape_cast %get3A_1324 : vector<1x1x16xf32> to vector<16xf32>
        %add3A_1326 = arith.addf %add3A_1317, %get3A_1325 : vector<16xf32>
        %add3A_1327 = arith.constant 9 : i32
        %add3A_1328 = arith.addi %mul3A_1061, %add3A_1327 : i32
        %get3A_1329 = arith.constant 1 : i32
        %get3A_1330 = arith.index_cast %get3A_1329 : i32 to index
        %get3A_1331 = arith.index_cast %add3A_1328 : i32 to index
        %get3A_1332 = arith.constant 16 : index
        %get3A_1333 = tpu.vector_load %arg6[%get3A_1330, %get3A_1331, %get3A_1332] {strides = array<i32>} : memref<2x640x64xf32, #tpu.memory_space<vmem>>, vector<1x1x16xf32>,
        %get3A_1334 = vector.shape_cast %get3A_1333 : vector<1x1x16xf32> to vector<16xf32>
        %add3A_1335 = arith.addf %add3A_1326, %get3A_1334 : vector<16xf32>
        %add3A_1336 = arith.constant 10 : i32
        %add3A_1337 = arith.addi %mul3A_1061, %add3A_1336 : i32
        %get3A_1338 = arith.constant 1 : i32
        %get3A_1339 = arith.index_cast %get3A_1338 : i32 to index
        %get3A_1340 = arith.index_cast %add3A_1337 : i32 to index
        %get3A_1341 = arith.constant 16 : index
        %get3A_1342 = tpu.vector_load %arg6[%get3A_1339, %get3A_1340, %get3A_1341] {strides = array<i32>} : memref<2x640x64xf32, #tpu.memory_space<vmem>>, vector<1x1x16xf32>,
        %get3A_1343 = vector.shape_cast %get3A_1342 : vector<1x1x16xf32> to vector<16xf32>
        %add3A_1344 = arith.addf %add3A_1335, %get3A_1343 : vector<16xf32>
        %add3A_1345 = arith.constant 11 : i32
        %add3A_1346 = arith.addi %mul3A_1061, %add3A_1345 : i32
        %get3A_1347 = arith.constant 1 : i32
        %get3A_1348 = arith.index_cast %get3A_1347 : i32 to index
        %get3A_1349 = arith.index_cast %add3A_1346 : i32 to index
        %get3A_1350 = arith.constant 16 : index
        %get3A_1351 = tpu.vector_load %arg6[%get3A_1348, %get3A_1349, %get3A_1350] {strides = array<i32>} : memref<2x640x64xf32, #tpu.memory_space<vmem>>, vector<1x1x16xf32>,
        %get3A_1352 = vector.shape_cast %get3A_1351 : vector<1x1x16xf32> to vector<16xf32>
        %add3A_1353 = arith.addf %add3A_1344, %get3A_1352 : vector<16xf32>
        %add3A_1354 = arith.constant 12 : i32
        %add3A_1355 = arith.addi %mul3A_1061, %add3A_1354 : i32
        %get3A_1356 = arith.constant 1 : i32
        %get3A_1357 = arith.index_cast %get3A_1356 : i32 to index
        %get3A_1358 = arith.index_cast %add3A_1355 : i32 to index
        %get3A_1359 = arith.constant 16 : index
        %get3A_1360 = tpu.vector_load %arg6[%get3A_1357, %get3A_1358, %get3A_1359] {strides = array<i32>} : memref<2x640x64xf32, #tpu.memory_space<vmem>>, vector<1x1x16xf32>,
        %get3A_1361 = vector.shape_cast %get3A_1360 : vector<1x1x16xf32> to vector<16xf32>
        %add3A_1362 = arith.addf %add3A_1353, %get3A_1361 : vector<16xf32>
        %add3A_1363 = arith.constant 13 : i32
        %add3A_1364 = arith.addi %mul3A_1061, %add3A_1363 : i32
        %get3A_1365 = arith.constant 1 : i32
        %get3A_1366 = arith.index_cast %get3A_1365 : i32 to index
        %get3A_1367 = arith.index_cast %add3A_1364 : i32 to index
        %get3A_1368 = arith.constant 16 : index
        %get3A_1369 = tpu.vector_load %arg6[%get3A_1366, %get3A_1367, %get3A_1368] {strides = array<i32>} : memref<2x640x64xf32, #tpu.memory_space<vmem>>, vector<1x1x16xf32>,
        %get3A_1370 = vector.shape_cast %get3A_1369 : vector<1x1x16xf32> to vector<16xf32>
        %add3A_1371 = arith.addf %add3A_1362, %get3A_1370 : vector<16xf32>
        %add3A_1372 = arith.constant 14 : i32
        %add3A_1373 = arith.addi %mul3A_1061, %add3A_1372 : i32
        %get3A_1374 = arith.constant 1 : i32
        %get3A_1375 = arith.index_cast %get3A_1374 : i32 to index
        %get3A_1376 = arith.index_cast %add3A_1373 : i32 to index
        %get3A_1377 = arith.constant 16 : index
        %get3A_1378 = tpu.vector_load %arg6[%get3A_1375, %get3A_1376, %get3A_1377] {strides = array<i32>} : memref<2x640x64xf32, #tpu.memory_space<vmem>>, vector<1x1x16xf32>,
        %get3A_1379 = vector.shape_cast %get3A_1378 : vector<1x1x16xf32> to vector<16xf32>
        %add3A_1380 = arith.addf %add3A_1371, %get3A_1379 : vector<16xf32>
        %add3A_1381 = arith.constant 15 : i32
        %add3A_1382 = arith.addi %mul3A_1061, %add3A_1381 : i32
        %get3A_1383 = arith.constant 1 : i32
        %get3A_1384 = arith.index_cast %get3A_1383 : i32 to index
        %get3A_1385 = arith.index_cast %add3A_1382 : i32 to index
        %get3A_1386 = arith.constant 16 : index
        %get3A_1387 = tpu.vector_load %arg6[%get3A_1384, %get3A_1385, %get3A_1386] {strides = array<i32>} : memref<2x640x64xf32, #tpu.memory_space<vmem>>, vector<1x1x16xf32>,
        %get3A_1388 = vector.shape_cast %get3A_1387 : vector<1x1x16xf32> to vector<16xf32>
        %add3A_1389 = arith.addf %add3A_1380, %get3A_1388 : vector<16xf32>
        %add3A_1390 = arith.constant 16 : i32
        %add3A_1391 = arith.addi %mul3A_1061, %add3A_1390 : i32
        %get3A_1392 = arith.constant 1 : i32
        %get3A_1393 = arith.index_cast %get3A_1392 : i32 to index
        %get3A_1394 = arith.index_cast %add3A_1391 : i32 to index
        %get3A_1395 = arith.constant 16 : index
        %get3A_1396 = tpu.vector_load %arg6[%get3A_1393, %get3A_1394, %get3A_1395] {strides = array<i32>} : memref<2x640x64xf32, #tpu.memory_space<vmem>>, vector<1x1x16xf32>,
        %get3A_1397 = vector.shape_cast %get3A_1396 : vector<1x1x16xf32> to vector<16xf32>
        %add3A_1398 = arith.addf %add3A_1389, %get3A_1397 : vector<16xf32>
        %add3A_1399 = arith.constant 17 : i32
        %add3A_1400 = arith.addi %mul3A_1061, %add3A_1399 : i32
        %get3A_1401 = arith.constant 1 : i32
        %get3A_1402 = arith.index_cast %get3A_1401 : i32 to index
        %get3A_1403 = arith.index_cast %add3A_1400 : i32 to index
        %get3A_1404 = arith.constant 16 : index
        %get3A_1405 = tpu.vector_load %arg6[%get3A_1402, %get3A_1403, %get3A_1404] {strides = array<i32>} : memref<2x640x64xf32, #tpu.memory_space<vmem>>, vector<1x1x16xf32>,
        %get3A_1406 = vector.shape_cast %get3A_1405 : vector<1x1x16xf32> to vector<16xf32>
        %add3A_1407 = arith.addf %add3A_1398, %get3A_1406 : vector<16xf32>
        %add3A_1408 = arith.constant 18 : i32
        %add3A_1409 = arith.addi %mul3A_1061, %add3A_1408 : i32
        %get3A_1410 = arith.constant 1 : i32
        %get3A_1411 = arith.index_cast %get3A_1410 : i32 to index
        %get3A_1412 = arith.index_cast %add3A_1409 : i32 to index
        %get3A_1413 = arith.constant 16 : index
        %get3A_1414 = tpu.vector_load %arg6[%get3A_1411, %get3A_1412, %get3A_1413] {strides = array<i32>} : memref<2x640x64xf32, #tpu.memory_space<vmem>>, vector<1x1x16xf32>,
        %get3A_1415 = vector.shape_cast %get3A_1414 : vector<1x1x16xf32> to vector<16xf32>
        %add3A_1416 = arith.addf %add3A_1407, %get3A_1415 : vector<16xf32>
        %add3A_1417 = arith.constant 19 : i32
        %add3A_1418 = arith.addi %mul3A_1061, %add3A_1417 : i32
        %get3A_1419 = arith.constant 1 : i32
        %get3A_1420 = arith.index_cast %get3A_1419 : i32 to index
        %get3A_1421 = arith.index_cast %add3A_1418 : i32 to index
        %get3A_1422 = arith.constant 16 : index
        %get3A_1423 = tpu.vector_load %arg6[%get3A_1420, %get3A_1421, %get3A_1422] {strides = array<i32>} : memref<2x640x64xf32, #tpu.memory_space<vmem>>, vector<1x1x16xf32>,
        %get3A_1424 = vector.shape_cast %get3A_1423 : vector<1x1x16xf32> to vector<16xf32>
        %add3A_1425 = arith.addf %add3A_1416, %get3A_1424 : vector<16xf32>
        %mul3A_1426 = arith.constant 2 : i32
        %mul3A_1427 = arith.muli %mul3A_1426, %scan3A_303 : i32
        %add3A_1428 = arith.constant 1 : i32
        %add3A_1429 = arith.addi %mul3A_1427, %add3A_1428 : i32
        %swap3A_1430 = arith.index_cast %select_n3A_218 : i32 to index
        %swap3A_1431 = arith.index_cast %add3A_1429 : i32 to index
        %swap3A_1432 = arith.constant 80 : index
        %swap3A_1433 = tpu.vector_load %arg7[%swap3A_1430, %swap3A_1431, %swap3A_1432] {strides = array<i32>} : memref<2x32x128xf32, #tpu.memory_space<vmem>>, vector<1x1x16xf32>,
        %swap3A_1434 = vector.shape_cast %swap3A_1433 : vector<1x1x16xf32> to vector<16xf32>
        %swap3A_1435 = vector.shape_cast %add3A_1425 : vector<16xf32> to vector<1x1x16xf32>
        tpu.vector_store %arg7[%swap3A_1430, %swap3A_1431, %swap3A_1432], %swap3A_1435 {strides = array<i32>} : memref<2x32x128xf32, #tpu.memory_space<vmem>>, vector<1x1x16xf32>,
        %get3A_1436 = arith.constant 1 : i32
        %get3A_1437 = arith.index_cast %get3A_1436 : i32 to index
        %get3A_1438 = arith.index_cast %mul3A_1061 : i32 to index
        %get3A_1439 = arith.constant 32 : index
        %get3A_1440 = tpu.vector_load %arg6[%get3A_1437, %get3A_1438, %get3A_1439] {strides = array<i32>} : memref<2x640x64xf32, #tpu.memory_space<vmem>>, vector<1x1x16xf32>,
        %get3A_1441 = vector.shape_cast %get3A_1440 : vector<1x1x16xf32> to vector<16xf32>
        %add3A_1442 = arith.constant 1 : i32
        %add3A_1443 = arith.addi %mul3A_1061, %add3A_1442 : i32
        %get3A_1444 = arith.constant 1 : i32
        %get3A_1445 = arith.index_cast %get3A_1444 : i32 to index
        %get3A_1446 = arith.index_cast %add3A_1443 : i32 to index
        %get3A_1447 = arith.constant 32 : index
        %get3A_1448 = tpu.vector_load %arg6[%get3A_1445, %get3A_1446, %get3A_1447] {strides = array<i32>} : memref<2x640x64xf32, #tpu.memory_space<vmem>>, vector<1x1x16xf32>,
        %get3A_1449 = vector.shape_cast %get3A_1448 : vector<1x1x16xf32> to vector<16xf32>
        %add3A_1450 = arith.addf %get3A_1441, %get3A_1449 : vector<16xf32>
        %add3A_1451 = arith.constant 2 : i32
        %add3A_1452 = arith.addi %mul3A_1061, %add3A_1451 : i32
        %get3A_1453 = arith.constant 1 : i32
        %get3A_1454 = arith.index_cast %get3A_1453 : i32 to index
        %get3A_1455 = arith.index_cast %add3A_1452 : i32 to index
        %get3A_1456 = arith.constant 32 : index
        %get3A_1457 = tpu.vector_load %arg6[%get3A_1454, %get3A_1455, %get3A_1456] {strides = array<i32>} : memref<2x640x64xf32, #tpu.memory_space<vmem>>, vector<1x1x16xf32>,
        %get3A_1458 = vector.shape_cast %get3A_1457 : vector<1x1x16xf32> to vector<16xf32>
        %add3A_1459 = arith.addf %add3A_1450, %get3A_1458 : vector<16xf32>
        %add3A_1460 = arith.constant 3 : i32
        %add3A_1461 = arith.addi %mul3A_1061, %add3A_1460 : i32
        %get3A_1462 = arith.constant 1 : i32
        %get3A_1463 = arith.index_cast %get3A_1462 : i32 to index
        %get3A_1464 = arith.index_cast %add3A_1461 : i32 to index
        %get3A_1465 = arith.constant 32 : index
        %get3A_1466 = tpu.vector_load %arg6[%get3A_1463, %get3A_1464, %get3A_1465] {strides = array<i32>} : memref<2x640x64xf32, #tpu.memory_space<vmem>>, vector<1x1x16xf32>,
        %get3A_1467 = vector.shape_cast %get3A_1466 : vector<1x1x16xf32> to vector<16xf32>
        %add3A_1468 = arith.addf %add3A_1459, %get3A_1467 : vector<16xf32>
        %add3A_1469 = arith.constant 4 : i32
        %add3A_1470 = arith.addi %mul3A_1061, %add3A_1469 : i32
        %get3A_1471 = arith.constant 1 : i32
        %get3A_1472 = arith.index_cast %get3A_1471 : i32 to index
        %get3A_1473 = arith.index_cast %add3A_1470 : i32 to index
        %get3A_1474 = arith.constant 32 : index
        %get3A_1475 = tpu.vector_load %arg6[%get3A_1472, %get3A_1473, %get3A_1474] {strides = array<i32>} : memref<2x640x64xf32, #tpu.memory_space<vmem>>, vector<1x1x16xf32>,
        %get3A_1476 = vector.shape_cast %get3A_1475 : vector<1x1x16xf32> to vector<16xf32>
        %add3A_1477 = arith.addf %add3A_1468, %get3A_1476 : vector<16xf32>
        %add3A_1478 = arith.constant 5 : i32
        %add3A_1479 = arith.addi %mul3A_1061, %add3A_1478 : i32
        %get3A_1480 = arith.constant 1 : i32
        %get3A_1481 = arith.index_cast %get3A_1480 : i32 to index
        %get3A_1482 = arith.index_cast %add3A_1479 : i32 to index
        %get3A_1483 = arith.constant 32 : index
        %get3A_1484 = tpu.vector_load %arg6[%get3A_1481, %get3A_1482, %get3A_1483] {strides = array<i32>} : memref<2x640x64xf32, #tpu.memory_space<vmem>>, vector<1x1x16xf32>,
        %get3A_1485 = vector.shape_cast %get3A_1484 : vector<1x1x16xf32> to vector<16xf32>
        %add3A_1486 = arith.addf %add3A_1477, %get3A_1485 : vector<16xf32>
        %add3A_1487 = arith.constant 6 : i32
        %add3A_1488 = arith.addi %mul3A_1061, %add3A_1487 : i32
        %get3A_1489 = arith.constant 1 : i32
        %get3A_1490 = arith.index_cast %get3A_1489 : i32 to index
        %get3A_1491 = arith.index_cast %add3A_1488 : i32 to index
        %get3A_1492 = arith.constant 32 : index
        %get3A_1493 = tpu.vector_load %arg6[%get3A_1490, %get3A_1491, %get3A_1492] {strides = array<i32>} : memref<2x640x64xf32, #tpu.memory_space<vmem>>, vector<1x1x16xf32>,
        %get3A_1494 = vector.shape_cast %get3A_1493 : vector<1x1x16xf32> to vector<16xf32>
        %add3A_1495 = arith.addf %add3A_1486, %get3A_1494 : vector<16xf32>
        %add3A_1496 = arith.constant 7 : i32
        %add3A_1497 = arith.addi %mul3A_1061, %add3A_1496 : i32
        %get3A_1498 = arith.constant 1 : i32
        %get3A_1499 = arith.index_cast %get3A_1498 : i32 to index
        %get3A_1500 = arith.index_cast %add3A_1497 : i32 to index
        %get3A_1501 = arith.constant 32 : index
        %get3A_1502 = tpu.vector_load %arg6[%get3A_1499, %get3A_1500, %get3A_1501] {strides = array<i32>} : memref<2x640x64xf32, #tpu.memory_space<vmem>>, vector<1x1x16xf32>,
        %get3A_1503 = vector.shape_cast %get3A_1502 : vector<1x1x16xf32> to vector<16xf32>
        %add3A_1504 = arith.addf %add3A_1495, %get3A_1503 : vector<16xf32>
        %add3A_1505 = arith.constant 8 : i32
        %add3A_1506 = arith.addi %mul3A_1061, %add3A_1505 : i32
        %get3A_1507 = arith.constant 1 : i32
        %get3A_1508 = arith.index_cast %get3A_1507 : i32 to index
        %get3A_1509 = arith.index_cast %add3A_1506 : i32 to index
        %get3A_1510 = arith.constant 32 : index
        %get3A_1511 = tpu.vector_load %arg6[%get3A_1508, %get3A_1509, %get3A_1510] {strides = array<i32>} : memref<2x640x64xf32, #tpu.memory_space<vmem>>, vector<1x1x16xf32>,
        %get3A_1512 = vector.shape_cast %get3A_1511 : vector<1x1x16xf32> to vector<16xf32>
        %add3A_1513 = arith.addf %add3A_1504, %get3A_1512 : vector<16xf32>
        %add3A_1514 = arith.constant 9 : i32
        %add3A_1515 = arith.addi %mul3A_1061, %add3A_1514 : i32
        %get3A_1516 = arith.constant 1 : i32
        %get3A_1517 = arith.index_cast %get3A_1516 : i32 to index
        %get3A_1518 = arith.index_cast %add3A_1515 : i32 to index
        %get3A_1519 = arith.constant 32 : index
        %get3A_1520 = tpu.vector_load %arg6[%get3A_1517, %get3A_1518, %get3A_1519] {strides = array<i32>} : memref<2x640x64xf32, #tpu.memory_space<vmem>>, vector<1x1x16xf32>,
        %get3A_1521 = vector.shape_cast %get3A_1520 : vector<1x1x16xf32> to vector<16xf32>
        %add3A_1522 = arith.addf %add3A_1513, %get3A_1521 : vector<16xf32>
        %add3A_1523 = arith.constant 10 : i32
        %add3A_1524 = arith.addi %mul3A_1061, %add3A_1523 : i32
        %get3A_1525 = arith.constant 1 : i32
        %get3A_1526 = arith.index_cast %get3A_1525 : i32 to index
        %get3A_1527 = arith.index_cast %add3A_1524 : i32 to index
        %get3A_1528 = arith.constant 32 : index
        %get3A_1529 = tpu.vector_load %arg6[%get3A_1526, %get3A_1527, %get3A_1528] {strides = array<i32>} : memref<2x640x64xf32, #tpu.memory_space<vmem>>, vector<1x1x16xf32>,
        %get3A_1530 = vector.shape_cast %get3A_1529 : vector<1x1x16xf32> to vector<16xf32>
        %add3A_1531 = arith.addf %add3A_1522, %get3A_1530 : vector<16xf32>
        %add3A_1532 = arith.constant 11 : i32
        %add3A_1533 = arith.addi %mul3A_1061, %add3A_1532 : i32
        %get3A_1534 = arith.constant 1 : i32
        %get3A_1535 = arith.index_cast %get3A_1534 : i32 to index
        %get3A_1536 = arith.index_cast %add3A_1533 : i32 to index
        %get3A_1537 = arith.constant 32 : index
        %get3A_1538 = tpu.vector_load %arg6[%get3A_1535, %get3A_1536, %get3A_1537] {strides = array<i32>} : memref<2x640x64xf32, #tpu.memory_space<vmem>>, vector<1x1x16xf32>,
        %get3A_1539 = vector.shape_cast %get3A_1538 : vector<1x1x16xf32> to vector<16xf32>
        %add3A_1540 = arith.addf %add3A_1531, %get3A_1539 : vector<16xf32>
        %add3A_1541 = arith.constant 12 : i32
        %add3A_1542 = arith.addi %mul3A_1061, %add3A_1541 : i32
        %get3A_1543 = arith.constant 1 : i32
        %get3A_1544 = arith.index_cast %get3A_1543 : i32 to index
        %get3A_1545 = arith.index_cast %add3A_1542 : i32 to index
        %get3A_1546 = arith.constant 32 : index
        %get3A_1547 = tpu.vector_load %arg6[%get3A_1544, %get3A_1545, %get3A_1546] {strides = array<i32>} : memref<2x640x64xf32, #tpu.memory_space<vmem>>, vector<1x1x16xf32>,
        %get3A_1548 = vector.shape_cast %get3A_1547 : vector<1x1x16xf32> to vector<16xf32>
        %add3A_1549 = arith.addf %add3A_1540, %get3A_1548 : vector<16xf32>
        %add3A_1550 = arith.constant 13 : i32
        %add3A_1551 = arith.addi %mul3A_1061, %add3A_1550 : i32
        %get3A_1552 = arith.constant 1 : i32
        %get3A_1553 = arith.index_cast %get3A_1552 : i32 to index
        %get3A_1554 = arith.index_cast %add3A_1551 : i32 to index
        %get3A_1555 = arith.constant 32 : index
        %get3A_1556 = tpu.vector_load %arg6[%get3A_1553, %get3A_1554, %get3A_1555] {strides = array<i32>} : memref<2x640x64xf32, #tpu.memory_space<vmem>>, vector<1x1x16xf32>,
        %get3A_1557 = vector.shape_cast %get3A_1556 : vector<1x1x16xf32> to vector<16xf32>
        %add3A_1558 = arith.addf %add3A_1549, %get3A_1557 : vector<16xf32>
        %add3A_1559 = arith.constant 14 : i32
        %add3A_1560 = arith.addi %mul3A_1061, %add3A_1559 : i32
        %get3A_1561 = arith.constant 1 : i32
        %get3A_1562 = arith.index_cast %get3A_1561 : i32 to index
        %get3A_1563 = arith.index_cast %add3A_1560 : i32 to index
        %get3A_1564 = arith.constant 32 : index
        %get3A_1565 = tpu.vector_load %arg6[%get3A_1562, %get3A_1563, %get3A_1564] {strides = array<i32>} : memref<2x640x64xf32, #tpu.memory_space<vmem>>, vector<1x1x16xf32>,
        %get3A_1566 = vector.shape_cast %get3A_1565 : vector<1x1x16xf32> to vector<16xf32>
        %add3A_1567 = arith.addf %add3A_1558, %get3A_1566 : vector<16xf32>
        %add3A_1568 = arith.constant 15 : i32
        %add3A_1569 = arith.addi %mul3A_1061, %add3A_1568 : i32
        %get3A_1570 = arith.constant 1 : i32
        %get3A_1571 = arith.index_cast %get3A_1570 : i32 to index
        %get3A_1572 = arith.index_cast %add3A_1569 : i32 to index
        %get3A_1573 = arith.constant 32 : index
        %get3A_1574 = tpu.vector_load %arg6[%get3A_1571, %get3A_1572, %get3A_1573] {strides = array<i32>} : memref<2x640x64xf32, #tpu.memory_space<vmem>>, vector<1x1x16xf32>,
        %get3A_1575 = vector.shape_cast %get3A_1574 : vector<1x1x16xf32> to vector<16xf32>
        %add3A_1576 = arith.addf %add3A_1567, %get3A_1575 : vector<16xf32>
        %add3A_1577 = arith.constant 16 : i32
        %add3A_1578 = arith.addi %mul3A_1061, %add3A_1577 : i32
        %get3A_1579 = arith.constant 1 : i32
        %get3A_1580 = arith.index_cast %get3A_1579 : i32 to index
        %get3A_1581 = arith.index_cast %add3A_1578 : i32 to index
        %get3A_1582 = arith.constant 32 : index
        %get3A_1583 = tpu.vector_load %arg6[%get3A_1580, %get3A_1581, %get3A_1582] {strides = array<i32>} : memref<2x640x64xf32, #tpu.memory_space<vmem>>, vector<1x1x16xf32>,
        %get3A_1584 = vector.shape_cast %get3A_1583 : vector<1x1x16xf32> to vector<16xf32>
        %add3A_1585 = arith.addf %add3A_1576, %get3A_1584 : vector<16xf32>
        %add3A_1586 = arith.constant 17 : i32
        %add3A_1587 = arith.addi %mul3A_1061, %add3A_1586 : i32
        %get3A_1588 = arith.constant 1 : i32
        %get3A_1589 = arith.index_cast %get3A_1588 : i32 to index
        %get3A_1590 = arith.index_cast %add3A_1587 : i32 to index
        %get3A_1591 = arith.constant 32 : index
        %get3A_1592 = tpu.vector_load %arg6[%get3A_1589, %get3A_1590, %get3A_1591] {strides = array<i32>} : memref<2x640x64xf32, #tpu.memory_space<vmem>>, vector<1x1x16xf32>,
        %get3A_1593 = vector.shape_cast %get3A_1592 : vector<1x1x16xf32> to vector<16xf32>
        %add3A_1594 = arith.addf %add3A_1585, %get3A_1593 : vector<16xf32>
        %add3A_1595 = arith.constant 18 : i32
        %add3A_1596 = arith.addi %mul3A_1061, %add3A_1595 : i32
        %get3A_1597 = arith.constant 1 : i32
        %get3A_1598 = arith.index_cast %get3A_1597 : i32 to index
        %get3A_1599 = arith.index_cast %add3A_1596 : i32 to index
        %get3A_1600 = arith.constant 32 : index
        %get3A_1601 = tpu.vector_load %arg6[%get3A_1598, %get3A_1599, %get3A_1600] {strides = array<i32>} : memref<2x640x64xf32, #tpu.memory_space<vmem>>, vector<1x1x16xf32>,
        %get3A_1602 = vector.shape_cast %get3A_1601 : vector<1x1x16xf32> to vector<16xf32>
        %add3A_1603 = arith.addf %add3A_1594, %get3A_1602 : vector<16xf32>
        %add3A_1604 = arith.constant 19 : i32
        %add3A_1605 = arith.addi %mul3A_1061, %add3A_1604 : i32
        %get3A_1606 = arith.constant 1 : i32
        %get3A_1607 = arith.index_cast %get3A_1606 : i32 to index
        %get3A_1608 = arith.index_cast %add3A_1605 : i32 to index
        %get3A_1609 = arith.constant 32 : index
        %get3A_1610 = tpu.vector_load %arg6[%get3A_1607, %get3A_1608, %get3A_1609] {strides = array<i32>} : memref<2x640x64xf32, #tpu.memory_space<vmem>>, vector<1x1x16xf32>,
        %get3A_1611 = vector.shape_cast %get3A_1610 : vector<1x1x16xf32> to vector<16xf32>
        %add3A_1612 = arith.addf %add3A_1603, %get3A_1611 : vector<16xf32>
        %mul3A_1613 = arith.constant 2 : i32
        %mul3A_1614 = arith.muli %mul3A_1613, %scan3A_303 : i32
        %add3A_1615 = arith.constant 1 : i32
        %add3A_1616 = arith.addi %mul3A_1614, %add3A_1615 : i32
        %swap3A_1617 = arith.index_cast %select_n3A_218 : i32 to index
        %swap3A_1618 = arith.index_cast %add3A_1616 : i32 to index
        %swap3A_1619 = arith.constant 96 : index
        %swap3A_1620 = tpu.vector_load %arg7[%swap3A_1617, %swap3A_1618, %swap3A_1619] {strides = array<i32>} : memref<2x32x128xf32, #tpu.memory_space<vmem>>, vector<1x1x16xf32>,
        %swap3A_1621 = vector.shape_cast %swap3A_1620 : vector<1x1x16xf32> to vector<16xf32>
        %swap3A_1622 = vector.shape_cast %add3A_1612 : vector<16xf32> to vector<1x1x16xf32>
        tpu.vector_store %arg7[%swap3A_1617, %swap3A_1618, %swap3A_1619], %swap3A_1622 {strides = array<i32>} : memref<2x32x128xf32, #tpu.memory_space<vmem>>, vector<1x1x16xf32>,
        %get3A_1623 = arith.constant 1 : i32
        %get3A_1624 = arith.index_cast %get3A_1623 : i32 to index
        %get3A_1625 = arith.index_cast %mul3A_1061 : i32 to index
        %get3A_1626 = arith.constant 48 : index
        %get3A_1627 = tpu.vector_load %arg6[%get3A_1624, %get3A_1625, %get3A_1626] {strides = array<i32>} : memref<2x640x64xf32, #tpu.memory_space<vmem>>, vector<1x1x16xf32>,
        %get3A_1628 = vector.shape_cast %get3A_1627 : vector<1x1x16xf32> to vector<16xf32>
        %add3A_1629 = arith.constant 1 : i32
        %add3A_1630 = arith.addi %mul3A_1061, %add3A_1629 : i32
        %get3A_1631 = arith.constant 1 : i32
        %get3A_1632 = arith.index_cast %get3A_1631 : i32 to index
        %get3A_1633 = arith.index_cast %add3A_1630 : i32 to index
        %get3A_1634 = arith.constant 48 : index
        %get3A_1635 = tpu.vector_load %arg6[%get3A_1632, %get3A_1633, %get3A_1634] {strides = array<i32>} : memref<2x640x64xf32, #tpu.memory_space<vmem>>, vector<1x1x16xf32>,
        %get3A_1636 = vector.shape_cast %get3A_1635 : vector<1x1x16xf32> to vector<16xf32>
        %add3A_1637 = arith.addf %get3A_1628, %get3A_1636 : vector<16xf32>
        %add3A_1638 = arith.constant 2 : i32
        %add3A_1639 = arith.addi %mul3A_1061, %add3A_1638 : i32
        %get3A_1640 = arith.constant 1 : i32
        %get3A_1641 = arith.index_cast %get3A_1640 : i32 to index
        %get3A_1642 = arith.index_cast %add3A_1639 : i32 to index
        %get3A_1643 = arith.constant 48 : index
        %get3A_1644 = tpu.vector_load %arg6[%get3A_1641, %get3A_1642, %get3A_1643] {strides = array<i32>} : memref<2x640x64xf32, #tpu.memory_space<vmem>>, vector<1x1x16xf32>,
        %get3A_1645 = vector.shape_cast %get3A_1644 : vector<1x1x16xf32> to vector<16xf32>
        %add3A_1646 = arith.addf %add3A_1637, %get3A_1645 : vector<16xf32>
        %add3A_1647 = arith.constant 3 : i32
        %add3A_1648 = arith.addi %mul3A_1061, %add3A_1647 : i32
        %get3A_1649 = arith.constant 1 : i32
        %get3A_1650 = arith.index_cast %get3A_1649 : i32 to index
        %get3A_1651 = arith.index_cast %add3A_1648 : i32 to index
        %get3A_1652 = arith.constant 48 : index
        %get3A_1653 = tpu.vector_load %arg6[%get3A_1650, %get3A_1651, %get3A_1652] {strides = array<i32>} : memref<2x640x64xf32, #tpu.memory_space<vmem>>, vector<1x1x16xf32>,
        %get3A_1654 = vector.shape_cast %get3A_1653 : vector<1x1x16xf32> to vector<16xf32>
        %add3A_1655 = arith.addf %add3A_1646, %get3A_1654 : vector<16xf32>
        %add3A_1656 = arith.constant 4 : i32
        %add3A_1657 = arith.addi %mul3A_1061, %add3A_1656 : i32
        %get3A_1658 = arith.constant 1 : i32
        %get3A_1659 = arith.index_cast %get3A_1658 : i32 to index
        %get3A_1660 = arith.index_cast %add3A_1657 : i32 to index
        %get3A_1661 = arith.constant 48 : index
        %get3A_1662 = tpu.vector_load %arg6[%get3A_1659, %get3A_1660, %get3A_1661] {strides = array<i32>} : memref<2x640x64xf32, #tpu.memory_space<vmem>>, vector<1x1x16xf32>,
        %get3A_1663 = vector.shape_cast %get3A_1662 : vector<1x1x16xf32> to vector<16xf32>
        %add3A_1664 = arith.addf %add3A_1655, %get3A_1663 : vector<16xf32>
        %add3A_1665 = arith.constant 5 : i32
        %add3A_1666 = arith.addi %mul3A_1061, %add3A_1665 : i32
        %get3A_1667 = arith.constant 1 : i32
        %get3A_1668 = arith.index_cast %get3A_1667 : i32 to index
        %get3A_1669 = arith.index_cast %add3A_1666 : i32 to index
        %get3A_1670 = arith.constant 48 : index
        %get3A_1671 = tpu.vector_load %arg6[%get3A_1668, %get3A_1669, %get3A_1670] {strides = array<i32>} : memref<2x640x64xf32, #tpu.memory_space<vmem>>, vector<1x1x16xf32>,
        %get3A_1672 = vector.shape_cast %get3A_1671 : vector<1x1x16xf32> to vector<16xf32>
        %add3A_1673 = arith.addf %add3A_1664, %get3A_1672 : vector<16xf32>
        %add3A_1674 = arith.constant 6 : i32
        %add3A_1675 = arith.addi %mul3A_1061, %add3A_1674 : i32
        %get3A_1676 = arith.constant 1 : i32
        %get3A_1677 = arith.index_cast %get3A_1676 : i32 to index
        %get3A_1678 = arith.index_cast %add3A_1675 : i32 to index
        %get3A_1679 = arith.constant 48 : index
        %get3A_1680 = tpu.vector_load %arg6[%get3A_1677, %get3A_1678, %get3A_1679] {strides = array<i32>} : memref<2x640x64xf32, #tpu.memory_space<vmem>>, vector<1x1x16xf32>,
        %get3A_1681 = vector.shape_cast %get3A_1680 : vector<1x1x16xf32> to vector<16xf32>
        %add3A_1682 = arith.addf %add3A_1673, %get3A_1681 : vector<16xf32>
        %add3A_1683 = arith.constant 7 : i32
        %add3A_1684 = arith.addi %mul3A_1061, %add3A_1683 : i32
        %get3A_1685 = arith.constant 1 : i32
        %get3A_1686 = arith.index_cast %get3A_1685 : i32 to index
        %get3A_1687 = arith.index_cast %add3A_1684 : i32 to index
        %get3A_1688 = arith.constant 48 : index
        %get3A_1689 = tpu.vector_load %arg6[%get3A_1686, %get3A_1687, %get3A_1688] {strides = array<i32>} : memref<2x640x64xf32, #tpu.memory_space<vmem>>, vector<1x1x16xf32>,
        %get3A_1690 = vector.shape_cast %get3A_1689 : vector<1x1x16xf32> to vector<16xf32>
        %add3A_1691 = arith.addf %add3A_1682, %get3A_1690 : vector<16xf32>
        %add3A_1692 = arith.constant 8 : i32
        %add3A_1693 = arith.addi %mul3A_1061, %add3A_1692 : i32
        %get3A_1694 = arith.constant 1 : i32
        %get3A_1695 = arith.index_cast %get3A_1694 : i32 to index
        %get3A_1696 = arith.index_cast %add3A_1693 : i32 to index
        %get3A_1697 = arith.constant 48 : index
        %get3A_1698 = tpu.vector_load %arg6[%get3A_1695, %get3A_1696, %get3A_1697] {strides = array<i32>} : memref<2x640x64xf32, #tpu.memory_space<vmem>>, vector<1x1x16xf32>,
        %get3A_1699 = vector.shape_cast %get3A_1698 : vector<1x1x16xf32> to vector<16xf32>
        %add3A_1700 = arith.addf %add3A_1691, %get3A_1699 : vector<16xf32>
        %add3A_1701 = arith.constant 9 : i32
        %add3A_1702 = arith.addi %mul3A_1061, %add3A_1701 : i32
        %get3A_1703 = arith.constant 1 : i32
        %get3A_1704 = arith.index_cast %get3A_1703 : i32 to index
        %get3A_1705 = arith.index_cast %add3A_1702 : i32 to index
        %get3A_1706 = arith.constant 48 : index
        %get3A_1707 = tpu.vector_load %arg6[%get3A_1704, %get3A_1705, %get3A_1706] {strides = array<i32>} : memref<2x640x64xf32, #tpu.memory_space<vmem>>, vector<1x1x16xf32>,
        %get3A_1708 = vector.shape_cast %get3A_1707 : vector<1x1x16xf32> to vector<16xf32>
        %add3A_1709 = arith.addf %add3A_1700, %get3A_1708 : vector<16xf32>
        %add3A_1710 = arith.constant 10 : i32
        %add3A_1711 = arith.addi %mul3A_1061, %add3A_1710 : i32
        %get3A_1712 = arith.constant 1 : i32
        %get3A_1713 = arith.index_cast %get3A_1712 : i32 to index
        %get3A_1714 = arith.index_cast %add3A_1711 : i32 to index
        %get3A_1715 = arith.constant 48 : index
        %get3A_1716 = tpu.vector_load %arg6[%get3A_1713, %get3A_1714, %get3A_1715] {strides = array<i32>} : memref<2x640x64xf32, #tpu.memory_space<vmem>>, vector<1x1x16xf32>,
        %get3A_1717 = vector.shape_cast %get3A_1716 : vector<1x1x16xf32> to vector<16xf32>
        %add3A_1718 = arith.addf %add3A_1709, %get3A_1717 : vector<16xf32>
        %add3A_1719 = arith.constant 11 : i32
        %add3A_1720 = arith.addi %mul3A_1061, %add3A_1719 : i32
        %get3A_1721 = arith.constant 1 : i32
        %get3A_1722 = arith.index_cast %get3A_1721 : i32 to index
        %get3A_1723 = arith.index_cast %add3A_1720 : i32 to index
        %get3A_1724 = arith.constant 48 : index
        %get3A_1725 = tpu.vector_load %arg6[%get3A_1722, %get3A_1723, %get3A_1724] {strides = array<i32>} : memref<2x640x64xf32, #tpu.memory_space<vmem>>, vector<1x1x16xf32>,
        %get3A_1726 = vector.shape_cast %get3A_1725 : vector<1x1x16xf32> to vector<16xf32>
        %add3A_1727 = arith.addf %add3A_1718, %get3A_1726 : vector<16xf32>
        %add3A_1728 = arith.constant 12 : i32
        %add3A_1729 = arith.addi %mul3A_1061, %add3A_1728 : i32
        %get3A_1730 = arith.constant 1 : i32
        %get3A_1731 = arith.index_cast %get3A_1730 : i32 to index
        %get3A_1732 = arith.index_cast %add3A_1729 : i32 to index
        %get3A_1733 = arith.constant 48 : index
        %get3A_1734 = tpu.vector_load %arg6[%get3A_1731, %get3A_1732, %get3A_1733] {strides = array<i32>} : memref<2x640x64xf32, #tpu.memory_space<vmem>>, vector<1x1x16xf32>,
        %get3A_1735 = vector.shape_cast %get3A_1734 : vector<1x1x16xf32> to vector<16xf32>
        %add3A_1736 = arith.addf %add3A_1727, %get3A_1735 : vector<16xf32>
        %add3A_1737 = arith.constant 13 : i32
        %add3A_1738 = arith.addi %mul3A_1061, %add3A_1737 : i32
        %get3A_1739 = arith.constant 1 : i32
        %get3A_1740 = arith.index_cast %get3A_1739 : i32 to index
        %get3A_1741 = arith.index_cast %add3A_1738 : i32 to index
        %get3A_1742 = arith.constant 48 : index
        %get3A_1743 = tpu.vector_load %arg6[%get3A_1740, %get3A_1741, %get3A_1742] {strides = array<i32>} : memref<2x640x64xf32, #tpu.memory_space<vmem>>, vector<1x1x16xf32>,
        %get3A_1744 = vector.shape_cast %get3A_1743 : vector<1x1x16xf32> to vector<16xf32>
        %add3A_1745 = arith.addf %add3A_1736, %get3A_1744 : vector<16xf32>
        %add3A_1746 = arith.constant 14 : i32
        %add3A_1747 = arith.addi %mul3A_1061, %add3A_1746 : i32
        %get3A_1748 = arith.constant 1 : i32
        %get3A_1749 = arith.index_cast %get3A_1748 : i32 to index
        %get3A_1750 = arith.index_cast %add3A_1747 : i32 to index
        %get3A_1751 = arith.constant 48 : index
        %get3A_1752 = tpu.vector_load %arg6[%get3A_1749, %get3A_1750, %get3A_1751] {strides = array<i32>} : memref<2x640x64xf32, #tpu.memory_space<vmem>>, vector<1x1x16xf32>,
        %get3A_1753 = vector.shape_cast %get3A_1752 : vector<1x1x16xf32> to vector<16xf32>
        %add3A_1754 = arith.addf %add3A_1745, %get3A_1753 : vector<16xf32>
        %add3A_1755 = arith.constant 15 : i32
        %add3A_1756 = arith.addi %mul3A_1061, %add3A_1755 : i32
        %get3A_1757 = arith.constant 1 : i32
        %get3A_1758 = arith.index_cast %get3A_1757 : i32 to index
        %get3A_1759 = arith.index_cast %add3A_1756 : i32 to index
        %get3A_1760 = arith.constant 48 : index
        %get3A_1761 = tpu.vector_load %arg6[%get3A_1758, %get3A_1759, %get3A_1760] {strides = array<i32>} : memref<2x640x64xf32, #tpu.memory_space<vmem>>, vector<1x1x16xf32>,
        %get3A_1762 = vector.shape_cast %get3A_1761 : vector<1x1x16xf32> to vector<16xf32>
        %add3A_1763 = arith.addf %add3A_1754, %get3A_1762 : vector<16xf32>
        %add3A_1764 = arith.constant 16 : i32
        %add3A_1765 = arith.addi %mul3A_1061, %add3A_1764 : i32
        %get3A_1766 = arith.constant 1 : i32
        %get3A_1767 = arith.index_cast %get3A_1766 : i32 to index
        %get3A_1768 = arith.index_cast %add3A_1765 : i32 to index
        %get3A_1769 = arith.constant 48 : index
        %get3A_1770 = tpu.vector_load %arg6[%get3A_1767, %get3A_1768, %get3A_1769] {strides = array<i32>} : memref<2x640x64xf32, #tpu.memory_space<vmem>>, vector<1x1x16xf32>,
        %get3A_1771 = vector.shape_cast %get3A_1770 : vector<1x1x16xf32> to vector<16xf32>
        %add3A_1772 = arith.addf %add3A_1763, %get3A_1771 : vector<16xf32>
        %add3A_1773 = arith.constant 17 : i32
        %add3A_1774 = arith.addi %mul3A_1061, %add3A_1773 : i32
        %get3A_1775 = arith.constant 1 : i32
        %get3A_1776 = arith.index_cast %get3A_1775 : i32 to index
        %get3A_1777 = arith.index_cast %add3A_1774 : i32 to index
        %get3A_1778 = arith.constant 48 : index
        %get3A_1779 = tpu.vector_load %arg6[%get3A_1776, %get3A_1777, %get3A_1778] {strides = array<i32>} : memref<2x640x64xf32, #tpu.memory_space<vmem>>, vector<1x1x16xf32>,
        %get3A_1780 = vector.shape_cast %get3A_1779 : vector<1x1x16xf32> to vector<16xf32>
        %add3A_1781 = arith.addf %add3A_1772, %get3A_1780 : vector<16xf32>
        %add3A_1782 = arith.constant 18 : i32
        %add3A_1783 = arith.addi %mul3A_1061, %add3A_1782 : i32
        %get3A_1784 = arith.constant 1 : i32
        %get3A_1785 = arith.index_cast %get3A_1784 : i32 to index
        %get3A_1786 = arith.index_cast %add3A_1783 : i32 to index
        %get3A_1787 = arith.constant 48 : index
        %get3A_1788 = tpu.vector_load %arg6[%get3A_1785, %get3A_1786, %get3A_1787] {strides = array<i32>} : memref<2x640x64xf32, #tpu.memory_space<vmem>>, vector<1x1x16xf32>,
        %get3A_1789 = vector.shape_cast %get3A_1788 : vector<1x1x16xf32> to vector<16xf32>
        %add3A_1790 = arith.addf %add3A_1781, %get3A_1789 : vector<16xf32>
        %add3A_1791 = arith.constant 19 : i32
        %add3A_1792 = arith.addi %mul3A_1061, %add3A_1791 : i32
        %get3A_1793 = arith.constant 1 : i32
        %get3A_1794 = arith.index_cast %get3A_1793 : i32 to index
        %get3A_1795 = arith.index_cast %add3A_1792 : i32 to index
        %get3A_1796 = arith.constant 48 : index
        %get3A_1797 = tpu.vector_load %arg6[%get3A_1794, %get3A_1795, %get3A_1796] {strides = array<i32>} : memref<2x640x64xf32, #tpu.memory_space<vmem>>, vector<1x1x16xf32>,
        %get3A_1798 = vector.shape_cast %get3A_1797 : vector<1x1x16xf32> to vector<16xf32>
        %add3A_1799 = arith.addf %add3A_1790, %get3A_1798 : vector<16xf32>
        %mul3A_1800 = arith.constant 2 : i32
        %mul3A_1801 = arith.muli %mul3A_1800, %scan3A_303 : i32
        %add3A_1802 = arith.constant 1 : i32
        %add3A_1803 = arith.addi %mul3A_1801, %add3A_1802 : i32
        %swap3A_1804 = arith.index_cast %select_n3A_218 : i32 to index
        %swap3A_1805 = arith.index_cast %add3A_1803 : i32 to index
        %swap3A_1806 = arith.constant 112 : index
        %swap3A_1807 = tpu.vector_load %arg7[%swap3A_1804, %swap3A_1805, %swap3A_1806] {strides = array<i32>} : memref<2x32x128xf32, #tpu.memory_space<vmem>>, vector<1x1x16xf32>,
        %swap3A_1808 = vector.shape_cast %swap3A_1807 : vector<1x1x16xf32> to vector<16xf32>
        %swap3A_1809 = vector.shape_cast %add3A_1799 : vector<16xf32> to vector<1x1x16xf32>
        tpu.vector_store %arg7[%swap3A_1804, %swap3A_1805, %swap3A_1806], %swap3A_1809 {strides = array<i32>} : memref<2x32x128xf32, #tpu.memory_space<vmem>>, vector<1x1x16xf32>,
      }
      %scan3A_224 = arith.constant 16 : i32
      %jit3A_225 = arith.constant 8 : i32
      %div3A = arith.divsi %add3A_177, %jit3A_225 : i32
      %sign3A = arith.constant 0 : i32
      %sign3A_226 = arith.cmpi sgt, %add3A_177, %sign3A : i32
      %sign3A_227 = arith.extui %sign3A_226 : i1 to i32
      %sign3A_228 = arith.constant 0 : i32
      %sign3A_229 = arith.cmpi slt, %add3A_177, %sign3A_228 : i32
      %sign3A_230 = arith.extui %sign3A_229 : i1 to i32
      %sign3A_231 = arith.subi %sign3A_227, %sign3A_230 : i32
      %sign3A_232 = arith.constant 0 : i32
      %sign3A_233 = arith.cmpi sgt, %jit3A_225, %sign3A_232 : i32
      %sign3A_234 = arith.extui %sign3A_233 : i1 to i32
      %sign3A_235 = arith.constant 0 : i32
      %sign3A_236 = arith.cmpi slt, %jit3A_225, %sign3A_235 : i32
      %sign3A_237 = arith.extui %sign3A_236 : i1 to i32
      %sign3A_238 = arith.subi %sign3A_234, %sign3A_237 : i32
      %ne3A_239 = arith.cmpi ne, %sign3A_231, %sign3A_238 : i32
      %rem3A_240 = arith.remsi %add3A_177, %jit3A_225 : i32
      %ne3A_241 = arith.constant 0 : i32
      %ne3A_242 = arith.cmpi ne, %rem3A_240, %ne3A_241 : i32
      %and3A_243 = arith.andi %ne3A_239, %ne3A_242 : i1
      %sub3A = arith.constant 1 : i32
      %sub3A_244 = arith.subi %div3A, %sub3A : i32
      %select_n3A_245 = arith.select %and3A_243, %sub3A_244, %div3A : i32
      %jit3A_246 = arith.constant 2 : i32
      %div3A_247 = arith.divsi %add3A_177, %jit3A_246 : i32
      %sign3A_248 = arith.constant 0 : i32
      %sign3A_249 = arith.cmpi sgt, %add3A_177, %sign3A_248 : i32
      %sign3A_250 = arith.extui %sign3A_249 : i1 to i32
      %sign3A_251 = arith.constant 0 : i32
      %sign3A_252 = arith.cmpi slt, %add3A_177, %sign3A_251 : i32
      %sign3A_253 = arith.extui %sign3A_252 : i1 to i32
      %sign3A_254 = arith.subi %sign3A_250, %sign3A_253 : i32
      %sign3A_255 = arith.constant 0 : i32
      %sign3A_256 = arith.cmpi sgt, %jit3A_246, %sign3A_255 : i32
      %sign3A_257 = arith.extui %sign3A_256 : i1 to i32
      %sign3A_258 = arith.constant 0 : i32
      %sign3A_259 = arith.cmpi slt, %jit3A_246, %sign3A_258 : i32
      %sign3A_260 = arith.extui %sign3A_259 : i1 to i32
      %sign3A_261 = arith.subi %sign3A_257, %sign3A_260 : i32
      %ne3A_262 = arith.cmpi ne, %sign3A_254, %sign3A_261 : i32
      %rem3A_263 = arith.remsi %add3A_177, %jit3A_246 : i32
      %ne3A_264 = arith.constant 0 : i32
      %ne3A_265 = arith.cmpi ne, %rem3A_263, %ne3A_264 : i32
      %and3A_266 = arith.andi %ne3A_262, %ne3A_265 : i1
      %sub3A_267 = arith.constant 1 : i32
      %sub3A_268 = arith.subi %div3A_247, %sub3A_267 : i32
      %select_n3A_269 = arith.select %and3A_266, %sub3A_268, %div3A_247 : i32
      %jit3A_270 = arith.constant 4 : i32
      %eq3A_271 = arith.constant 0 : i32
      %eq3A_272 = arith.cmpi eq, %jit3A_270, %eq3A_271 : i32
      %jit3A_273 = arith.constant 1 : i32
      %select_n3A_274 = arith.select %eq3A_272, %jit3A_273, %jit3A_270 : i32
      %rem3A_275 = arith.remsi %select_n3A_269, %select_n3A_274 : i32
      %ne3A_276 = arith.constant 0 : i32
      %ne3A_277 = arith.cmpi ne, %rem3A_275, %ne3A_276 : i32
      %lt3A_278 = arith.constant 0 : i32
      %lt3A_279 = arith.cmpi slt, %rem3A_275, %lt3A_278 : i32
      %lt3A_280 = arith.constant 0 : i32
      %lt3A_281 = arith.cmpi slt, %select_n3A_274, %lt3A_280 : i32
      %ne3A_282 = arith.xori %lt3A_279, %lt3A_281 : i1
      %and3A_283 = arith.andi %ne3A_282, %ne3A_277 : i1
      %add3A_284 = arith.addi %rem3A_275, %select_n3A_274 : i32
      %select_n3A_285 = arith.select %and3A_283, %add3A_284, %rem3A_275 : i32
      %mul3A_286 = arith.constant 32 : i32
      %mul3A_287 = arith.muli %select_n3A_285, %mul3A_286 : i32
      %add3A_288 = arith.addi %mul3A_2, %mul3A_287 : i32
      %mul3A_289 = arith.constant 2 : i32
      %mul3A_290 = arith.muli %select_n3A_245, %mul3A_289 : i32
      %mul3A_291 = arith.constant 64 : i32
      %mul3A_292 = arith.muli %mul3A_290, %mul3A_291 : i32
      %dma_start3A_293 = arith.constant 0 : i32
      %dma_start3A_294 = arith.constant 0 : i32
      %dma_start3A_295 = tpu.memref_slice %arg7[%select_n3A_218, %dma_start3A_293, %dma_start3A_294] : memref<2x32x128xf32, #tpu.memory_space<vmem>> -> memref<1x32x128xf32, #tpu.memory_space<vmem>>
      %dma_start3A_296 = tpu.memref_squeeze %dma_start3A_295 : memref<1x32x128xf32, #tpu.memory_space<vmem>> -> memref<32x128xf32, #tpu.memory_space<vmem>>
      %dma_start3A_297 = tpu.memref_slice %arg4[%add3A_288, %mul3A_292] : memref<4096x1664xf32, #tpu.memory_space<hbm>> -> memref<32x128xf32, #tpu.memory_space<hbm>>
      %dma_start3A_298 = tpu.memref_slice %arg4[%add3A_288, %mul3A_292] : memref<4096x1664xf32, #tpu.memory_space<hbm>> -> memref<32x128xf32, #tpu.memory_space<hbm>>
      %dma_start3A_299 = arith.constant 0 : i32
      %dma_start3A_300 = arith.constant 0 : i32
      %dma_start3A_301 = tpu.memref_slice %arg7[%select_n3A_218, %dma_start3A_299, %dma_start3A_300] : memref<2x32x128xf32, #tpu.memory_space<vmem>> -> memref<1x32x128xf32, #tpu.memory_space<vmem>>
      %dma_start3A_302 = tpu.memref_squeeze %dma_start3A_301 : memref<1x32x128xf32, #tpu.memory_space<vmem>> -> memref<32x128xf32, #tpu.memory_space<vmem>>
      tpu.enqueue_dma source(%dma_start3A_302 : memref<32x128xf32, #tpu.memory_space<vmem>>) target(%dma_start3A_298 : memref<32x128xf32, #tpu.memory_space<hbm>>) target_semaphore(%arg10 : memref<!tpu.dma_semaphore, #tpu.memory_space<semaphore_mem>>)
    }
    %scan3A_97 = arith.constant 52 : i32
    %dma_wait3A = arith.constant 0 : i32
    %dma_wait3A_98 = arith.constant 0 : i32
    %dma_wait3A_99 = arith.constant 0 : i32
    %dma_wait3A_100 = tpu.memref_slice %arg7[%dma_wait3A, %dma_wait3A_98, %dma_wait3A_99] : memref<2x32x128xf32, #tpu.memory_space<vmem>> -> memref<1x32x128xf32, #tpu.memory_space<vmem>>
    %dma_wait3A_101 = tpu.memref_squeeze %dma_wait3A_100 : memref<1x32x128xf32, #tpu.memory_space<vmem>> -> memref<32x128xf32, #tpu.memory_space<vmem>>
    %dma_wait3A_102 = arith.constant 0 : i32
    %dma_wait3A_103 = arith.constant 0 : i32
    %dma_wait3A_104 = tpu.memref_slice %arg4[%dma_wait3A_102, %dma_wait3A_103] : memref<4096x1664xf32, #tpu.memory_space<hbm>> -> memref<32x128xf32, #tpu.memory_space<hbm>>
    %dma_wait3A_105 = arith.constant 0 : i32
    %dma_wait3A_106 = arith.constant 0 : i32
    %dma_wait3A_107 = tpu.memref_slice %arg4[%dma_wait3A_105, %dma_wait3A_106] : memref<4096x1664xf32, #tpu.memory_space<hbm>> -> memref<32x128xf32, #tpu.memory_space<hbm>>
    %dma_wait3A_108 = arith.constant 0 : i32
    %dma_wait3A_109 = arith.constant 0 : i32
    %dma_wait3A_110 = tpu.memref_slice %arg7[%dma_wait3A, %dma_wait3A_108, %dma_wait3A_109] : memref<2x32x128xf32, #tpu.memory_space<vmem>> -> memref<1x32x128xf32, #tpu.memory_space<vmem>>
    %dma_wait3A_111 = tpu.memref_squeeze %dma_wait3A_110 : memref<1x32x128xf32, #tpu.memory_space<vmem>> -> memref<32x128xf32, #tpu.memory_space<vmem>>
    tpu.wait_dma2 semaphore(%arg10 : memref<!tpu.dma_semaphore, #tpu.memory_space<semaphore_mem>>) src(%dma_wait3A_111 : memref<32x128xf32, #tpu.memory_space<vmem>>) dst(%dma_wait3A_107 : memref<32x128xf32, #tpu.memory_space<hbm>>)
    %dma_wait3A_112 = arith.constant 0 : i32
    %dma_wait3A_113 = arith.constant 0 : i32
    %dma_wait3A_114 = arith.constant 0 : i32
    %dma_wait3A_115 = tpu.memref_slice %arg7[%dma_wait3A_112, %dma_wait3A_113, %dma_wait3A_114] : memref<2x32x128xf32, #tpu.memory_space<vmem>> -> memref<1x32x128xf32, #tpu.memory_space<vmem>>
    %dma_wait3A_116 = tpu.memref_squeeze %dma_wait3A_115 : memref<1x32x128xf32, #tpu.memory_space<vmem>> -> memref<32x128xf32, #tpu.memory_space<vmem>>
    %dma_wait3A_117 = arith.constant 0 : i32
    %dma_wait3A_118 = arith.constant 0 : i32
    %dma_wait3A_119 = tpu.memref_slice %arg4[%dma_wait3A_117, %dma_wait3A_118] : memref<4096x1664xf32, #tpu.memory_space<hbm>> -> memref<32x128xf32, #tpu.memory_space<hbm>>
    %dma_wait3A_120 = arith.constant 0 : i32
    %dma_wait3A_121 = arith.constant 0 : i32
    %dma_wait3A_122 = tpu.memref_slice %arg4[%dma_wait3A_120, %dma_wait3A_121] : memref<4096x1664xf32, #tpu.memory_space<hbm>> -> memref<32x128xf32, #tpu.memory_space<hbm>>
    %dma_wait3A_123 = arith.constant 0 : i32
    %dma_wait3A_124 = arith.constant 0 : i32
    %dma_wait3A_125 = tpu.memref_slice %arg7[%dma_wait3A_112, %dma_wait3A_123, %dma_wait3A_124] : memref<2x32x128xf32, #tpu.memory_space<vmem>> -> memref<1x32x128xf32, #tpu.memory_space<vmem>>
    %dma_wait3A_126 = tpu.memref_squeeze %dma_wait3A_125 : memref<1x32x128xf32, #tpu.memory_space<vmem>> -> memref<32x128xf32, #tpu.memory_space<vmem>>
    tpu.wait_dma2 semaphore(%arg10 : memref<!tpu.dma_semaphore, #tpu.memory_space<semaphore_mem>>) src(%dma_wait3A_126 : memref<32x128xf32, #tpu.memory_space<vmem>>) dst(%dma_wait3A_122 : memref<32x128xf32, #tpu.memory_space<hbm>>)
    return
  }
}

module attributes {stable_mosaic.version = 14 : i64} {
  func.func @_dense_body(%arg0: i32, %arg1: memref<256x128xf32, #tpu.memory_space<vmem>>, %arg2: memref<256x1664xf32, #tpu.memory_space<vmem>>, %arg3: memref<128x512xf32, #tpu.memory_space<vmem>>, %arg4: memref<1x512xf32, #tpu.memory_space<vmem>>, %arg5: memref<512x256xf32, #tpu.memory_space<vmem>>, %arg6: memref<1x256xf32, #tpu.memory_space<vmem>>, %arg7: memref<256x64xf32, #tpu.memory_space<vmem>>, %arg8: memref<1x64xf32, #tpu.memory_space<vmem>>, %arg9: memref<3x1728x64xf32, #tpu.memory_space<vmem>>, %arg10: memref<3x64x1728xf32, #tpu.memory_space<vmem>>, %arg11: memref<3x1x1728xf32, #tpu.memory_space<vmem>>, %arg12: memref<1728x1024xf32, #tpu.memory_space<vmem>>, %arg13: memref<1x1024xf32, #tpu.memory_space<vmem>>, %arg14: memref<1024x512xf32, #tpu.memory_space<vmem>>, %arg15: memref<1x512xf32, #tpu.memory_space<vmem>>, %arg16: memref<1x512xf32, #tpu.memory_space<vmem>>, %arg17: memref<1x1xf32, #tpu.memory_space<vmem>>, %arg18: memref<256x1xf32, #tpu.memory_space<vmem>>) attributes {dimension_semantics = [#tpu.dimension_semantics<arbitrary>], iteration_bounds = array<i64: 16>, scalar_prefetch = 0 : i64, scratch_operands = 0 : i64, tpu.core_type = #tpu.core_type<tc>, window_params = [{transform_indices = @transform_0, window_bounds = array<i64: 256, 128>}, {transform_indices = @transform_1, window_bounds = array<i64: 256, 1664>}, {pipeline_mode = #tpu.pipeline_mode<synchronous>, transform_indices = @transform_2, window_bounds = array<i64: 128, 512>}, {pipeline_mode = #tpu.pipeline_mode<synchronous>, transform_indices = @transform_3, window_bounds = array<i64: 1, 512>}, {pipeline_mode = #tpu.pipeline_mode<synchronous>, transform_indices = @transform_4, window_bounds = array<i64: 512, 256>}, {pipeline_mode = #tpu.pipeline_mode<synchronous>, transform_indices = @transform_5, window_bounds = array<i64: 1, 256>}, {pipeline_mode = #tpu.pipeline_mode<synchronous>, transform_indices = @transform_6, window_bounds = array<i64: 256, 64>}, {pipeline_mode = #tpu.pipeline_mode<synchronous>, transform_indices = @transform_7, window_bounds = array<i64: 1, 64>}, {pipeline_mode = #tpu.pipeline_mode<synchronous>, transform_indices = @transform_8, window_bounds = array<i64: 3, 1728, 64>}, {pipeline_mode = #tpu.pipeline_mode<synchronous>, transform_indices = @transform_9, window_bounds = array<i64: 3, 64, 1728>}, {pipeline_mode = #tpu.pipeline_mode<synchronous>, transform_indices = @transform_10, window_bounds = array<i64: 3, 1, 1728>}, {pipeline_mode = #tpu.pipeline_mode<synchronous>, transform_indices = @transform_11, window_bounds = array<i64: 1728, 1024>}, {pipeline_mode = #tpu.pipeline_mode<synchronous>, transform_indices = @transform_12, window_bounds = array<i64: 1, 1024>}, {pipeline_mode = #tpu.pipeline_mode<synchronous>, transform_indices = @transform_13, window_bounds = array<i64: 1024, 512>}, {pipeline_mode = #tpu.pipeline_mode<synchronous>, transform_indices = @transform_14, window_bounds = array<i64: 1, 512>}, {pipeline_mode = #tpu.pipeline_mode<synchronous>, transform_indices = @transform_15, window_bounds = array<i64: 1, 512>}, {pipeline_mode = #tpu.pipeline_mode<synchronous>, transform_indices = @transform_16, window_bounds = array<i64: 1, 1>}, {transform_indices = @transform_17, window_bounds = array<i64: 256, 1>}]} {
    %get3A = arith.constant 0 : index
    %get3A_0 = arith.constant 0 : index
    %get3A_1 = vector.load %arg1[%get3A, %get3A_0] : memref<256x128xf32, #tpu.memory_space<vmem>>, vector<256x128xf32>
    %get3A_2 = arith.constant 0 : index
    %get3A_3 = arith.constant 0 : index
    %get3A_4 = vector.load %arg3[%get3A_2, %get3A_3] : memref<128x512xf32, #tpu.memory_space<vmem>>, vector<128x512xf32>
    %dot_general3A = arith.constant dense<0.000000e+00> : vector<256x512xf32>
    %dot_general3A_5 = tpu.matmul %get3A_1, %get3A_4, %dot_general3A {dimension_numbers = #tpu.dot_dimension_numbers<[1], [0], [0], [1], [0, 0, 1, 1], [], []>, transpose_lhs_hint = false} : vector<256x128xf32>, vector<128x512xf32>, vector<256x512xf32> -> vector<256x512xf32>
    %get3A_6 = arith.constant 0 : index
    %get3A_7 = arith.constant 0 : index
    %get3A_8 = vector.load %arg4[%get3A_6, %get3A_7] : memref<1x512xf32, #tpu.memory_space<vmem>>, vector<1x512xf32>
    %add3A = vector.broadcast %get3A_8 : vector<1x512xf32> to vector<256x512xf32>
    %add3A_9 = arith.addf %dot_general3A_5, %add3A : vector<256x512xf32>
    %max3A = arith.constant 0.000000e+00 : f32
    %max3A_10 = vector.broadcast %max3A : f32 to vector<256x512xf32>
    %max3A_11 = arith.maximumf %add3A_9, %max3A_10 : vector<256x512xf32>
    %get3A_12 = arith.constant 0 : index
    %get3A_13 = arith.constant 0 : index
    %get3A_14 = vector.load %arg5[%get3A_12, %get3A_13] : memref<512x256xf32, #tpu.memory_space<vmem>>, vector<512x256xf32>
    %dot_general3A_15 = arith.constant dense<0.000000e+00> : vector<256x256xf32>
    %dot_general3A_16 = tpu.matmul %max3A_11, %get3A_14, %dot_general3A_15 {dimension_numbers = #tpu.dot_dimension_numbers<[1], [0], [0], [1], [0, 0, 1, 1], [], []>, transpose_lhs_hint = false} : vector<256x512xf32>, vector<512x256xf32>, vector<256x256xf32> -> vector<256x256xf32>
    %get3A_17 = arith.constant 0 : index
    %get3A_18 = arith.constant 0 : index
    %get3A_19 = vector.load %arg6[%get3A_17, %get3A_18] : memref<1x256xf32, #tpu.memory_space<vmem>>, vector<1x256xf32>
    %add3A_20 = vector.broadcast %get3A_19 : vector<1x256xf32> to vector<256x256xf32>
    %add3A_21 = arith.addf %dot_general3A_16, %add3A_20 : vector<256x256xf32>
    %max3A_22 = arith.constant 0.000000e+00 : f32
    %max3A_23 = vector.broadcast %max3A_22 : f32 to vector<256x256xf32>
    %max3A_24 = arith.maximumf %add3A_21, %max3A_23 : vector<256x256xf32>
    %get3A_25 = arith.constant 0 : index
    %get3A_26 = arith.constant 0 : index
    %get3A_27 = vector.load %arg7[%get3A_25, %get3A_26] : memref<256x64xf32, #tpu.memory_space<vmem>>, vector<256x64xf32>
    %dot_general3A_28 = arith.constant dense<0.000000e+00> : vector<256x64xf32>
    %dot_general3A_29 = tpu.matmul %max3A_24, %get3A_27, %dot_general3A_28 {dimension_numbers = #tpu.dot_dimension_numbers<[1], [0], [0], [1], [0, 0, 1, 1], [], []>, transpose_lhs_hint = false} : vector<256x256xf32>, vector<256x64xf32>, vector<256x64xf32> -> vector<256x64xf32>
    %get3A_30 = arith.constant 0 : index
    %get3A_31 = arith.constant 0 : index
    %get3A_32 = vector.load %arg8[%get3A_30, %get3A_31] : memref<1x64xf32, #tpu.memory_space<vmem>>, vector<1x64xf32>
    %add3A_33 = vector.broadcast %get3A_32 : vector<1x64xf32> to vector<256x64xf32>
    %add3A_34 = arith.addf %dot_general3A_29, %add3A_33 : vector<256x64xf32>
    %max3A_35 = arith.constant 0.000000e+00 : f32
    %max3A_36 = vector.broadcast %max3A_35 : f32 to vector<256x64xf32>
    %max3A_37 = arith.maximumf %add3A_34, %max3A_36 : vector<256x64xf32>
    %get3A_38 = arith.constant 0 : index
    %get3A_39 = arith.constant 0 : index
    %get3A_40 = vector.load %arg2[%get3A_38, %get3A_39] : memref<256x1664xf32, #tpu.memory_space<vmem>>, vector<256x1664xf32>
    %concatenate3A = tpu.concatenate %get3A_40, %max3A_37 in 1 : vector<256x1664xf32>, vector<256x64xf32> -> vector<256x1728xf32>
    %get3A_41 = arith.constant 0 : index
    %get3A_42 = arith.constant 0 : index
    %get3A_43 = arith.constant 0 : index
    %get3A_44 = vector.load %arg9[%get3A_41, %get3A_42, %get3A_43] : memref<3x1728x64xf32, #tpu.memory_space<vmem>>, vector<1x1728x64xf32>
    %get3A_45 = vector.shape_cast %get3A_44 : vector<1x1728x64xf32> to vector<1728x64xf32>
    %dot_general3A_46 = arith.constant dense<0.000000e+00> : vector<256x64xf32>
    %dot_general3A_47 = tpu.matmul %concatenate3A, %get3A_45, %dot_general3A_46 {dimension_numbers = #tpu.dot_dimension_numbers<[1], [0], [0], [1], [0, 0, 1, 1], [], []>, transpose_lhs_hint = false} : vector<256x1728xf32>, vector<1728x64xf32>, vector<256x64xf32> -> vector<256x64xf32>
    %get3A_48 = arith.constant 0 : index
    %get3A_49 = arith.constant 0 : index
    %get3A_50 = arith.constant 0 : index
    %get3A_51 = vector.load %arg10[%get3A_48, %get3A_49, %get3A_50] : memref<3x64x1728xf32, #tpu.memory_space<vmem>>, vector<1x64x1728xf32>
    %get3A_52 = vector.shape_cast %get3A_51 : vector<1x64x1728xf32> to vector<64x1728xf32>
    %dot_general3A_53 = arith.constant dense<0.000000e+00> : vector<256x1728xf32>
    %dot_general3A_54 = tpu.matmul %dot_general3A_47, %get3A_52, %dot_general3A_53 {dimension_numbers = #tpu.dot_dimension_numbers<[1], [0], [0], [1], [0, 0, 1, 1], [], []>, transpose_lhs_hint = false} : vector<256x64xf32>, vector<64x1728xf32>, vector<256x1728xf32> -> vector<256x1728xf32>
    %get3A_55 = arith.constant 0 : index
    %get3A_56 = arith.constant 0 : index
    %get3A_57 = arith.constant 0 : index
    %get3A_58 = vector.load %arg11[%get3A_55, %get3A_56, %get3A_57] : memref<3x1x1728xf32, #tpu.memory_space<vmem>>, vector<1x1x1728xf32>
    %get3A_59 = vector.shape_cast %get3A_58 : vector<1x1x1728xf32> to vector<1x1728xf32>
    %add3A_60 = vector.broadcast %get3A_59 : vector<1x1728xf32> to vector<256x1728xf32>
    %add3A_61 = arith.addf %dot_general3A_54, %add3A_60 : vector<256x1728xf32>
    %mul3A = arith.mulf %concatenate3A, %add3A_61 : vector<256x1728xf32>
    %add3A_62 = arith.addf %mul3A, %concatenate3A : vector<256x1728xf32>
    %get3A_63 = arith.constant 1 : index
    %get3A_64 = arith.constant 0 : index
    %get3A_65 = arith.constant 0 : index
    %get3A_66 = vector.load %arg9[%get3A_63, %get3A_64, %get3A_65] : memref<3x1728x64xf32, #tpu.memory_space<vmem>>, vector<1x1728x64xf32>
    %get3A_67 = vector.shape_cast %get3A_66 : vector<1x1728x64xf32> to vector<1728x64xf32>
    %dot_general3A_68 = arith.constant dense<0.000000e+00> : vector<256x64xf32>
    %dot_general3A_69 = tpu.matmul %add3A_62, %get3A_67, %dot_general3A_68 {dimension_numbers = #tpu.dot_dimension_numbers<[1], [0], [0], [1], [0, 0, 1, 1], [], []>, transpose_lhs_hint = false} : vector<256x1728xf32>, vector<1728x64xf32>, vector<256x64xf32> -> vector<256x64xf32>
    %get3A_70 = arith.constant 1 : index
    %get3A_71 = arith.constant 0 : index
    %get3A_72 = arith.constant 0 : index
    %get3A_73 = vector.load %arg10[%get3A_70, %get3A_71, %get3A_72] : memref<3x64x1728xf32, #tpu.memory_space<vmem>>, vector<1x64x1728xf32>
    %get3A_74 = vector.shape_cast %get3A_73 : vector<1x64x1728xf32> to vector<64x1728xf32>
    %dot_general3A_75 = arith.constant dense<0.000000e+00> : vector<256x1728xf32>
    %dot_general3A_76 = tpu.matmul %dot_general3A_69, %get3A_74, %dot_general3A_75 {dimension_numbers = #tpu.dot_dimension_numbers<[1], [0], [0], [1], [0, 0, 1, 1], [], []>, transpose_lhs_hint = false} : vector<256x64xf32>, vector<64x1728xf32>, vector<256x1728xf32> -> vector<256x1728xf32>
    %get3A_77 = arith.constant 1 : index
    %get3A_78 = arith.constant 0 : index
    %get3A_79 = arith.constant 0 : index
    %get3A_80 = vector.load %arg11[%get3A_77, %get3A_78, %get3A_79] : memref<3x1x1728xf32, #tpu.memory_space<vmem>>, vector<1x1x1728xf32>
    %get3A_81 = vector.shape_cast %get3A_80 : vector<1x1x1728xf32> to vector<1x1728xf32>
    %add3A_82 = vector.broadcast %get3A_81 : vector<1x1728xf32> to vector<256x1728xf32>
    %add3A_83 = arith.addf %dot_general3A_76, %add3A_82 : vector<256x1728xf32>
    %mul3A_84 = arith.mulf %concatenate3A, %add3A_83 : vector<256x1728xf32>
    %add3A_85 = arith.addf %mul3A_84, %add3A_62 : vector<256x1728xf32>
    %get3A_86 = arith.constant 2 : index
    %get3A_87 = arith.constant 0 : index
    %get3A_88 = arith.constant 0 : index
    %get3A_89 = vector.load %arg9[%get3A_86, %get3A_87, %get3A_88] : memref<3x1728x64xf32, #tpu.memory_space<vmem>>, vector<1x1728x64xf32>
    %get3A_90 = vector.shape_cast %get3A_89 : vector<1x1728x64xf32> to vector<1728x64xf32>
    %dot_general3A_91 = arith.constant dense<0.000000e+00> : vector<256x64xf32>
    %dot_general3A_92 = tpu.matmul %add3A_85, %get3A_90, %dot_general3A_91 {dimension_numbers = #tpu.dot_dimension_numbers<[1], [0], [0], [1], [0, 0, 1, 1], [], []>, transpose_lhs_hint = false} : vector<256x1728xf32>, vector<1728x64xf32>, vector<256x64xf32> -> vector<256x64xf32>
    %get3A_93 = arith.constant 2 : index
    %get3A_94 = arith.constant 0 : index
    %get3A_95 = arith.constant 0 : index
    %get3A_96 = vector.load %arg10[%get3A_93, %get3A_94, %get3A_95] : memref<3x64x1728xf32, #tpu.memory_space<vmem>>, vector<1x64x1728xf32>
    %get3A_97 = vector.shape_cast %get3A_96 : vector<1x64x1728xf32> to vector<64x1728xf32>
    %dot_general3A_98 = arith.constant dense<0.000000e+00> : vector<256x1728xf32>
    %dot_general3A_99 = tpu.matmul %dot_general3A_92, %get3A_97, %dot_general3A_98 {dimension_numbers = #tpu.dot_dimension_numbers<[1], [0], [0], [1], [0, 0, 1, 1], [], []>, transpose_lhs_hint = false} : vector<256x64xf32>, vector<64x1728xf32>, vector<256x1728xf32> -> vector<256x1728xf32>
    %get3A_100 = arith.constant 2 : index
    %get3A_101 = arith.constant 0 : index
    %get3A_102 = arith.constant 0 : index
    %get3A_103 = vector.load %arg11[%get3A_100, %get3A_101, %get3A_102] : memref<3x1x1728xf32, #tpu.memory_space<vmem>>, vector<1x1x1728xf32>
    %get3A_104 = vector.shape_cast %get3A_103 : vector<1x1x1728xf32> to vector<1x1728xf32>
    %add3A_105 = vector.broadcast %get3A_104 : vector<1x1728xf32> to vector<256x1728xf32>
    %add3A_106 = arith.addf %dot_general3A_99, %add3A_105 : vector<256x1728xf32>
    %mul3A_107 = arith.mulf %concatenate3A, %add3A_106 : vector<256x1728xf32>
    %add3A_108 = arith.addf %mul3A_107, %add3A_85 : vector<256x1728xf32>
    %get3A_109 = arith.constant 0 : index
    %get3A_110 = arith.constant 0 : index
    %get3A_111 = vector.load %arg12[%get3A_109, %get3A_110] : memref<1728x1024xf32, #tpu.memory_space<vmem>>, vector<1728x1024xf32>
    %dot_general3A_112 = arith.constant dense<0.000000e+00> : vector<256x1024xf32>
    %dot_general3A_113 = tpu.matmul %add3A_108, %get3A_111, %dot_general3A_112 {dimension_numbers = #tpu.dot_dimension_numbers<[1], [0], [0], [1], [0, 0, 1, 1], [], []>, transpose_lhs_hint = false} : vector<256x1728xf32>, vector<1728x1024xf32>, vector<256x1024xf32> -> vector<256x1024xf32>
    %get3A_114 = arith.constant 0 : index
    %get3A_115 = arith.constant 0 : index
    %get3A_116 = vector.load %arg13[%get3A_114, %get3A_115] : memref<1x1024xf32, #tpu.memory_space<vmem>>, vector<1x1024xf32>
    %add3A_117 = vector.broadcast %get3A_116 : vector<1x1024xf32> to vector<256x1024xf32>
    %add3A_118 = arith.addf %dot_general3A_113, %add3A_117 : vector<256x1024xf32>
    %max3A_119 = arith.constant 0.000000e+00 : f32
    %max3A_120 = vector.broadcast %max3A_119 : f32 to vector<256x1024xf32>
    %max3A_121 = arith.maximumf %add3A_118, %max3A_120 : vector<256x1024xf32>
    %get3A_122 = arith.constant 0 : index
    %get3A_123 = arith.constant 0 : index
    %get3A_124 = vector.load %arg14[%get3A_122, %get3A_123] : memref<1024x512xf32, #tpu.memory_space<vmem>>, vector<1024x512xf32>
    %dot_general3A_125 = arith.constant dense<0.000000e+00> : vector<256x512xf32>
    %dot_general3A_126 = tpu.matmul %max3A_121, %get3A_124, %dot_general3A_125 {dimension_numbers = #tpu.dot_dimension_numbers<[1], [0], [0], [1], [0, 0, 1, 1], [], []>, transpose_lhs_hint = false} : vector<256x1024xf32>, vector<1024x512xf32>, vector<256x512xf32> -> vector<256x512xf32>
    %get3A_127 = arith.constant 0 : index
    %get3A_128 = arith.constant 0 : index
    %get3A_129 = vector.load %arg15[%get3A_127, %get3A_128] : memref<1x512xf32, #tpu.memory_space<vmem>>, vector<1x512xf32>
    %add3A_130 = vector.broadcast %get3A_129 : vector<1x512xf32> to vector<256x512xf32>
    %add3A_131 = arith.addf %dot_general3A_126, %add3A_130 : vector<256x512xf32>
    %max3A_132 = arith.constant 0.000000e+00 : f32
    %max3A_133 = vector.broadcast %max3A_132 : f32 to vector<256x512xf32>
    %max3A_134 = arith.maximumf %add3A_131, %max3A_133 : vector<256x512xf32>
    %get3A_135 = arith.constant 0 : index
    %get3A_136 = arith.constant 0 : index
    %get3A_137 = vector.load %arg16[%get3A_135, %get3A_136] : memref<1x512xf32, #tpu.memory_space<vmem>>, vector<1x512xf32>
    %mul3A_138 = vector.broadcast %get3A_137 : vector<1x512xf32> to vector<256x512xf32>
    %mul3A_139 = arith.mulf %max3A_134, %mul3A_138 : vector<256x512xf32>
    %reduce_sum3A = arith.constant dense<0.000000e+00> : vector<256xf32>
    %reduce_sum3A_140 = vector.multi_reduction <add>, %mul3A_139, %reduce_sum3A [1] : vector<256x512xf32> to vector<256xf32>
    %broadcast_in_dim3A = vector.shape_cast %reduce_sum3A_140 : vector<256xf32> to vector<256x1xf32>
    %get3A_141 = arith.constant 0 : index
    %get3A_142 = arith.constant 0 : index
    %get3A_143 = vector.load %arg17[%get3A_141, %get3A_142] : memref<1x1xf32, #tpu.memory_space<vmem>>, vector<1x1xf32>
    %add3A_144 = vector.broadcast %get3A_143 : vector<1x1xf32> to vector<256x1xf32>
    %add3A_145 = arith.addf %broadcast_in_dim3A, %add3A_144 : vector<256x1xf32>
    %swap3A = arith.constant 0 : index
    %swap3A_146 = arith.constant 0 : index
    %swap3A_147 = vector.load %arg18[%swap3A, %swap3A_146] : memref<256x1xf32, #tpu.memory_space<vmem>>, vector<256x1xf32>
    tpu.vector_store %arg18[%swap3A, %swap3A_146], %add3A_145 {strides = array<i32>} : memref<256x1xf32, #tpu.memory_space<vmem>>, vector<256x1xf32>,
    return
  }
  func.func @transform_0(%arg0: i32) -> (i32, i32) {
    %c0_i32 = arith.constant 0 : i32
    %c0_i32_0 = arith.constant 0 : i32
    return %arg0, %c0_i32 : i32, i32
  }
  func.func @transform_1(%arg0: i32) -> (i32, i32) {
    %c0_i32 = arith.constant 0 : i32
    %c0_i32_0 = arith.constant 0 : i32
    return %arg0, %c0_i32 : i32, i32
  }
  func.func @transform_2(%arg0: i32) -> (i32, i32) {
    %c0_i32 = arith.constant 0 : i32
    %c0_i32_0 = arith.constant 0 : i32
    %c0_i32_1 = arith.constant 0 : i32
    return %c0_i32, %c0_i32_0 : i32, i32
  }
  func.func @transform_3(%arg0: i32) -> (i32, i32) {
    %c0_i32 = arith.constant 0 : i32
    %c0_i32_0 = arith.constant 0 : i32
    %c0_i32_1 = arith.constant 0 : i32
    return %c0_i32, %c0_i32_0 : i32, i32
  }
  func.func @transform_4(%arg0: i32) -> (i32, i32) {
    %c0_i32 = arith.constant 0 : i32
    %c0_i32_0 = arith.constant 0 : i32
    %c0_i32_1 = arith.constant 0 : i32
    return %c0_i32, %c0_i32_0 : i32, i32
  }
  func.func @transform_5(%arg0: i32) -> (i32, i32) {
    %c0_i32 = arith.constant 0 : i32
    %c0_i32_0 = arith.constant 0 : i32
    %c0_i32_1 = arith.constant 0 : i32
    return %c0_i32, %c0_i32_0 : i32, i32
  }
  func.func @transform_6(%arg0: i32) -> (i32, i32) {
    %c0_i32 = arith.constant 0 : i32
    %c0_i32_0 = arith.constant 0 : i32
    %c0_i32_1 = arith.constant 0 : i32
    return %c0_i32, %c0_i32_0 : i32, i32
  }
  func.func @transform_7(%arg0: i32) -> (i32, i32) {
    %c0_i32 = arith.constant 0 : i32
    %c0_i32_0 = arith.constant 0 : i32
    %c0_i32_1 = arith.constant 0 : i32
    return %c0_i32, %c0_i32_0 : i32, i32
  }
  func.func @transform_8(%arg0: i32) -> (i32, i32, i32) {
    %c0_i32 = arith.constant 0 : i32
    %c0_i32_0 = arith.constant 0 : i32
    %c0_i32_1 = arith.constant 0 : i32
    %c0_i32_2 = arith.constant 0 : i32
    return %c0_i32, %c0_i32_0, %c0_i32_1 : i32, i32, i32
  }
  func.func @transform_9(%arg0: i32) -> (i32, i32, i32) {
    %c0_i32 = arith.constant 0 : i32
    %c0_i32_0 = arith.constant 0 : i32
    %c0_i32_1 = arith.constant 0 : i32
    %c0_i32_2 = arith.constant 0 : i32
    return %c0_i32, %c0_i32_0, %c0_i32_1 : i32, i32, i32
  }
  func.func @transform_10(%arg0: i32) -> (i32, i32, i32) {
    %c0_i32 = arith.constant 0 : i32
    %c0_i32_0 = arith.constant 0 : i32
    %c0_i32_1 = arith.constant 0 : i32
    %c0_i32_2 = arith.constant 0 : i32
    return %c0_i32, %c0_i32_0, %c0_i32_1 : i32, i32, i32
  }
  func.func @transform_11(%arg0: i32) -> (i32, i32) {
    %c0_i32 = arith.constant 0 : i32
    %c0_i32_0 = arith.constant 0 : i32
    %c0_i32_1 = arith.constant 0 : i32
    return %c0_i32, %c0_i32_0 : i32, i32
  }
  func.func @transform_12(%arg0: i32) -> (i32, i32) {
    %c0_i32 = arith.constant 0 : i32
    %c0_i32_0 = arith.constant 0 : i32
    %c0_i32_1 = arith.constant 0 : i32
    return %c0_i32, %c0_i32_0 : i32, i32
  }
  func.func @transform_13(%arg0: i32) -> (i32, i32) {
    %c0_i32 = arith.constant 0 : i32
    %c0_i32_0 = arith.constant 0 : i32
    %c0_i32_1 = arith.constant 0 : i32
    return %c0_i32, %c0_i32_0 : i32, i32
  }
  func.func @transform_14(%arg0: i32) -> (i32, i32) {
    %c0_i32 = arith.constant 0 : i32
    %c0_i32_0 = arith.constant 0 : i32
    %c0_i32_1 = arith.constant 0 : i32
    return %c0_i32, %c0_i32_0 : i32, i32
  }
  func.func @transform_15(%arg0: i32) -> (i32, i32) {
    %c0_i32 = arith.constant 0 : i32
    %c0_i32_0 = arith.constant 0 : i32
    %c0_i32_1 = arith.constant 0 : i32
    return %c0_i32, %c0_i32_0 : i32, i32
  }
  func.func @transform_16(%arg0: i32) -> (i32, i32) {
    %c0_i32 = arith.constant 0 : i32
    %c0_i32_0 = arith.constant 0 : i32
    %c0_i32_1 = arith.constant 0 : i32
    return %c0_i32, %c0_i32_0 : i32, i32
  }
  func.func @transform_17(%arg0: i32) -> (i32, i32) {
    %c0_i32 = arith.constant 0 : i32
    %c0_i32_0 = arith.constant 0 : i32
    return %arg0, %c0_i32 : i32, i32
  }
}

</mosaic_0001>

<sc_bundles>
// kernel: sc_embed_bag.3.cloned.1.call-start
scs
__scs_entry_jumppad:
0x0: {  	(pc) =	sbr.rel $0x88, $3  }
0x1: {  	(tag) =	ssettag $0x0;
	lr =	simm.s32 $0x1  }
0x2: {  	[smem:$0x3F8F] =	sst lr;
	_ =	strace $0xD0000000  }
0x3: {  	_ = 	snop  }
0x4: {  	_ = 	snop  }
0x5: {  	_ = 	snop  }
0x6: {  	_ = 	snop  }
0x7: {  	_ = 	snop  }
__scs_overlays_trampoline_lowered:
0x8: {  	[smem:$0x3F9E] =	sst s0  }
0x9: {  	[smem:$0x3F9F] =	sst s1  }
0xa: {  	[smem:$0x3FA0] =	sst s2  }
0xb: {  	[smem:$0x3FA1] =	sst s3  }
0xc: {  	[smem:$0x3FA2] =	sst s4  }
0xd: {  	[smem:$0x3FA3] =	sst s5  }
0xe: {  	[smem:$0x3FA4] =	sst s6  }
0xf: {  	[smem:$0x3FA5] =	sst s7  }
0x10: {  	[smem:$0x3FA6] =	sst s8  }
0x11: {  	[smem:$0x3FA7] =	sst s9;
	s0 =	simm.s32 @!p0 $0x0  }
0x12: {  	s1 =	sld [smem:$0x3F8D];
	s0 =	simm.s32 @p0 $0x1  }
0x13: {  	[smem:$0x3FA8] =	sst s0;
	s0 =	simm.s32 @!p1 $0x0  }
0x14: {  	s2 =	sld [smem:$0x3F8C];
	s0 =	simm.s32 @p1 $0x1  }
0x15: {  	[smem:$0x3FA9] =	sst s0;
	s0 =	simm.s32 @!p2 $0x0  }
0x16: {  	s3 =	sld [smem:$0x3FDB];
	s0 =	simm.s32 @p2 $0x1  }
0x17: {  	s4 =	simm.s32 $0x1BF5;
	[smem:$0x3FAB] =	sst s0  }
0x18: {  	s0 =	sld [smem:$0x3F8E];
	_ =	swait.ge [sflag:s4], $0x0  }
0x19: {  	s7 =	sld [smem:$0x3F8F]  }
0x1a: {  	s8 =	sadd.s32 $0xFFFFE003, lr  }
0x1b: {  	s9 =	sadd.s32 $0xFFFFFEF7, lr;
	s5 =	simm.s32 $0xFFFFFFFF;
	p2 =	slt.u32 s8, $0xFFFFF086  }
0x1c: {  	p1 =	slt.u32 s9, $0xF7A;
	s5 =	simm.s32 @!p2 $0x0  }
0x1d: {  	s5 =	simm.s32 @p1 $0x1;
	p0 =	seq.s32 s7, s2  }
0x1e: {  	s7 =	smul.u32 @!p0 $0xF7A, s2;
	p2 =	seq.s32 @!p0 s5, $0x0  }
0x1f: {  	s9 =	smul.u32 $0xF7A, s1;
	s8 =	simm.s32 @!p0 $0x1BF5;
	p2 =	por !p2, p0  }
0x20: {  	[sflag:s8] =	ssyncset.s32 @!p0 $0xFFFFF086;
	s6 =	sadd.s32 @!p0 s3, s7;
	s7 =	simm.s32 @!p0 $0x108  }
0x21: {  	s3 =	sadd.s32 s3, s9;
	s6 =	sadd.s32 @!p0 $0x88, s6;
	s7 =	simm.s32 @p2 $0x1082  }
0x22: {  	[simem:s7], [sflag:s8] =	dma.local @!p0 [hbm:s6], $0xF7A  }
0x23: {  	s9 =	sor.u32 $0xD0000000, s2;
	s6 =	simm.s32 $0x108;
	_ =	swait.ge @!p0 [sflag:s8], $0x0  }
0x24: {  	s3 =	sadd.s32 $0x88, s3;
	s6 =	simm.s32 @!p1 $0x1082;
	[sflag:s4] =	ssyncset.s32 $0xFFFFF086  }
0x25: {  	[simem:s6], [sflag:s4] =	dma.local [hbm:s3], $0xF7A  }
0x26: {  	[smem:$0x3F8F] =	sst s1;
	(tag) =	ssettag s2;
	_ =	strace s9  }
0x27: {  	s1 =	sld [smem:$0x3F9F]  }
0x28: {  	s2 =	sld [smem:$0x3FA0]  }
0x29: {  	s4 =	sld [smem:$0x3FA2]  }
0x2a: {  	p0 =	seq.s32 s5, $0x0;
	s5 =	sld [smem:$0x3FA3]  }
0x2b: {  	s6 =	sld [smem:$0x3FA4]  }
0x2c: {  	s7 =	sld [smem:$0x3FA5]  }
0x2d: {  	s3 =	simm.s32 $0x108;
	s8 =	sld [smem:$0x3FA6]  }
0x2e: {  	s3 =	simm.s32 @!p0 $0x1082;
	s9 =	sld [smem:$0x3FA7]  }
0x2f: {  	lr =	sadd.s32 s0, s3;
	s0 =	sld [smem:$0x3F9E]  }
0x30: {  	s3 =	sld [smem:$0x3FA1]  }
0x31: {  	[smem:$0x3FAA] =	sst s10  }
0x32: {  	s10 =	sld [smem:$0x3FA8];
	_ =	sdelay $0x3  }
0x33: {  	p0 =	seq.s32 s10, $0x1;
	s10 =	sld [smem:$0x3FAA];
	_ =	sdelay $0x3  }
0x34: {  	[smem:$0x3FAA] =	sst s10  }
0x35: {  	s10 =	sld [smem:$0x3FA9];
	_ =	sdelay $0x3  }
0x36: {  	p1 =	seq.s32 s10, $0x1;
	s10 =	sld [smem:$0x3FAA];
	_ =	sdelay $0x3  }
0x37: {  	[smem:$0x3FAA] =	sst s10  }
0x38: {  	s10 =	sld [smem:$0x3FAB]  }
0x39: {  	_ = 	snop;
	(pc) =	sbr.ind lr, $3  }
0x3a: {  	_ = 	snop  }
0x3b: {  	_ = 	snop  }
0x3c: {  	p2 =	seq.s32 s10, $0x1;
	s10 =	sld [smem:$0x3FAA]  }
0x3d: {  	_ =	shalt  }
0x3e: {  	_ =	shalt  }
0x3f: {  	_ =	shalt  }
0x40: {  	_ =	shalt  }
0x41: {  	_ =	shalt  }
0x42: {  	_ =	shalt  }
0x43: {  	_ =	shalt  }
0x44: {  	_ =	shalt  }
0x45: {  	_ =	shalt  }
0x46: {  	_ =	shalt  }
0x47: {  	_ =	shalt  }
0x48: {  	_ =	shalt  }
0x49: {  	_ =	shalt  }
0x4a: {  	_ =	shalt  }
0x4b: {  	_ =	shalt  }
0x4c: {  	_ =	shalt  }
0x4d: {  	_ =	shalt  }
0x4e: {  	_ =	shalt  }
0x4f: {  	_ =	shalt  }
0x50: {  	_ =	shalt  }
0x51: {  	_ =	shalt  }
0x52: {  	_ =	shalt  }
0x53: {  	_ =	shalt  }
0x54: {  	_ =	shalt  }
0x55: {  	_ =	shalt  }
0x56: {  	_ =	shalt  }
0x57: {  	_ =	shalt  }
0x58: {  	_ =	shalt  }
0x59: {  	_ =	shalt  }
0x5a: {  	_ =	shalt  }
0x5b: {  	_ =	shalt  }
0x5c: {  	_ =	shalt  }
0x5d: {  	_ =	shalt  }
0x5e: {  	_ =	shalt  }
0x5f: {  	_ =	shalt  }
0x60: {  	_ =	shalt  }
0x61: {  	_ =	shalt  }
0x62: {  	_ =	shalt  }
0x63: {  	_ =	shalt  }
0x64: {  	_ =	shalt  }
0x65: {  	_ =	shalt  }
0x66: {  	_ =	shalt  }
0x67: {  	_ =	shalt  }
0x68: {  	_ =	shalt  }
0x69: {  	_ =	shalt  }
0x6a: {  	_ =	shalt  }
0x6b: {  	_ =	shalt  }
0x6c: {  	_ =	shalt  }
0x6d: {  	_ =	shalt  }
0x6e: {  	_ =	shalt  }
0x6f: {  	_ =	shalt  }
0x70: {  	_ =	shalt  }
0x71: {  	_ =	shalt  }
0x72: {  	_ =	shalt  }
0x73: {  	_ =	shalt  }
0x74: {  	_ =	shalt  }
0x75: {  	_ =	shalt  }
0x76: {  	_ =	shalt  }
0x77: {  	_ =	shalt  }
0x78: {  	_ =	shalt  }
0x79: {  	_ =	shalt  }
0x7a: {  	_ =	shalt  }
0x7b: {  	_ =	shalt  }
0x7c: {  	_ =	shalt  }
0x7d: {  	_ =	shalt  }
0x7e: {  	_ =	shalt  }
0x7f: {  	_ =	shalt  }
0x80: {  	_ =	shalt  }
0x81: {  	_ =	shalt  }
0x82: {  	_ =	shalt  }
0x83: {  	_ =	shalt  }
0x84: {  	_ =	shalt  }
0x85: {  	_ =	shalt  }
0x86: {  	_ =	shalt  }
0x87: {  	_ =	shalt  }
.Lfunc_end0:
.L_simem_size_0:
called_computation_lowered:
.L_overlay_start_0:
0x88: {  	s2 =	sld [smem:$0x3FD9]  }
0x89: {  	s3 =	sld [smem:$0x3FFE];
	_ =	sdelay $0x1  }
0x8a: {  	s1 =	srdreg.scid  }
0x8b: {  	s0 =	sand.u32 $0x1, s1  }
0x8c: {  	s16 =	sshll.u32 s0, $0xA;
	s2 =	sadd.s32 s3, s2  }
0x8d: {  	s2 =	sadd.s32 s2, s16  }
0x8e: {  	[smem:$0x3FB6] =	sst s2  }
0x8f: {  	_ = 	snop  }
0x90: {  	(tm) =	ssettm $0x1  }
0x91: {  	s17 =	sld [smem:$0x3FFB];
	_ =	sdelay $0x3  }
0x92: {  	_ =	strace s17  }
0x93: {  	s2 =	sld [smem:$0x3FFC];
	_ =	sdelay $0x3  }
0x94: {  	_ =	strace s2  }
0x95: {  	s2 =	sld [smem:$0x3FFD];
	_ =	sdelay $0x3  }
0x96: {  	_ =	strace s2  }
0x97: {  	_ =	strace $0x8FFFFFFF  }
0x98: {  	s18 =	sld [smem:$0x3FDB];
	_ =	sdelay $0x1  }
0x99: {  	s19 =	simm.s32 $_scs_section_size  }
0x9a: {  	s4 =	simm.s32 $_size__tile_overlayer_lowered;
	s5 =	simm.s32 $_tile_overlayer_lowered  }
0x9b: {  	s22 =	simm.s32 $0x1BFF;
	s21 =	sshll.u32 s5, $0x1;
	s2 =	sadd.s32 s19, s18  }
0x9c: {  	s6 =	simm.s32 $0x0;
	s20 =	sshll.u32 s4, $0x1;
	s4 =	sadd.s32 s21, s2  }
0x9d: {  	[timem:s6], [sflag:s22] =	dma.local [hbm:s4], s20  }
0x9e: {  	_ =	swait.ge [sflag:s22], s20  }
0x9f: {  	s3 =	ssub.s32 $0x0, s20;
	[sflag:s22] =	ssyncset.done $0x0  }
0xa0: {  	[sflag:s22] =	ssyncadd.s32 s3;
	_ =	sdelay $0x1  }
0xa1: {  	s23 =	simm.s32 $0x1B8B  }
0xa2: {  	_ =	swait.ge [sflag:s23], $0x1  }
0xa3: {  	[sflag:s23] =	ssyncset.done $0x0  }
0xa4: {  	s25 =	simm.s32 $0x1B8E;
	s24 =	sld [smem:$0x3FFE];
	[sflag:s23] =	ssyncadd.s32 $0xFFFFFFFF  }
0xa5: {  	s26 =	simm.s32 $execute0_lowered;
	[smem:$0x3FD2] =	sst s25  }
0xa6: {  	s4 =	sshll.u32 s26, $0x1;
	_ =	strace $0x80000046;
	[dreg:$0x1] =	wrdreg $0xFFFFFFFF  }
0xa7: {  	s28 =	simm.s32 $_size_execute0_lowered;
	s2 =	sadd.s32 s2, s4;
	[dreg:$0x0] =	wrdreg $0x0  }
0xa8: {  	s4 =	sshll.u32 s28, $0x1;
	[dreg:$0x2] =	wrdreg s2  }
0xa9: {  	[dreg:$0x3] =	wrdreg s4  }
0xaa: {  	[dreg:$0x4] =	wrdreg $0xC0  }
0xab: {  	_ =	task [dreg:s6], $0x5FFFF  }
0xac: {  	[dreg:$0x1] =	wrdreg $0xFFFFFFFF  }
0xad: {  	[dreg:$0x0] =	wrdreg $0x60  }
0xae: {  	[dreg:$0x2] =	wrdreg s24  }
0xaf: {  	[dreg:$0x3] =	wrdreg $0x9  }
0xb0: {  	_ =	task.clear_ibuf [dreg:s6], $0x4FFFF;
	_ =	strace $0x90000046  }
0xb1: {  	s29 =	simm.s32 $0x9;
	_ =	strace $0x80000048  }
0xb2: {  	_ =	swait.ge [sflag:s29], $0x1  }
0xb3: {  	[sflag:s29] =	ssyncadd.s32 $0xFFFFFFFF  }
0xb4: {  	_ =	strace $0x90000048  }
0xb5: {  	_ =	sfence  }
0xb6: {  	s30 =	sld [smem:$0x0];
	_ =	sdelay $0x2  }
0xb7: {  	s31 =	sshll.u32 s1, $0xD;
	s1 =	sshrl.u32 s1, $0x2  }
0xb8: {  	s3 =	sand.u32 $0x4000, s31;
	s1 =	sadd.s32 s1, s30  }
0xb9: {  	s0 =	sor.u32 s3, s0;
	s1 =	sshll.u32 s1, $0x11  }
0xba: {  	s0 =	sor.u32 s1, s0  }
0xbb: {  	s0 =	sadd.s32 $0x8F2B, s0  }
0xbc: {  	[sflag:s0] =	ssyncadd.remote.s32 $0x1  }
0xbd: {  	_ =	sfence.sel $0xFFFF  }
0xbe: {  	[dreg:$0x0] =	wrdreg $0xFFFFFFFF;
	(pc) =	sbr.abs _section_cstart, $3  }
0xbf: {  	[dreg:$0x1] =	wrdreg $0xFFFFFFFF  }
0xc0: {  	_ =	task.clear_ibuf [dreg:s6], $0x2FFFF;
	_ =	strace $0x9FFFFFFF  }
0xc1: {  	(tm) =	ssettm $0x7FFFFFFF  }
tec
execute0_lowered:
.L_overlay_start_1:
0x0: {  	(tag) =	ssettag $0x1  }
0x1: {  	s0 =	rddreg [dreg:$0x0];
	s2 =	simm.s32 $0x0;
	s1 =	srdreg.scid  }
0x2: {  	s3 =	stileid.u32;
	s10 =	simm.s32 $0x4;
	s11 =	simm.s32 $0x80  }
0x3: {  	s20 =	simm.s32 $0x1;
	s21 =	simm.s32 $0x280;
	s22 =	simm.s32 $0xA500  }
0x4: {  	s23 =	simm.s32 $0x300;
	s24 =	simm.s32 $0xC500;
	s28 =	simm.s32 $0x400  }
0x5: {  	s29 =	simm.s32 $0x10500;
	s30 =	simm.s32 $0x480;
	s31 =	simm.s32 $0x12500  }
0x6: {  	s12 =	simm.s32 $0x3;
	s13 =	simm.s32 $0x0;
	[smem:$0x7FF] =	sst s2  }
0x7: {  	s1 =	sand.u32 $0x1, s1;
	s3 =	sshll.u32 s3, $0x1;
	s5 =	sadd.s32 $0x27EF600, s0  }
0x8: {  	s6 =	sadd.s32 $0x43200, s0;
	s7 =	sor.u32 s1, s3;
	s1 =	ssub.s32 $0x2, s1  }
0x9: {  	_ =	strace $0x80000047;
	s4 =	smul.u32 $0xA00, s7;
	s25 =	sshrl.u32 s1, $0x1  }
0xa: {  	s3 =	sadd.s32 $0x2200, s0;
	s7 =	sshll.u32 s7, $0x7;
	s0 =	ssub.s32 s1, s25  }
0xb: {  	s25 =	simm.s32 $0x380;
	s26 =	sshrl.u32 s4, $0x3;
	s0 =	smax.u32 s0, $0x1  }
0xc: {  	s1 =	sadd.s32 s3, s26;
	[dreg:$0x3] =	wrdreg s0;
	s26 =	simm.s32 $0xE500  }
0xd: {  	s0 =	simm.s32 $0x2;
	[dreg:$0x2] =	wrdreg s1;
	s1 =	simm.s32 $0x680  }
.LBB2_1:
0xe: {  	s8 =	rddreg [dreg:$0x2]  }
0xf: {  	[tilespmem:s2], [sflag:$0x4] =	stream.linear.gather [hbm4b:s8+s2], $0x280, $0x38;
	[tilespmem:$0x16500] =	vst v63  }
0x10: {  	_ =	swait.ge [sflag:s10], $0x280  }
0x11: {  	[sflag:s10] =	ssyncset.done $0x0  }
0x12: {  	s9 =	simm.s32 $0x500;
	[sflag:s10] =	ssyncadd.s32 $0xFFFFFD80  }
0x13: {  	[tilespmem:s9], [sflag:$0x1] =	stream.indirect.gather [hbm4b:s5+s11], $0x40, s2, s11, $0xb8;
	[tilespmem:$0x16500] =	vst v63  }
0x14: {  	s14 =	simm.s32 $0x2500  }
0x15: {  	[tilespmem:s14], [sflag:$0x1] =	stream.indirect.gather [hbm4b:s5+s11], $0x40, s11, s11, $0xb8;
	[tilespmem:$0x16500] =	vst v63  }
0x16: {  	s15 =	simm.s32 $0x100;
	s9 =	simm.s32 $0x4500  }
0x17: {  	[tilespmem:s9], [sflag:$0x1] =	stream.indirect.gather [hbm4b:s5+s11], $0x40, s15, s11, $0xb8;
	[tilespmem:$0x16500] =	vst v63  }
0x18: {  	s16 =	simm.s32 $0x180;
	s17 =	simm.s32 $0x6500;
	s18 =	simm.s32 $0x200  }
0x19: {  	[tilespmem:s17], [sflag:$0x1] =	stream.indirect.gather [hbm4b:s5+s11], $0x40, s16, s11, $0xb8;
	[tilespmem:$0x16500] =	vst v63  }
0x1a: {  	s19 =	simm.s32 $0x8500;
	p0 =	por $0x0, $0x0;
	s14 =	simm.s32 $0x0  }
0x1b: {  	[tilespmem:s19], [sflag:$0x1] =	stream.indirect.gather [hbm4b:s5+s11], $0x40, s18, s11, $0xb8;
	[tilespmem:$0x16500] =	vst v63  }
.LBB2_2:
0x1c: {  	s8 =	sshrl.u32 s14, $0x1;
	s9 =	sand.u32 $0x3, s14  }
0x1d: {  	s8 =	sor.u32 $0x1, s8;
	s9 =	smul.u32 $0x280, s9  }
0x1e: {  	s15 =	smul.u32 $0x14000, s8  }
0x1f: {  	s9 =	sadd.s32 s4, s9  }
0x20: {  	s9 =	sadd.s32 s15, s9  }
0x21: {  	s9 =	sshrl.u32 s9, $0x3  }
0x22: {  	s9 =	sadd.s32 s3, s9  }
0x23: {  	[tilespmem:s21], [sflag:$0x4] =	stream.linear.gather [hbm4b:s9+s2], $0x280, $0x38;
	[tilespmem:$0x16500] =	vst v63  }
0x24: {  	s8 =	smul.u32 $0xC3500, s8;
	_ =	swait.ge [sflag:s10], $0x280  }
0x25: {  	[sflag:s10] =	ssyncset.done $0x0  }
0x26: {  	s8 =	sadd.s32 s5, s8;
	[sflag:s10] =	ssyncadd.s32 $0xFFFFFD80  }
0x27: {  	[tilespmem:s22], [sflag:$0x2] =	stream.indirect.gather [hbm4b:s8+s11], $0x40, s21, s11, $0xb8;
	[tilespmem:$0x16500] =	vst v63  }
0x28: {  	_ = 	snop  }
0x29: {  	[tilespmem:s24], [sflag:$0x2] =	stream.indirect.gather [hbm4b:s8+s11], $0x40, s23, s11, $0xb8;
	[tilespmem:$0x16500] =	vst v63  }
0x2a: {  	_ = 	snop  }
0x2b: {  	[tilespmem:s26], [sflag:$0x2] =	stream.indirect.gather [hbm4b:s8+s11], $0x40, s25, s11, $0xb8;
	[tilespmem:$0x16500] =	vst v63  }
0x2c: {  	_ = 	snop  }
0x2d: {  	[tilespmem:s29], [sflag:$0x2] =	stream.indirect.gather [hbm4b:s8+s11], $0x40, s28, s11, $0xb8;
	[tilespmem:$0x16500] =	vst v63  }
0x2e: {  	_ = 	snop  }
0x2f: {  	[tilespmem:s31], [sflag:$0x2] =	stream.indirect.gather [hbm4b:s8+s11], $0x40, s30, s11, $0xb8;
	[tilespmem:$0x16500] =	vst v63  }
0x30: {  	_ =	swait.ge [sflag:s20], $0xA000  }
0x31: {  	p1 =	slt.u32 s14, $0x2;
	[sflag:s20] =	ssyncset.done $0x0  }
0x32: {  	s8 =	simm.s32 @!p1 $0x3;
	[sflag:s20] =	ssyncadd.s32 $0xFFFF6000  }
0x33: {  	_ =	swait.ge @!p1 [sflag:s8], $0x1000  }
0x34: {  	[sflag:s8] =	ssyncset.done @!p1 $0x0  }
0x35: {  	s17 =	simm.s32 $0xA00;
	[sflag:s8] =	ssyncadd.s32 @!p1 $0xFFFFF000  }
0x36: {  	v0 =	vld [tilespmem:s17+$0xFFFFFB40]  }
0x37: {  	v1 =	vld [tilespmem:s17+$0xFFFFFB00];
	_ =	sdelay $0x1  }
0x38: {  	v2 =	vld [tilespmem:s17+$0xFFFFFB80];
	_ =	sdelay $0x1  }
0x39: {  	v3 =	vld [tilespmem:s17+$0xFFFFFBC0]  }
0x3a: {  	v0 =	vadd.f32 v0, v1  }
0x3b: {  	v1 =	vld [tilespmem:s17+$0xFFFFFC00]  }
0x3c: {  	v0 =	vadd.f32 v2, v0  }
0x3d: {  	v2 =	vld [tilespmem:s17+$0xFFFFFC40]  }
0x3e: {  	v0 =	vadd.f32 v3, v0  }
0x3f: {  	v3 =	vld [tilespmem:s17+$0xFFFFFC80]  }
0x40: {  	v0 =	vadd.f32 v1, v0  }
0x41: {  	v1 =	vld [tilespmem:s17+$0xFFFFFCC0]  }
0x42: {  	v0 =	vadd.f32 v2, v0  }
0x43: {  	v2 =	vld [tilespmem:s17+$0xFFFFFD00]  }
0x44: {  	v0 =	vadd.f32 v3, v0  }
0x45: {  	v3 =	vld [tilespmem:s17+$0xFFFFFD40]  }
0x46: {  	v0 =	vadd.f32 v1, v0  }
0x47: {  	v1 =	vld [tilespmem:s17+$0xFFFFFD80]  }
0x48: {  	v0 =	vadd.f32 v2, v0  }
0x49: {  	v2 =	vld [tilespmem:s17+$0xFFFFFDC0]  }
0x4a: {  	v0 =	vadd.f32 v3, v0  }
0x4b: {  	v3 =	vld [tilespmem:s17+$0xFFFFFE00]  }
0x4c: {  	v0 =	vadd.f32 v1, v0  }
0x4d: {  	v1 =	vld [tilespmem:s17+$0xFFFFFE40]  }
0x4e: {  	v0 =	vadd.f32 v2, v0  }
0x4f: {  	v2 =	vld [tilespmem:s17+$0xFFFFFE80]  }
0x50: {  	v0 =	vadd.f32 v3, v0  }
0x51: {  	v3 =	vld [tilespmem:s17+$0xFFFFFEC0]  }
0x52: {  	v0 =	vadd.f32 v1, v0  }
0x53: {  	v1 =	vld [tilespmem:s17+$0xFFFFFF00]  }
0x54: {  	v0 =	vadd.f32 v2, v0  }
0x55: {  	v2 =	vld [tilespmem:s17+$0xFFFFFF40]  }
0x56: {  	v0 =	vadd.f32 v3, v0  }
0x57: {  	s8 =	simm.s32 $0x1;
	v3 =	vld [tilespmem:s17+$0xFFFFFF80]  }
0x58: {  	s8 =	simm.s32 @!p0 $0x0;
	v0 =	vadd.f32 v1, v0  }
0x59: {  	s8 =	sshll.u32 s8, $0xC;
	v1 =	vld [tilespmem:s17+$0xFFFFFFC0]  }
0x5a: {  	s18 =	sor.u32 $0x14580, s8;
	v2 =	vadd.f32 v2, v0  }
0x5b: {  	v0 =	vmov s18  }
0x5c: {  	v2 =	vadd.f32 v3, v2;
	_ =	sdelay $0x1  }
0x5d: {  	v1 =	vadd.f32 v1, v2  }
0x5e: {  	s18 =	simm.s32 $0x0  }
0x5f: {  	[tilespmem:v0+s18+$0xFFFFFF80 ss:$0x1] =	vst.idx.msk $0xffff, v1  }
0x60: {  	v1 =	vld [tilespmem:s17+$0xFFFFFB10]  }
0x61: {  	v2 =	vld [tilespmem:s17+$0xFFFFFB50];
	_ =	sdelay $0x1  }
0x62: {  	v3 =	vld [tilespmem:s17+$0xFFFFFB90];
	_ =	sdelay $0x1  }
0x63: {  	v4 =	vld [tilespmem:s17+$0xFFFFFBD0]  }
0x64: {  	v1 =	vadd.f32 v2, v1  }
0x65: {  	v2 =	vld [tilespmem:s17+$0xFFFFFC10]  }
0x66: {  	v1 =	vadd.f32 v3, v1  }
0x67: {  	v3 =	vld [tilespmem:s17+$0xFFFFFC50]  }
0x68: {  	v1 =	vadd.f32 v4, v1  }
0x69: {  	v4 =	vld [tilespmem:s17+$0xFFFFFC90]  }
0x6a: {  	v1 =	vadd.f32 v2, v1  }
0x6b: {  	v2 =	vld [tilespmem:s17+$0xFFFFFCD0]  }
0x6c: {  	v1 =	vadd.f32 v3, v1  }
0x6d: {  	v3 =	vld [tilespmem:s17+$0xFFFFFD10]  }
0x6e: {  	v1 =	vadd.f32 v4, v1  }
0x6f: {  	v4 =	vld [tilespmem:s17+$0xFFFFFD50]  }
0x70: {  	v1 =	vadd.f32 v2, v1  }
0x71: {  	v2 =	vld [tilespmem:s17+$0xFFFFFD90]  }
0x72: {  	v1 =	vadd.f32 v3, v1  }
0x73: {  	v3 =	vld [tilespmem:s17+$0xFFFFFDD0]  }
0x74: {  	v1 =	vadd.f32 v4, v1  }
0x75: {  	v4 =	vld [tilespmem:s17+$0xFFFFFE10]  }
0x76: {  	v1 =	vadd.f32 v2, v1  }
0x77: {  	v2 =	vld [tilespmem:s17+$0xFFFFFE50]  }
0x78: {  	v1 =	vadd.f32 v3, v1  }
0x79: {  	v3 =	vld [tilespmem:s17+$0xFFFFFE90]  }
0x7a: {  	v1 =	vadd.f32 v4, v1  }
0x7b: {  	v4 =	vld [tilespmem:s17+$0xFFFFFED0]  }
0x7c: {  	v1 =	vadd.f32 v2, v1  }
0x7d: {  	v2 =	vld [tilespmem:s17+$0xFFFFFF10]  }
0x7e: {  	v1 =	vadd.f32 v3, v1  }
0x7f: {  	v3 =	vld [tilespmem:s17+$0xFFFFFF50]  }
0x80: {  	v1 =	vadd.f32 v4, v1  }
0x81: {  	v4 =	vld [tilespmem:s17+$0xFFFFFF90]  }
0x82: {  	v1 =	vadd.f32 v2, v1  }
0x83: {  	v2 =	vld [tilespmem:s17+$0xFFFFFFD0]  }
0x84: {  	v1 =	vadd.f32 v3, v1;
	_ =	sdelay $0x1  }
0x85: {  	v1 =	vadd.f32 v4, v1;
	_ =	sdelay $0x1  }
0x86: {  	v1 =	vadd.f32 v2, v1;
	_ =	sdelay $0x1  }
0x87: {  	[tilespmem:v0+s18+$0xFFFFFF90 ss:$0x1] =	vst.idx.msk $0xffff, v1  }
0x88: {  	v1 =	vld [tilespmem:s17+$0xFFFFFB20]  }
0x89: {  	v2 =	vld [tilespmem:s17+$0xFFFFFB60];
	_ =	sdelay $0x1  }
0x8a: {  	v3 =	vld [tilespmem:s17+$0xFFFFFBA0];
	_ =	sdelay $0x1  }
0x8b: {  	v4 =	vld [tilespmem:s17+$0xFFFFFBE0]  }
0x8c: {  	v1 =	vadd.f32 v2, v1  }
0x8d: {  	v2 =	vld [tilespmem:s17+$0xFFFFFC20]  }
0x8e: {  	v1 =	vadd.f32 v3, v1  }
0x8f: {  	v3 =	vld [tilespmem:s17+$0xFFFFFC60]  }
0x90: {  	v1 =	vadd.f32 v4, v1  }
0x91: {  	v4 =	vld [tilespmem:s17+$0xFFFFFCA0]  }
0x92: {  	v1 =	vadd.f32 v2, v1  }
0x93: {  	v2 =	vld [tilespmem:s17+$0xFFFFFCE0]  }
0x94: {  	v1 =	vadd.f32 v3, v1  }
0x95: {  	v3 =	vld [tilespmem:s17+$0xFFFFFD20]  }
0x96: {  	v1 =	vadd.f32 v4, v1  }
0x97: {  	v4 =	vld [tilespmem:s17+$0xFFFFFD60]  }
0x98: {  	v1 =	vadd.f32 v2, v1  }
0x99: {  	v2 =	vld [tilespmem:s17+$0xFFFFFDA0]  }
0x9a: {  	v1 =	vadd.f32 v3, v1  }
0x9b: {  	v3 =	vld [tilespmem:s17+$0xFFFFFDE0]  }
0x9c: {  	v1 =	vadd.f32 v4, v1  }
0x9d: {  	v4 =	vld [tilespmem:s17+$0xFFFFFE20]  }
0x9e: {  	v1 =	vadd.f32 v2, v1  }
0x9f: {  	v2 =	vld [tilespmem:s17+$0xFFFFFE60]  }
0xa0: {  	v1 =	vadd.f32 v3, v1  }
0xa1: {  	v3 =	vld [tilespmem:s17+$0xFFFFFEA0]  }
0xa2: {  	v1 =	vadd.f32 v4, v1  }
0xa3: {  	v4 =	vld [tilespmem:s17+$0xFFFFFEE0]  }
0xa4: {  	v1 =	vadd.f32 v2, v1  }
0xa5: {  	v2 =	vld [tilespmem:s17+$0xFFFFFF20]  }
0xa6: {  	v1 =	vadd.f32 v3, v1  }
0xa7: {  	v3 =	vld [tilespmem:s17+$0xFFFFFF60]  }
0xa8: {  	v1 =	vadd.f32 v4, v1  }
0xa9: {  	v4 =	vld [tilespmem:s17+$0xFFFFFFA0]  }
0xaa: {  	v1 =	vadd.f32 v2, v1  }
0xab: {  	v2 =	vld [tilespmem:s17+$0xFFFFFFE0]  }
0xac: {  	v1 =	vadd.f32 v3, v1;
	_ =	sdelay $0x1  }
0xad: {  	v1 =	vadd.f32 v4, v1;
	_ =	sdelay $0x1  }
0xae: {  	v1 =	vadd.f32 v2, v1;
	_ =	sdelay $0x1  }
0xaf: {  	[tilespmem:v0+s18+$0xFFFFFFA0 ss:$0x1] =	vst.idx.msk $0xffff, v1  }
0xb0: {  	v1 =	vld [tilespmem:s17+$0xFFFFFB30]  }
0xb1: {  	v2 =	vld [tilespmem:s17+$0xFFFFFB70];
	_ =	sdelay $0x1  }
0xb2: {  	v3 =	vld [tilespmem:s17+$0xFFFFFBB0];
	_ =	sdelay $0x1  }
0xb3: {  	v4 =	vld [tilespmem:s17+$0xFFFFFBF0]  }
0xb4: {  	v1 =	vadd.f32 v2, v1  }
0xb5: {  	v2 =	vld [tilespmem:s17+$0xFFFFFC30]  }
0xb6: {  	v1 =	vadd.f32 v3, v1  }
0xb7: {  	v3 =	vld [tilespmem:s17+$0xFFFFFC70]  }
0xb8: {  	v1 =	vadd.f32 v4, v1  }
0xb9: {  	v4 =	vld [tilespmem:s17+$0xFFFFFCB0]  }
0xba: {  	v1 =	vadd.f32 v2, v1  }
0xbb: {  	v2 =	vld [tilespmem:s17+$0xFFFFFCF0]  }
0xbc: {  	v1 =	vadd.f32 v3, v1  }
0xbd: {  	v3 =	vld [tilespmem:s17+$0xFFFFFD30]  }
0xbe: {  	v1 =	vadd.f32 v4, v1  }
0xbf: {  	v4 =	vld [tilespmem:s17+$0xFFFFFD70]  }
0xc0: {  	v1 =	vadd.f32 v2, v1  }
0xc1: {  	v2 =	vld [tilespmem:s17+$0xFFFFFDB0]  }
0xc2: {  	v1 =	vadd.f32 v3, v1  }
0xc3: {  	v3 =	vld [tilespmem:s17+$0xFFFFFDF0]  }
0xc4: {  	v1 =	vadd.f32 v4, v1  }
0xc5: {  	v4 =	vld [tilespmem:s17+$0xFFFFFE30]  }
0xc6: {  	v1 =	vadd.f32 v2, v1  }
0xc7: {  	v2 =	vld [tilespmem:s17+$0xFFFFFE70]  }
0xc8: {  	v1 =	vadd.f32 v3, v1  }
0xc9: {  	v3 =	vld [tilespmem:s17+$0xFFFFFEB0]  }
0xca: {  	v1 =	vadd.f32 v4, v1  }
0xcb: {  	v4 =	vld [tilespmem:s17+$0xFFFFFEF0]  }
0xcc: {  	v1 =	vadd.f32 v2, v1  }
0xcd: {  	v2 =	vld [tilespmem:s17+$0xFFFFFF30]  }
0xce: {  	v1 =	vadd.f32 v3, v1  }
0xcf: {  	v3 =	vld [tilespmem:s17+$0xFFFFFF70]  }
0xd0: {  	v1 =	vadd.f32 v4, v1  }
0xd1: {  	v4 =	vld [tilespmem:s17+$0xFFFFFFB0]  }
0xd2: {  	v1 =	vadd.f32 v2, v1  }
0xd3: {  	v2 =	vld [tilespmem:s17+$0xFFFFFFF0]  }
0xd4: {  	v1 =	vadd.f32 v3, v1;
	_ =	sdelay $0x1  }
0xd5: {  	v1 =	vadd.f32 v4, v1;
	_ =	sdelay $0x1  }
0xd6: {  	v1 =	vadd.f32 v2, v1;
	_ =	sdelay $0x1  }
0xd7: {  	[tilespmem:v0+s18+$0xFFFFFFB0 ss:$0x1] =	vst.idx.msk $0xffff, v1  }
0xd8: {  	v1 =	vld [tilespmem:s17+$0x0]  }
0xd9: {  	v2 =	vld [tilespmem:s17+$0x40];
	_ =	sdelay $0x1  }
0xda: {  	v3 =	vld [tilespmem:s17+$0x80];
	_ =	sdelay $0x1  }
0xdb: {  	v4 =	vld [tilespmem:s17+$0xC0]  }
0xdc: {  	v1 =	vadd.f32 v2, v1  }
0xdd: {  	v2 =	vld [tilespmem:s17+$0x100]  }
0xde: {  	v1 =	vadd.f32 v3, v1  }
0xdf: {  	v3 =	vld [tilespmem:s17+$0x140]  }
0xe0: {  	v1 =	vadd.f32 v4, v1  }
0xe1: {  	v4 =	vld [tilespmem:s17+$0x180]  }
0xe2: {  	v1 =	vadd.f32 v2, v1  }
0xe3: {  	v2 =	vld [tilespmem:s17+$0x1C0]  }
0xe4: {  	v1 =	vadd.f32 v3, v1  }
0xe5: {  	v3 =	vld [tilespmem:s17+$0x200]  }
0xe6: {  	v1 =	vadd.f32 v4, v1  }
0xe7: {  	v4 =	vld [tilespmem:s17+$0x240]  }
0xe8: {  	v1 =	vadd.f32 v2, v1  }
0xe9: {  	v2 =	vld [tilespmem:s17+$0x280]  }
0xea: {  	v1 =	vadd.f32 v3, v1  }
0xeb: {  	v3 =	vld [tilespmem:s17+$0x2C0]  }
0xec: {  	v1 =	vadd.f32 v4, v1  }
0xed: {  	v4 =	vld [tilespmem:s17+$0x300]  }
0xee: {  	v1 =	vadd.f32 v2, v1  }
0xef: {  	v2 =	vld [tilespmem:s17+$0x340]  }
0xf0: {  	v1 =	vadd.f32 v3, v1  }
0xf1: {  	v3 =	vld [tilespmem:s17+$0x380]  }
0xf2: {  	v1 =	vadd.f32 v4, v1  }
0xf3: {  	v4 =	vld [tilespmem:s17+$0x3C0]  }
0xf4: {  	v1 =	vadd.f32 v2, v1  }
0xf5: {  	v2 =	vld [tilespmem:s17+$0x400]  }
0xf6: {  	v1 =	vadd.f32 v3, v1  }
0xf7: {  	v3 =	vld [tilespmem:s17+$0x440]  }
0xf8: {  	v1 =	vadd.f32 v4, v1  }
0xf9: {  	v4 =	vld [tilespmem:s17+$0x480]  }
0xfa: {  	v1 =	vadd.f32 v2, v1  }
0xfb: {  	v2 =	vld [tilespmem:s17+$0x4C0]  }
0xfc: {  	v1 =	vadd.f32 v3, v1;
	_ =	sdelay $0x1  }
0xfd: {  	v1 =	vadd.f32 v4, v1;
	_ =	sdelay $0x1  }
0xfe: {  	v1 =	vadd.f32 v2, v1;
	_ =	sdelay $0x1  }
0xff: {  	[tilespmem:v0+s18+$0x0 ss:$0x1] =	vst.idx.msk $0xffff, v1  }
0x100: {  	v1 =	vld [tilespmem:s17+$0x10]  }
0x101: {  	v2 =	vld [tilespmem:s17+$0x50];
	_ =	sdelay $0x1  }
0x102: {  	v3 =	vld [tilespmem:s17+$0x90];
	_ =	sdelay $0x1  }
0x103: {  	v4 =	vld [tilespmem:s17+$0xD0]  }
0x104: {  	v1 =	vadd.f32 v2, v1  }
0x105: {  	v2 =	vld [tilespmem:s17+$0x110]  }
0x106: {  	v1 =	vadd.f32 v3, v1  }
0x107: {  	v3 =	vld [tilespmem:s17+$0x150]  }
0x108: {  	v1 =	vadd.f32 v4, v1  }
0x109: {  	v4 =	vld [tilespmem:s17+$0x190]  }
0x10a: {  	v1 =	vadd.f32 v2, v1  }
0x10b: {  	v2 =	vld [tilespmem:s17+$0x1D0]  }
0x10c: {  	v1 =	vadd.f32 v3, v1  }
0x10d: {  	v3 =	vld [tilespmem:s17+$0x210]  }
0x10e: {  	v1 =	vadd.f32 v4, v1  }
0x10f: {  	v4 =	vld [tilespmem:s17+$0x250]  }
0x110: {  	v1 =	vadd.f32 v2, v1  }
0x111: {  	v2 =	vld [tilespmem:s17+$0x290]  }
0x112: {  	v1 =	vadd.f32 v3, v1  }
0x113: {  	v3 =	vld [tilespmem:s17+$0x2D0]  }
0x114: {  	v1 =	vadd.f32 v4, v1  }
0x115: {  	v4 =	vld [tilespmem:s17+$0x310]  }
0x116: {  	v1 =	vadd.f32 v2, v1  }
0x117: {  	v2 =	vld [tilespmem:s17+$0x350]  }
0x118: {  	v1 =	vadd.f32 v3, v1  }
0x119: {  	v3 =	vld [tilespmem:s17+$0x390]  }
0x11a: {  	v1 =	vadd.f32 v4, v1  }
0x11b: {  	v4 =	vld [tilespmem:s17+$0x3D0]  }
0x11c: {  	v1 =	vadd.f32 v2, v1  }
0x11d: {  	v2 =	vld [tilespmem:s17+$0x410]  }
0x11e: {  	v1 =	vadd.f32 v3, v1  }
0x11f: {  	v3 =	vld [tilespmem:s17+$0x450]  }
0x120: {  	v1 =	vadd.f32 v4, v1  }
0x121: {  	v4 =	vld [tilespmem:s17+$0x490]  }
0x122: {  	v1 =	vadd.f32 v2, v1  }
0x123: {  	v2 =	vld [tilespmem:s17+$0x4D0]  }
0x124: {  	v1 =	vadd.f32 v3, v1;
	_ =	sdelay $0x1  }
0x125: {  	v1 =	vadd.f32 v4, v1;
	_ =	sdelay $0x1  }
0x126: {  	v1 =	vadd.f32 v2, v1;
	_ =	sdelay $0x1  }
0x127: {  	[tilespmem:v0+s18+$0x10 ss:$0x1] =	vst.idx.msk $0xffff, v1  }
0x128: {  	v1 =	vld [tilespmem:s17+$0x20]  }
0x129: {  	v2 =	vld [tilespmem:s17+$0x60];
	_ =	sdelay $0x1  }
0x12a: {  	v3 =	vld [tilespmem:s17+$0xA0];
	_ =	sdelay $0x1  }
0x12b: {  	v4 =	vld [tilespmem:s17+$0xE0]  }
0x12c: {  	v1 =	vadd.f32 v2, v1  }
0x12d: {  	v2 =	vld [tilespmem:s17+$0x120]  }
0x12e: {  	v1 =	vadd.f32 v3, v1  }
0x12f: {  	v3 =	vld [tilespmem:s17+$0x160]  }
0x130: {  	v1 =	vadd.f32 v4, v1  }
0x131: {  	v4 =	vld [tilespmem:s17+$0x1A0]  }
0x132: {  	v1 =	vadd.f32 v2, v1  }
0x133: {  	v2 =	vld [tilespmem:s17+$0x1E0]  }
0x134: {  	v1 =	vadd.f32 v3, v1  }
0x135: {  	v3 =	vld [tilespmem:s17+$0x220]  }
0x136: {  	v1 =	vadd.f32 v4, v1  }
0x137: {  	v4 =	vld [tilespmem:s17+$0x260]  }
0x138: {  	v1 =	vadd.f32 v2, v1  }
0x139: {  	v2 =	vld [tilespmem:s17+$0x2A0]  }
0x13a: {  	v1 =	vadd.f32 v3, v1  }
0x13b: {  	v3 =	vld [tilespmem:s17+$0x2E0]  }
0x13c: {  	v1 =	vadd.f32 v4, v1  }
0x13d: {  	v4 =	vld [tilespmem:s17+$0x320]  }
0x13e: {  	v1 =	vadd.f32 v2, v1  }
0x13f: {  	v2 =	vld [tilespmem:s17+$0x360]  }
0x140: {  	v1 =	vadd.f32 v3, v1  }
0x141: {  	v3 =	vld [tilespmem:s17+$0x3A0]  }
0x142: {  	v1 =	vadd.f32 v4, v1  }
0x143: {  	v4 =	vld [tilespmem:s17+$0x3E0]  }
0x144: {  	v1 =	vadd.f32 v2, v1  }
0x145: {  	v2 =	vld [tilespmem:s17+$0x420]  }
0x146: {  	v1 =	vadd.f32 v3, v1  }
0x147: {  	v3 =	vld [tilespmem:s17+$0x460]  }
0x148: {  	v1 =	vadd.f32 v4, v1  }
0x149: {  	v4 =	vld [tilespmem:s17+$0x4A0]  }
0x14a: {  	v1 =	vadd.f32 v2, v1  }
0x14b: {  	v2 =	vld [tilespmem:s17+$0x4E0]  }
0x14c: {  	v1 =	vadd.f32 v3, v1;
	_ =	sdelay $0x1  }
0x14d: {  	v1 =	vadd.f32 v4, v1;
	_ =	sdelay $0x1  }
0x14e: {  	v1 =	vadd.f32 v2, v1;
	_ =	sdelay $0x1  }
0x14f: {  	[tilespmem:v0+s18+$0x20 ss:$0x1] =	vst.idx.msk $0xffff, v1  }
0x150: {  	v1 =	vld [tilespmem:s17+$0x30]  }
0x151: {  	v2 =	vld [tilespmem:s17+$0x70];
	_ =	sdelay $0x1  }
0x152: {  	v3 =	vld [tilespmem:s17+$0xB0];
	_ =	sdelay $0x1  }
0x153: {  	v4 =	vld [tilespmem:s17+$0xF0]  }
0x154: {  	v1 =	vadd.f32 v2, v1  }
0x155: {  	v2 =	vld [tilespmem:s17+$0x130]  }
0x156: {  	v1 =	vadd.f32 v3, v1  }
0x157: {  	v3 =	vld [tilespmem:s17+$0x170]  }
0x158: {  	v1 =	vadd.f32 v4, v1  }
0x159: {  	v4 =	vld [tilespmem:s17+$0x1B0]  }
0x15a: {  	v1 =	vadd.f32 v2, v1  }
0x15b: {  	v2 =	vld [tilespmem:s17+$0x1F0]  }
0x15c: {  	v1 =	vadd.f32 v3, v1  }
0x15d: {  	v3 =	vld [tilespmem:s17+$0x230]  }
0x15e: {  	v1 =	vadd.f32 v4, v1  }
0x15f: {  	v4 =	vld [tilespmem:s17+$0x270]  }
0x160: {  	v1 =	vadd.f32 v2, v1  }
0x161: {  	v2 =	vld [tilespmem:s17+$0x2B0]  }
0x162: {  	v1 =	vadd.f32 v3, v1  }
0x163: {  	v3 =	vld [tilespmem:s17+$0x2F0]  }
0x164: {  	v1 =	vadd.f32 v4, v1  }
0x165: {  	v4 =	vld [tilespmem:s17+$0x330]  }
0x166: {  	v1 =	vadd.f32 v2, v1  }
0x167: {  	v2 =	vld [tilespmem:s17+$0x370]  }
0x168: {  	v1 =	vadd.f32 v3, v1  }
0x169: {  	v5 =	vld [tilespmem:s17+$0x3B0]  }
0x16a: {  	v1 =	vadd.f32 v4, v1  }
0x16b: {  	v6 =	vld [tilespmem:s17+$0x3F0]  }
0x16c: {  	v1 =	vadd.f32 v2, v1  }
0x16d: {  	v4 =	vld [tilespmem:s17+$0x430]  }
0x16e: {  	s19 =	sshll.u32 s14, $0xC;
	v3 =	vld [tilespmem:s17+$0x470];
	v5 =	vadd.f32 v5, v1  }
0x16f: {  	s15 =	sand.u32 $0x1000, s19;
	s19 =	sshll.u32 s14, $0x1;
	v2 =	vld [tilespmem:s17+$0x4F0]  }
0x170: {  	s15 =	sor.u32 $0x14500, s15;
	s16 =	sor.u32 $0x145C0, s8;
	s8 =	simm.s32 $0x400;
	v1 =	vld [tilespmem:s17+$0x4B0];
	v5 =	vadd.f32 v6, v5  }
.LBB2_3:
0x171: {  	p1 =	sne.s32 s8, $0x3C00  }
0x172: {  	s17 =	sadd.s32 $0xA00, s17;
	s9 =	smov.u32 s8;
	s8 =	sadd.s32 $0x400, s8;
	v4 =	vadd.f32 v4, v5  }
0x173: {  	_ = 	snop  }
0x174: {  	v3 =	vadd.f32 v3, v4;
	_ =	sdelay $0x1  }
0x175: {  	v1 =	vadd.f32 v1, v3;
	_ =	sdelay $0x1  }
0x176: {  	v1 =	vadd.f32 v2, v1;
	_ =	sdelay $0x1  }
0x177: {  	[tilespmem:v0+s18+$0x30 ss:$0x1] =	vst.idx.msk $0xffff, v1  }
0x178: {  	v1 =	vld [tilespmem:s17+$0xFFFFFB40]  }
0x179: {  	v2 =	vld [tilespmem:s17+$0xFFFFFB00]  }
0x17a: {  	v3 =	vld [tilespmem:s17+$0xFFFFFB80];
	_ =	sdelay $0x2  }
0x17b: {  	v4 =	vld [tilespmem:s17+$0xFFFFFBC0]  }
0x17c: {  	v1 =	vadd.f32 v1, v2  }
0x17d: {  	v2 =	vld [tilespmem:s17+$0xFFFFFC00]  }
0x17e: {  	v1 =	vadd.f32 v3, v1  }
0x17f: {  	v3 =	vld [tilespmem:s17+$0xFFFFFC40]  }
0x180: {  	v1 =	vadd.f32 v4, v1  }
0x181: {  	v4 =	vld [tilespmem:s17+$0xFFFFFC80]  }
0x182: {  	v1 =	vadd.f32 v2, v1  }
0x183: {  	v2 =	vld [tilespmem:s17+$0xFFFFFCC0]  }
0x184: {  	v1 =	vadd.f32 v3, v1  }
0x185: {  	v3 =	vld [tilespmem:s17+$0xFFFFFD00]  }
0x186: {  	v1 =	vadd.f32 v4, v1  }
0x187: {  	v4 =	vld [tilespmem:s17+$0xFFFFFD40]  }
0x188: {  	v1 =	vadd.f32 v2, v1  }
0x189: {  	v2 =	vld [tilespmem:s17+$0xFFFFFD80]  }
0x18a: {  	v1 =	vadd.f32 v3, v1  }
0x18b: {  	v3 =	vld [tilespmem:s17+$0xFFFFFDC0]  }
0x18c: {  	v1 =	vadd.f32 v4, v1  }
0x18d: {  	v4 =	vld [tilespmem:s17+$0xFFFFFE00]  }
0x18e: {  	v1 =	vadd.f32 v2, v1  }
0x18f: {  	v2 =	vld [tilespmem:s17+$0xFFFFFE40]  }
0x190: {  	v1 =	vadd.f32 v3, v1  }
0x191: {  	v3 =	vld [tilespmem:s17+$0xFFFFFE80]  }
0x192: {  	v1 =	vadd.f32 v4, v1  }
0x193: {  	v4 =	vld [tilespmem:s17+$0xFFFFFEC0]  }
0x194: {  	v1 =	vadd.f32 v2, v1  }
0x195: {  	v2 =	vld [tilespmem:s17+$0xFFFFFF00]  }
0x196: {  	v1 =	vadd.f32 v3, v1  }
0x197: {  	v3 =	vld [tilespmem:s17+$0xFFFFFF40]  }
0x198: {  	v1 =	vadd.f32 v4, v1  }
0x199: {  	v4 =	vld [tilespmem:s17+$0xFFFFFF80]  }
0x19a: {  	v1 =	vadd.f32 v2, v1  }
0x19b: {  	v2 =	vld [tilespmem:s17+$0xFFFFFFC0]  }
0x19c: {  	v1 =	vadd.f32 v3, v1;
	_ =	sdelay $0x1  }
0x19d: {  	v1 =	vadd.f32 v4, v1;
	_ =	sdelay $0x1  }
0x19e: {  	v1 =	vadd.f32 v2, v1  }
0x19f: {  	s18 =	sshra.s32 s9, $0x2  }
0x1a0: {  	[tilespmem:v0+s18+$0xFFFFFF80 ss:$0x1] =	vst.idx.msk $0xffff, v1  }
0x1a1: {  	v1 =	vld [tilespmem:s17+$0xFFFFFB10]  }
0x1a2: {  	v2 =	vld [tilespmem:s17+$0xFFFFFB50];
	_ =	sdelay $0x1  }
0x1a3: {  	v3 =	vld [tilespmem:s17+$0xFFFFFB90];
	_ =	sdelay $0x1  }
0x1a4: {  	v4 =	vld [tilespmem:s17+$0xFFFFFBD0]  }
0x1a5: {  	v1 =	vadd.f32 v2, v1  }
0x1a6: {  	v2 =	vld [tilespmem:s17+$0xFFFFFC10]  }
0x1a7: {  	v1 =	vadd.f32 v3, v1  }
0x1a8: {  	v3 =	vld [tilespmem:s17+$0xFFFFFC50]  }
0x1a9: {  	v1 =	vadd.f32 v4, v1  }
0x1aa: {  	v4 =	vld [tilespmem:s17+$0xFFFFFC90]  }
0x1ab: {  	v1 =	vadd.f32 v2, v1  }
0x1ac: {  	v2 =	vld [tilespmem:s17+$0xFFFFFCD0]  }
0x1ad: {  	v1 =	vadd.f32 v3, v1  }
0x1ae: {  	v3 =	vld [tilespmem:s17+$0xFFFFFD10]  }
0x1af: {  	v1 =	vadd.f32 v4, v1  }
0x1b0: {  	v4 =	vld [tilespmem:s17+$0xFFFFFD50]  }
0x1b1: {  	v1 =	vadd.f32 v2, v1  }
0x1b2: {  	v2 =	vld [tilespmem:s17+$0xFFFFFD90]  }
0x1b3: {  	v1 =	vadd.f32 v3, v1  }
0x1b4: {  	v3 =	vld [tilespmem:s17+$0xFFFFFDD0]  }
0x1b5: {  	v1 =	vadd.f32 v4, v1  }
0x1b6: {  	v4 =	vld [tilespmem:s17+$0xFFFFFE10]  }
0x1b7: {  	v1 =	vadd.f32 v2, v1  }
0x1b8: {  	v2 =	vld [tilespmem:s17+$0xFFFFFE50]  }
0x1b9: {  	v1 =	vadd.f32 v3, v1  }
0x1ba: {  	v3 =	vld [tilespmem:s17+$0xFFFFFE90]  }
0x1bb: {  	v1 =	vadd.f32 v4, v1  }
0x1bc: {  	v4 =	vld [tilespmem:s17+$0xFFFFFED0]  }
0x1bd: {  	v1 =	vadd.f32 v2, v1  }
0x1be: {  	v2 =	vld [tilespmem:s17+$0xFFFFFF10]  }
0x1bf: {  	v1 =	vadd.f32 v3, v1  }
0x1c0: {  	v3 =	vld [tilespmem:s17+$0xFFFFFF50]  }
0x1c1: {  	v1 =	vadd.f32 v4, v1  }
0x1c2: {  	v4 =	vld [tilespmem:s17+$0xFFFFFF90]  }
0x1c3: {  	v1 =	vadd.f32 v2, v1  }
0x1c4: {  	v2 =	vld [tilespmem:s17+$0xFFFFFFD0]  }
0x1c5: {  	v1 =	vadd.f32 v3, v1;
	_ =	sdelay $0x1  }
0x1c6: {  	v1 =	vadd.f32 v4, v1;
	_ =	sdelay $0x1  }
0x1c7: {  	v1 =	vadd.f32 v2, v1;
	_ =	sdelay $0x1  }
0x1c8: {  	[tilespmem:v0+s18+$0xFFFFFF90 ss:$0x1] =	vst.idx.msk $0xffff, v1  }
0x1c9: {  	v1 =	vld [tilespmem:s17+$0xFFFFFB20]  }
0x1ca: {  	v2 =	vld [tilespmem:s17+$0xFFFFFB60];
	_ =	sdelay $0x1  }
0x1cb: {  	v3 =	vld [tilespmem:s17+$0xFFFFFBA0];
	_ =	sdelay $0x1  }
0x1cc: {  	v4 =	vld [tilespmem:s17+$0xFFFFFBE0]  }
0x1cd: {  	v1 =	vadd.f32 v2, v1  }
0x1ce: {  	v2 =	vld [tilespmem:s17+$0xFFFFFC20]  }
0x1cf: {  	v1 =	vadd.f32 v3, v1  }
0x1d0: {  	v3 =	vld [tilespmem:s17+$0xFFFFFC60]  }
0x1d1: {  	v1 =	vadd.f32 v4, v1  }
0x1d2: {  	v4 =	vld [tilespmem:s17+$0xFFFFFCA0]  }
0x1d3: {  	v1 =	vadd.f32 v2, v1  }
0x1d4: {  	v2 =	vld [tilespmem:s17+$0xFFFFFCE0]  }
0x1d5: {  	v1 =	vadd.f32 v3, v1  }
0x1d6: {  	v3 =	vld [tilespmem:s17+$0xFFFFFD20]  }
0x1d7: {  	v1 =	vadd.f32 v4, v1  }
0x1d8: {  	v4 =	vld [tilespmem:s17+$0xFFFFFD60]  }
0x1d9: {  	v1 =	vadd.f32 v2, v1  }
0x1da: {  	v2 =	vld [tilespmem:s17+$0xFFFFFDA0]  }
0x1db: {  	v1 =	vadd.f32 v3, v1  }
0x1dc: {  	v3 =	vld [tilespmem:s17+$0xFFFFFDE0]  }
0x1dd: {  	v1 =	vadd.f32 v4, v1  }
0x1de: {  	v4 =	vld [tilespmem:s17+$0xFFFFFE20]  }
0x1df: {  	v1 =	vadd.f32 v2, v1  }
0x1e0: {  	v2 =	vld [tilespmem:s17+$0xFFFFFE60]  }
0x1e1: {  	v1 =	vadd.f32 v3, v1  }
0x1e2: {  	v3 =	vld [tilespmem:s17+$0xFFFFFEA0]  }
0x1e3: {  	v1 =	vadd.f32 v4, v1  }
0x1e4: {  	v4 =	vld [tilespmem:s17+$0xFFFFFEE0]  }
0x1e5: {  	v1 =	vadd.f32 v2, v1  }
0x1e6: {  	v2 =	vld [tilespmem:s17+$0xFFFFFF20]  }
0x1e7: {  	v1 =	vadd.f32 v3, v1  }
0x1e8: {  	v3 =	vld [tilespmem:s17+$0xFFFFFF60]  }
0x1e9: {  	v1 =	vadd.f32 v4, v1  }
0x1ea: {  	v4 =	vld [tilespmem:s17+$0xFFFFFFA0]  }
0x1eb: {  	v1 =	vadd.f32 v2, v1  }
0x1ec: {  	v2 =	vld [tilespmem:s17+$0xFFFFFFE0]  }
0x1ed: {  	v1 =	vadd.f32 v3, v1;
	_ =	sdelay $0x1  }
0x1ee: {  	v1 =	vadd.f32 v4, v1;
	_ =	sdelay $0x1  }
0x1ef: {  	v1 =	vadd.f32 v2, v1;
	_ =	sdelay $0x1  }
0x1f0: {  	[tilespmem:v0+s18+$0xFFFFFFA0 ss:$0x1] =	vst.idx.msk $0xffff, v1  }
0x1f1: {  	v1 =	vld [tilespmem:s17+$0xFFFFFB30]  }
0x1f2: {  	v2 =	vld [tilespmem:s17+$0xFFFFFB70]  }
0x1f3: {  	v3 =	vld [tilespmem:s17+$0xFFFFFBB0];
	_ =	sdelay $0x2  }
0x1f4: {  	v4 =	vld [tilespmem:s17+$0xFFFFFBF0]  }
0x1f5: {  	v1 =	vadd.f32 v2, v1  }
0x1f6: {  	v2 =	vld [tilespmem:s17+$0xFFFFFC30]  }
0x1f7: {  	v1 =	vadd.f32 v3, v1  }
0x1f8: {  	v3 =	vld [tilespmem:s17+$0xFFFFFC70]  }
0x1f9: {  	v1 =	vadd.f32 v4, v1  }
0x1fa: {  	v4 =	vld [tilespmem:s17+$0xFFFFFCB0]  }
0x1fb: {  	v1 =	vadd.f32 v2, v1  }
0x1fc: {  	v2 =	vld [tilespmem:s17+$0xFFFFFCF0]  }
0x1fd: {  	v1 =	vadd.f32 v3, v1  }
0x1fe: {  	v3 =	vld [tilespmem:s17+$0xFFFFFD30]  }
0x1ff: {  	v1 =	vadd.f32 v4, v1  }
0x200: {  	v4 =	vld [tilespmem:s17+$0xFFFFFD70]  }
0x201: {  	v1 =	vadd.f32 v2, v1  }
0x202: {  	v2 =	vld [tilespmem:s17+$0xFFFFFDB0]  }
0x203: {  	v1 =	vadd.f32 v3, v1  }
0x204: {  	v3 =	vld [tilespmem:s17+$0xFFFFFDF0]  }
0x205: {  	v1 =	vadd.f32 v4, v1  }
0x206: {  	v4 =	vld [tilespmem:s17+$0xFFFFFE30]  }
0x207: {  	v1 =	vadd.f32 v2, v1  }
0x208: {  	v2 =	vld [tilespmem:s17+$0xFFFFFE70]  }
0x209: {  	v1 =	vadd.f32 v3, v1  }
0x20a: {  	v3 =	vld [tilespmem:s17+$0xFFFFFEB0]  }
0x20b: {  	v1 =	vadd.f32 v4, v1  }
0x20c: {  	v4 =	vld [tilespmem:s17+$0xFFFFFEF0]  }
0x20d: {  	v1 =	vadd.f32 v2, v1  }
0x20e: {  	v2 =	vld [tilespmem:s17+$0xFFFFFF30]  }
0x20f: {  	v1 =	vadd.f32 v3, v1  }
0x210: {  	v3 =	vld [tilespmem:s17+$0xFFFFFF70]  }
0x211: {  	v1 =	vadd.f32 v4, v1  }
0x212: {  	v4 =	vld [tilespmem:s17+$0xFFFFFFB0]  }
0x213: {  	v1 =	vadd.f32 v2, v1  }
0x214: {  	v2 =	vld [tilespmem:s17+$0xFFFFFFF0]  }
0x215: {  	v1 =	vadd.f32 v3, v1;
	_ =	sdelay $0x1  }
0x216: {  	v1 =	vadd.f32 v4, v1;
	_ =	sdelay $0x1  }
0x217: {  	v1 =	vadd.f32 v2, v1;
	_ =	sdelay $0x1  }
0x218: {  	[tilespmem:v0+s18+$0xFFFFFFB0 ss:$0x1] =	vst.idx.msk $0xffff, v1  }
0x219: {  	v1 =	vld [tilespmem:s17+$0x0]  }
0x21a: {  	v2 =	vld [tilespmem:s17+$0x40];
	_ =	sdelay $0x1  }
0x21b: {  	v3 =	vld [tilespmem:s17+$0x80];
	_ =	sdelay $0x1  }
0x21c: {  	v4 =	vld [tilespmem:s17+$0xC0]  }
0x21d: {  	v1 =	vadd.f32 v2, v1  }
0x21e: {  	v2 =	vld [tilespmem:s17+$0x100]  }
0x21f: {  	v1 =	vadd.f32 v3, v1  }
0x220: {  	v3 =	vld [tilespmem:s17+$0x140]  }
0x221: {  	v1 =	vadd.f32 v4, v1  }
0x222: {  	v4 =	vld [tilespmem:s17+$0x180]  }
0x223: {  	v1 =	vadd.f32 v2, v1  }
0x224: {  	v2 =	vld [tilespmem:s17+$0x1C0]  }
0x225: {  	v1 =	vadd.f32 v3, v1  }
0x226: {  	v3 =	vld [tilespmem:s17+$0x200]  }
0x227: {  	v1 =	vadd.f32 v4, v1  }
0x228: {  	v4 =	vld [tilespmem:s17+$0x240]  }
0x229: {  	v1 =	vadd.f32 v2, v1  }
0x22a: {  	v2 =	vld [tilespmem:s17+$0x280]  }
0x22b: {  	v1 =	vadd.f32 v3, v1  }
0x22c: {  	v3 =	vld [tilespmem:s17+$0x2C0]  }
0x22d: {  	v1 =	vadd.f32 v4, v1  }
0x22e: {  	v4 =	vld [tilespmem:s17+$0x300]  }
0x22f: {  	v1 =	vadd.f32 v2, v1  }
0x230: {  	v2 =	vld [tilespmem:s17+$0x340]  }
0x231: {  	v1 =	vadd.f32 v3, v1  }
0x232: {  	v3 =	vld [tilespmem:s17+$0x380]  }
0x233: {  	v1 =	vadd.f32 v4, v1  }
0x234: {  	v4 =	vld [tilespmem:s17+$0x3C0]  }
0x235: {  	v1 =	vadd.f32 v2, v1  }
0x236: {  	v2 =	vld [tilespmem:s17+$0x400]  }
0x237: {  	v1 =	vadd.f32 v3, v1  }
0x238: {  	v3 =	vld [tilespmem:s17+$0x440]  }
0x239: {  	v1 =	vadd.f32 v4, v1  }
0x23a: {  	v4 =	vld [tilespmem:s17+$0x480]  }
0x23b: {  	v1 =	vadd.f32 v2, v1  }
0x23c: {  	v2 =	vld [tilespmem:s17+$0x4C0]  }
0x23d: {  	v1 =	vadd.f32 v3, v1;
	_ =	sdelay $0x1  }
0x23e: {  	v1 =	vadd.f32 v4, v1;
	_ =	sdelay $0x1  }
0x23f: {  	v1 =	vadd.f32 v2, v1;
	_ =	sdelay $0x1  }
0x240: {  	[tilespmem:v0+s18+$0x0 ss:$0x1] =	vst.idx.msk $0xffff, v1  }
0x241: {  	v1 =	vld [tilespmem:s17+$0x10]  }
0x242: {  	v2 =	vld [tilespmem:s17+$0x50]  }
0x243: {  	v3 =	vld [tilespmem:s17+$0x90]  }
0x244: {  	v4 =	vld [tilespmem:s17+$0xD0]  }
0x245: {  	v5 =	vld [tilespmem:s17+$0x110]  }
0x246: {  	v6 =	vld [tilespmem:s17+$0x150]  }
0x247: {  	v1 =	vadd.f32 v2, v1;
	v2 =	vld [tilespmem:s17+$0x190]  }
0x248: {  	v7 =	vld [tilespmem:s17+$0x1D0]  }
0x249: {  	v1 =	vadd.f32 v3, v1;
	v3 =	vld [tilespmem:s17+$0x210]  }
0x24a: {  	v8 =	vld [tilespmem:s17+$0x250]  }
0x24b: {  	v1 =	vadd.f32 v4, v1;
	v4 =	vld [tilespmem:s17+$0x290]  }
0x24c: {  	v9 =	vld [tilespmem:s17+$0x2D0]  }
0x24d: {  	v1 =	vadd.f32 v5, v1;
	v5 =	vld [tilespmem:s17+$0x310]  }
0x24e: {  	v10 =	vld [tilespmem:s17+$0x350]  }
0x24f: {  	v1 =	vadd.f32 v6, v1;
	v6 =	vld [tilespmem:s17+$0x390]  }
0x250: {  	v11 =	vld [tilespmem:s17+$0x3D0]  }
0x251: {  	v1 =	vadd.f32 v2, v1;
	v2 =	vld [tilespmem:s17+$0x410]  }
0x252: {  	v12 =	vld [tilespmem:s17+$0x450]  }
0x253: {  	v1 =	vadd.f32 v7, v1;
	v7 =	vld [tilespmem:s17+$0x490]  }
0x254: {  	v13 =	vld [tilespmem:s17+$0x4D0]  }
0x255: {  	v1 =	vadd.f32 v3, v1;
	_ =	sdelay $0x1  }
0x256: {  	v1 =	vadd.f32 v8, v1;
	_ =	sdelay $0x1  }
0x257: {  	v1 =	vadd.f32 v4, v1;
	_ =	sdelay $0x1  }
0x258: {  	v1 =	vadd.f32 v9, v1;
	_ =	sdelay $0x1  }
0x259: {  	v1 =	vadd.f32 v5, v1;
	_ =	sdelay $0x1  }
0x25a: {  	v1 =	vadd.f32 v10, v1;
	_ =	sdelay $0x1  }
0x25b: {  	v1 =	vadd.f32 v6, v1;
	_ =	sdelay $0x1  }
0x25c: {  	v1 =	vadd.f32 v11, v1;
	_ =	sdelay $0x1  }
0x25d: {  	v1 =	vadd.f32 v2, v1;
	_ =	sdelay $0x1  }
0x25e: {  	v1 =	vadd.f32 v12, v1;
	_ =	sdelay $0x1  }
0x25f: {  	v1 =	vadd.f32 v7, v1;
	_ =	sdelay $0x1  }
0x260: {  	v1 =	vadd.f32 v13, v1;
	_ =	sdelay $0x1  }
0x261: {  	[tilespmem:v0+s18+$0x10 ss:$0x1] =	vst.idx.msk $0xffff, v1  }
0x262: {  	v1 =	vld [tilespmem:s17+$0x20]  }
0x263: {  	v2 =	vld [tilespmem:s17+$0x60]  }
0x264: {  	v3 =	vld [tilespmem:s17+$0xA0]  }
0x265: {  	v4 =	vld [tilespmem:s17+$0xE0]  }
0x266: {  	v5 =	vld [tilespmem:s17+$0x120]  }
0x267: {  	v6 =	vld [tilespmem:s17+$0x160]  }
0x268: {  	v1 =	vadd.f32 v2, v1;
	v2 =	vld [tilespmem:s17+$0x1A0]  }
0x269: {  	v7 =	vld [tilespmem:s17+$0x1E0]  }
0x26a: {  	v1 =	vadd.f32 v3, v1;
	v3 =	vld [tilespmem:s17+$0x220]  }
0x26b: {  	v8 =	vld [tilespmem:s17+$0x260]  }
0x26c: {  	v1 =	vadd.f32 v4, v1;
	v4 =	vld [tilespmem:s17+$0x2A0]  }
0x26d: {  	v9 =	vld [tilespmem:s17+$0x2E0]  }
0x26e: {  	v1 =	vadd.f32 v5, v1;
	v5 =	vld [tilespmem:s17+$0x320]  }
0x26f: {  	v10 =	vld [tilespmem:s17+$0x360]  }
0x270: {  	v1 =	vadd.f32 v6, v1;
	v6 =	vld [tilespmem:s17+$0x3A0]  }
0x271: {  	v11 =	vld [tilespmem:s17+$0x3E0]  }
0x272: {  	v1 =	vadd.f32 v2, v1;
	v2 =	vld [tilespmem:s17+$0x420]  }
0x273: {  	v12 =	vld [tilespmem:s17+$0x460]  }
0x274: {  	v1 =	vadd.f32 v7, v1;
	v7 =	vld [tilespmem:s17+$0x4A0]  }
0x275: {  	v13 =	vld [tilespmem:s17+$0x4E0]  }
0x276: {  	v1 =	vadd.f32 v3, v1;
	_ =	sdelay $0x1  }
0x277: {  	v1 =	vadd.f32 v8, v1;
	_ =	sdelay $0x1  }
0x278: {  	v1 =	vadd.f32 v4, v1;
	_ =	sdelay $0x1  }
0x279: {  	v1 =	vadd.f32 v9, v1;
	_ =	sdelay $0x1  }
0x27a: {  	v1 =	vadd.f32 v5, v1;
	_ =	sdelay $0x1  }
0x27b: {  	v1 =	vadd.f32 v10, v1;
	_ =	sdelay $0x1  }
0x27c: {  	v1 =	vadd.f32 v6, v1;
	_ =	sdelay $0x1  }
0x27d: {  	v1 =	vadd.f32 v11, v1;
	_ =	sdelay $0x1  }
0x27e: {  	v1 =	vadd.f32 v2, v1;
	_ =	sdelay $0x1  }
0x27f: {  	v1 =	vadd.f32 v12, v1;
	_ =	sdelay $0x1  }
0x280: {  	v1 =	vadd.f32 v7, v1;
	_ =	sdelay $0x1  }
0x281: {  	v1 =	vadd.f32 v13, v1;
	_ =	sdelay $0x1  }
0x282: {  	[tilespmem:v0+s18+$0x20 ss:$0x1] =	vst.idx.msk $0xffff, v1  }
0x283: {  	v1 =	vld [tilespmem:s17+$0x30]  }
0x284: {  	v2 =	vld [tilespmem:s17+$0x70]  }
0x285: {  	v3 =	vld [tilespmem:s17+$0xB0]  }
0x286: {  	v4 =	vld [tilespmem:s17+$0xF0]  }
0x287: {  	v5 =	vld [tilespmem:s17+$0x130]  }
0x288: {  	v6 =	vld [tilespmem:s17+$0x170]  }
0x289: {  	v1 =	vadd.f32 v2, v1;
	v2 =	vld [tilespmem:s17+$0x1B0]  }
0x28a: {  	v7 =	vld [tilespmem:s17+$0x1F0]  }
0x28b: {  	v1 =	vadd.f32 v3, v1;
	v8 =	vld [tilespmem:s17+$0x230]  }
0x28c: {  	v9 =	vld [tilespmem:s17+$0x270]  }
0x28d: {  	v1 =	vadd.f32 v4, v1;
	v10 =	vld [tilespmem:s17+$0x2B0]  }
0x28e: {  	v11 =	vld [tilespmem:s17+$0x2F0]  }
0x28f: {  	v1 =	vadd.f32 v5, v1;
	v5 =	vld [tilespmem:s17+$0x330]  }
0x290: {  	v12 =	vld [tilespmem:s17+$0x370]  }
0x291: {  	v1 =	vadd.f32 v6, v1;
	v6 =	vld [tilespmem:s17+$0x3B0]  }
0x292: {  	v13 =	vld [tilespmem:s17+$0x3F0]  }
0x293: {  	v1 =	vadd.f32 v2, v1;
	v4 =	vld [tilespmem:s17+$0x430]  }
0x294: {  	v3 =	vld [tilespmem:s17+$0x470]  }
0x295: {  	v7 =	vadd.f32 v7, v1;
	v1 =	vld [tilespmem:s17+$0x4B0]  }
0x296: {  	v2 =	vld [tilespmem:s17+$0x4F0]  }
0x297: {  	v7 =	vadd.f32 v8, v7;
	_ =	sdelay $0x1  }
0x298: {  	v7 =	vadd.f32 v9, v7;
	_ =	sdelay $0x1  }
0x299: {  	v7 =	vadd.f32 v10, v7;
	_ =	sdelay $0x1  }
0x29a: {  	v7 =	vadd.f32 v11, v7;
	_ =	sdelay $0x1  }
0x29b: {  	v5 =	vadd.f32 v5, v7;
	_ =	sdelay $0x1  }
.Ltmp0:
0x29c: {  	v5 =	vadd.f32 v12, v5;
	(pc) =	sbr.rel @p1 .LBB2_3-.Ltmp0, $3  }
0x29d: {  	_ = 	snop  }
0x29e: {  	v5 =	vadd.f32 v6, v5;
	_ =	sdelay $0x1  }
0x29f: {  	v5 =	vadd.f32 v13, v5  }
0x2a0: {  	_ = 	snop  }
0x2a1: {  	p1 =	seq.s32 s14, $0x33;
	v4 =	vadd.f32 v4, v5  }
0x2a2: {  	s8 =	sadd.s32 @!p1 $0x2, s19  }
0x2a3: {  	s9 =	sshrl.u32 @!p1 s8, $0x3;
	s8 =	sshrl.u32 @!p1 s8, $0x1;
	v3 =	vadd.f32 v3, v4  }
0x2a4: {  	s17 =	smul.u32 @!p1 $0x28000, s9;
	s8 =	sand.u32 @!p1 $0x3, s8  }
0x2a5: {  	s8 =	smul.u32 @!p1 $0x280, s8;
	v1 =	vadd.f32 v1, v3  }
0x2a6: {  	s17 =	sadd.s32 @!p1 s4, s17  }
0x2a7: {  	s8 =	sadd.s32 @!p1 s8, s17;
	v1 =	vadd.f32 v2, v1  }
0x2a8: {  	s8 =	sshrl.u32 @!p1 s8, $0x3  }
0x2a9: {  	s17 =	simm.s32 @!p1 $0x0;
	s8 =	sadd.s32 @!p1 s3, s8;
	[tilespmem:v0+s18+$0x30 ss:$0x1] =	vst.idx.msk $0xffff, v1  }
0x2aa: {  	[tilespmem:s17], [sflag:$0x4] =	stream.linear.gather @!p1 [hbm4b:s8+s17], $0x280, $0x38;
	[tilespmem:$0x16500] =	vst v63  }
0x2ab: {  	s8 =	simm.s32 @!p1 $0x4  }
0x2ac: {  	s9 =	smul.u32 @!p1 $0x186A00, s9;
	_ =	swait.ge @!p1 [sflag:s8], $0x280  }
0x2ad: {  	s18 =	simm.s32 @!p1 $0x500;
	[sflag:s8] =	ssyncset.done @!p1 $0x0  }
0x2ae: {  	[sflag:s8] =	ssyncadd.s32 @!p1 $0xFFFFFD80;
	s8 =	sadd.s32 @!p1 s5, s9;
	s9 =	simm.s32 @!p1 $0x80  }
0x2af: {  	[tilespmem:s18], [sflag:$0x1] =	stream.indirect.gather @!p1 [hbm4b:s8+s9], $0x40, s17, s9, $0xb8;
	[tilespmem:$0x16500] =	vst v63  }
0x2b0: {  	s17 =	simm.s32 @!p1 $0x2500  }
0x2b1: {  	[tilespmem:s17], [sflag:$0x1] =	stream.indirect.gather @!p1 [hbm4b:s8+s9], $0x40, s9, s9, $0xb8;
	[tilespmem:$0x16500] =	vst v63  }
0x2b2: {  	s18 =	simm.s32 @!p1 $0x4500;
	s17 =	simm.s32 @!p1 $0x100  }
0x2b3: {  	[tilespmem:s18], [sflag:$0x1] =	stream.indirect.gather @!p1 [hbm4b:s8+s9], $0x40, s17, s9, $0xb8;
	[tilespmem:$0x16500] =	vst v63  }
0x2b4: {  	s17 =	simm.s32 @!p1 $0x180;
	s18 =	simm.s32 @!p1 $0x6500  }
0x2b5: {  	[tilespmem:s18], [sflag:$0x1] =	stream.indirect.gather @!p1 [hbm4b:s8+s9], $0x40, s17, s9, $0xb8;
	[tilespmem:$0x16500] =	vst v63  }
0x2b6: {  	s17 =	simm.s32 @!p1 $0x200;
	s18 =	simm.s32 @!p1 $0x8500  }
0x2b7: {  	[tilespmem:s18], [sflag:$0x1] =	stream.indirect.gather @!p1 [hbm4b:s8+s9], $0x40, s17, s9, $0xb8;
	[tilespmem:$0x16500] =	vst v63  }
0x2b8: {  	_ =	swait.ge [sflag:s0], $0xA000  }
0x2b9: {  	[sflag:s0] =	ssyncset.done $0x0  }
0x2ba: {  	s19 =	simm.s32 $0x0;
	[sflag:s0] =	ssyncadd.s32 $0xFFFF6000  }
0x2bb: {  	v0 =	vld [tilespmem:s19+$0xA500]  }
0x2bc: {  	v1 =	vld [tilespmem:s19+$0xA540];
	_ =	sdelay $0x1  }
0x2bd: {  	v2 =	vld [tilespmem:s19+$0xA580];
	_ =	sdelay $0x1  }
0x2be: {  	v3 =	vld [tilespmem:s19+$0xA5C0]  }
0x2bf: {  	v0 =	vadd.f32 v1, v0  }
0x2c0: {  	v1 =	vld [tilespmem:s19+$0xA600]  }
0x2c1: {  	v0 =	vadd.f32 v2, v0  }
0x2c2: {  	v2 =	vld [tilespmem:s19+$0xA640]  }
0x2c3: {  	v0 =	vadd.f32 v3, v0  }
0x2c4: {  	v3 =	vld [tilespmem:s19+$0xA680]  }
0x2c5: {  	v0 =	vadd.f32 v1, v0  }
0x2c6: {  	v1 =	vld [tilespmem:s19+$0xA6C0]  }
0x2c7: {  	v0 =	vadd.f32 v2, v0  }
0x2c8: {  	v2 =	vld [tilespmem:s19+$0xA700]  }
0x2c9: {  	v0 =	vadd.f32 v3, v0  }
0x2ca: {  	v3 =	vld [tilespmem:s19+$0xA740]  }
0x2cb: {  	v0 =	vadd.f32 v1, v0  }
0x2cc: {  	v1 =	vld [tilespmem:s19+$0xA780]  }
0x2cd: {  	v0 =	vadd.f32 v2, v0  }
0x2ce: {  	v2 =	vld [tilespmem:s19+$0xA7C0]  }
0x2cf: {  	v0 =	vadd.f32 v3, v0  }
0x2d0: {  	v3 =	vld [tilespmem:s19+$0xA800]  }
0x2d1: {  	v0 =	vadd.f32 v1, v0  }
0x2d2: {  	v1 =	vld [tilespmem:s19+$0xA840]  }
0x2d3: {  	v0 =	vadd.f32 v2, v0  }
0x2d4: {  	v2 =	vld [tilespmem:s19+$0xA880]  }
0x2d5: {  	v0 =	vadd.f32 v3, v0  }
0x2d6: {  	v3 =	vld [tilespmem:s19+$0xA8C0]  }
0x2d7: {  	v0 =	vadd.f32 v1, v0  }
0x2d8: {  	v1 =	vld [tilespmem:s19+$0xA900]  }
0x2d9: {  	v0 =	vadd.f32 v2, v0  }
0x2da: {  	v2 =	vld [tilespmem:s19+$0xA940]  }
0x2db: {  	v0 =	vadd.f32 v3, v0  }
0x2dc: {  	v3 =	vld [tilespmem:s19+$0xA980]  }
0x2dd: {  	v0 =	vadd.f32 v1, v0  }
0x2de: {  	v1 =	vld [tilespmem:s19+$0xA9C0]  }
0x2df: {  	v0 =	vadd.f32 v2, v0;
	_ =	sdelay $0x1  }
0x2e0: {  	v0 =	vadd.f32 v3, v0;
	_ =	sdelay $0x1  }
0x2e1: {  	v0 =	vadd.f32 v1, v0;
	_ =	sdelay $0x1  }
0x2e2: {  	[tilespmem:s16+$0xFFFFFF80] =	vst v0  }
0x2e3: {  	v0 =	vld [tilespmem:s19+$0xA510]  }
0x2e4: {  	v1 =	vld [tilespmem:s19+$0xA550];
	_ =	sdelay $0x1  }
0x2e5: {  	v2 =	vld [tilespmem:s19+$0xA590];
	_ =	sdelay $0x1  }
0x2e6: {  	v3 =	vld [tilespmem:s19+$0xA5D0]  }
0x2e7: {  	v0 =	vadd.f32 v1, v0  }
0x2e8: {  	v1 =	vld [tilespmem:s19+$0xA610]  }
0x2e9: {  	v0 =	vadd.f32 v2, v0  }
0x2ea: {  	v2 =	vld [tilespmem:s19+$0xA650]  }
0x2eb: {  	v0 =	vadd.f32 v3, v0  }
0x2ec: {  	v3 =	vld [tilespmem:s19+$0xA690]  }
0x2ed: {  	v0 =	vadd.f32 v1, v0  }
0x2ee: {  	v1 =	vld [tilespmem:s19+$0xA6D0]  }
0x2ef: {  	v0 =	vadd.f32 v2, v0  }
0x2f0: {  	v2 =	vld [tilespmem:s19+$0xA710]  }
0x2f1: {  	v0 =	vadd.f32 v3, v0  }
0x2f2: {  	v3 =	vld [tilespmem:s19+$0xA750]  }
0x2f3: {  	v0 =	vadd.f32 v1, v0  }
0x2f4: {  	v1 =	vld [tilespmem:s19+$0xA790]  }
0x2f5: {  	v0 =	vadd.f32 v2, v0  }
0x2f6: {  	v2 =	vld [tilespmem:s19+$0xA7D0]  }
0x2f7: {  	v0 =	vadd.f32 v3, v0  }
0x2f8: {  	v3 =	vld [tilespmem:s19+$0xA810]  }
0x2f9: {  	v0 =	vadd.f32 v1, v0  }
0x2fa: {  	v1 =	vld [tilespmem:s19+$0xA850]  }
0x2fb: {  	v0 =	vadd.f32 v2, v0  }
0x2fc: {  	v2 =	vld [tilespmem:s19+$0xA890]  }
0x2fd: {  	v0 =	vadd.f32 v3, v0  }
0x2fe: {  	v3 =	vld [tilespmem:s19+$0xA8D0]  }
0x2ff: {  	v0 =	vadd.f32 v1, v0  }
0x300: {  	v1 =	vld [tilespmem:s19+$0xA910]  }
0x301: {  	v0 =	vadd.f32 v2, v0  }
0x302: {  	v2 =	vld [tilespmem:s19+$0xA950]  }
0x303: {  	v0 =	vadd.f32 v3, v0  }
0x304: {  	v3 =	vld [tilespmem:s19+$0xA990]  }
0x305: {  	v0 =	vadd.f32 v1, v0  }
0x306: {  	v1 =	vld [tilespmem:s19+$0xA9D0]  }
0x307: {  	v0 =	vadd.f32 v2, v0;
	_ =	sdelay $0x1  }
0x308: {  	v0 =	vadd.f32 v3, v0;
	_ =	sdelay $0x1  }
0x309: {  	v0 =	vadd.f32 v1, v0;
	_ =	sdelay $0x1  }
0x30a: {  	[tilespmem:s16+$0xFFFFFF90] =	vst v0  }
0x30b: {  	v0 =	vld [tilespmem:s19+$0xA520]  }
0x30c: {  	v1 =	vld [tilespmem:s19+$0xA560];
	_ =	sdelay $0x1  }
0x30d: {  	v2 =	vld [tilespmem:s19+$0xA5A0];
	_ =	sdelay $0x1  }
0x30e: {  	v3 =	vld [tilespmem:s19+$0xA5E0]  }
0x30f: {  	v0 =	vadd.f32 v1, v0  }
0x310: {  	v1 =	vld [tilespmem:s19+$0xA620]  }
0x311: {  	v0 =	vadd.f32 v2, v0  }
0x312: {  	v2 =	vld [tilespmem:s19+$0xA660]  }
0x313: {  	v0 =	vadd.f32 v3, v0  }
0x314: {  	v3 =	vld [tilespmem:s19+$0xA6A0]  }
0x315: {  	v0 =	vadd.f32 v1, v0  }
0x316: {  	v1 =	vld [tilespmem:s19+$0xA6E0]  }
0x317: {  	v0 =	vadd.f32 v2, v0  }
0x318: {  	v2 =	vld [tilespmem:s19+$0xA720]  }
0x319: {  	v0 =	vadd.f32 v3, v0  }
0x31a: {  	v3 =	vld [tilespmem:s19+$0xA760]  }
0x31b: {  	v0 =	vadd.f32 v1, v0  }
0x31c: {  	v1 =	vld [tilespmem:s19+$0xA7A0]  }
0x31d: {  	v0 =	vadd.f32 v2, v0  }
0x31e: {  	v2 =	vld [tilespmem:s19+$0xA7E0]  }
0x31f: {  	v0 =	vadd.f32 v3, v0  }
0x320: {  	v3 =	vld [tilespmem:s19+$0xA820]  }
0x321: {  	v0 =	vadd.f32 v1, v0  }
0x322: {  	v1 =	vld [tilespmem:s19+$0xA860]  }
0x323: {  	v0 =	vadd.f32 v2, v0  }
0x324: {  	v2 =	vld [tilespmem:s19+$0xA8A0]  }
0x325: {  	v0 =	vadd.f32 v3, v0  }
0x326: {  	v3 =	vld [tilespmem:s19+$0xA8E0]  }
0x327: {  	v0 =	vadd.f32 v1, v0  }
0x328: {  	v1 =	vld [tilespmem:s19+$0xA920]  }
0x329: {  	v0 =	vadd.f32 v2, v0  }
0x32a: {  	v2 =	vld [tilespmem:s19+$0xA960]  }
0x32b: {  	v0 =	vadd.f32 v3, v0  }
0x32c: {  	v3 =	vld [tilespmem:s19+$0xA9A0]  }
0x32d: {  	v0 =	vadd.f32 v1, v0  }
0x32e: {  	v1 =	vld [tilespmem:s19+$0xA9E0]  }
0x32f: {  	v0 =	vadd.f32 v2, v0;
	_ =	sdelay $0x1  }
0x330: {  	v0 =	vadd.f32 v3, v0;
	_ =	sdelay $0x1  }
0x331: {  	v0 =	vadd.f32 v1, v0;
	_ =	sdelay $0x1  }
0x332: {  	[tilespmem:s16+$0xFFFFFFA0] =	vst v0  }
0x333: {  	v0 =	vld [tilespmem:s19+$0xA530]  }
0x334: {  	v1 =	vld [tilespmem:s19+$0xA570];
	_ =	sdelay $0x1  }
0x335: {  	v2 =	vld [tilespmem:s19+$0xA5B0];
	_ =	sdelay $0x1  }
0x336: {  	v3 =	vld [tilespmem:s19+$0xA5F0]  }
0x337: {  	v0 =	vadd.f32 v1, v0  }
0x338: {  	v1 =	vld [tilespmem:s19+$0xA630]  }
0x339: {  	v0 =	vadd.f32 v2, v0  }
0x33a: {  	v2 =	vld [tilespmem:s19+$0xA670]  }
0x33b: {  	v0 =	vadd.f32 v3, v0  }
0x33c: {  	v3 =	vld [tilespmem:s19+$0xA6B0]  }
0x33d: {  	v0 =	vadd.f32 v1, v0  }
0x33e: {  	v1 =	vld [tilespmem:s19+$0xA6F0]  }
0x33f: {  	v0 =	vadd.f32 v2, v0  }
0x340: {  	v2 =	vld [tilespmem:s19+$0xA730]  }
0x341: {  	v0 =	vadd.f32 v3, v0  }
0x342: {  	v3 =	vld [tilespmem:s19+$0xA770]  }
0x343: {  	v0 =	vadd.f32 v1, v0  }
0x344: {  	v1 =	vld [tilespmem:s19+$0xA7B0]  }
0x345: {  	v0 =	vadd.f32 v2, v0  }
0x346: {  	v2 =	vld [tilespmem:s19+$0xA7F0]  }
0x347: {  	v0 =	vadd.f32 v3, v0  }
0x348: {  	v3 =	vld [tilespmem:s19+$0xA830]  }
0x349: {  	v0 =	vadd.f32 v1, v0  }
0x34a: {  	v1 =	vld [tilespmem:s19+$0xA870]  }
0x34b: {  	v0 =	vadd.f32 v2, v0  }
0x34c: {  	v2 =	vld [tilespmem:s19+$0xA8B0]  }
0x34d: {  	v0 =	vadd.f32 v3, v0  }
0x34e: {  	v3 =	vld [tilespmem:s19+$0xA8F0]  }
0x34f: {  	v0 =	vadd.f32 v1, v0  }
0x350: {  	v1 =	vld [tilespmem:s19+$0xA930]  }
0x351: {  	v0 =	vadd.f32 v2, v0  }
0x352: {  	v2 =	vld [tilespmem:s19+$0xA970]  }
0x353: {  	v0 =	vadd.f32 v3, v0  }
0x354: {  	v3 =	vld [tilespmem:s19+$0xA9B0]  }
0x355: {  	v0 =	vadd.f32 v1, v0  }
0x356: {  	v1 =	vld [tilespmem:s19+$0xA9F0]  }
0x357: {  	v0 =	vadd.f32 v2, v0;
	_ =	sdelay $0x1  }
0x358: {  	v0 =	vadd.f32 v3, v0;
	_ =	sdelay $0x1  }
0x359: {  	v0 =	vadd.f32 v1, v0;
	_ =	sdelay $0x1  }
0x35a: {  	[tilespmem:s16+$0xFFFFFFB0] =	vst v0  }
0x35b: {  	v0 =	vld [tilespmem:s19+$0xAA00]  }
0x35c: {  	v1 =	vld [tilespmem:s19+$0xAA40];
	_ =	sdelay $0x1  }
0x35d: {  	v2 =	vld [tilespmem:s19+$0xAA80];
	_ =	sdelay $0x1  }
0x35e: {  	v3 =	vld [tilespmem:s19+$0xAAC0]  }
0x35f: {  	v0 =	vadd.f32 v1, v0  }
0x360: {  	v1 =	vld [tilespmem:s19+$0xAB00]  }
0x361: {  	v0 =	vadd.f32 v2, v0  }
0x362: {  	v2 =	vld [tilespmem:s19+$0xAB40]  }
0x363: {  	v0 =	vadd.f32 v3, v0  }
0x364: {  	v3 =	vld [tilespmem:s19+$0xAB80]  }
0x365: {  	v0 =	vadd.f32 v1, v0  }
0x366: {  	v1 =	vld [tilespmem:s19+$0xABC0]  }
0x367: {  	v0 =	vadd.f32 v2, v0  }
0x368: {  	v2 =	vld [tilespmem:s19+$0xAC00]  }
0x369: {  	v0 =	vadd.f32 v3, v0  }
0x36a: {  	v3 =	vld [tilespmem:s19+$0xAC40]  }
0x36b: {  	v0 =	vadd.f32 v1, v0  }
0x36c: {  	v1 =	vld [tilespmem:s19+$0xAC80]  }
0x36d: {  	v0 =	vadd.f32 v2, v0  }
0x36e: {  	v2 =	vld [tilespmem:s19+$0xACC0]  }
0x36f: {  	v0 =	vadd.f32 v3, v0  }
0x370: {  	v3 =	vld [tilespmem:s19+$0xAD00]  }
0x371: {  	v0 =	vadd.f32 v1, v0  }
0x372: {  	v1 =	vld [tilespmem:s19+$0xAD40]  }
0x373: {  	v0 =	vadd.f32 v2, v0  }
0x374: {  	v2 =	vld [tilespmem:s19+$0xAD80]  }
0x375: {  	v0 =	vadd.f32 v3, v0  }
0x376: {  	v3 =	vld [tilespmem:s19+$0xADC0]  }
0x377: {  	v0 =	vadd.f32 v1, v0  }
0x378: {  	v1 =	vld [tilespmem:s19+$0xAE00]  }
0x379: {  	v0 =	vadd.f32 v2, v0  }
0x37a: {  	v2 =	vld [tilespmem:s19+$0xAE40]  }
0x37b: {  	v0 =	vadd.f32 v3, v0  }
0x37c: {  	v3 =	vld [tilespmem:s19+$0xAE80]  }
0x37d: {  	v0 =	vadd.f32 v1, v0  }
0x37e: {  	v1 =	vld [tilespmem:s19+$0xAEC0]  }
0x37f: {  	v0 =	vadd.f32 v2, v0;
	_ =	sdelay $0x1  }
0x380: {  	v0 =	vadd.f32 v3, v0;
	_ =	sdelay $0x1  }
0x381: {  	v0 =	vadd.f32 v1, v0;
	_ =	sdelay $0x1  }
0x382: {  	[tilespmem:s16+$0x0] =	vst v0  }
0x383: {  	v0 =	vld [tilespmem:s19+$0xAA10]  }
0x384: {  	v1 =	vld [tilespmem:s19+$0xAA50];
	_ =	sdelay $0x1  }
0x385: {  	v2 =	vld [tilespmem:s19+$0xAA90];
	_ =	sdelay $0x1  }
0x386: {  	v3 =	vld [tilespmem:s19+$0xAAD0]  }
0x387: {  	v0 =	vadd.f32 v1, v0  }
0x388: {  	v1 =	vld [tilespmem:s19+$0xAB10]  }
0x389: {  	v0 =	vadd.f32 v2, v0  }
0x38a: {  	v2 =	vld [tilespmem:s19+$0xAB50]  }
0x38b: {  	v0 =	vadd.f32 v3, v0  }
0x38c: {  	v3 =	vld [tilespmem:s19+$0xAB90]  }
0x38d: {  	v0 =	vadd.f32 v1, v0  }
0x38e: {  	v1 =	vld [tilespmem:s19+$0xABD0]  }
0x38f: {  	v0 =	vadd.f32 v2, v0  }
0x390: {  	v2 =	vld [tilespmem:s19+$0xAC10]  }
0x391: {  	v0 =	vadd.f32 v3, v0  }
0x392: {  	v3 =	vld [tilespmem:s19+$0xAC50]  }
0x393: {  	v0 =	vadd.f32 v1, v0  }
0x394: {  	v1 =	vld [tilespmem:s19+$0xAC90]  }
0x395: {  	v0 =	vadd.f32 v2, v0  }
0x396: {  	v2 =	vld [tilespmem:s19+$0xACD0]  }
0x397: {  	v0 =	vadd.f32 v3, v0  }
0x398: {  	v3 =	vld [tilespmem:s19+$0xAD10]  }
0x399: {  	v0 =	vadd.f32 v1, v0  }
0x39a: {  	v1 =	vld [tilespmem:s19+$0xAD50]  }
0x39b: {  	v0 =	vadd.f32 v2, v0  }
0x39c: {  	v2 =	vld [tilespmem:s19+$0xAD90]  }
0x39d: {  	v0 =	vadd.f32 v3, v0  }
0x39e: {  	v3 =	vld [tilespmem:s19+$0xADD0]  }
0x39f: {  	v0 =	vadd.f32 v1, v0  }
0x3a0: {  	v1 =	vld [tilespmem:s19+$0xAE10]  }
0x3a1: {  	v0 =	vadd.f32 v2, v0  }
0x3a2: {  	v2 =	vld [tilespmem:s19+$0xAE50]  }
0x3a3: {  	v0 =	vadd.f32 v3, v0  }
0x3a4: {  	v3 =	vld [tilespmem:s19+$0xAE90]  }
0x3a5: {  	v0 =	vadd.f32 v1, v0  }
0x3a6: {  	v1 =	vld [tilespmem:s19+$0xAED0]  }
0x3a7: {  	v0 =	vadd.f32 v2, v0;
	_ =	sdelay $0x1  }
0x3a8: {  	v0 =	vadd.f32 v3, v0;
	_ =	sdelay $0x1  }
0x3a9: {  	v0 =	vadd.f32 v1, v0;
	_ =	sdelay $0x1  }
0x3aa: {  	[tilespmem:s16+$0x10] =	vst v0  }
0x3ab: {  	v0 =	vld [tilespmem:s19+$0xAA20]  }
0x3ac: {  	v1 =	vld [tilespmem:s19+$0xAA60];
	_ =	sdelay $0x1  }
0x3ad: {  	v2 =	vld [tilespmem:s19+$0xAAA0];
	_ =	sdelay $0x1  }
0x3ae: {  	v3 =	vld [tilespmem:s19+$0xAAE0]  }
0x3af: {  	v0 =	vadd.f32 v1, v0  }
0x3b0: {  	v1 =	vld [tilespmem:s19+$0xAB20]  }
0x3b1: {  	v0 =	vadd.f32 v2, v0  }
0x3b2: {  	v2 =	vld [tilespmem:s19+$0xAB60]  }
0x3b3: {  	v0 =	vadd.f32 v3, v0  }
0x3b4: {  	v3 =	vld [tilespmem:s19+$0xABA0]  }
0x3b5: {  	v0 =	vadd.f32 v1, v0  }
0x3b6: {  	v1 =	vld [tilespmem:s19+$0xABE0]  }
0x3b7: {  	v0 =	vadd.f32 v2, v0  }
0x3b8: {  	v2 =	vld [tilespmem:s19+$0xAC20]  }
0x3b9: {  	v0 =	vadd.f32 v3, v0  }
0x3ba: {  	v3 =	vld [tilespmem:s19+$0xAC60]  }
0x3bb: {  	v0 =	vadd.f32 v1, v0  }
0x3bc: {  	v1 =	vld [tilespmem:s19+$0xACA0]  }
0x3bd: {  	v0 =	vadd.f32 v2, v0  }
0x3be: {  	v2 =	vld [tilespmem:s19+$0xACE0]  }
0x3bf: {  	v0 =	vadd.f32 v3, v0  }
0x3c0: {  	v3 =	vld [tilespmem:s19+$0xAD20]  }
0x3c1: {  	v0 =	vadd.f32 v1, v0  }
0x3c2: {  	v1 =	vld [tilespmem:s19+$0xAD60]  }
0x3c3: {  	v0 =	vadd.f32 v2, v0  }
0x3c4: {  	v2 =	vld [tilespmem:s19+$0xADA0]  }
0x3c5: {  	v0 =	vadd.f32 v3, v0  }
0x3c6: {  	v3 =	vld [tilespmem:s19+$0xADE0]  }
0x3c7: {  	v0 =	vadd.f32 v1, v0  }
0x3c8: {  	v1 =	vld [tilespmem:s19+$0xAE20]  }
0x3c9: {  	v0 =	vadd.f32 v2, v0  }
0x3ca: {  	v2 =	vld [tilespmem:s19+$0xAE60]  }
0x3cb: {  	v0 =	vadd.f32 v3, v0  }
0x3cc: {  	v3 =	vld [tilespmem:s19+$0xAEA0]  }
0x3cd: {  	v0 =	vadd.f32 v1, v0  }
0x3ce: {  	v1 =	vld [tilespmem:s19+$0xAEE0]  }
0x3cf: {  	v0 =	vadd.f32 v2, v0;
	_ =	sdelay $0x1  }
0x3d0: {  	v0 =	vadd.f32 v3, v0;
	_ =	sdelay $0x1  }
0x3d1: {  	v0 =	vadd.f32 v1, v0;
	_ =	sdelay $0x1  }
0x3d2: {  	[tilespmem:s16+$0x20] =	vst v0  }
0x3d3: {  	v0 =	vld [tilespmem:s19+$0xAA30]  }
0x3d4: {  	v1 =	vld [tilespmem:s19+$0xAA70];
	_ =	sdelay $0x1  }
0x3d5: {  	v2 =	vld [tilespmem:s19+$0xAAB0];
	_ =	sdelay $0x1  }
0x3d6: {  	v3 =	vld [tilespmem:s19+$0xAAF0]  }
0x3d7: {  	v0 =	vadd.f32 v1, v0  }
0x3d8: {  	v1 =	vld [tilespmem:s19+$0xAB30]  }
0x3d9: {  	v0 =	vadd.f32 v2, v0  }
0x3da: {  	v2 =	vld [tilespmem:s19+$0xAB70]  }
0x3db: {  	v0 =	vadd.f32 v3, v0  }
0x3dc: {  	v3 =	vld [tilespmem:s19+$0xABB0]  }
0x3dd: {  	v0 =	vadd.f32 v1, v0  }
0x3de: {  	v1 =	vld [tilespmem:s19+$0xABF0]  }
0x3df: {  	v0 =	vadd.f32 v2, v0  }
0x3e0: {  	v2 =	vld [tilespmem:s19+$0xAC30]  }
0x3e1: {  	v0 =	vadd.f32 v3, v0  }
0x3e2: {  	v3 =	vld [tilespmem:s19+$0xAC70]  }
0x3e3: {  	v0 =	vadd.f32 v1, v0  }
0x3e4: {  	v1 =	vld [tilespmem:s19+$0xACB0]  }
0x3e5: {  	v0 =	vadd.f32 v2, v0  }
0x3e6: {  	v2 =	vld [tilespmem:s19+$0xACF0]  }
0x3e7: {  	v0 =	vadd.f32 v3, v0  }
0x3e8: {  	v3 =	vld [tilespmem:s19+$0xAD30]  }
0x3e9: {  	v0 =	vadd.f32 v1, v0  }
0x3ea: {  	v1 =	vld [tilespmem:s19+$0xAD70]  }
0x3eb: {  	v0 =	vadd.f32 v2, v0  }
0x3ec: {  	v4 =	vld [tilespmem:s19+$0xADB0]  }
0x3ed: {  	v0 =	vadd.f32 v3, v0  }
0x3ee: {  	v5 =	vld [tilespmem:s19+$0xADF0]  }
0x3ef: {  	v0 =	vadd.f32 v1, v0  }
0x3f0: {  	v2 =	vld [tilespmem:s19+$0xAE70]  }
0x3f1: {  	v3 =	vld [tilespmem:s19+$0xAE30];
	v4 =	vadd.f32 v4, v0  }
0x3f2: {  	v1 =	vld [tilespmem:s19+$0xAEB0]  }
0x3f3: {  	s18 =	simm.s32 $0x2800;
	s17 =	smov.u32 s16;
	v0 =	vld [tilespmem:s19+$0xAEF0];
	v4 =	vadd.f32 v5, v4  }
.LBB2_5:
0x3f4: {  	p1 =	sne.s32 s18, $0x25800  }
0x3f5: {  	s16 =	sadd.s32 $0x100, s16;
	s8 =	smov.u32 s18;
	s18 =	sadd.s32 $0x2800, s18  }
0x3f6: {  	v3 =	vadd.f32 v3, v4;
	_ =	sdelay $0x1  }
0x3f7: {  	v2 =	vadd.f32 v2, v3;
	_ =	sdelay $0x1  }
0x3f8: {  	v1 =	vadd.f32 v1, v2;
	_ =	sdelay $0x1  }
0x3f9: {  	v0 =	vadd.f32 v0, v1  }
0x3fa: {  	s8 =	sshra.s32 s8, $0x2  }
0x3fb: {  	[tilespmem:s17+$0x30] =	vst v0;
	s17 =	smov.u32 s16  }
0x3fc: {  	v0 =	vld [tilespmem:s8+$0xA500]  }
0x3fd: {  	v1 =	vld [tilespmem:s8+$0xA540]  }
0x3fe: {  	v2 =	vld [tilespmem:s8+$0xA580];
	_ =	sdelay $0x1  }
0x3ff: {  	v3 =	vld [tilespmem:s8+$0xA5C0];
	_ =	sdelay $0x1  }
0x400: {  	v0 =	vadd.f32 v1, v0  }
0x401: {  	v1 =	vld [tilespmem:s8+$0xA600]  }
0x402: {  	v0 =	vadd.f32 v2, v0  }
0x403: {  	v2 =	vld [tilespmem:s8+$0xA640]  }
0x404: {  	v0 =	vadd.f32 v3, v0  }
0x405: {  	v3 =	vld [tilespmem:s8+$0xA680]  }
0x406: {  	v0 =	vadd.f32 v1, v0  }
0x407: {  	v1 =	vld [tilespmem:s8+$0xA6C0]  }
0x408: {  	v0 =	vadd.f32 v2, v0  }
0x409: {  	v2 =	vld [tilespmem:s8+$0xA700]  }
0x40a: {  	v0 =	vadd.f32 v3, v0  }
0x40b: {  	v3 =	vld [tilespmem:s8+$0xA740]  }
0x40c: {  	v0 =	vadd.f32 v1, v0  }
0x40d: {  	v1 =	vld [tilespmem:s8+$0xA780]  }
0x40e: {  	v0 =	vadd.f32 v2, v0  }
0x40f: {  	v2 =	vld [tilespmem:s8+$0xA7C0]  }
0x410: {  	v0 =	vadd.f32 v3, v0  }
0x411: {  	v3 =	vld [tilespmem:s8+$0xA800]  }
0x412: {  	v0 =	vadd.f32 v1, v0  }
0x413: {  	v1 =	vld [tilespmem:s8+$0xA840]  }
0x414: {  	v0 =	vadd.f32 v2, v0  }
0x415: {  	v2 =	vld [tilespmem:s8+$0xA880]  }
0x416: {  	v0 =	vadd.f32 v3, v0  }
0x417: {  	v3 =	vld [tilespmem:s8+$0xA8C0]  }
0x418: {  	v0 =	vadd.f32 v1, v0  }
0x419: {  	v1 =	vld [tilespmem:s8+$0xA900]  }
0x41a: {  	v0 =	vadd.f32 v2, v0  }
0x41b: {  	v2 =	vld [tilespmem:s8+$0xA940]  }
0x41c: {  	v0 =	vadd.f32 v3, v0  }
0x41d: {  	v3 =	vld [tilespmem:s8+$0xA980]  }
0x41e: {  	v0 =	vadd.f32 v1, v0  }
0x41f: {  	v1 =	vld [tilespmem:s8+$0xA9C0]  }
0x420: {  	v0 =	vadd.f32 v2, v0;
	_ =	sdelay $0x1  }
0x421: {  	v0 =	vadd.f32 v3, v0;
	_ =	sdelay $0x1  }
0x422: {  	v0 =	vadd.f32 v1, v0;
	_ =	sdelay $0x1  }
0x423: {  	[tilespmem:s16+$0xFFFFFF80] =	vst v0  }
0x424: {  	v0 =	vld [tilespmem:s8+$0xA510]  }
0x425: {  	v1 =	vld [tilespmem:s8+$0xA550];
	_ =	sdelay $0x1  }
0x426: {  	v2 =	vld [tilespmem:s8+$0xA590];
	_ =	sdelay $0x1  }
0x427: {  	v3 =	vld [tilespmem:s8+$0xA5D0]  }
0x428: {  	v0 =	vadd.f32 v1, v0  }
0x429: {  	v1 =	vld [tilespmem:s8+$0xA610]  }
0x42a: {  	v0 =	vadd.f32 v2, v0  }
0x42b: {  	v2 =	vld [tilespmem:s8+$0xA650]  }
0x42c: {  	v0 =	vadd.f32 v3, v0  }
0x42d: {  	v3 =	vld [tilespmem:s8+$0xA690]  }
0x42e: {  	v0 =	vadd.f32 v1, v0  }
0x42f: {  	v1 =	vld [tilespmem:s8+$0xA6D0]  }
0x430: {  	v0 =	vadd.f32 v2, v0  }
0x431: {  	v2 =	vld [tilespmem:s8+$0xA710]  }
0x432: {  	v0 =	vadd.f32 v3, v0  }
0x433: {  	v3 =	vld [tilespmem:s8+$0xA750]  }
0x434: {  	v0 =	vadd.f32 v1, v0  }
0x435: {  	v1 =	vld [tilespmem:s8+$0xA790]  }
0x436: {  	v0 =	vadd.f32 v2, v0  }
0x437: {  	v2 =	vld [tilespmem:s8+$0xA7D0]  }
0x438: {  	v0 =	vadd.f32 v3, v0  }
0x439: {  	v3 =	vld [tilespmem:s8+$0xA810]  }
0x43a: {  	v0 =	vadd.f32 v1, v0  }
0x43b: {  	v1 =	vld [tilespmem:s8+$0xA850]  }
0x43c: {  	v0 =	vadd.f32 v2, v0  }
0x43d: {  	v2 =	vld [tilespmem:s8+$0xA890]  }
0x43e: {  	v0 =	vadd.f32 v3, v0  }
0x43f: {  	v3 =	vld [tilespmem:s8+$0xA8D0]  }
0x440: {  	v0 =	vadd.f32 v1, v0  }
0x441: {  	v1 =	vld [tilespmem:s8+$0xA910]  }
0x442: {  	v0 =	vadd.f32 v2, v0  }
0x443: {  	v2 =	vld [tilespmem:s8+$0xA950]  }
0x444: {  	v0 =	vadd.f32 v3, v0  }
0x445: {  	v3 =	vld [tilespmem:s8+$0xA990]  }
0x446: {  	v0 =	vadd.f32 v1, v0  }
0x447: {  	v1 =	vld [tilespmem:s8+$0xA9D0]  }
0x448: {  	v0 =	vadd.f32 v2, v0;
	_ =	sdelay $0x1  }
0x449: {  	v0 =	vadd.f32 v3, v0;
	_ =	sdelay $0x1  }
0x44a: {  	v0 =	vadd.f32 v1, v0;
	_ =	sdelay $0x1  }
0x44b: {  	[tilespmem:s16+$0xFFFFFF90] =	vst v0  }
0x44c: {  	v0 =	vld [tilespmem:s8+$0xA520]  }
0x44d: {  	v1 =	vld [tilespmem:s8+$0xA560];
	_ =	sdelay $0x1  }
0x44e: {  	v2 =	vld [tilespmem:s8+$0xA5A0];
	_ =	sdelay $0x1  }
0x44f: {  	v3 =	vld [tilespmem:s8+$0xA5E0]  }
0x450: {  	v0 =	vadd.f32 v1, v0  }
0x451: {  	v1 =	vld [tilespmem:s8+$0xA620]  }
0x452: {  	v0 =	vadd.f32 v2, v0  }
0x453: {  	v2 =	vld [tilespmem:s8+$0xA660]  }
0x454: {  	v0 =	vadd.f32 v3, v0  }
0x455: {  	v3 =	vld [tilespmem:s8+$0xA6A0]  }
0x456: {  	v0 =	vadd.f32 v1, v0  }
0x457: {  	v1 =	vld [tilespmem:s8+$0xA6E0]  }
0x458: {  	v0 =	vadd.f32 v2, v0  }
0x459: {  	v2 =	vld [tilespmem:s8+$0xA720]  }
0x45a: {  	v0 =	vadd.f32 v3, v0  }
0x45b: {  	v3 =	vld [tilespmem:s8+$0xA760]  }
0x45c: {  	v0 =	vadd.f32 v1, v0  }
0x45d: {  	v1 =	vld [tilespmem:s8+$0xA7A0]  }
0x45e: {  	v0 =	vadd.f32 v2, v0  }
0x45f: {  	v2 =	vld [tilespmem:s8+$0xA7E0]  }
0x460: {  	v0 =	vadd.f32 v3, v0  }
0x461: {  	v3 =	vld [tilespmem:s8+$0xA820]  }
0x462: {  	v0 =	vadd.f32 v1, v0  }
0x463: {  	v1 =	vld [tilespmem:s8+$0xA860]  }
0x464: {  	v0 =	vadd.f32 v2, v0  }
0x465: {  	v2 =	vld [tilespmem:s8+$0xA8A0]  }
0x466: {  	v0 =	vadd.f32 v3, v0  }
0x467: {  	v3 =	vld [tilespmem:s8+$0xA8E0]  }
0x468: {  	v0 =	vadd.f32 v1, v0  }
0x469: {  	v1 =	vld [tilespmem:s8+$0xA920]  }
0x46a: {  	v0 =	vadd.f32 v2, v0  }
0x46b: {  	v2 =	vld [tilespmem:s8+$0xA960]  }
0x46c: {  	v0 =	vadd.f32 v3, v0  }
0x46d: {  	v3 =	vld [tilespmem:s8+$0xA9A0]  }
0x46e: {  	v0 =	vadd.f32 v1, v0  }
0x46f: {  	v1 =	vld [tilespmem:s8+$0xA9E0]  }
0x470: {  	v0 =	vadd.f32 v2, v0;
	_ =	sdelay $0x1  }
0x471: {  	v0 =	vadd.f32 v3, v0;
	_ =	sdelay $0x1  }
0x472: {  	v0 =	vadd.f32 v1, v0;
	_ =	sdelay $0x1  }
0x473: {  	[tilespmem:s16+$0xFFFFFFA0] =	vst v0  }
0x474: {  	v0 =	vld [tilespmem:s8+$0xA530]  }
0x475: {  	v1 =	vld [tilespmem:s8+$0xA570];
	_ =	sdelay $0x1  }
0x476: {  	v2 =	vld [tilespmem:s8+$0xA5B0];
	_ =	sdelay $0x1  }
0x477: {  	v3 =	vld [tilespmem:s8+$0xA5F0]  }
0x478: {  	v0 =	vadd.f32 v1, v0  }
0x479: {  	v1 =	vld [tilespmem:s8+$0xA630]  }
0x47a: {  	v0 =	vadd.f32 v2, v0  }
0x47b: {  	v2 =	vld [tilespmem:s8+$0xA670]  }
0x47c: {  	v0 =	vadd.f32 v3, v0  }
0x47d: {  	v3 =	vld [tilespmem:s8+$0xA6B0]  }
0x47e: {  	v0 =	vadd.f32 v1, v0  }
0x47f: {  	v1 =	vld [tilespmem:s8+$0xA6F0]  }
0x480: {  	v0 =	vadd.f32 v2, v0  }
0x481: {  	v2 =	vld [tilespmem:s8+$0xA730]  }
0x482: {  	v0 =	vadd.f32 v3, v0  }
0x483: {  	v3 =	vld [tilespmem:s8+$0xA770]  }
0x484: {  	v0 =	vadd.f32 v1, v0  }
0x485: {  	v1 =	vld [tilespmem:s8+$0xA7B0]  }
0x486: {  	v0 =	vadd.f32 v2, v0  }
0x487: {  	v2 =	vld [tilespmem:s8+$0xA7F0]  }
0x488: {  	v0 =	vadd.f32 v3, v0  }
0x489: {  	v3 =	vld [tilespmem:s8+$0xA830]  }
0x48a: {  	v0 =	vadd.f32 v1, v0  }
0x48b: {  	v1 =	vld [tilespmem:s8+$0xA870]  }
0x48c: {  	v0 =	vadd.f32 v2, v0  }
0x48d: {  	v2 =	vld [tilespmem:s8+$0xA8B0]  }
0x48e: {  	v0 =	vadd.f32 v3, v0  }
0x48f: {  	v3 =	vld [tilespmem:s8+$0xA8F0]  }
0x490: {  	v0 =	vadd.f32 v1, v0  }
0x491: {  	v1 =	vld [tilespmem:s8+$0xA930]  }
0x492: {  	v0 =	vadd.f32 v2, v0  }
0x493: {  	v2 =	vld [tilespmem:s8+$0xA970]  }
0x494: {  	v0 =	vadd.f32 v3, v0  }
0x495: {  	v3 =	vld [tilespmem:s8+$0xA9B0]  }
0x496: {  	v0 =	vadd.f32 v1, v0  }
0x497: {  	v1 =	vld [tilespmem:s8+$0xA9F0]  }
0x498: {  	v0 =	vadd.f32 v2, v0;
	_ =	sdelay $0x1  }
0x499: {  	v0 =	vadd.f32 v3, v0;
	_ =	sdelay $0x1  }
0x49a: {  	v0 =	vadd.f32 v1, v0;
	_ =	sdelay $0x1  }
0x49b: {  	[tilespmem:s16+$0xFFFFFFB0] =	vst v0  }
0x49c: {  	v0 =	vld [tilespmem:s8+$0xAA00]  }
0x49d: {  	v1 =	vld [tilespmem:s8+$0xAA40];
	_ =	sdelay $0x1  }
0x49e: {  	v2 =	vld [tilespmem:s8+$0xAA80];
	_ =	sdelay $0x1  }
0x49f: {  	v3 =	vld [tilespmem:s8+$0xAAC0]  }
0x4a0: {  	v0 =	vadd.f32 v1, v0  }
0x4a1: {  	v1 =	vld [tilespmem:s8+$0xAB00]  }
0x4a2: {  	v0 =	vadd.f32 v2, v0  }
0x4a3: {  	v2 =	vld [tilespmem:s8+$0xAB40]  }
0x4a4: {  	v0 =	vadd.f32 v3, v0  }
0x4a5: {  	v3 =	vld [tilespmem:s8+$0xAB80]  }
0x4a6: {  	v0 =	vadd.f32 v1, v0  }
0x4a7: {  	v1 =	vld [tilespmem:s8+$0xABC0]  }
0x4a8: {  	v0 =	vadd.f32 v2, v0  }
0x4a9: {  	v2 =	vld [tilespmem:s8+$0xAC00]  }
0x4aa: {  	v0 =	vadd.f32 v3, v0  }
0x4ab: {  	v3 =	vld [tilespmem:s8+$0xAC40]  }
0x4ac: {  	v0 =	vadd.f32 v1, v0  }
0x4ad: {  	v1 =	vld [tilespmem:s8+$0xAC80]  }
0x4ae: {  	v0 =	vadd.f32 v2, v0  }
0x4af: {  	v2 =	vld [tilespmem:s8+$0xACC0]  }
0x4b0: {  	v0 =	vadd.f32 v3, v0  }
0x4b1: {  	v3 =	vld [tilespmem:s8+$0xAD00]  }
0x4b2: {  	v0 =	vadd.f32 v1, v0  }
0x4b3: {  	v1 =	vld [tilespmem:s8+$0xAD40]  }
0x4b4: {  	v0 =	vadd.f32 v2, v0  }
0x4b5: {  	v2 =	vld [tilespmem:s8+$0xAD80]  }
0x4b6: {  	v0 =	vadd.f32 v3, v0  }
0x4b7: {  	v3 =	vld [tilespmem:s8+$0xADC0]  }
0x4b8: {  	v0 =	vadd.f32 v1, v0  }
0x4b9: {  	v1 =	vld [tilespmem:s8+$0xAE00]  }
0x4ba: {  	v0 =	vadd.f32 v2, v0  }
0x4bb: {  	v2 =	vld [tilespmem:s8+$0xAE40]  }
0x4bc: {  	v0 =	vadd.f32 v3, v0  }
0x4bd: {  	v3 =	vld [tilespmem:s8+$0xAE80]  }
0x4be: {  	v0 =	vadd.f32 v1, v0  }
0x4bf: {  	v1 =	vld [tilespmem:s8+$0xAEC0]  }
0x4c0: {  	v0 =	vadd.f32 v2, v0;
	_ =	sdelay $0x1  }
0x4c1: {  	v0 =	vadd.f32 v3, v0;
	_ =	sdelay $0x1  }
0x4c2: {  	v0 =	vadd.f32 v1, v0;
	_ =	sdelay $0x1  }
0x4c3: {  	[tilespmem:s16+$0x0] =	vst v0  }
0x4c4: {  	v0 =	vld [tilespmem:s8+$0xAA10]  }
0x4c5: {  	v1 =	vld [tilespmem:s8+$0xAA50]  }
0x4c6: {  	v2 =	vld [tilespmem:s8+$0xAA90]  }
0x4c7: {  	v3 =	vld [tilespmem:s8+$0xAAD0]  }
0x4c8: {  	v4 =	vld [tilespmem:s8+$0xAB10]  }
0x4c9: {  	v5 =	vld [tilespmem:s8+$0xAB50]  }
0x4ca: {  	v0 =	vadd.f32 v1, v0;
	v1 =	vld [tilespmem:s8+$0xAB90]  }
0x4cb: {  	v6 =	vld [tilespmem:s8+$0xABD0]  }
0x4cc: {  	v0 =	vadd.f32 v2, v0;
	v2 =	vld [tilespmem:s8+$0xAC10]  }
0x4cd: {  	v7 =	vld [tilespmem:s8+$0xAC50]  }
0x4ce: {  	v0 =	vadd.f32 v3, v0;
	v3 =	vld [tilespmem:s8+$0xAC90]  }
0x4cf: {  	v8 =	vld [tilespmem:s8+$0xACD0]  }
0x4d0: {  	v0 =	vadd.f32 v4, v0;
	v4 =	vld [tilespmem:s8+$0xAD10]  }
0x4d1: {  	v9 =	vld [tilespmem:s8+$0xAD50]  }
0x4d2: {  	v0 =	vadd.f32 v5, v0;
	v5 =	vld [tilespmem:s8+$0xAD90]  }
0x4d3: {  	v10 =	vld [tilespmem:s8+$0xADD0]  }
0x4d4: {  	v0 =	vadd.f32 v1, v0;
	v1 =	vld [tilespmem:s8+$0xAE10]  }
0x4d5: {  	v11 =	vld [tilespmem:s8+$0xAE50]  }
0x4d6: {  	v0 =	vadd.f32 v6, v0;
	v6 =	vld [tilespmem:s8+$0xAE90]  }
0x4d7: {  	v12 =	vld [tilespmem:s8+$0xAED0]  }
0x4d8: {  	v0 =	vadd.f32 v2, v0;
	_ =	sdelay $0x1  }
0x4d9: {  	v0 =	vadd.f32 v7, v0;
	_ =	sdelay $0x1  }
0x4da: {  	v0 =	vadd.f32 v3, v0;
	_ =	sdelay $0x1  }
0x4db: {  	v0 =	vadd.f32 v8, v0;
	_ =	sdelay $0x1  }
0x4dc: {  	v0 =	vadd.f32 v4, v0;
	_ =	sdelay $0x1  }
0x4dd: {  	v0 =	vadd.f32 v9, v0;
	_ =	sdelay $0x1  }
0x4de: {  	v0 =	vadd.f32 v5, v0;
	_ =	sdelay $0x1  }
0x4df: {  	v0 =	vadd.f32 v10, v0;
	_ =	sdelay $0x1  }
0x4e0: {  	v0 =	vadd.f32 v1, v0;
	_ =	sdelay $0x1  }
0x4e1: {  	v0 =	vadd.f32 v11, v0;
	_ =	sdelay $0x1  }
0x4e2: {  	v0 =	vadd.f32 v6, v0;
	_ =	sdelay $0x1  }
0x4e3: {  	v0 =	vadd.f32 v12, v0;
	_ =	sdelay $0x1  }
0x4e4: {  	[tilespmem:s16+$0x10] =	vst v0  }
0x4e5: {  	v0 =	vld [tilespmem:s8+$0xAA20]  }
0x4e6: {  	v1 =	vld [tilespmem:s8+$0xAA60]  }
0x4e7: {  	v2 =	vld [tilespmem:s8+$0xAAA0]  }
0x4e8: {  	v3 =	vld [tilespmem:s8+$0xAAE0]  }
0x4e9: {  	v4 =	vld [tilespmem:s8+$0xAB20]  }
0x4ea: {  	v5 =	vld [tilespmem:s8+$0xAB60]  }
0x4eb: {  	v0 =	vadd.f32 v1, v0;
	v1 =	vld [tilespmem:s8+$0xABA0]  }
0x4ec: {  	v6 =	vld [tilespmem:s8+$0xABE0]  }
0x4ed: {  	v0 =	vadd.f32 v2, v0;
	v2 =	vld [tilespmem:s8+$0xAC20]  }
0x4ee: {  	v7 =	vld [tilespmem:s8+$0xAC60]  }
0x4ef: {  	v0 =	vadd.f32 v3, v0;
	v3 =	vld [tilespmem:s8+$0xACA0]  }
0x4f0: {  	v8 =	vld [tilespmem:s8+$0xACE0]  }
0x4f1: {  	v0 =	vadd.f32 v4, v0;
	v4 =	vld [tilespmem:s8+$0xAD20]  }
0x4f2: {  	v9 =	vld [tilespmem:s8+$0xAD60]  }
0x4f3: {  	v0 =	vadd.f32 v5, v0;
	v5 =	vld [tilespmem:s8+$0xADA0]  }
0x4f4: {  	v10 =	vld [tilespmem:s8+$0xADE0]  }
0x4f5: {  	v0 =	vadd.f32 v1, v0;
	v1 =	vld [tilespmem:s8+$0xAE20]  }
0x4f6: {  	v11 =	vld [tilespmem:s8+$0xAE60]  }
0x4f7: {  	v0 =	vadd.f32 v6, v0;
	v6 =	vld [tilespmem:s8+$0xAEA0]  }
0x4f8: {  	v12 =	vld [tilespmem:s8+$0xAEE0]  }
0x4f9: {  	v0 =	vadd.f32 v2, v0;
	_ =	sdelay $0x1  }
0x4fa: {  	v0 =	vadd.f32 v7, v0;
	_ =	sdelay $0x1  }
0x4fb: {  	v0 =	vadd.f32 v3, v0;
	_ =	sdelay $0x1  }
0x4fc: {  	v0 =	vadd.f32 v8, v0;
	_ =	sdelay $0x1  }
0x4fd: {  	v0 =	vadd.f32 v4, v0;
	_ =	sdelay $0x1  }
0x4fe: {  	v0 =	vadd.f32 v9, v0;
	_ =	sdelay $0x1  }
0x4ff: {  	v0 =	vadd.f32 v5, v0;
	_ =	sdelay $0x1  }
0x500: {  	v0 =	vadd.f32 v10, v0;
	_ =	sdelay $0x1  }
0x501: {  	v0 =	vadd.f32 v1, v0;
	_ =	sdelay $0x1  }
0x502: {  	v0 =	vadd.f32 v11, v0;
	_ =	sdelay $0x1  }
0x503: {  	v0 =	vadd.f32 v6, v0;
	_ =	sdelay $0x1  }
0x504: {  	v0 =	vadd.f32 v12, v0;
	_ =	sdelay $0x1  }
0x505: {  	[tilespmem:s16+$0x20] =	vst v0  }
0x506: {  	v0 =	vld [tilespmem:s8+$0xAA30]  }
0x507: {  	v1 =	vld [tilespmem:s8+$0xAA70]  }
0x508: {  	v2 =	vld [tilespmem:s8+$0xAAB0]  }
0x509: {  	v3 =	vld [tilespmem:s8+$0xAAF0]  }
0x50a: {  	v4 =	vld [tilespmem:s8+$0xAB30]  }
0x50b: {  	v5 =	vld [tilespmem:s8+$0xAB70]  }
0x50c: {  	v0 =	vadd.f32 v1, v0;
	v1 =	vld [tilespmem:s8+$0xABB0]  }
0x50d: {  	v6 =	vld [tilespmem:s8+$0xABF0]  }
0x50e: {  	v0 =	vadd.f32 v2, v0;
	v7 =	vld [tilespmem:s8+$0xAC30]  }
0x50f: {  	v8 =	vld [tilespmem:s8+$0xAC70]  }
0x510: {  	v0 =	vadd.f32 v3, v0;
	v9 =	vld [tilespmem:s8+$0xACB0]  }
0x511: {  	v10 =	vld [tilespmem:s8+$0xACF0]  }
0x512: {  	v0 =	vadd.f32 v4, v0;
	v4 =	vld [tilespmem:s8+$0xAD30]  }
0x513: {  	v11 =	vld [tilespmem:s8+$0xAD70]  }
0x514: {  	v0 =	vadd.f32 v5, v0;
	v5 =	vld [tilespmem:s8+$0xADB0]  }
0x515: {  	v12 =	vld [tilespmem:s8+$0xADF0]  }
0x516: {  	v0 =	vadd.f32 v1, v0;
	v3 =	vld [tilespmem:s8+$0xAE30]  }
0x517: {  	v2 =	vld [tilespmem:s8+$0xAE70]  }
0x518: {  	v6 =	vadd.f32 v6, v0;
	v1 =	vld [tilespmem:s8+$0xAEB0]  }
0x519: {  	v0 =	vld [tilespmem:s8+$0xAEF0]  }
0x51a: {  	v6 =	vadd.f32 v7, v6;
	_ =	sdelay $0x1  }
0x51b: {  	v6 =	vadd.f32 v8, v6;
	_ =	sdelay $0x1  }
0x51c: {  	v6 =	vadd.f32 v9, v6;
	_ =	sdelay $0x1  }
0x51d: {  	v6 =	vadd.f32 v10, v6;
	_ =	sdelay $0x1  }
0x51e: {  	v4 =	vadd.f32 v4, v6;
	_ =	sdelay $0x1  }
.Ltmp1:
0x51f: {  	v4 =	vadd.f32 v11, v4;
	(pc) =	sbr.rel @p1 .LBB2_5-.Ltmp1, $3  }
0x520: {  	_ = 	snop  }
0x521: {  	v4 =	vadd.f32 v5, v4;
	_ =	sdelay $0x1  }
0x522: {  	v4 =	vadd.f32 v12, v4  }
0x523: {  	_ = 	snop  }
0x524: {  	v3 =	vadd.f32 v3, v4  }
0x525: {  	s8 =	sshll.u32 s14, $0x5  }
0x526: {  	s9 =	sand.u32 $0x60, s8;
	v2 =	vadd.f32 v2, v3  }
0x527: {  	s14 =	sadd.s32 $0x1, s14;
	s9 =	sor.u32 s7, s9  }
0x528: {  	p1 =	sne.s32 s14, $0x34;
	s9 =	smul.u32 $0x680, s9;
	v1 =	vadd.f32 v1, v2  }
.Ltmp2:
0x529: {  	s8 =	sand.u32 $0x780, s8;
	(pc) =	sbr.rel @p1 .LBB2_2-.Ltmp2, $4  }
0x52a: {  	s8 =	sor.u32 s8, s9;
	v0 =	vadd.f32 v0, v1  }
0x52b: {  	s8 =	sshrl.u32 s8, $0x3  }
0x52c: {  	p0 =	por !p0, !p0;
	s8 =	sadd.s32 s6, s8;
	[tilespmem:s17+$0x30] =	vst v0  }
0x52d: {  	[hbm4b:s8+s11] =	stream.strided.scatter [tilespmem:s15], [sflag:$0x3], $0x1000, s1, s11, $0x38;
	[tilespmem:$0x16500] =	vst v63  }
0x52e: {  	_ =	swait.ge [sflag:s12], $0x1000  }
0x52f: {  	[sflag:s12] =	ssyncset.done $0x0  }
0x530: {  	[sflag:s12] =	ssyncadd.s32 $0xFFFFF000  }
0x531: {  	_ =	swait.ge [sflag:s12], $0x1000  }
0x532: {  	s13 =	sadd.s32 $0x1, s13;
	s8 =	rddreg [dreg:$0x3]  }
0x533: {  	p0 =	sne.s32 s13, s8  }
.Ltmp3:
0x534: {  	_ = 	snop;
	(pc) =	sbr.rel @p0 .LBB2_1-.Ltmp3, $3  }
0x535: {  	_ =	sdelay $0x1  }
0x536: {  	[sflag:s12] =	ssyncset.done $0x0  }
0x537: {  	[sflag:s12] =	ssyncadd.s32 $0xFFFFF000  }
0x538: {  	_ =	sfence.sel $0x180000  }
0x539: {  	[bflag:$0x0] =	sbarrier.arrive $0xFFFF  }
0x53a: {  	_ =	strace $0x90000047  }
0x53b: {  	s0 =	stileid.u32;
	[bflag:$0x2] =	sbarrier.arrive $0xFFFF  }
0x53c: {  	p0 =	sne.s32 s0, $0x0;
	s0 =	rddreg [dreg:$0x1]  }
0x53d: {  	s0 =	sadd.s32 @!p0 $0x100000, s0  }
0x53e: {  	[sflag:s0] =	ssyncadd.tile.s32 @!p0 $0x1;
	_ =	shalt  }
.Lfunc_end2:
_tile_overlayer_lowered:
.L_overlay_start_2:
0x53f: {  	(tag) =	ssettag $0x2  }
0x540: {  	s0 =	rddreg [dreg:$0x0];
	s2 =	stileid.u32  }
0x541: {  	s1 =	rddreg [dreg:$0x1];
	p0 =	sne.s32 s2, $0x0  }
0x542: {  	s3 =	rddreg [dreg:$0x2];
	[bflag:$0x3] =	sbarrier.arrive $0xFFFF;
	s2 =	simm.s32 @!p0 $0x1C04  }
0x543: {  	[timem:s3], [sflag:s2] =	dma.local @!p0 [hbm:s0], s1  }
0x544: {  	s0 =	simm.s32 @!p0 $0x4  }
0x545: {  	_ =	swait.ge @!p0 [sflag:s0], s1  }
0x546: {  	s1 =	ssub.s32 @!p0 $0x0, s1;
	[sflag:s0] =	ssyncset.done @!p0 $0x0  }
0x547: {  	[sflag:s0] =	ssyncadd.s32 @!p0 s1  }
0x548: {  	[bflag:$0x3] =	sbarrier.arrive $0xFFFF  }
0x549: {  	_ =	shalt  }

</sc_bundles>
